<compile_context>
chip_gen: v7x
topology: tpu7x:2x2x1
jax: 0.10.2.dev20260603
libtpu: 0.0.44.dev20260713+nightly
codegen_flags: <defaults>
</compile_context>

<pallas_src>
import functools

import jax
import jax.numpy as jnp
from jax import lax
from jax.experimental import pallas as pl
from jax.experimental.pallas import tpu as pltpu
from jax.experimental.pallas import tpu_sc as plsc

BINS = 30
_BLOCK = 8192
_NC, _NS = 2, 16
_NW = _NC * _NS
_SCBLKS = 6
_SC0_BLK = 18
_SC0 = _SC0_BLK * _BLOCK
_RPW = _SCBLKS * _BLOCK // _NW
_CH = 512
_GPC = _CH // 16


def _tc_part(pred_t, tgt_t, lab3d, block_b):
    ct, n = pred_t.shape
    grid = lab3d.shape[0]

    def blkmap(i):
        return jnp.where(i < _SC0_BLK, i, i + _SCBLKS)

    def body(pred_ref, tgt_ref, lab_ref, out_ref):
        i = pl.program_id(0)

        @pl.when(i == 0)
        def _():
            out_ref[...] = jnp.zeros((32, 128), jnp.float32)

        p = pred_ref[...]
        t = tgt_ref[...]
        lab = lab_ref[...].reshape(1, block_b)
        m = jnp.max(p, axis=0, keepdims=True)
        e = jnp.exp(p - m)
        s = jnp.sum(e, axis=0, keepdims=True)
        lse = m + jnp.log(s)
        cls = lax.broadcasted_iota(jnp.int32, (ct, block_b), 0)
        onehot = cls == lab
        plab = jnp.sum(jnp.where(onehot, p, 0.0), axis=0, keepdims=True)
        tlab = jnp.sum(jnp.where(onehot, t, 0.0), axis=0, keepdims=True)
        logp = plab - lse
        g = jnp.abs(jax.nn.sigmoid(plab) - tlab)
        bidx = jnp.clip(jnp.floor(g * BINS).astype(jnp.int32), 0, BINS - 1)
        colid = (lax.broadcasted_iota(jnp.int32, (1, block_b), 1)
                 + blkmap(i) * block_b)
        valid = colid < n
        binsub = lax.broadcasted_iota(jnp.int32, (32, block_b), 0)
        ohh = (binsub == bidx) & valid
        cnt = jnp.sum(ohh.astype(jnp.float32), axis=1, keepdims=True)
        sm = jnp.sum(jnp.where(ohh, logp, 0.0), axis=1, keepdims=True)
        lane = lax.broadcasted_iota(jnp.int32, (32, 128), 1)
        upd = jnp.where(lane == 0, jnp.broadcast_to(cnt, (32, 128)),
                        jnp.where(lane == 1, jnp.broadcast_to(sm, (32, 128)),
                                  0.0))
        out_ref[...] = out_ref[...] + upd

    return pl.pallas_call(
        body,
        grid=(grid,),
        in_specs=[
            pl.BlockSpec((ct, block_b), lambda i: (0, blkmap(i))),
            pl.BlockSpec((ct, block_b), lambda i: (0, blkmap(i))),
            pl.BlockSpec((1, 1, block_b), lambda i: (i, 0, 0)),
        ],
        out_specs=pl.BlockSpec((32, 128), lambda i: (0, 0)),
        out_shape=jax.ShapeDtypeStruct((32, 128), jnp.float32),
    )(pred_t, tgt_t, lab3d)


def _sc_part(pred_t, tgt_t, lab):
    c, n = pred_t.shape
    rpw = _RPW
    mesh = plsc.VectorSubcoreMesh(core_axis_name="c", subcore_axis_name="s",
                                  num_cores=_NC, num_subcores=_NS)
    cp = pltpu.CompilerParams(use_tc_tiling_on_sc=True,
                              needs_layout_passes=False)

    @functools.partial(
        pl.kernel,
        out_type=jax.ShapeDtypeStruct((_NW * 8, 128), jnp.float32),
        mesh=mesh,
        compiler_params=cp,
        scratch_types=[
            pltpu.VMEM((80, _CH), jnp.float32),
            pltpu.VMEM((80, _CH), jnp.float32),
            pltpu.VMEM((_RPW + 1024,), jnp.int32),
            pltpu.VMEM((8, 128), jnp.float32),
        ],
    )
    def k(pred_hbm, tgt_hbm, lab_hbm, out_hbm, bp, bt, bl, tbl):
        wid = lax.axis_index("s") * _NC + lax.axis_index("c")
        base = _SC0 + wid * rpw
        l16 = lax.iota(jnp.int32, 16)
        zero16 = jnp.zeros((16,), jnp.float32)
        one16 = jnp.full((16,), 1.0, jnp.float32)
        for r in range(8):
            for q in range(8):
                tbl[r, pl.ds(q * 16, 16)] = zero16
        rowsel = lax.shift_right_logical(l16, 2)
        colbase = (l16 & 3) * 32
        ln2 = jnp.float32(0.6931471805599453)

        def group(gchn, carry):
            s0 = (gchn % _GPC) * 16
            svec = s0 + l16
            lab_v = bl[pl.ds(pl.multiple_of(boff + gchn * 16, 8), 16)]
            plab = plsc.load_gather(bp, [lab_v, svec])
            tlab = plsc.load_gather(bt, [lab_v, svec])
            m = jnp.full((16,), -3.0e38, jnp.float32)
            for kk in range(80):
                m = jnp.maximum(m, bp[kk, pl.ds(s0, 16)])
            s = jnp.zeros((16,), jnp.float32)
            for kk in range(80):
                s = s + jnp.exp(bp[kk, pl.ds(s0, 16)] - m)
            bits = plsc.bitcast(s, jnp.int32)
            ev = (lax.shift_right_logical(bits, 23) & 0xFF) - 127
            mant = plsc.bitcast((bits & 0x007FFFFF) | 0x3F800000, jnp.float32)
            yv = (mant - 1.0) / (mant + 1.0)
            y2 = yv * yv
            lnm = 2.0 * yv * (1.0 + y2 * (jnp.float32(1.0 / 3.0)
                                          + y2 * jnp.float32(0.2)))
            lns = ev.astype(jnp.float32) * ln2 + lnm
            logp = plab - m - lns
            sp = 1.0 / (1.0 + jnp.exp(-plab))
            gg = jnp.abs(sp - tlab)
            bi = jnp.clip((gg * BINS).astype(jnp.int32), 0, BINS - 1)
            colc = colbase + bi
            plsc.addupdate_scatter(tbl, [rowsel, colc], one16)
            plsc.addupdate_scatter(tbl, [rowsel + 4, colc], logp)
            return carry

        boff = base & 1023
        astart = base - boff
        pltpu.sync_copy(lab_hbm.at[pl.ds(pl.multiple_of(astart, 1024),
                                         _RPW + 1024)], bl)
        for chn in range(rpw // _CH):
            cb0 = base + chn * _CH
            pltpu.sync_copy(pred_hbm.at[:, pl.ds(cb0, _CH)], bp)
            pltpu.sync_copy(tgt_hbm.at[:, pl.ds(cb0, _CH)], bt)
            lax.fori_loop(chn * _GPC, (chn + 1) * _GPC, group, 0)
        pltpu.sync_copy(tbl, out_hbm.at[pl.ds(wid * 8, 8)])

    return k(pred_t, tgt_t, lab)


def _merge(acc, sc_tbl):
    def body(acc_ref, sc_ref, out_ref):
        v = sc_ref[...]
        y = jnp.zeros((8, 128), jnp.float32)
        for w in range(_NW):
            y = y + lax.slice(v, (8 * w, 0), (8 * w + 8, 128))
        cnt_row = jnp.sum(lax.slice(y, (0, 0), (4, 128)), axis=0,
                          keepdims=True)
        sm_row = jnp.sum(lax.slice(y, (4, 0), (8, 128)), axis=0,
                         keepdims=True)
        cnt32 = jnp.zeros((1, 32), jnp.float32)
        sm32 = jnp.zeros((1, 32), jnp.float32)
        for q in range(4):
            cnt32 = cnt32 + lax.slice(cnt_row, (0, 32 * q), (1, 32 * q + 32))
            sm32 = sm32 + lax.slice(sm_row, (0, 32 * q), (1, 32 * q + 32))
        cs = acc_ref[...]
        cnt_tc = jnp.reshape(lax.slice(cs, (0, 0), (32, 1)), (1, 32))
        sm_tc = jnp.reshape(lax.slice(cs, (0, 1), (32, 2)), (1, 32))
        cb = cnt32 + cnt_tc
        sb = sm32 + sm_tc
        nne = jnp.sum((cb > 0).astype(jnp.float32))
        contrib = jnp.where(cb > 0, sb / jnp.maximum(cb, 1.0), 0.0)
        loss = -jnp.sum(contrib) / jnp.maximum(nne, 1.0)
        out_ref[...] = jnp.full((8, 128), loss, jnp.float32)

    out = pl.pallas_call(
        body,
        out_shape=jax.ShapeDtypeStruct((8, 128), jnp.float32),
    )(acc, sc_tbl)
    return out[0, 0]


def kernel(pred, target, label):
    n, c = pred.shape
    lab = label.astype(jnp.int32)
    pred_t = pred.T
    tgt_t = target.T
    sc_tbl = _sc_part(pred_t, tgt_t, lab)
    sc1 = _SC0 + _SCBLKS * _BLOCK
    tail = lax.slice(lab, (sc1,), (n,))
    lab_tc = jnp.concatenate([
        lax.slice(lab, (0,), (_SC0,)), tail,
        jnp.zeros((_BLOCK - tail.shape[0],), jnp.int32)])
    grid = lab_tc.shape[0] // _BLOCK
    lab3d = lab_tc.reshape(grid, 1, _BLOCK)
    acc = _tc_part(pred_t, tgt_t, lab3d, _BLOCK)
    return _merge(acc, sc_tbl)

# --- scband reference (transcript-rebuilt; emitter-appended) ---
"""Pipeline reference for scband-ghmc-21406117003629 (READ-ONLY COPY).

The authoritative reference and input builder live on the scoring server;
editing this copy changes nothing except your own understanding.
"""

import jax, jax.numpy as jnp
import numpy as np

BINS = 30

def setup_inputs(seed: int = 0) -> dict:
    key = jax.random.key(seed)
    k1, k2, k3 = jax.random.split(key, 3)
    N, C = 200000, 80
    pred = jax.random.normal(k1, (N, C), dtype=jnp.float32)
    target = jax.random.uniform(k2, (N, C), dtype=jnp.float32)
    label = jax.random.randint(k3, (N,), 0, C, dtype=jnp.int64)
    return {"pred": pred, "target": target, "label": label}


def reference(pred, target, label):
    bins = BINS
    N, C = pred.shape
    tot = N
    # softmax over classes (torch F.softmax implicit dim=1 for 2D)
    P = jax.nn.softmax(pred, axis=1)
    # class_mask: one-hot scatter of label
    class_mask = jnp.zeros((N, C), dtype=pred.dtype).at[jnp.arange(N), label].set(1.0)
    # gradient norm g = |sigmoid(pred).detach() - target| masked to the label class
    g_full = jnp.abs(jax.lax.stop_gradient(jax.nn.sigmoid(pred)) - target)
    g = (g_full * class_mask).sum(axis=1)  # [N]
    # histogram binning: edges[i] = i/bins, edges[-1] += 1e-6
    # equivalent bin index: floor(g * bins) clipped to [0, bins-1]
    bin_idx = jnp.clip(jnp.floor(g * bins).astype(jnp.int32), 0, bins - 1)
    counts = jnp.bincount(bin_idx, length=bins)  # num_in_bin per bin
    n_nonempty = (counts > 0).sum()
    cnt_at = counts[bin_idx].astype(pred.dtype)
    weights = jnp.where(cnt_at > 0, tot / jnp.maximum(cnt_at, 1.0), 0.0)
    weights = weights / jnp.maximum(n_nonempty, 1).astype(pred.dtype)
    weights = jax.lax.stop_gradient(weights)
    probs = (P * class_mask).sum(axis=1)  # [N]
    log_p = jnp.log(probs)
    batch_loss = -log_p * weights / tot
    loss = batch_loss.sum()
    return loss

if __name__ == "__main__":
    import jax
    _d = setup_inputs()
    print(jax.jit(kernel)(*tuple(_d.values())))

</pallas_src>

<mosaic_0001>
#map = affine_map<(d0, d1) -> (0, 0)>
#map1 = affine_map<(d0, d1) -> (0)>
module attributes {stable_mosaic.version = 14 : i64} {
  func.func @k(%arg0: i32, %arg1: i32, %arg2: memref<80x200000xf32, #tpu.memory_space<hbm>>, %arg3: memref<80x200000xf32, #tpu.memory_space<hbm>>, %arg4: memref<200000xi32, #tpu.memory_space<hbm>>, %arg5: memref<256x128xf32, #tpu.memory_space<hbm>>, %arg6: memref<80x512xf32, #tpu.memory_space<vmem>>, %arg7: memref<80x512xf32, #tpu.memory_space<vmem>>, %arg8: memref<2560xi32, #tpu.memory_space<vmem>>, %arg9: memref<8x128xf32, #tpu.memory_space<vmem>>) attributes {dimension_semantics = [#tpu.dimension_semantics<core_parallel>, #tpu.dimension_semantics<subcore_parallel>], iteration_bounds = array<i64: 2, 16>, scalar_prefetch = 0 : i64, scratch_operands = 4 : i64, tpu.core_type = #tpu.core_type<sc_vector_subcore>, window_params = [{transform_indices = #map}, {transform_indices = #map}, {transform_indices = #map1}, {transform_indices = #map}]} {
    %mul3A = arith.constant 2 : i32
    %mul3A_0 = arith.muli %arg1, %mul3A : i32
    %add3A = arith.addi %mul3A_0, %arg0 : i32
    %mul3A_1 = arith.constant 1536 : i32
    %mul3A_2 = arith.muli %add3A, %mul3A_1 : i32
    %add3A_3 = arith.constant 147456 : i32
    %add3A_4 = arith.addi %add3A_3, %mul3A_2 : i32
    %iota3A = tpu.iota {dimensions = array<i32: 0>} : vector<16xi32>
    %broadcast_in_dim3A = arith.constant 0.000000e+00 : f32
    %broadcast_in_dim3A_5 = vector.broadcast %broadcast_in_dim3A : f32 to vector<16xf32>
    %broadcast_in_dim3A_6 = arith.constant 1.000000e+00 : f32
    %broadcast_in_dim3A_7 = vector.broadcast %broadcast_in_dim3A_6 : f32 to vector<16xf32>
    %swap3A = arith.constant 0 : i32
    %swap3A_8 = arith.index_cast %swap3A : i32 to index
    %swap3A_9 = arith.constant 0 : index
    %swap3A_10 = tpu.vector_load %arg9[%swap3A_8, %swap3A_9] {strides = array<i32>} : memref<8x128xf32, #tpu.memory_space<vmem>>, vector<16xf32>,
    tpu.vector_store %arg9[%swap3A_8, %swap3A_9], %broadcast_in_dim3A_5 {strides = array<i32>} : memref<8x128xf32, #tpu.memory_space<vmem>>, vector<16xf32>,
    %swap3A_11 = arith.constant 0 : i32
    %swap3A_12 = arith.index_cast %swap3A_11 : i32 to index
    %swap3A_13 = arith.constant 16 : index
    %swap3A_14 = tpu.vector_load %arg9[%swap3A_12, %swap3A_13] {strides = array<i32>} : memref<8x128xf32, #tpu.memory_space<vmem>>, vector<16xf32>,
    tpu.vector_store %arg9[%swap3A_12, %swap3A_13], %broadcast_in_dim3A_5 {strides = array<i32>} : memref<8x128xf32, #tpu.memory_space<vmem>>, vector<16xf32>,
    %swap3A_15 = arith.constant 0 : i32
    %swap3A_16 = arith.index_cast %swap3A_15 : i32 to index
    %swap3A_17 = arith.constant 32 : index
    %swap3A_18 = tpu.vector_load %arg9[%swap3A_16, %swap3A_17] {strides = array<i32>} : memref<8x128xf32, #tpu.memory_space<vmem>>, vector<16xf32>,
    tpu.vector_store %arg9[%swap3A_16, %swap3A_17], %broadcast_in_dim3A_5 {strides = array<i32>} : memref<8x128xf32, #tpu.memory_space<vmem>>, vector<16xf32>,
    %swap3A_19 = arith.constant 0 : i32
    %swap3A_20 = arith.index_cast %swap3A_19 : i32 to index
    %swap3A_21 = arith.constant 48 : index
    %swap3A_22 = tpu.vector_load %arg9[%swap3A_20, %swap3A_21] {strides = array<i32>} : memref<8x128xf32, #tpu.memory_space<vmem>>, vector<16xf32>,
    tpu.vector_store %arg9[%swap3A_20, %swap3A_21], %broadcast_in_dim3A_5 {strides = array<i32>} : memref<8x128xf32, #tpu.memory_space<vmem>>, vector<16xf32>,
    %swap3A_23 = arith.constant 0 : i32
    %swap3A_24 = arith.index_cast %swap3A_23 : i32 to index
    %swap3A_25 = arith.constant 64 : index
    %swap3A_26 = tpu.vector_load %arg9[%swap3A_24, %swap3A_25] {strides = array<i32>} : memref<8x128xf32, #tpu.memory_space<vmem>>, vector<16xf32>,
    tpu.vector_store %arg9[%swap3A_24, %swap3A_25], %broadcast_in_dim3A_5 {strides = array<i32>} : memref<8x128xf32, #tpu.memory_space<vmem>>, vector<16xf32>,
    %swap3A_27 = arith.constant 0 : i32
    %swap3A_28 = arith.index_cast %swap3A_27 : i32 to index
    %swap3A_29 = arith.constant 80 : index
    %swap3A_30 = tpu.vector_load %arg9[%swap3A_28, %swap3A_29] {strides = array<i32>} : memref<8x128xf32, #tpu.memory_space<vmem>>, vector<16xf32>,
    tpu.vector_store %arg9[%swap3A_28, %swap3A_29], %broadcast_in_dim3A_5 {strides = array<i32>} : memref<8x128xf32, #tpu.memory_space<vmem>>, vector<16xf32>,
    %swap3A_31 = arith.constant 0 : i32
    %swap3A_32 = arith.index_cast %swap3A_31 : i32 to index
    %swap3A_33 = arith.constant 96 : index
    %swap3A_34 = tpu.vector_load %arg9[%swap3A_32, %swap3A_33] {strides = array<i32>} : memref<8x128xf32, #tpu.memory_space<vmem>>, vector<16xf32>,
    tpu.vector_store %arg9[%swap3A_32, %swap3A_33], %broadcast_in_dim3A_5 {strides = array<i32>} : memref<8x128xf32, #tpu.memory_space<vmem>>, vector<16xf32>,
    %swap3A_35 = arith.constant 0 : i32
    %swap3A_36 = arith.index_cast %swap3A_35 : i32 to index
    %swap3A_37 = arith.constant 112 : index
    %swap3A_38 = tpu.vector_load %arg9[%swap3A_36, %swap3A_37] {strides = array<i32>} : memref<8x128xf32, #tpu.memory_space<vmem>>, vector<16xf32>,
    tpu.vector_store %arg9[%swap3A_36, %swap3A_37], %broadcast_in_dim3A_5 {strides = array<i32>} : memref<8x128xf32, #tpu.memory_space<vmem>>, vector<16xf32>,
    %swap3A_39 = arith.constant 1 : i32
    %swap3A_40 = arith.index_cast %swap3A_39 : i32 to index
    %swap3A_41 = arith.constant 0 : index
    %swap3A_42 = tpu.vector_load %arg9[%swap3A_40, %swap3A_41] {strides = array<i32>} : memref<8x128xf32, #tpu.memory_space<vmem>>, vector<16xf32>,
    tpu.vector_store %arg9[%swap3A_40, %swap3A_41], %broadcast_in_dim3A_5 {strides = array<i32>} : memref<8x128xf32, #tpu.memory_space<vmem>>, vector<16xf32>,
    %swap3A_43 = arith.constant 1 : i32
    %swap3A_44 = arith.index_cast %swap3A_43 : i32 to index
    %swap3A_45 = arith.constant 16 : index
    %swap3A_46 = tpu.vector_load %arg9[%swap3A_44, %swap3A_45] {strides = array<i32>} : memref<8x128xf32, #tpu.memory_space<vmem>>, vector<16xf32>,
    tpu.vector_store %arg9[%swap3A_44, %swap3A_45], %broadcast_in_dim3A_5 {strides = array<i32>} : memref<8x128xf32, #tpu.memory_space<vmem>>, vector<16xf32>,
    %swap3A_47 = arith.constant 1 : i32
    %swap3A_48 = arith.index_cast %swap3A_47 : i32 to index
    %swap3A_49 = arith.constant 32 : index
    %swap3A_50 = tpu.vector_load %arg9[%swap3A_48, %swap3A_49] {strides = array<i32>} : memref<8x128xf32, #tpu.memory_space<vmem>>, vector<16xf32>,
    tpu.vector_store %arg9[%swap3A_48, %swap3A_49], %broadcast_in_dim3A_5 {strides = array<i32>} : memref<8x128xf32, #tpu.memory_space<vmem>>, vector<16xf32>,
    %swap3A_51 = arith.constant 1 : i32
    %swap3A_52 = arith.index_cast %swap3A_51 : i32 to index
    %swap3A_53 = arith.constant 48 : index
    %swap3A_54 = tpu.vector_load %arg9[%swap3A_52, %swap3A_53] {strides = array<i32>} : memref<8x128xf32, #tpu.memory_space<vmem>>, vector<16xf32>,
    tpu.vector_store %arg9[%swap3A_52, %swap3A_53], %broadcast_in_dim3A_5 {strides = array<i32>} : memref<8x128xf32, #tpu.memory_space<vmem>>, vector<16xf32>,
    %swap3A_55 = arith.constant 1 : i32
    %swap3A_56 = arith.index_cast %swap3A_55 : i32 to index
    %swap3A_57 = arith.constant 64 : index
    %swap3A_58 = tpu.vector_load %arg9[%swap3A_56, %swap3A_57] {strides = array<i32>} : memref<8x128xf32, #tpu.memory_space<vmem>>, vector<16xf32>,
    tpu.vector_store %arg9[%swap3A_56, %swap3A_57], %broadcast_in_dim3A_5 {strides = array<i32>} : memref<8x128xf32, #tpu.memory_space<vmem>>, vector<16xf32>,
    %swap3A_59 = arith.constant 1 : i32
    %swap3A_60 = arith.index_cast %swap3A_59 : i32 to index
    %swap3A_61 = arith.constant 80 : index
    %swap3A_62 = tpu.vector_load %arg9[%swap3A_60, %swap3A_61] {strides = array<i32>} : memref<8x128xf32, #tpu.memory_space<vmem>>, vector<16xf32>,
    tpu.vector_store %arg9[%swap3A_60, %swap3A_61], %broadcast_in_dim3A_5 {strides = array<i32>} : memref<8x128xf32, #tpu.memory_space<vmem>>, vector<16xf32>,
    %swap3A_63 = arith.constant 1 : i32
    %swap3A_64 = arith.index_cast %swap3A_63 : i32 to index
    %swap3A_65 = arith.constant 96 : index
    %swap3A_66 = tpu.vector_load %arg9[%swap3A_64, %swap3A_65] {strides = array<i32>} : memref<8x128xf32, #tpu.memory_space<vmem>>, vector<16xf32>,
    tpu.vector_store %arg9[%swap3A_64, %swap3A_65], %broadcast_in_dim3A_5 {strides = array<i32>} : memref<8x128xf32, #tpu.memory_space<vmem>>, vector<16xf32>,
    %swap3A_67 = arith.constant 1 : i32
    %swap3A_68 = arith.index_cast %swap3A_67 : i32 to index
    %swap3A_69 = arith.constant 112 : index
    %swap3A_70 = tpu.vector_load %arg9[%swap3A_68, %swap3A_69] {strides = array<i32>} : memref<8x128xf32, #tpu.memory_space<vmem>>, vector<16xf32>,
    tpu.vector_store %arg9[%swap3A_68, %swap3A_69], %broadcast_in_dim3A_5 {strides = array<i32>} : memref<8x128xf32, #tpu.memory_space<vmem>>, vector<16xf32>,
    %swap3A_71 = arith.constant 2 : i32
    %swap3A_72 = arith.index_cast %swap3A_71 : i32 to index
    %swap3A_73 = arith.constant 0 : index
    %swap3A_74 = tpu.vector_load %arg9[%swap3A_72, %swap3A_73] {strides = array<i32>} : memref<8x128xf32, #tpu.memory_space<vmem>>, vector<16xf32>,
    tpu.vector_store %arg9[%swap3A_72, %swap3A_73], %broadcast_in_dim3A_5 {strides = array<i32>} : memref<8x128xf32, #tpu.memory_space<vmem>>, vector<16xf32>,
    %swap3A_75 = arith.constant 2 : i32
    %swap3A_76 = arith.index_cast %swap3A_75 : i32 to index
    %swap3A_77 = arith.constant 16 : index
    %swap3A_78 = tpu.vector_load %arg9[%swap3A_76, %swap3A_77] {strides = array<i32>} : memref<8x128xf32, #tpu.memory_space<vmem>>, vector<16xf32>,
    tpu.vector_store %arg9[%swap3A_76, %swap3A_77], %broadcast_in_dim3A_5 {strides = array<i32>} : memref<8x128xf32, #tpu.memory_space<vmem>>, vector<16xf32>,
    %swap3A_79 = arith.constant 2 : i32
    %swap3A_80 = arith.index_cast %swap3A_79 : i32 to index
    %swap3A_81 = arith.constant 32 : index
    %swap3A_82 = tpu.vector_load %arg9[%swap3A_80, %swap3A_81] {strides = array<i32>} : memref<8x128xf32, #tpu.memory_space<vmem>>, vector<16xf32>,
    tpu.vector_store %arg9[%swap3A_80, %swap3A_81], %broadcast_in_dim3A_5 {strides = array<i32>} : memref<8x128xf32, #tpu.memory_space<vmem>>, vector<16xf32>,
    %swap3A_83 = arith.constant 2 : i32
    %swap3A_84 = arith.index_cast %swap3A_83 : i32 to index
    %swap3A_85 = arith.constant 48 : index
    %swap3A_86 = tpu.vector_load %arg9[%swap3A_84, %swap3A_85] {strides = array<i32>} : memref<8x128xf32, #tpu.memory_space<vmem>>, vector<16xf32>,
    tpu.vector_store %arg9[%swap3A_84, %swap3A_85], %broadcast_in_dim3A_5 {strides = array<i32>} : memref<8x128xf32, #tpu.memory_space<vmem>>, vector<16xf32>,
    %swap3A_87 = arith.constant 2 : i32
    %swap3A_88 = arith.index_cast %swap3A_87 : i32 to index
    %swap3A_89 = arith.constant 64 : index
    %swap3A_90 = tpu.vector_load %arg9[%swap3A_88, %swap3A_89] {strides = array<i32>} : memref<8x128xf32, #tpu.memory_space<vmem>>, vector<16xf32>,
    tpu.vector_store %arg9[%swap3A_88, %swap3A_89], %broadcast_in_dim3A_5 {strides = array<i32>} : memref<8x128xf32, #tpu.memory_space<vmem>>, vector<16xf32>,
    %swap3A_91 = arith.constant 2 : i32
    %swap3A_92 = arith.index_cast %swap3A_91 : i32 to index
    %swap3A_93 = arith.constant 80 : index
    %swap3A_94 = tpu.vector_load %arg9[%swap3A_92, %swap3A_93] {strides = array<i32>} : memref<8x128xf32, #tpu.memory_space<vmem>>, vector<16xf32>,
    tpu.vector_store %arg9[%swap3A_92, %swap3A_93], %broadcast_in_dim3A_5 {strides = array<i32>} : memref<8x128xf32, #tpu.memory_space<vmem>>, vector<16xf32>,
    %swap3A_95 = arith.constant 2 : i32
    %swap3A_96 = arith.index_cast %swap3A_95 : i32 to index
    %swap3A_97 = arith.constant 96 : index
    %swap3A_98 = tpu.vector_load %arg9[%swap3A_96, %swap3A_97] {strides = array<i32>} : memref<8x128xf32, #tpu.memory_space<vmem>>, vector<16xf32>,
    tpu.vector_store %arg9[%swap3A_96, %swap3A_97], %broadcast_in_dim3A_5 {strides = array<i32>} : memref<8x128xf32, #tpu.memory_space<vmem>>, vector<16xf32>,
    %swap3A_99 = arith.constant 2 : i32
    %swap3A_100 = arith.index_cast %swap3A_99 : i32 to index
    %swap3A_101 = arith.constant 112 : index
    %swap3A_102 = tpu.vector_load %arg9[%swap3A_100, %swap3A_101] {strides = array<i32>} : memref<8x128xf32, #tpu.memory_space<vmem>>, vector<16xf32>,
    tpu.vector_store %arg9[%swap3A_100, %swap3A_101], %broadcast_in_dim3A_5 {strides = array<i32>} : memref<8x128xf32, #tpu.memory_space<vmem>>, vector<16xf32>,
    %swap3A_103 = arith.constant 3 : i32
    %swap3A_104 = arith.index_cast %swap3A_103 : i32 to index
    %swap3A_105 = arith.constant 0 : index
    %swap3A_106 = tpu.vector_load %arg9[%swap3A_104, %swap3A_105] {strides = array<i32>} : memref<8x128xf32, #tpu.memory_space<vmem>>, vector<16xf32>,
    tpu.vector_store %arg9[%swap3A_104, %swap3A_105], %broadcast_in_dim3A_5 {strides = array<i32>} : memref<8x128xf32, #tpu.memory_space<vmem>>, vector<16xf32>,
    %swap3A_107 = arith.constant 3 : i32
    %swap3A_108 = arith.index_cast %swap3A_107 : i32 to index
    %swap3A_109 = arith.constant 16 : index
    %swap3A_110 = tpu.vector_load %arg9[%swap3A_108, %swap3A_109] {strides = array<i32>} : memref<8x128xf32, #tpu.memory_space<vmem>>, vector<16xf32>,
    tpu.vector_store %arg9[%swap3A_108, %swap3A_109], %broadcast_in_dim3A_5 {strides = array<i32>} : memref<8x128xf32, #tpu.memory_space<vmem>>, vector<16xf32>,
    %swap3A_111 = arith.constant 3 : i32
    %swap3A_112 = arith.index_cast %swap3A_111 : i32 to index
    %swap3A_113 = arith.constant 32 : index
    %swap3A_114 = tpu.vector_load %arg9[%swap3A_112, %swap3A_113] {strides = array<i32>} : memref<8x128xf32, #tpu.memory_space<vmem>>, vector<16xf32>,
    tpu.vector_store %arg9[%swap3A_112, %swap3A_113], %broadcast_in_dim3A_5 {strides = array<i32>} : memref<8x128xf32, #tpu.memory_space<vmem>>, vector<16xf32>,
    %swap3A_115 = arith.constant 3 : i32
    %swap3A_116 = arith.index_cast %swap3A_115 : i32 to index
    %swap3A_117 = arith.constant 48 : index
    %swap3A_118 = tpu.vector_load %arg9[%swap3A_116, %swap3A_117] {strides = array<i32>} : memref<8x128xf32, #tpu.memory_space<vmem>>, vector<16xf32>,
    tpu.vector_store %arg9[%swap3A_116, %swap3A_117], %broadcast_in_dim3A_5 {strides = array<i32>} : memref<8x128xf32, #tpu.memory_space<vmem>>, vector<16xf32>,
    %swap3A_119 = arith.constant 3 : i32
    %swap3A_120 = arith.index_cast %swap3A_119 : i32 to index
    %swap3A_121 = arith.constant 64 : index
    %swap3A_122 = tpu.vector_load %arg9[%swap3A_120, %swap3A_121] {strides = array<i32>} : memref<8x128xf32, #tpu.memory_space<vmem>>, vector<16xf32>,
    tpu.vector_store %arg9[%swap3A_120, %swap3A_121], %broadcast_in_dim3A_5 {strides = array<i32>} : memref<8x128xf32, #tpu.memory_space<vmem>>, vector<16xf32>,
    %swap3A_123 = arith.constant 3 : i32
    %swap3A_124 = arith.index_cast %swap3A_123 : i32 to index
    %swap3A_125 = arith.constant 80 : index
    %swap3A_126 = tpu.vector_load %arg9[%swap3A_124, %swap3A_125] {strides = array<i32>} : memref<8x128xf32, #tpu.memory_space<vmem>>, vector<16xf32>,
    tpu.vector_store %arg9[%swap3A_124, %swap3A_125], %broadcast_in_dim3A_5 {strides = array<i32>} : memref<8x128xf32, #tpu.memory_space<vmem>>, vector<16xf32>,
    %swap3A_127 = arith.constant 3 : i32
    %swap3A_128 = arith.index_cast %swap3A_127 : i32 to index
    %swap3A_129 = arith.constant 96 : index
    %swap3A_130 = tpu.vector_load %arg9[%swap3A_128, %swap3A_129] {strides = array<i32>} : memref<8x128xf32, #tpu.memory_space<vmem>>, vector<16xf32>,
    tpu.vector_store %arg9[%swap3A_128, %swap3A_129], %broadcast_in_dim3A_5 {strides = array<i32>} : memref<8x128xf32, #tpu.memory_space<vmem>>, vector<16xf32>,
    %swap3A_131 = arith.constant 3 : i32
    %swap3A_132 = arith.index_cast %swap3A_131 : i32 to index
    %swap3A_133 = arith.constant 112 : index
    %swap3A_134 = tpu.vector_load %arg9[%swap3A_132, %swap3A_133] {strides = array<i32>} : memref<8x128xf32, #tpu.memory_space<vmem>>, vector<16xf32>,
    tpu.vector_store %arg9[%swap3A_132, %swap3A_133], %broadcast_in_dim3A_5 {strides = array<i32>} : memref<8x128xf32, #tpu.memory_space<vmem>>, vector<16xf32>,
    %swap3A_135 = arith.constant 4 : i32
    %swap3A_136 = arith.index_cast %swap3A_135 : i32 to index
    %swap3A_137 = arith.constant 0 : index
    %swap3A_138 = tpu.vector_load %arg9[%swap3A_136, %swap3A_137] {strides = array<i32>} : memref<8x128xf32, #tpu.memory_space<vmem>>, vector<16xf32>,
    tpu.vector_store %arg9[%swap3A_136, %swap3A_137], %broadcast_in_dim3A_5 {strides = array<i32>} : memref<8x128xf32, #tpu.memory_space<vmem>>, vector<16xf32>,
    %swap3A_139 = arith.constant 4 : i32
    %swap3A_140 = arith.index_cast %swap3A_139 : i32 to index
    %swap3A_141 = arith.constant 16 : index
    %swap3A_142 = tpu.vector_load %arg9[%swap3A_140, %swap3A_141] {strides = array<i32>} : memref<8x128xf32, #tpu.memory_space<vmem>>, vector<16xf32>,
    tpu.vector_store %arg9[%swap3A_140, %swap3A_141], %broadcast_in_dim3A_5 {strides = array<i32>} : memref<8x128xf32, #tpu.memory_space<vmem>>, vector<16xf32>,
    %swap3A_143 = arith.constant 4 : i32
    %swap3A_144 = arith.index_cast %swap3A_143 : i32 to index
    %swap3A_145 = arith.constant 32 : index
    %swap3A_146 = tpu.vector_load %arg9[%swap3A_144, %swap3A_145] {strides = array<i32>} : memref<8x128xf32, #tpu.memory_space<vmem>>, vector<16xf32>,
    tpu.vector_store %arg9[%swap3A_144, %swap3A_145], %broadcast_in_dim3A_5 {strides = array<i32>} : memref<8x128xf32, #tpu.memory_space<vmem>>, vector<16xf32>,
    %swap3A_147 = arith.constant 4 : i32
    %swap3A_148 = arith.index_cast %swap3A_147 : i32 to index
    %swap3A_149 = arith.constant 48 : index
    %swap3A_150 = tpu.vector_load %arg9[%swap3A_148, %swap3A_149] {strides = array<i32>} : memref<8x128xf32, #tpu.memory_space<vmem>>, vector<16xf32>,
    tpu.vector_store %arg9[%swap3A_148, %swap3A_149], %broadcast_in_dim3A_5 {strides = array<i32>} : memref<8x128xf32, #tpu.memory_space<vmem>>, vector<16xf32>,
    %swap3A_151 = arith.constant 4 : i32
    %swap3A_152 = arith.index_cast %swap3A_151 : i32 to index
    %swap3A_153 = arith.constant 64 : index
    %swap3A_154 = tpu.vector_load %arg9[%swap3A_152, %swap3A_153] {strides = array<i32>} : memref<8x128xf32, #tpu.memory_space<vmem>>, vector<16xf32>,
    tpu.vector_store %arg9[%swap3A_152, %swap3A_153], %broadcast_in_dim3A_5 {strides = array<i32>} : memref<8x128xf32, #tpu.memory_space<vmem>>, vector<16xf32>,
    %swap3A_155 = arith.constant 4 : i32
    %swap3A_156 = arith.index_cast %swap3A_155 : i32 to index
    %swap3A_157 = arith.constant 80 : index
    %swap3A_158 = tpu.vector_load %arg9[%swap3A_156, %swap3A_157] {strides = array<i32>} : memref<8x128xf32, #tpu.memory_space<vmem>>, vector<16xf32>,
    tpu.vector_store %arg9[%swap3A_156, %swap3A_157], %broadcast_in_dim3A_5 {strides = array<i32>} : memref<8x128xf32, #tpu.memory_space<vmem>>, vector<16xf32>,
    %swap3A_159 = arith.constant 4 : i32
    %swap3A_160 = arith.index_cast %swap3A_159 : i32 to index
    %swap3A_161 = arith.constant 96 : index
    %swap3A_162 = tpu.vector_load %arg9[%swap3A_160, %swap3A_161] {strides = array<i32>} : memref<8x128xf32, #tpu.memory_space<vmem>>, vector<16xf32>,
    tpu.vector_store %arg9[%swap3A_160, %swap3A_161], %broadcast_in_dim3A_5 {strides = array<i32>} : memref<8x128xf32, #tpu.memory_space<vmem>>, vector<16xf32>,
    %swap3A_163 = arith.constant 4 : i32
    %swap3A_164 = arith.index_cast %swap3A_163 : i32 to index
    %swap3A_165 = arith.constant 112 : index
    %swap3A_166 = tpu.vector_load %arg9[%swap3A_164, %swap3A_165] {strides = array<i32>} : memref<8x128xf32, #tpu.memory_space<vmem>>, vector<16xf32>,
    tpu.vector_store %arg9[%swap3A_164, %swap3A_165], %broadcast_in_dim3A_5 {strides = array<i32>} : memref<8x128xf32, #tpu.memory_space<vmem>>, vector<16xf32>,
    %swap3A_167 = arith.constant 5 : i32
    %swap3A_168 = arith.index_cast %swap3A_167 : i32 to index
    %swap3A_169 = arith.constant 0 : index
    %swap3A_170 = tpu.vector_load %arg9[%swap3A_168, %swap3A_169] {strides = array<i32>} : memref<8x128xf32, #tpu.memory_space<vmem>>, vector<16xf32>,
    tpu.vector_store %arg9[%swap3A_168, %swap3A_169], %broadcast_in_dim3A_5 {strides = array<i32>} : memref<8x128xf32, #tpu.memory_space<vmem>>, vector<16xf32>,
    %swap3A_171 = arith.constant 5 : i32
    %swap3A_172 = arith.index_cast %swap3A_171 : i32 to index
    %swap3A_173 = arith.constant 16 : index
    %swap3A_174 = tpu.vector_load %arg9[%swap3A_172, %swap3A_173] {strides = array<i32>} : memref<8x128xf32, #tpu.memory_space<vmem>>, vector<16xf32>,
    tpu.vector_store %arg9[%swap3A_172, %swap3A_173], %broadcast_in_dim3A_5 {strides = array<i32>} : memref<8x128xf32, #tpu.memory_space<vmem>>, vector<16xf32>,
    %swap3A_175 = arith.constant 5 : i32
    %swap3A_176 = arith.index_cast %swap3A_175 : i32 to index
    %swap3A_177 = arith.constant 32 : index
    %swap3A_178 = tpu.vector_load %arg9[%swap3A_176, %swap3A_177] {strides = array<i32>} : memref<8x128xf32, #tpu.memory_space<vmem>>, vector<16xf32>,
    tpu.vector_store %arg9[%swap3A_176, %swap3A_177], %broadcast_in_dim3A_5 {strides = array<i32>} : memref<8x128xf32, #tpu.memory_space<vmem>>, vector<16xf32>,
    %swap3A_179 = arith.constant 5 : i32
    %swap3A_180 = arith.index_cast %swap3A_179 : i32 to index
    %swap3A_181 = arith.constant 48 : index
    %swap3A_182 = tpu.vector_load %arg9[%swap3A_180, %swap3A_181] {strides = array<i32>} : memref<8x128xf32, #tpu.memory_space<vmem>>, vector<16xf32>,
    tpu.vector_store %arg9[%swap3A_180, %swap3A_181], %broadcast_in_dim3A_5 {strides = array<i32>} : memref<8x128xf32, #tpu.memory_space<vmem>>, vector<16xf32>,
    %swap3A_183 = arith.constant 5 : i32
    %swap3A_184 = arith.index_cast %swap3A_183 : i32 to index
    %swap3A_185 = arith.constant 64 : index
    %swap3A_186 = tpu.vector_load %arg9[%swap3A_184, %swap3A_185] {strides = array<i32>} : memref<8x128xf32, #tpu.memory_space<vmem>>, vector<16xf32>,
    tpu.vector_store %arg9[%swap3A_184, %swap3A_185], %broadcast_in_dim3A_5 {strides = array<i32>} : memref<8x128xf32, #tpu.memory_space<vmem>>, vector<16xf32>,
    %swap3A_187 = arith.constant 5 : i32
    %swap3A_188 = arith.index_cast %swap3A_187 : i32 to index
    %swap3A_189 = arith.constant 80 : index
    %swap3A_190 = tpu.vector_load %arg9[%swap3A_188, %swap3A_189] {strides = array<i32>} : memref<8x128xf32, #tpu.memory_space<vmem>>, vector<16xf32>,
    tpu.vector_store %arg9[%swap3A_188, %swap3A_189], %broadcast_in_dim3A_5 {strides = array<i32>} : memref<8x128xf32, #tpu.memory_space<vmem>>, vector<16xf32>,
    %swap3A_191 = arith.constant 5 : i32
    %swap3A_192 = arith.index_cast %swap3A_191 : i32 to index
    %swap3A_193 = arith.constant 96 : index
    %swap3A_194 = tpu.vector_load %arg9[%swap3A_192, %swap3A_193] {strides = array<i32>} : memref<8x128xf32, #tpu.memory_space<vmem>>, vector<16xf32>,
    tpu.vector_store %arg9[%swap3A_192, %swap3A_193], %broadcast_in_dim3A_5 {strides = array<i32>} : memref<8x128xf32, #tpu.memory_space<vmem>>, vector<16xf32>,
    %swap3A_195 = arith.constant 5 : i32
    %swap3A_196 = arith.index_cast %swap3A_195 : i32 to index
    %swap3A_197 = arith.constant 112 : index
    %swap3A_198 = tpu.vector_load %arg9[%swap3A_196, %swap3A_197] {strides = array<i32>} : memref<8x128xf32, #tpu.memory_space<vmem>>, vector<16xf32>,
    tpu.vector_store %arg9[%swap3A_196, %swap3A_197], %broadcast_in_dim3A_5 {strides = array<i32>} : memref<8x128xf32, #tpu.memory_space<vmem>>, vector<16xf32>,
    %swap3A_199 = arith.constant 6 : i32
    %swap3A_200 = arith.index_cast %swap3A_199 : i32 to index
    %swap3A_201 = arith.constant 0 : index
    %swap3A_202 = tpu.vector_load %arg9[%swap3A_200, %swap3A_201] {strides = array<i32>} : memref<8x128xf32, #tpu.memory_space<vmem>>, vector<16xf32>,
    tpu.vector_store %arg9[%swap3A_200, %swap3A_201], %broadcast_in_dim3A_5 {strides = array<i32>} : memref<8x128xf32, #tpu.memory_space<vmem>>, vector<16xf32>,
    %swap3A_203 = arith.constant 6 : i32
    %swap3A_204 = arith.index_cast %swap3A_203 : i32 to index
    %swap3A_205 = arith.constant 16 : index
    %swap3A_206 = tpu.vector_load %arg9[%swap3A_204, %swap3A_205] {strides = array<i32>} : memref<8x128xf32, #tpu.memory_space<vmem>>, vector<16xf32>,
    tpu.vector_store %arg9[%swap3A_204, %swap3A_205], %broadcast_in_dim3A_5 {strides = array<i32>} : memref<8x128xf32, #tpu.memory_space<vmem>>, vector<16xf32>,
    %swap3A_207 = arith.constant 6 : i32
    %swap3A_208 = arith.index_cast %swap3A_207 : i32 to index
    %swap3A_209 = arith.constant 32 : index
    %swap3A_210 = tpu.vector_load %arg9[%swap3A_208, %swap3A_209] {strides = array<i32>} : memref<8x128xf32, #tpu.memory_space<vmem>>, vector<16xf32>,
    tpu.vector_store %arg9[%swap3A_208, %swap3A_209], %broadcast_in_dim3A_5 {strides = array<i32>} : memref<8x128xf32, #tpu.memory_space<vmem>>, vector<16xf32>,
    %swap3A_211 = arith.constant 6 : i32
    %swap3A_212 = arith.index_cast %swap3A_211 : i32 to index
    %swap3A_213 = arith.constant 48 : index
    %swap3A_214 = tpu.vector_load %arg9[%swap3A_212, %swap3A_213] {strides = array<i32>} : memref<8x128xf32, #tpu.memory_space<vmem>>, vector<16xf32>,
    tpu.vector_store %arg9[%swap3A_212, %swap3A_213], %broadcast_in_dim3A_5 {strides = array<i32>} : memref<8x128xf32, #tpu.memory_space<vmem>>, vector<16xf32>,
    %swap3A_215 = arith.constant 6 : i32
    %swap3A_216 = arith.index_cast %swap3A_215 : i32 to index
    %swap3A_217 = arith.constant 64 : index
    %swap3A_218 = tpu.vector_load %arg9[%swap3A_216, %swap3A_217] {strides = array<i32>} : memref<8x128xf32, #tpu.memory_space<vmem>>, vector<16xf32>,
    tpu.vector_store %arg9[%swap3A_216, %swap3A_217], %broadcast_in_dim3A_5 {strides = array<i32>} : memref<8x128xf32, #tpu.memory_space<vmem>>, vector<16xf32>,
    %swap3A_219 = arith.constant 6 : i32
    %swap3A_220 = arith.index_cast %swap3A_219 : i32 to index
    %swap3A_221 = arith.constant 80 : index
    %swap3A_222 = tpu.vector_load %arg9[%swap3A_220, %swap3A_221] {strides = array<i32>} : memref<8x128xf32, #tpu.memory_space<vmem>>, vector<16xf32>,
    tpu.vector_store %arg9[%swap3A_220, %swap3A_221], %broadcast_in_dim3A_5 {strides = array<i32>} : memref<8x128xf32, #tpu.memory_space<vmem>>, vector<16xf32>,
    %swap3A_223 = arith.constant 6 : i32
    %swap3A_224 = arith.index_cast %swap3A_223 : i32 to index
    %swap3A_225 = arith.constant 96 : index
    %swap3A_226 = tpu.vector_load %arg9[%swap3A_224, %swap3A_225] {strides = array<i32>} : memref<8x128xf32, #tpu.memory_space<vmem>>, vector<16xf32>,
    tpu.vector_store %arg9[%swap3A_224, %swap3A_225], %broadcast_in_dim3A_5 {strides = array<i32>} : memref<8x128xf32, #tpu.memory_space<vmem>>, vector<16xf32>,
    %swap3A_227 = arith.constant 6 : i32
    %swap3A_228 = arith.index_cast %swap3A_227 : i32 to index
    %swap3A_229 = arith.constant 112 : index
    %swap3A_230 = tpu.vector_load %arg9[%swap3A_228, %swap3A_229] {strides = array<i32>} : memref<8x128xf32, #tpu.memory_space<vmem>>, vector<16xf32>,
    tpu.vector_store %arg9[%swap3A_228, %swap3A_229], %broadcast_in_dim3A_5 {strides = array<i32>} : memref<8x128xf32, #tpu.memory_space<vmem>>, vector<16xf32>,
    %swap3A_231 = arith.constant 7 : i32
    %swap3A_232 = arith.index_cast %swap3A_231 : i32 to index
    %swap3A_233 = arith.constant 0 : index
    %swap3A_234 = tpu.vector_load %arg9[%swap3A_232, %swap3A_233] {strides = array<i32>} : memref<8x128xf32, #tpu.memory_space<vmem>>, vector<16xf32>,
    tpu.vector_store %arg9[%swap3A_232, %swap3A_233], %broadcast_in_dim3A_5 {strides = array<i32>} : memref<8x128xf32, #tpu.memory_space<vmem>>, vector<16xf32>,
    %swap3A_235 = arith.constant 7 : i32
    %swap3A_236 = arith.index_cast %swap3A_235 : i32 to index
    %swap3A_237 = arith.constant 16 : index
    %swap3A_238 = tpu.vector_load %arg9[%swap3A_236, %swap3A_237] {strides = array<i32>} : memref<8x128xf32, #tpu.memory_space<vmem>>, vector<16xf32>,
    tpu.vector_store %arg9[%swap3A_236, %swap3A_237], %broadcast_in_dim3A_5 {strides = array<i32>} : memref<8x128xf32, #tpu.memory_space<vmem>>, vector<16xf32>,
    %swap3A_239 = arith.constant 7 : i32
    %swap3A_240 = arith.index_cast %swap3A_239 : i32 to index
    %swap3A_241 = arith.constant 32 : index
    %swap3A_242 = tpu.vector_load %arg9[%swap3A_240, %swap3A_241] {strides = array<i32>} : memref<8x128xf32, #tpu.memory_space<vmem>>, vector<16xf32>,
    tpu.vector_store %arg9[%swap3A_240, %swap3A_241], %broadcast_in_dim3A_5 {strides = array<i32>} : memref<8x128xf32, #tpu.memory_space<vmem>>, vector<16xf32>,
    %swap3A_243 = arith.constant 7 : i32
    %swap3A_244 = arith.index_cast %swap3A_243 : i32 to index
    %swap3A_245 = arith.constant 48 : index
    %swap3A_246 = tpu.vector_load %arg9[%swap3A_244, %swap3A_245] {strides = array<i32>} : memref<8x128xf32, #tpu.memory_space<vmem>>, vector<16xf32>,
    tpu.vector_store %arg9[%swap3A_244, %swap3A_245], %broadcast_in_dim3A_5 {strides = array<i32>} : memref<8x128xf32, #tpu.memory_space<vmem>>, vector<16xf32>,
    %swap3A_247 = arith.constant 7 : i32
    %swap3A_248 = arith.index_cast %swap3A_247 : i32 to index
    %swap3A_249 = arith.constant 64 : index
    %swap3A_250 = tpu.vector_load %arg9[%swap3A_248, %swap3A_249] {strides = array<i32>} : memref<8x128xf32, #tpu.memory_space<vmem>>, vector<16xf32>,
    tpu.vector_store %arg9[%swap3A_248, %swap3A_249], %broadcast_in_dim3A_5 {strides = array<i32>} : memref<8x128xf32, #tpu.memory_space<vmem>>, vector<16xf32>,
    %swap3A_251 = arith.constant 7 : i32
    %swap3A_252 = arith.index_cast %swap3A_251 : i32 to index
    %swap3A_253 = arith.constant 80 : index
    %swap3A_254 = tpu.vector_load %arg9[%swap3A_252, %swap3A_253] {strides = array<i32>} : memref<8x128xf32, #tpu.memory_space<vmem>>, vector<16xf32>,
    tpu.vector_store %arg9[%swap3A_252, %swap3A_253], %broadcast_in_dim3A_5 {strides = array<i32>} : memref<8x128xf32, #tpu.memory_space<vmem>>, vector<16xf32>,
    %swap3A_255 = arith.constant 7 : i32
    %swap3A_256 = arith.index_cast %swap3A_255 : i32 to index
    %swap3A_257 = arith.constant 96 : index
    %swap3A_258 = tpu.vector_load %arg9[%swap3A_256, %swap3A_257] {strides = array<i32>} : memref<8x128xf32, #tpu.memory_space<vmem>>, vector<16xf32>,
    tpu.vector_store %arg9[%swap3A_256, %swap3A_257], %broadcast_in_dim3A_5 {strides = array<i32>} : memref<8x128xf32, #tpu.memory_space<vmem>>, vector<16xf32>,
    %swap3A_259 = arith.constant 7 : i32
    %swap3A_260 = arith.index_cast %swap3A_259 : i32 to index
    %swap3A_261 = arith.constant 112 : index
    %swap3A_262 = tpu.vector_load %arg9[%swap3A_260, %swap3A_261] {strides = array<i32>} : memref<8x128xf32, #tpu.memory_space<vmem>>, vector<16xf32>,
    tpu.vector_store %arg9[%swap3A_260, %swap3A_261], %broadcast_in_dim3A_5 {strides = array<i32>} : memref<8x128xf32, #tpu.memory_space<vmem>>, vector<16xf32>,
    %shift_right_logical3A = arith.constant 2 : i32
    %shift_right_logical3A_263 = vector.broadcast %shift_right_logical3A : i32 to vector<16xi32>
    %shift_right_logical3A_264 = arith.shrui %iota3A, %shift_right_logical3A_263 : vector<16xi32>
    %and3A = arith.constant 3 : i32
    %and3A_265 = vector.broadcast %and3A : i32 to vector<16xi32>
    %and3A_266 = arith.andi %iota3A, %and3A_265 : vector<16xi32>
    %mul3A_267 = arith.constant 32 : i32
    %mul3A_268 = vector.broadcast %mul3A_267 : i32 to vector<16xi32>
    %mul3A_269 = arith.muli %and3A_266, %mul3A_268 : vector<16xi32>
    %and3A_270 = arith.constant 1023 : i32
    %and3A_271 = arith.andi %add3A_4, %and3A_270 : i32
    %sub3A = arith.subi %add3A_4, %and3A_271 : i32
    %multiple_of3A = tpu.assume_multiple %sub3A, 1024 : i32
    "tpu.region"() ({
      %run_scoped3A = tpu.sem_alloc : memref<!tpu.dma_semaphore, #tpu.memory_space<semaphore_mem>>
      %dma_start3A = tpu.memref_slice %arg4[%multiple_of3A] : memref<200000xi32, #tpu.memory_space<hbm>> -> memref<2560xi32, #tpu.memory_space<hbm>>
      %dma_start3A_300 = tpu.memref_slice %arg4[%multiple_of3A] : memref<200000xi32, #tpu.memory_space<hbm>> -> memref<2560xi32, #tpu.memory_space<hbm>>
      tpu.enqueue_dma source(%dma_start3A_300 : memref<2560xi32, #tpu.memory_space<hbm>>) target(%arg8 : memref<2560xi32, #tpu.memory_space<vmem>>) target_semaphore(%run_scoped3A : memref<!tpu.dma_semaphore, #tpu.memory_space<semaphore_mem>>)
      %dma_wait3A = tpu.memref_slice %arg4[%multiple_of3A] : memref<200000xi32, #tpu.memory_space<hbm>> -> memref<2560xi32, #tpu.memory_space<hbm>>
      %dma_wait3A_301 = tpu.memref_slice %arg4[%multiple_of3A] : memref<200000xi32, #tpu.memory_space<hbm>> -> memref<2560xi32, #tpu.memory_space<hbm>>
      tpu.wait_dma2 semaphore(%run_scoped3A : memref<!tpu.dma_semaphore, #tpu.memory_space<semaphore_mem>>) src(%dma_wait3A_301 : memref<2560xi32, #tpu.memory_space<hbm>>) dst(%arg8 : memref<2560xi32, #tpu.memory_space<vmem>>)
      tpu.yield
    }) : () -> ()
    %add3A_272 = arith.constant 0 : i32
    %add3A_273 = arith.addi %add3A_4, %add3A_272 : i32
    "tpu.region"() ({
      %run_scoped3A = tpu.sem_alloc : memref<!tpu.dma_semaphore, #tpu.memory_space<semaphore_mem>>
      %dma_start3A = arith.constant 0 : i32
      %dma_start3A_300 = tpu.memref_slice %arg2[%dma_start3A, %add3A_273] : memref<80x200000xf32, #tpu.memory_space<hbm>> -> memref<80x512xf32, #tpu.memory_space<hbm>>
      %dma_start3A_301 = arith.constant 0 : i32
      %dma_start3A_302 = tpu.memref_slice %arg2[%dma_start3A_301, %add3A_273] : memref<80x200000xf32, #tpu.memory_space<hbm>> -> memref<80x512xf32, #tpu.memory_space<hbm>>
      tpu.enqueue_dma source(%dma_start3A_302 : memref<80x512xf32, #tpu.memory_space<hbm>>) target(%arg6 : memref<80x512xf32, #tpu.memory_space<vmem>>) target_semaphore(%run_scoped3A : memref<!tpu.dma_semaphore, #tpu.memory_space<semaphore_mem>>)
      %dma_wait3A = arith.constant 0 : i32
      %dma_wait3A_303 = tpu.memref_slice %arg2[%dma_wait3A, %add3A_273] : memref<80x200000xf32, #tpu.memory_space<hbm>> -> memref<80x512xf32, #tpu.memory_space<hbm>>
      %dma_wait3A_304 = arith.constant 0 : i32
      %dma_wait3A_305 = tpu.memref_slice %arg2[%dma_wait3A_304, %add3A_273] : memref<80x200000xf32, #tpu.memory_space<hbm>> -> memref<80x512xf32, #tpu.memory_space<hbm>>
      tpu.wait_dma2 semaphore(%run_scoped3A : memref<!tpu.dma_semaphore, #tpu.memory_space<semaphore_mem>>) src(%dma_wait3A_305 : memref<80x512xf32, #tpu.memory_space<hbm>>) dst(%arg6 : memref<80x512xf32, #tpu.memory_space<vmem>>)
      tpu.yield
    }) : () -> ()
    "tpu.region"() ({
      %run_scoped3A = tpu.sem_alloc : memref<!tpu.dma_semaphore, #tpu.memory_space<semaphore_mem>>
      %dma_start3A = arith.constant 0 : i32
      %dma_start3A_300 = tpu.memref_slice %arg3[%dma_start3A, %add3A_273] : memref<80x200000xf32, #tpu.memory_space<hbm>> -> memref<80x512xf32, #tpu.memory_space<hbm>>
      %dma_start3A_301 = arith.constant 0 : i32
      %dma_start3A_302 = tpu.memref_slice %arg3[%dma_start3A_301, %add3A_273] : memref<80x200000xf32, #tpu.memory_space<hbm>> -> memref<80x512xf32, #tpu.memory_space<hbm>>
      tpu.enqueue_dma source(%dma_start3A_302 : memref<80x512xf32, #tpu.memory_space<hbm>>) target(%arg7 : memref<80x512xf32, #tpu.memory_space<vmem>>) target_semaphore(%run_scoped3A : memref<!tpu.dma_semaphore, #tpu.memory_space<semaphore_mem>>)
      %dma_wait3A = arith.constant 0 : i32
      %dma_wait3A_303 = tpu.memref_slice %arg3[%dma_wait3A, %add3A_273] : memref<80x200000xf32, #tpu.memory_space<hbm>> -> memref<80x512xf32, #tpu.memory_space<hbm>>
      %dma_wait3A_304 = arith.constant 0 : i32
      %dma_wait3A_305 = tpu.memref_slice %arg3[%dma_wait3A_304, %add3A_273] : memref<80x200000xf32, #tpu.memory_space<hbm>> -> memref<80x512xf32, #tpu.memory_space<hbm>>
      tpu.wait_dma2 semaphore(%run_scoped3A : memref<!tpu.dma_semaphore, #tpu.memory_space<semaphore_mem>>) src(%dma_wait3A_305 : memref<80x512xf32, #tpu.memory_space<hbm>>) dst(%arg7 : memref<80x512xf32, #tpu.memory_space<vmem>>)
      tpu.yield
    }) : () -> ()
    %scan3A = arith.constant 0 : i32
    %scan3A_274 = arith.constant 0.693147182 : f32
    %scan3A_275 = arith.constant 0 : i32
    %scan3A_276 = arith.constant 32 : i32
    %scan3A_277 = arith.addi %scan3A_275, %scan3A_276 : i32
    %scan3A_278 = arith.constant 1 : i32
    scf.for %scan3A_300 = %scan3A_275 to %scan3A_277 step %scan3A_278  : i32 {
      %jit3A = arith.constant 32 : i32
      %eq3A = arith.constant 0 : i32
      %eq3A_301 = arith.cmpi eq, %jit3A, %eq3A : i32
      %jit3A_302 = arith.constant 1 : i32
      %select_n3A = arith.select %eq3A_301, %jit3A_302, %jit3A : i32
      %rem3A = arith.remsi %scan3A_300, %select_n3A : i32
      %ne3A = arith.constant 0 : i32
      %ne3A_303 = arith.cmpi ne, %rem3A, %ne3A : i32
      %lt3A = arith.constant 0 : i32
      %lt3A_304 = arith.cmpi slt, %rem3A, %lt3A : i32
      %lt3A_305 = arith.constant 0 : i32
      %lt3A_306 = arith.cmpi slt, %select_n3A, %lt3A_305 : i32
      %ne3A_307 = arith.xori %lt3A_304, %lt3A_306 : i1
      %and3A_308 = arith.andi %ne3A_307, %ne3A_303 : i1
      %add3A_309 = arith.addi %rem3A, %select_n3A : i32
      %select_n3A_310 = arith.select %and3A_308, %add3A_309, %rem3A : i32
      %mul3A_311 = arith.constant 16 : i32
      %mul3A_312 = arith.muli %select_n3A_310, %mul3A_311 : i32
      %add3A_313 = vector.broadcast %mul3A_312 : i32 to vector<16xi32>
      %add3A_314 = arith.addi %add3A_313, %iota3A : vector<16xi32>
      %mul3A_315 = arith.constant 16 : i32
      %mul3A_316 = arith.muli %scan3A_300, %mul3A_315 : i32
      %add3A_317 = arith.addi %and3A_271, %mul3A_316 : i32
      %multiple_of3A_318 = tpu.assume_multiple %add3A_317, 8 : i32
      %get3A = arith.index_cast %multiple_of3A_318 : i32 to index
      %get3A_319 = tpu.vector_load %arg8[%get3A] {strides = array<i32>} : memref<2560xi32, #tpu.memory_space<vmem>>, vector<16xi32>,
      %gather3A = tpu.vector_load_idx %arg6[%get3A_319, %add3A_314] : memref<80x512xf32, #tpu.memory_space<vmem>>[vector<16xi32>, vector<16xi32>], vector<16xf32>,
      %gather3A_320 = tpu.vector_load_idx %arg7[%get3A_319, %add3A_314] : memref<80x512xf32, #tpu.memory_space<vmem>>[vector<16xi32>, vector<16xi32>], vector<16xf32>,
      %broadcast_in_dim3A_321 = arith.constant -3.000000e+38 : f32
      %broadcast_in_dim3A_322 = vector.broadcast %broadcast_in_dim3A_321 : f32 to vector<16xf32>
      %get3A_323 = arith.constant 0 : i32
      %get3A_324 = arith.index_cast %get3A_323 : i32 to index
      %get3A_325 = arith.index_cast %mul3A_312 : i32 to index
      %get3A_326 = tpu.vector_load %arg6[%get3A_324, %get3A_325] {strides = array<i32>} : memref<80x512xf32, #tpu.memory_space<vmem>>, vector<16xf32>,
      %max3A = arith.maximumf %broadcast_in_dim3A_322, %get3A_326 : vector<16xf32>
      %get3A_327 = arith.constant 1 : i32
      %get3A_328 = arith.index_cast %get3A_327 : i32 to index
      %get3A_329 = arith.index_cast %mul3A_312 : i32 to index
      %get3A_330 = tpu.vector_load %arg6[%get3A_328, %get3A_329] {strides = array<i32>} : memref<80x512xf32, #tpu.memory_space<vmem>>, vector<16xf32>,
      %max3A_331 = arith.maximumf %max3A, %get3A_330 : vector<16xf32>
      %get3A_332 = arith.constant 2 : i32
      %get3A_333 = arith.index_cast %get3A_332 : i32 to index
      %get3A_334 = arith.index_cast %mul3A_312 : i32 to index
      %get3A_335 = tpu.vector_load %arg6[%get3A_333, %get3A_334] {strides = array<i32>} : memref<80x512xf32, #tpu.memory_space<vmem>>, vector<16xf32>,
      %max3A_336 = arith.maximumf %max3A_331, %get3A_335 : vector<16xf32>
      %get3A_337 = arith.constant 3 : i32
      %get3A_338 = arith.index_cast %get3A_337 : i32 to index
      %get3A_339 = arith.index_cast %mul3A_312 : i32 to index
      %get3A_340 = tpu.vector_load %arg6[%get3A_338, %get3A_339] {strides = array<i32>} : memref<80x512xf32, #tpu.memory_space<vmem>>, vector<16xf32>,
      %max3A_341 = arith.maximumf %max3A_336, %get3A_340 : vector<16xf32>
      %get3A_342 = arith.constant 4 : i32
      %get3A_343 = arith.index_cast %get3A_342 : i32 to index
      %get3A_344 = arith.index_cast %mul3A_312 : i32 to index
      %get3A_345 = tpu.vector_load %arg6[%get3A_343, %get3A_344] {strides = array<i32>} : memref<80x512xf32, #tpu.memory_space<vmem>>, vector<16xf32>,
      %max3A_346 = arith.maximumf %max3A_341, %get3A_345 : vector<16xf32>
      %get3A_347 = arith.constant 5 : i32
      %get3A_348 = arith.index_cast %get3A_347 : i32 to index
      %get3A_349 = arith.index_cast %mul3A_312 : i32 to index
      %get3A_350 = tpu.vector_load %arg6[%get3A_348, %get3A_349] {strides = array<i32>} : memref<80x512xf32, #tpu.memory_space<vmem>>, vector<16xf32>,
      %max3A_351 = arith.maximumf %max3A_346, %get3A_350 : vector<16xf32>
      %get3A_352 = arith.constant 6 : i32
      %get3A_353 = arith.index_cast %get3A_352 : i32 to index
      %get3A_354 = arith.index_cast %mul3A_312 : i32 to index
      %get3A_355 = tpu.vector_load %arg6[%get3A_353, %get3A_354] {strides = array<i32>} : memref<80x512xf32, #tpu.memory_space<vmem>>, vector<16xf32>,
      %max3A_356 = arith.maximumf %max3A_351, %get3A_355 : vector<16xf32>
      %get3A_357 = arith.constant 7 : i32
      %get3A_358 = arith.index_cast %get3A_357 : i32 to index
      %get3A_359 = arith.index_cast %mul3A_312 : i32 to index
      %get3A_360 = tpu.vector_load %arg6[%get3A_358, %get3A_359] {strides = array<i32>} : memref<80x512xf32, #tpu.memory_space<vmem>>, vector<16xf32>,
      %max3A_361 = arith.maximumf %max3A_356, %get3A_360 : vector<16xf32>
      %get3A_362 = arith.constant 8 : i32
      %get3A_363 = arith.index_cast %get3A_362 : i32 to index
      %get3A_364 = arith.index_cast %mul3A_312 : i32 to index
      %get3A_365 = tpu.vector_load %arg6[%get3A_363, %get3A_364] {strides = array<i32>} : memref<80x512xf32, #tpu.memory_space<vmem>>, vector<16xf32>,
      %max3A_366 = arith.maximumf %max3A_361, %get3A_365 : vector<16xf32>
      %get3A_367 = arith.constant 9 : i32
      %get3A_368 = arith.index_cast %get3A_367 : i32 to index
      %get3A_369 = arith.index_cast %mul3A_312 : i32 to index
      %get3A_370 = tpu.vector_load %arg6[%get3A_368, %get3A_369] {strides = array<i32>} : memref<80x512xf32, #tpu.memory_space<vmem>>, vector<16xf32>,
      %max3A_371 = arith.maximumf %max3A_366, %get3A_370 : vector<16xf32>
      %get3A_372 = arith.constant 10 : i32
      %get3A_373 = arith.index_cast %get3A_372 : i32 to index
      %get3A_374 = arith.index_cast %mul3A_312 : i32 to index
      %get3A_375 = tpu.vector_load %arg6[%get3A_373, %get3A_374] {strides = array<i32>} : memref<80x512xf32, #tpu.memory_space<vmem>>, vector<16xf32>,
      %max3A_376 = arith.maximumf %max3A_371, %get3A_375 : vector<16xf32>
      %get3A_377 = arith.constant 11 : i32
      %get3A_378 = arith.index_cast %get3A_377 : i32 to index
      %get3A_379 = arith.index_cast %mul3A_312 : i32 to index
      %get3A_380 = tpu.vector_load %arg6[%get3A_378, %get3A_379] {strides = array<i32>} : memref<80x512xf32, #tpu.memory_space<vmem>>, vector<16xf32>,
      %max3A_381 = arith.maximumf %max3A_376, %get3A_380 : vector<16xf32>
      %get3A_382 = arith.constant 12 : i32
      %get3A_383 = arith.index_cast %get3A_382 : i32 to index
      %get3A_384 = arith.index_cast %mul3A_312 : i32 to index
      %get3A_385 = tpu.vector_load %arg6[%get3A_383, %get3A_384] {strides = array<i32>} : memref<80x512xf32, #tpu.memory_space<vmem>>, vector<16xf32>,
      %max3A_386 = arith.maximumf %max3A_381, %get3A_385 : vector<16xf32>
      %get3A_387 = arith.constant 13 : i32
      %get3A_388 = arith.index_cast %get3A_387 : i32 to index
      %get3A_389 = arith.index_cast %mul3A_312 : i32 to index
      %get3A_390 = tpu.vector_load %arg6[%get3A_388, %get3A_389] {strides = array<i32>} : memref<80x512xf32, #tpu.memory_space<vmem>>, vector<16xf32>,
      %max3A_391 = arith.maximumf %max3A_386, %get3A_390 : vector<16xf32>
      %get3A_392 = arith.constant 14 : i32
      %get3A_393 = arith.index_cast %get3A_392 : i32 to index
      %get3A_394 = arith.index_cast %mul3A_312 : i32 to index
      %get3A_395 = tpu.vector_load %arg6[%get3A_393, %get3A_394] {strides = array<i32>} : memref<80x512xf32, #tpu.memory_space<vmem>>, vector<16xf32>,
      %max3A_396 = arith.maximumf %max3A_391, %get3A_395 : vector<16xf32>
      %get3A_397 = arith.constant 15 : i32
      %get3A_398 = arith.index_cast %get3A_397 : i32 to index
      %get3A_399 = arith.index_cast %mul3A_312 : i32 to index
      %get3A_400 = tpu.vector_load %arg6[%get3A_398, %get3A_399] {strides = array<i32>} : memref<80x512xf32, #tpu.memory_space<vmem>>, vector<16xf32>,
      %max3A_401 = arith.maximumf %max3A_396, %get3A_400 : vector<16xf32>
      %get3A_402 = arith.constant 16 : i32
      %get3A_403 = arith.index_cast %get3A_402 : i32 to index
      %get3A_404 = arith.index_cast %mul3A_312 : i32 to index
      %get3A_405 = tpu.vector_load %arg6[%get3A_403, %get3A_404] {strides = array<i32>} : memref<80x512xf32, #tpu.memory_space<vmem>>, vector<16xf32>,
      %max3A_406 = arith.maximumf %max3A_401, %get3A_405 : vector<16xf32>
      %get3A_407 = arith.constant 17 : i32
      %get3A_408 = arith.index_cast %get3A_407 : i32 to index
      %get3A_409 = arith.index_cast %mul3A_312 : i32 to index
      %get3A_410 = tpu.vector_load %arg6[%get3A_408, %get3A_409] {strides = array<i32>} : memref<80x512xf32, #tpu.memory_space<vmem>>, vector<16xf32>,
      %max3A_411 = arith.maximumf %max3A_406, %get3A_410 : vector<16xf32>
      %get3A_412 = arith.constant 18 : i32
      %get3A_413 = arith.index_cast %get3A_412 : i32 to index
      %get3A_414 = arith.index_cast %mul3A_312 : i32 to index
      %get3A_415 = tpu.vector_load %arg6[%get3A_413, %get3A_414] {strides = array<i32>} : memref<80x512xf32, #tpu.memory_space<vmem>>, vector<16xf32>,
      %max3A_416 = arith.maximumf %max3A_411, %get3A_415 : vector<16xf32>
      %get3A_417 = arith.constant 19 : i32
      %get3A_418 = arith.index_cast %get3A_417 : i32 to index
      %get3A_419 = arith.index_cast %mul3A_312 : i32 to index
      %get3A_420 = tpu.vector_load %arg6[%get3A_418, %get3A_419] {strides = array<i32>} : memref<80x512xf32, #tpu.memory_space<vmem>>, vector<16xf32>,
      %max3A_421 = arith.maximumf %max3A_416, %get3A_420 : vector<16xf32>
      %get3A_422 = arith.constant 20 : i32
      %get3A_423 = arith.index_cast %get3A_422 : i32 to index
      %get3A_424 = arith.index_cast %mul3A_312 : i32 to index
      %get3A_425 = tpu.vector_load %arg6[%get3A_423, %get3A_424] {strides = array<i32>} : memref<80x512xf32, #tpu.memory_space<vmem>>, vector<16xf32>,
      %max3A_426 = arith.maximumf %max3A_421, %get3A_425 : vector<16xf32>
      %get3A_427 = arith.constant 21 : i32
      %get3A_428 = arith.index_cast %get3A_427 : i32 to index
      %get3A_429 = arith.index_cast %mul3A_312 : i32 to index
      %get3A_430 = tpu.vector_load %arg6[%get3A_428, %get3A_429] {strides = array<i32>} : memref<80x512xf32, #tpu.memory_space<vmem>>, vector<16xf32>,
      %max3A_431 = arith.maximumf %max3A_426, %get3A_430 : vector<16xf32>
      %get3A_432 = arith.constant 22 : i32
      %get3A_433 = arith.index_cast %get3A_432 : i32 to index
      %get3A_434 = arith.index_cast %mul3A_312 : i32 to index
      %get3A_435 = tpu.vector_load %arg6[%get3A_433, %get3A_434] {strides = array<i32>} : memref<80x512xf32, #tpu.memory_space<vmem>>, vector<16xf32>,
      %max3A_436 = arith.maximumf %max3A_431, %get3A_435 : vector<16xf32>
      %get3A_437 = arith.constant 23 : i32
      %get3A_438 = arith.index_cast %get3A_437 : i32 to index
      %get3A_439 = arith.index_cast %mul3A_312 : i32 to index
      %get3A_440 = tpu.vector_load %arg6[%get3A_438, %get3A_439] {strides = array<i32>} : memref<80x512xf32, #tpu.memory_space<vmem>>, vector<16xf32>,
      %max3A_441 = arith.maximumf %max3A_436, %get3A_440 : vector<16xf32>
      %get3A_442 = arith.constant 24 : i32
      %get3A_443 = arith.index_cast %get3A_442 : i32 to index
      %get3A_444 = arith.index_cast %mul3A_312 : i32 to index
      %get3A_445 = tpu.vector_load %arg6[%get3A_443, %get3A_444] {strides = array<i32>} : memref<80x512xf32, #tpu.memory_space<vmem>>, vector<16xf32>,
      %max3A_446 = arith.maximumf %max3A_441, %get3A_445 : vector<16xf32>
      %get3A_447 = arith.constant 25 : i32
      %get3A_448 = arith.index_cast %get3A_447 : i32 to index
      %get3A_449 = arith.index_cast %mul3A_312 : i32 to index
      %get3A_450 = tpu.vector_load %arg6[%get3A_448, %get3A_449] {strides = array<i32>} : memref<80x512xf32, #tpu.memory_space<vmem>>, vector<16xf32>,
      %max3A_451 = arith.maximumf %max3A_446, %get3A_450 : vector<16xf32>
      %get3A_452 = arith.constant 26 : i32
      %get3A_453 = arith.index_cast %get3A_452 : i32 to index
      %get3A_454 = arith.index_cast %mul3A_312 : i32 to index
      %get3A_455 = tpu.vector_load %arg6[%get3A_453, %get3A_454] {strides = array<i32>} : memref<80x512xf32, #tpu.memory_space<vmem>>, vector<16xf32>,
      %max3A_456 = arith.maximumf %max3A_451, %get3A_455 : vector<16xf32>
      %get3A_457 = arith.constant 27 : i32
      %get3A_458 = arith.index_cast %get3A_457 : i32 to index
      %get3A_459 = arith.index_cast %mul3A_312 : i32 to index
      %get3A_460 = tpu.vector_load %arg6[%get3A_458, %get3A_459] {strides = array<i32>} : memref<80x512xf32, #tpu.memory_space<vmem>>, vector<16xf32>,
      %max3A_461 = arith.maximumf %max3A_456, %get3A_460 : vector<16xf32>
      %get3A_462 = arith.constant 28 : i32
      %get3A_463 = arith.index_cast %get3A_462 : i32 to index
      %get3A_464 = arith.index_cast %mul3A_312 : i32 to index
      %get3A_465 = tpu.vector_load %arg6[%get3A_463, %get3A_464] {strides = array<i32>} : memref<80x512xf32, #tpu.memory_space<vmem>>, vector<16xf32>,
      %max3A_466 = arith.maximumf %max3A_461, %get3A_465 : vector<16xf32>
      %get3A_467 = arith.constant 29 : i32
      %get3A_468 = arith.index_cast %get3A_467 : i32 to index
      %get3A_469 = arith.index_cast %mul3A_312 : i32 to index
      %get3A_470 = tpu.vector_load %arg6[%get3A_468, %get3A_469] {strides = array<i32>} : memref<80x512xf32, #tpu.memory_space<vmem>>, vector<16xf32>,
      %max3A_471 = arith.maximumf %max3A_466, %get3A_470 : vector<16xf32>
      %get3A_472 = arith.constant 30 : i32
      %get3A_473 = arith.index_cast %get3A_472 : i32 to index
      %get3A_474 = arith.index_cast %mul3A_312 : i32 to index
      %get3A_475 = tpu.vector_load %arg6[%get3A_473, %get3A_474] {strides = array<i32>} : memref<80x512xf32, #tpu.memory_space<vmem>>, vector<16xf32>,
      %max3A_476 = arith.maximumf %max3A_471, %get3A_475 : vector<16xf32>
      %get3A_477 = arith.constant 31 : i32
      %get3A_478 = arith.index_cast %get3A_477 : i32 to index
      %get3A_479 = arith.index_cast %mul3A_312 : i32 to index
      %get3A_480 = tpu.vector_load %arg6[%get3A_478, %get3A_479] {strides = array<i32>} : memref<80x512xf32, #tpu.memory_space<vmem>>, vector<16xf32>,
      %max3A_481 = arith.maximumf %max3A_476, %get3A_480 : vector<16xf32>
      %get3A_482 = arith.constant 32 : i32
      %get3A_483 = arith.index_cast %get3A_482 : i32 to index
      %get3A_484 = arith.index_cast %mul3A_312 : i32 to index
      %get3A_485 = tpu.vector_load %arg6[%get3A_483, %get3A_484] {strides = array<i32>} : memref<80x512xf32, #tpu.memory_space<vmem>>, vector<16xf32>,
      %max3A_486 = arith.maximumf %max3A_481, %get3A_485 : vector<16xf32>
      %get3A_487 = arith.constant 33 : i32
      %get3A_488 = arith.index_cast %get3A_487 : i32 to index
      %get3A_489 = arith.index_cast %mul3A_312 : i32 to index
      %get3A_490 = tpu.vector_load %arg6[%get3A_488, %get3A_489] {strides = array<i32>} : memref<80x512xf32, #tpu.memory_space<vmem>>, vector<16xf32>,
      %max3A_491 = arith.maximumf %max3A_486, %get3A_490 : vector<16xf32>
      %get3A_492 = arith.constant 34 : i32
      %get3A_493 = arith.index_cast %get3A_492 : i32 to index
      %get3A_494 = arith.index_cast %mul3A_312 : i32 to index
      %get3A_495 = tpu.vector_load %arg6[%get3A_493, %get3A_494] {strides = array<i32>} : memref<80x512xf32, #tpu.memory_space<vmem>>, vector<16xf32>,
      %max3A_496 = arith.maximumf %max3A_491, %get3A_495 : vector<16xf32>
      %get3A_497 = arith.constant 35 : i32
      %get3A_498 = arith.index_cast %get3A_497 : i32 to index
      %get3A_499 = arith.index_cast %mul3A_312 : i32 to index
      %get3A_500 = tpu.vector_load %arg6[%get3A_498, %get3A_499] {strides = array<i32>} : memref<80x512xf32, #tpu.memory_space<vmem>>, vector<16xf32>,
      %max3A_501 = arith.maximumf %max3A_496, %get3A_500 : vector<16xf32>
      %get3A_502 = arith.constant 36 : i32
      %get3A_503 = arith.index_cast %get3A_502 : i32 to index
      %get3A_504 = arith.index_cast %mul3A_312 : i32 to index
      %get3A_505 = tpu.vector_load %arg6[%get3A_503, %get3A_504] {strides = array<i32>} : memref<80x512xf32, #tpu.memory_space<vmem>>, vector<16xf32>,
      %max3A_506 = arith.maximumf %max3A_501, %get3A_505 : vector<16xf32>
      %get3A_507 = arith.constant 37 : i32
      %get3A_508 = arith.index_cast %get3A_507 : i32 to index
      %get3A_509 = arith.index_cast %mul3A_312 : i32 to index
      %get3A_510 = tpu.vector_load %arg6[%get3A_508, %get3A_509] {strides = array<i32>} : memref<80x512xf32, #tpu.memory_space<vmem>>, vector<16xf32>,
      %max3A_511 = arith.maximumf %max3A_506, %get3A_510 : vector<16xf32>
      %get3A_512 = arith.constant 38 : i32
      %get3A_513 = arith.index_cast %get3A_512 : i32 to index
      %get3A_514 = arith.index_cast %mul3A_312 : i32 to index
      %get3A_515 = tpu.vector_load %arg6[%get3A_513, %get3A_514] {strides = array<i32>} : memref<80x512xf32, #tpu.memory_space<vmem>>, vector<16xf32>,
      %max3A_516 = arith.maximumf %max3A_511, %get3A_515 : vector<16xf32>
      %get3A_517 = arith.constant 39 : i32
      %get3A_518 = arith.index_cast %get3A_517 : i32 to index
      %get3A_519 = arith.index_cast %mul3A_312 : i32 to index
      %get3A_520 = tpu.vector_load %arg6[%get3A_518, %get3A_519] {strides = array<i32>} : memref<80x512xf32, #tpu.memory_space<vmem>>, vector<16xf32>,
      %max3A_521 = arith.maximumf %max3A_516, %get3A_520 : vector<16xf32>
      %get3A_522 = arith.constant 40 : i32
      %get3A_523 = arith.index_cast %get3A_522 : i32 to index
      %get3A_524 = arith.index_cast %mul3A_312 : i32 to index
      %get3A_525 = tpu.vector_load %arg6[%get3A_523, %get3A_524] {strides = array<i32>} : memref<80x512xf32, #tpu.memory_space<vmem>>, vector<16xf32>,
      %max3A_526 = arith.maximumf %max3A_521, %get3A_525 : vector<16xf32>
      %get3A_527 = arith.constant 41 : i32
      %get3A_528 = arith.index_cast %get3A_527 : i32 to index
      %get3A_529 = arith.index_cast %mul3A_312 : i32 to index
      %get3A_530 = tpu.vector_load %arg6[%get3A_528, %get3A_529] {strides = array<i32>} : memref<80x512xf32, #tpu.memory_space<vmem>>, vector<16xf32>,
      %max3A_531 = arith.maximumf %max3A_526, %get3A_530 : vector<16xf32>
      %get3A_532 = arith.constant 42 : i32
      %get3A_533 = arith.index_cast %get3A_532 : i32 to index
      %get3A_534 = arith.index_cast %mul3A_312 : i32 to index
      %get3A_535 = tpu.vector_load %arg6[%get3A_533, %get3A_534] {strides = array<i32>} : memref<80x512xf32, #tpu.memory_space<vmem>>, vector<16xf32>,
      %max3A_536 = arith.maximumf %max3A_531, %get3A_535 : vector<16xf32>
      %get3A_537 = arith.constant 43 : i32
      %get3A_538 = arith.index_cast %get3A_537 : i32 to index
      %get3A_539 = arith.index_cast %mul3A_312 : i32 to index
      %get3A_540 = tpu.vector_load %arg6[%get3A_538, %get3A_539] {strides = array<i32>} : memref<80x512xf32, #tpu.memory_space<vmem>>, vector<16xf32>,
      %max3A_541 = arith.maximumf %max3A_536, %get3A_540 : vector<16xf32>
      %get3A_542 = arith.constant 44 : i32
      %get3A_543 = arith.index_cast %get3A_542 : i32 to index
      %get3A_544 = arith.index_cast %mul3A_312 : i32 to index
      %get3A_545 = tpu.vector_load %arg6[%get3A_543, %get3A_544] {strides = array<i32>} : memref<80x512xf32, #tpu.memory_space<vmem>>, vector<16xf32>,
      %max3A_546 = arith.maximumf %max3A_541, %get3A_545 : vector<16xf32>
      %get3A_547 = arith.constant 45 : i32
      %get3A_548 = arith.index_cast %get3A_547 : i32 to index
      %get3A_549 = arith.index_cast %mul3A_312 : i32 to index
      %get3A_550 = tpu.vector_load %arg6[%get3A_548, %get3A_549] {strides = array<i32>} : memref<80x512xf32, #tpu.memory_space<vmem>>, vector<16xf32>,
      %max3A_551 = arith.maximumf %max3A_546, %get3A_550 : vector<16xf32>
      %get3A_552 = arith.constant 46 : i32
      %get3A_553 = arith.index_cast %get3A_552 : i32 to index
      %get3A_554 = arith.index_cast %mul3A_312 : i32 to index
      %get3A_555 = tpu.vector_load %arg6[%get3A_553, %get3A_554] {strides = array<i32>} : memref<80x512xf32, #tpu.memory_space<vmem>>, vector<16xf32>,
      %max3A_556 = arith.maximumf %max3A_551, %get3A_555 : vector<16xf32>
      %get3A_557 = arith.constant 47 : i32
      %get3A_558 = arith.index_cast %get3A_557 : i32 to index
      %get3A_559 = arith.index_cast %mul3A_312 : i32 to index
      %get3A_560 = tpu.vector_load %arg6[%get3A_558, %get3A_559] {strides = array<i32>} : memref<80x512xf32, #tpu.memory_space<vmem>>, vector<16xf32>,
      %max3A_561 = arith.maximumf %max3A_556, %get3A_560 : vector<16xf32>
      %get3A_562 = arith.constant 48 : i32
      %get3A_563 = arith.index_cast %get3A_562 : i32 to index
      %get3A_564 = arith.index_cast %mul3A_312 : i32 to index
      %get3A_565 = tpu.vector_load %arg6[%get3A_563, %get3A_564] {strides = array<i32>} : memref<80x512xf32, #tpu.memory_space<vmem>>, vector<16xf32>,
      %max3A_566 = arith.maximumf %max3A_561, %get3A_565 : vector<16xf32>
      %get3A_567 = arith.constant 49 : i32
      %get3A_568 = arith.index_cast %get3A_567 : i32 to index
      %get3A_569 = arith.index_cast %mul3A_312 : i32 to index
      %get3A_570 = tpu.vector_load %arg6[%get3A_568, %get3A_569] {strides = array<i32>} : memref<80x512xf32, #tpu.memory_space<vmem>>, vector<16xf32>,
      %max3A_571 = arith.maximumf %max3A_566, %get3A_570 : vector<16xf32>
      %get3A_572 = arith.constant 50 : i32
      %get3A_573 = arith.index_cast %get3A_572 : i32 to index
      %get3A_574 = arith.index_cast %mul3A_312 : i32 to index
      %get3A_575 = tpu.vector_load %arg6[%get3A_573, %get3A_574] {strides = array<i32>} : memref<80x512xf32, #tpu.memory_space<vmem>>, vector<16xf32>,
      %max3A_576 = arith.maximumf %max3A_571, %get3A_575 : vector<16xf32>
      %get3A_577 = arith.constant 51 : i32
      %get3A_578 = arith.index_cast %get3A_577 : i32 to index
      %get3A_579 = arith.index_cast %mul3A_312 : i32 to index
      %get3A_580 = tpu.vector_load %arg6[%get3A_578, %get3A_579] {strides = array<i32>} : memref<80x512xf32, #tpu.memory_space<vmem>>, vector<16xf32>,
      %max3A_581 = arith.maximumf %max3A_576, %get3A_580 : vector<16xf32>
      %get3A_582 = arith.constant 52 : i32
      %get3A_583 = arith.index_cast %get3A_582 : i32 to index
      %get3A_584 = arith.index_cast %mul3A_312 : i32 to index
      %get3A_585 = tpu.vector_load %arg6[%get3A_583, %get3A_584] {strides = array<i32>} : memref<80x512xf32, #tpu.memory_space<vmem>>, vector<16xf32>,
      %max3A_586 = arith.maximumf %max3A_581, %get3A_585 : vector<16xf32>
      %get3A_587 = arith.constant 53 : i32
      %get3A_588 = arith.index_cast %get3A_587 : i32 to index
      %get3A_589 = arith.index_cast %mul3A_312 : i32 to index
      %get3A_590 = tpu.vector_load %arg6[%get3A_588, %get3A_589] {strides = array<i32>} : memref<80x512xf32, #tpu.memory_space<vmem>>, vector<16xf32>,
      %max3A_591 = arith.maximumf %max3A_586, %get3A_590 : vector<16xf32>
      %get3A_592 = arith.constant 54 : i32
      %get3A_593 = arith.index_cast %get3A_592 : i32 to index
      %get3A_594 = arith.index_cast %mul3A_312 : i32 to index
      %get3A_595 = tpu.vector_load %arg6[%get3A_593, %get3A_594] {strides = array<i32>} : memref<80x512xf32, #tpu.memory_space<vmem>>, vector<16xf32>,
      %max3A_596 = arith.maximumf %max3A_591, %get3A_595 : vector<16xf32>
      %get3A_597 = arith.constant 55 : i32
      %get3A_598 = arith.index_cast %get3A_597 : i32 to index
      %get3A_599 = arith.index_cast %mul3A_312 : i32 to index
      %get3A_600 = tpu.vector_load %arg6[%get3A_598, %get3A_599] {strides = array<i32>} : memref<80x512xf32, #tpu.memory_space<vmem>>, vector<16xf32>,
      %max3A_601 = arith.maximumf %max3A_596, %get3A_600 : vector<16xf32>
      %get3A_602 = arith.constant 56 : i32
      %get3A_603 = arith.index_cast %get3A_602 : i32 to index
      %get3A_604 = arith.index_cast %mul3A_312 : i32 to index
      %get3A_605 = tpu.vector_load %arg6[%get3A_603, %get3A_604] {strides = array<i32>} : memref<80x512xf32, #tpu.memory_space<vmem>>, vector<16xf32>,
      %max3A_606 = arith.maximumf %max3A_601, %get3A_605 : vector<16xf32>
      %get3A_607 = arith.constant 57 : i32
      %get3A_608 = arith.index_cast %get3A_607 : i32 to index
      %get3A_609 = arith.index_cast %mul3A_312 : i32 to index
      %get3A_610 = tpu.vector_load %arg6[%get3A_608, %get3A_609] {strides = array<i32>} : memref<80x512xf32, #tpu.memory_space<vmem>>, vector<16xf32>,
      %max3A_611 = arith.maximumf %max3A_606, %get3A_610 : vector<16xf32>
      %get3A_612 = arith.constant 58 : i32
      %get3A_613 = arith.index_cast %get3A_612 : i32 to index
      %get3A_614 = arith.index_cast %mul3A_312 : i32 to index
      %get3A_615 = tpu.vector_load %arg6[%get3A_613, %get3A_614] {strides = array<i32>} : memref<80x512xf32, #tpu.memory_space<vmem>>, vector<16xf32>,
      %max3A_616 = arith.maximumf %max3A_611, %get3A_615 : vector<16xf32>
      %get3A_617 = arith.constant 59 : i32
      %get3A_618 = arith.index_cast %get3A_617 : i32 to index
      %get3A_619 = arith.index_cast %mul3A_312 : i32 to index
      %get3A_620 = tpu.vector_load %arg6[%get3A_618, %get3A_619] {strides = array<i32>} : memref<80x512xf32, #tpu.memory_space<vmem>>, vector<16xf32>,
      %max3A_621 = arith.maximumf %max3A_616, %get3A_620 : vector<16xf32>
      %get3A_622 = arith.constant 60 : i32
      %get3A_623 = arith.index_cast %get3A_622 : i32 to index
      %get3A_624 = arith.index_cast %mul3A_312 : i32 to index
      %get3A_625 = tpu.vector_load %arg6[%get3A_623, %get3A_624] {strides = array<i32>} : memref<80x512xf32, #tpu.memory_space<vmem>>, vector<16xf32>,
      %max3A_626 = arith.maximumf %max3A_621, %get3A_625 : vector<16xf32>
      %get3A_627 = arith.constant 61 : i32
      %get3A_628 = arith.index_cast %get3A_627 : i32 to index
      %get3A_629 = arith.index_cast %mul3A_312 : i32 to index
      %get3A_630 = tpu.vector_load %arg6[%get3A_628, %get3A_629] {strides = array<i32>} : memref<80x512xf32, #tpu.memory_space<vmem>>, vector<16xf32>,
      %max3A_631 = arith.maximumf %max3A_626, %get3A_630 : vector<16xf32>
      %get3A_632 = arith.constant 62 : i32
      %get3A_633 = arith.index_cast %get3A_632 : i32 to index
      %get3A_634 = arith.index_cast %mul3A_312 : i32 to index
      %get3A_635 = tpu.vector_load %arg6[%get3A_633, %get3A_634] {strides = array<i32>} : memref<80x512xf32, #tpu.memory_space<vmem>>, vector<16xf32>,
      %max3A_636 = arith.maximumf %max3A_631, %get3A_635 : vector<16xf32>
      %get3A_637 = arith.constant 63 : i32
      %get3A_638 = arith.index_cast %get3A_637 : i32 to index
      %get3A_639 = arith.index_cast %mul3A_312 : i32 to index
      %get3A_640 = tpu.vector_load %arg6[%get3A_638, %get3A_639] {strides = array<i32>} : memref<80x512xf32, #tpu.memory_space<vmem>>, vector<16xf32>,
      %max3A_641 = arith.maximumf %max3A_636, %get3A_640 : vector<16xf32>
      %get3A_642 = arith.constant 64 : i32
      %get3A_643 = arith.index_cast %get3A_642 : i32 to index
      %get3A_644 = arith.index_cast %mul3A_312 : i32 to index
      %get3A_645 = tpu.vector_load %arg6[%get3A_643, %get3A_644] {strides = array<i32>} : memref<80x512xf32, #tpu.memory_space<vmem>>, vector<16xf32>,
      %max3A_646 = arith.maximumf %max3A_641, %get3A_645 : vector<16xf32>
      %get3A_647 = arith.constant 65 : i32
      %get3A_648 = arith.index_cast %get3A_647 : i32 to index
      %get3A_649 = arith.index_cast %mul3A_312 : i32 to index
      %get3A_650 = tpu.vector_load %arg6[%get3A_648, %get3A_649] {strides = array<i32>} : memref<80x512xf32, #tpu.memory_space<vmem>>, vector<16xf32>,
      %max3A_651 = arith.maximumf %max3A_646, %get3A_650 : vector<16xf32>
      %get3A_652 = arith.constant 66 : i32
      %get3A_653 = arith.index_cast %get3A_652 : i32 to index
      %get3A_654 = arith.index_cast %mul3A_312 : i32 to index
      %get3A_655 = tpu.vector_load %arg6[%get3A_653, %get3A_654] {strides = array<i32>} : memref<80x512xf32, #tpu.memory_space<vmem>>, vector<16xf32>,
      %max3A_656 = arith.maximumf %max3A_651, %get3A_655 : vector<16xf32>
      %get3A_657 = arith.constant 67 : i32
      %get3A_658 = arith.index_cast %get3A_657 : i32 to index
      %get3A_659 = arith.index_cast %mul3A_312 : i32 to index
      %get3A_660 = tpu.vector_load %arg6[%get3A_658, %get3A_659] {strides = array<i32>} : memref<80x512xf32, #tpu.memory_space<vmem>>, vector<16xf32>,
      %max3A_661 = arith.maximumf %max3A_656, %get3A_660 : vector<16xf32>
      %get3A_662 = arith.constant 68 : i32
      %get3A_663 = arith.index_cast %get3A_662 : i32 to index
      %get3A_664 = arith.index_cast %mul3A_312 : i32 to index
      %get3A_665 = tpu.vector_load %arg6[%get3A_663, %get3A_664] {strides = array<i32>} : memref<80x512xf32, #tpu.memory_space<vmem>>, vector<16xf32>,
      %max3A_666 = arith.maximumf %max3A_661, %get3A_665 : vector<16xf32>
      %get3A_667 = arith.constant 69 : i32
      %get3A_668 = arith.index_cast %get3A_667 : i32 to index
      %get3A_669 = arith.index_cast %mul3A_312 : i32 to index
      %get3A_670 = tpu.vector_load %arg6[%get3A_668, %get3A_669] {strides = array<i32>} : memref<80x512xf32, #tpu.memory_space<vmem>>, vector<16xf32>,
      %max3A_671 = arith.maximumf %max3A_666, %get3A_670 : vector<16xf32>
      %get3A_672 = arith.constant 70 : i32
      %get3A_673 = arith.index_cast %get3A_672 : i32 to index
      %get3A_674 = arith.index_cast %mul3A_312 : i32 to index
      %get3A_675 = tpu.vector_load %arg6[%get3A_673, %get3A_674] {strides = array<i32>} : memref<80x512xf32, #tpu.memory_space<vmem>>, vector<16xf32>,
      %max3A_676 = arith.maximumf %max3A_671, %get3A_675 : vector<16xf32>
      %get3A_677 = arith.constant 71 : i32
      %get3A_678 = arith.index_cast %get3A_677 : i32 to index
      %get3A_679 = arith.index_cast %mul3A_312 : i32 to index
      %get3A_680 = tpu.vector_load %arg6[%get3A_678, %get3A_679] {strides = array<i32>} : memref<80x512xf32, #tpu.memory_space<vmem>>, vector<16xf32>,
      %max3A_681 = arith.maximumf %max3A_676, %get3A_680 : vector<16xf32>
      %get3A_682 = arith.constant 72 : i32
      %get3A_683 = arith.index_cast %get3A_682 : i32 to index
      %get3A_684 = arith.index_cast %mul3A_312 : i32 to index
      %get3A_685 = tpu.vector_load %arg6[%get3A_683, %get3A_684] {strides = array<i32>} : memref<80x512xf32, #tpu.memory_space<vmem>>, vector<16xf32>,
      %max3A_686 = arith.maximumf %max3A_681, %get3A_685 : vector<16xf32>
      %get3A_687 = arith.constant 73 : i32
      %get3A_688 = arith.index_cast %get3A_687 : i32 to index
      %get3A_689 = arith.index_cast %mul3A_312 : i32 to index
      %get3A_690 = tpu.vector_load %arg6[%get3A_688, %get3A_689] {strides = array<i32>} : memref<80x512xf32, #tpu.memory_space<vmem>>, vector<16xf32>,
      %max3A_691 = arith.maximumf %max3A_686, %get3A_690 : vector<16xf32>
      %get3A_692 = arith.constant 74 : i32
      %get3A_693 = arith.index_cast %get3A_692 : i32 to index
      %get3A_694 = arith.index_cast %mul3A_312 : i32 to index
      %get3A_695 = tpu.vector_load %arg6[%get3A_693, %get3A_694] {strides = array<i32>} : memref<80x512xf32, #tpu.memory_space<vmem>>, vector<16xf32>,
      %max3A_696 = arith.maximumf %max3A_691, %get3A_695 : vector<16xf32>
      %get3A_697 = arith.constant 75 : i32
      %get3A_698 = arith.index_cast %get3A_697 : i32 to index
      %get3A_699 = arith.index_cast %mul3A_312 : i32 to index
      %get3A_700 = tpu.vector_load %arg6[%get3A_698, %get3A_699] {strides = array<i32>} : memref<80x512xf32, #tpu.memory_space<vmem>>, vector<16xf32>,
      %max3A_701 = arith.maximumf %max3A_696, %get3A_700 : vector<16xf32>
      %get3A_702 = arith.constant 76 : i32
      %get3A_703 = arith.index_cast %get3A_702 : i32 to index
      %get3A_704 = arith.index_cast %mul3A_312 : i32 to index
      %get3A_705 = tpu.vector_load %arg6[%get3A_703, %get3A_704] {strides = array<i32>} : memref<80x512xf32, #tpu.memory_space<vmem>>, vector<16xf32>,
      %max3A_706 = arith.maximumf %max3A_701, %get3A_705 : vector<16xf32>
      %get3A_707 = arith.constant 77 : i32
      %get3A_708 = arith.index_cast %get3A_707 : i32 to index
      %get3A_709 = arith.index_cast %mul3A_312 : i32 to index
      %get3A_710 = tpu.vector_load %arg6[%get3A_708, %get3A_709] {strides = array<i32>} : memref<80x512xf32, #tpu.memory_space<vmem>>, vector<16xf32>,
      %max3A_711 = arith.maximumf %max3A_706, %get3A_710 : vector<16xf32>
      %get3A_712 = arith.constant 78 : i32
      %get3A_713 = arith.index_cast %get3A_712 : i32 to index
      %get3A_714 = arith.index_cast %mul3A_312 : i32 to index
      %get3A_715 = tpu.vector_load %arg6[%get3A_713, %get3A_714] {strides = array<i32>} : memref<80x512xf32, #tpu.memory_space<vmem>>, vector<16xf32>,
      %max3A_716 = arith.maximumf %max3A_711, %get3A_715 : vector<16xf32>
      %get3A_717 = arith.constant 79 : i32
      %get3A_718 = arith.index_cast %get3A_717 : i32 to index
      %get3A_719 = arith.index_cast %mul3A_312 : i32 to index
      %get3A_720 = tpu.vector_load %arg6[%get3A_718, %get3A_719] {strides = array<i32>} : memref<80x512xf32, #tpu.memory_space<vmem>>, vector<16xf32>,
      %max3A_721 = arith.maximumf %max3A_716, %get3A_720 : vector<16xf32>
      %broadcast_in_dim3A_722 = arith.constant 0.000000e+00 : f32
      %broadcast_in_dim3A_723 = vector.broadcast %broadcast_in_dim3A_722 : f32 to vector<16xf32>
      %get3A_724 = arith.constant 0 : i32
      %get3A_725 = arith.index_cast %get3A_724 : i32 to index
      %get3A_726 = arith.index_cast %mul3A_312 : i32 to index
      %get3A_727 = tpu.vector_load %arg6[%get3A_725, %get3A_726] {strides = array<i32>} : memref<80x512xf32, #tpu.memory_space<vmem>>, vector<16xf32>,
      %sub3A_728 = arith.subf %get3A_727, %max3A_721 : vector<16xf32>
      %exp3A = math.exp %sub3A_728 : vector<16xf32>
      %add3A_729 = arith.addf %broadcast_in_dim3A_723, %exp3A : vector<16xf32>
      %get3A_730 = arith.constant 1 : i32
      %get3A_731 = arith.index_cast %get3A_730 : i32 to index
      %get3A_732 = arith.index_cast %mul3A_312 : i32 to index
      %get3A_733 = tpu.vector_load %arg6[%get3A_731, %get3A_732] {strides = array<i32>} : memref<80x512xf32, #tpu.memory_space<vmem>>, vector<16xf32>,
      %sub3A_734 = arith.subf %get3A_733, %max3A_721 : vector<16xf32>
      %exp3A_735 = math.exp %sub3A_734 : vector<16xf32>
      %add3A_736 = arith.addf %add3A_729, %exp3A_735 : vector<16xf32>
      %get3A_737 = arith.constant 2 : i32
      %get3A_738 = arith.index_cast %get3A_737 : i32 to index
      %get3A_739 = arith.index_cast %mul3A_312 : i32 to index
      %get3A_740 = tpu.vector_load %arg6[%get3A_738, %get3A_739] {strides = array<i32>} : memref<80x512xf32, #tpu.memory_space<vmem>>, vector<16xf32>,
      %sub3A_741 = arith.subf %get3A_740, %max3A_721 : vector<16xf32>
      %exp3A_742 = math.exp %sub3A_741 : vector<16xf32>
      %add3A_743 = arith.addf %add3A_736, %exp3A_742 : vector<16xf32>
      %get3A_744 = arith.constant 3 : i32
      %get3A_745 = arith.index_cast %get3A_744 : i32 to index
      %get3A_746 = arith.index_cast %mul3A_312 : i32 to index
      %get3A_747 = tpu.vector_load %arg6[%get3A_745, %get3A_746] {strides = array<i32>} : memref<80x512xf32, #tpu.memory_space<vmem>>, vector<16xf32>,
      %sub3A_748 = arith.subf %get3A_747, %max3A_721 : vector<16xf32>
      %exp3A_749 = math.exp %sub3A_748 : vector<16xf32>
      %add3A_750 = arith.addf %add3A_743, %exp3A_749 : vector<16xf32>
      %get3A_751 = arith.constant 4 : i32
      %get3A_752 = arith.index_cast %get3A_751 : i32 to index
      %get3A_753 = arith.index_cast %mul3A_312 : i32 to index
      %get3A_754 = tpu.vector_load %arg6[%get3A_752, %get3A_753] {strides = array<i32>} : memref<80x512xf32, #tpu.memory_space<vmem>>, vector<16xf32>,
      %sub3A_755 = arith.subf %get3A_754, %max3A_721 : vector<16xf32>
      %exp3A_756 = math.exp %sub3A_755 : vector<16xf32>
      %add3A_757 = arith.addf %add3A_750, %exp3A_756 : vector<16xf32>
      %get3A_758 = arith.constant 5 : i32
      %get3A_759 = arith.index_cast %get3A_758 : i32 to index
      %get3A_760 = arith.index_cast %mul3A_312 : i32 to index
      %get3A_761 = tpu.vector_load %arg6[%get3A_759, %get3A_760] {strides = array<i32>} : memref<80x512xf32, #tpu.memory_space<vmem>>, vector<16xf32>,
      %sub3A_762 = arith.subf %get3A_761, %max3A_721 : vector<16xf32>
      %exp3A_763 = math.exp %sub3A_762 : vector<16xf32>
      %add3A_764 = arith.addf %add3A_757, %exp3A_763 : vector<16xf32>
      %get3A_765 = arith.constant 6 : i32
      %get3A_766 = arith.index_cast %get3A_765 : i32 to index
      %get3A_767 = arith.index_cast %mul3A_312 : i32 to index
      %get3A_768 = tpu.vector_load %arg6[%get3A_766, %get3A_767] {strides = array<i32>} : memref<80x512xf32, #tpu.memory_space<vmem>>, vector<16xf32>,
      %sub3A_769 = arith.subf %get3A_768, %max3A_721 : vector<16xf32>
      %exp3A_770 = math.exp %sub3A_769 : vector<16xf32>
      %add3A_771 = arith.addf %add3A_764, %exp3A_770 : vector<16xf32>
      %get3A_772 = arith.constant 7 : i32
      %get3A_773 = arith.index_cast %get3A_772 : i32 to index
      %get3A_774 = arith.index_cast %mul3A_312 : i32 to index
      %get3A_775 = tpu.vector_load %arg6[%get3A_773, %get3A_774] {strides = array<i32>} : memref<80x512xf32, #tpu.memory_space<vmem>>, vector<16xf32>,
      %sub3A_776 = arith.subf %get3A_775, %max3A_721 : vector<16xf32>
      %exp3A_777 = math.exp %sub3A_776 : vector<16xf32>
      %add3A_778 = arith.addf %add3A_771, %exp3A_777 : vector<16xf32>
      %get3A_779 = arith.constant 8 : i32
      %get3A_780 = arith.index_cast %get3A_779 : i32 to index
      %get3A_781 = arith.index_cast %mul3A_312 : i32 to index
      %get3A_782 = tpu.vector_load %arg6[%get3A_780, %get3A_781] {strides = array<i32>} : memref<80x512xf32, #tpu.memory_space<vmem>>, vector<16xf32>,
      %sub3A_783 = arith.subf %get3A_782, %max3A_721 : vector<16xf32>
      %exp3A_784 = math.exp %sub3A_783 : vector<16xf32>
      %add3A_785 = arith.addf %add3A_778, %exp3A_784 : vector<16xf32>
      %get3A_786 = arith.constant 9 : i32
      %get3A_787 = arith.index_cast %get3A_786 : i32 to index
      %get3A_788 = arith.index_cast %mul3A_312 : i32 to index
      %get3A_789 = tpu.vector_load %arg6[%get3A_787, %get3A_788] {strides = array<i32>} : memref<80x512xf32, #tpu.memory_space<vmem>>, vector<16xf32>,
      %sub3A_790 = arith.subf %get3A_789, %max3A_721 : vector<16xf32>
      %exp3A_791 = math.exp %sub3A_790 : vector<16xf32>
      %add3A_792 = arith.addf %add3A_785, %exp3A_791 : vector<16xf32>
      %get3A_793 = arith.constant 10 : i32
      %get3A_794 = arith.index_cast %get3A_793 : i32 to index
      %get3A_795 = arith.index_cast %mul3A_312 : i32 to index
      %get3A_796 = tpu.vector_load %arg6[%get3A_794, %get3A_795] {strides = array<i32>} : memref<80x512xf32, #tpu.memory_space<vmem>>, vector<16xf32>,
      %sub3A_797 = arith.subf %get3A_796, %max3A_721 : vector<16xf32>
      %exp3A_798 = math.exp %sub3A_797 : vector<16xf32>
      %add3A_799 = arith.addf %add3A_792, %exp3A_798 : vector<16xf32>
      %get3A_800 = arith.constant 11 : i32
      %get3A_801 = arith.index_cast %get3A_800 : i32 to index
      %get3A_802 = arith.index_cast %mul3A_312 : i32 to index
      %get3A_803 = tpu.vector_load %arg6[%get3A_801, %get3A_802] {strides = array<i32>} : memref<80x512xf32, #tpu.memory_space<vmem>>, vector<16xf32>,
      %sub3A_804 = arith.subf %get3A_803, %max3A_721 : vector<16xf32>
      %exp3A_805 = math.exp %sub3A_804 : vector<16xf32>
      %add3A_806 = arith.addf %add3A_799, %exp3A_805 : vector<16xf32>
      %get3A_807 = arith.constant 12 : i32
      %get3A_808 = arith.index_cast %get3A_807 : i32 to index
      %get3A_809 = arith.index_cast %mul3A_312 : i32 to index
      %get3A_810 = tpu.vector_load %arg6[%get3A_808, %get3A_809] {strides = array<i32>} : memref<80x512xf32, #tpu.memory_space<vmem>>, vector<16xf32>,
      %sub3A_811 = arith.subf %get3A_810, %max3A_721 : vector<16xf32>
      %exp3A_812 = math.exp %sub3A_811 : vector<16xf32>
      %add3A_813 = arith.addf %add3A_806, %exp3A_812 : vector<16xf32>
      %get3A_814 = arith.constant 13 : i32
      %get3A_815 = arith.index_cast %get3A_814 : i32 to index
      %get3A_816 = arith.index_cast %mul3A_312 : i32 to index
      %get3A_817 = tpu.vector_load %arg6[%get3A_815, %get3A_816] {strides = array<i32>} : memref<80x512xf32, #tpu.memory_space<vmem>>, vector<16xf32>,
      %sub3A_818 = arith.subf %get3A_817, %max3A_721 : vector<16xf32>
      %exp3A_819 = math.exp %sub3A_818 : vector<16xf32>
      %add3A_820 = arith.addf %add3A_813, %exp3A_819 : vector<16xf32>
      %get3A_821 = arith.constant 14 : i32
      %get3A_822 = arith.index_cast %get3A_821 : i32 to index
      %get3A_823 = arith.index_cast %mul3A_312 : i32 to index
      %get3A_824 = tpu.vector_load %arg6[%get3A_822, %get3A_823] {strides = array<i32>} : memref<80x512xf32, #tpu.memory_space<vmem>>, vector<16xf32>,
      %sub3A_825 = arith.subf %get3A_824, %max3A_721 : vector<16xf32>
      %exp3A_826 = math.exp %sub3A_825 : vector<16xf32>
      %add3A_827 = arith.addf %add3A_820, %exp3A_826 : vector<16xf32>
      %get3A_828 = arith.constant 15 : i32
      %get3A_829 = arith.index_cast %get3A_828 : i32 to index
      %get3A_830 = arith.index_cast %mul3A_312 : i32 to index
      %get3A_831 = tpu.vector_load %arg6[%get3A_829, %get3A_830] {strides = array<i32>} : memref<80x512xf32, #tpu.memory_space<vmem>>, vector<16xf32>,
      %sub3A_832 = arith.subf %get3A_831, %max3A_721 : vector<16xf32>
      %exp3A_833 = math.exp %sub3A_832 : vector<16xf32>
      %add3A_834 = arith.addf %add3A_827, %exp3A_833 : vector<16xf32>
      %get3A_835 = arith.constant 16 : i32
      %get3A_836 = arith.index_cast %get3A_835 : i32 to index
      %get3A_837 = arith.index_cast %mul3A_312 : i32 to index
      %get3A_838 = tpu.vector_load %arg6[%get3A_836, %get3A_837] {strides = array<i32>} : memref<80x512xf32, #tpu.memory_space<vmem>>, vector<16xf32>,
      %sub3A_839 = arith.subf %get3A_838, %max3A_721 : vector<16xf32>
      %exp3A_840 = math.exp %sub3A_839 : vector<16xf32>
      %add3A_841 = arith.addf %add3A_834, %exp3A_840 : vector<16xf32>
      %get3A_842 = arith.constant 17 : i32
      %get3A_843 = arith.index_cast %get3A_842 : i32 to index
      %get3A_844 = arith.index_cast %mul3A_312 : i32 to index
      %get3A_845 = tpu.vector_load %arg6[%get3A_843, %get3A_844] {strides = array<i32>} : memref<80x512xf32, #tpu.memory_space<vmem>>, vector<16xf32>,
      %sub3A_846 = arith.subf %get3A_845, %max3A_721 : vector<16xf32>
      %exp3A_847 = math.exp %sub3A_846 : vector<16xf32>
      %add3A_848 = arith.addf %add3A_841, %exp3A_847 : vector<16xf32>
      %get3A_849 = arith.constant 18 : i32
      %get3A_850 = arith.index_cast %get3A_849 : i32 to index
      %get3A_851 = arith.index_cast %mul3A_312 : i32 to index
      %get3A_852 = tpu.vector_load %arg6[%get3A_850, %get3A_851] {strides = array<i32>} : memref<80x512xf32, #tpu.memory_space<vmem>>, vector<16xf32>,
      %sub3A_853 = arith.subf %get3A_852, %max3A_721 : vector<16xf32>
      %exp3A_854 = math.exp %sub3A_853 : vector<16xf32>
      %add3A_855 = arith.addf %add3A_848, %exp3A_854 : vector<16xf32>
      %get3A_856 = arith.constant 19 : i32
      %get3A_857 = arith.index_cast %get3A_856 : i32 to index
      %get3A_858 = arith.index_cast %mul3A_312 : i32 to index
      %get3A_859 = tpu.vector_load %arg6[%get3A_857, %get3A_858] {strides = array<i32>} : memref<80x512xf32, #tpu.memory_space<vmem>>, vector<16xf32>,
      %sub3A_860 = arith.subf %get3A_859, %max3A_721 : vector<16xf32>
      %exp3A_861 = math.exp %sub3A_860 : vector<16xf32>
      %add3A_862 = arith.addf %add3A_855, %exp3A_861 : vector<16xf32>
      %get3A_863 = arith.constant 20 : i32
      %get3A_864 = arith.index_cast %get3A_863 : i32 to index
      %get3A_865 = arith.index_cast %mul3A_312 : i32 to index
      %get3A_866 = tpu.vector_load %arg6[%get3A_864, %get3A_865] {strides = array<i32>} : memref<80x512xf32, #tpu.memory_space<vmem>>, vector<16xf32>,
      %sub3A_867 = arith.subf %get3A_866, %max3A_721 : vector<16xf32>
      %exp3A_868 = math.exp %sub3A_867 : vector<16xf32>
      %add3A_869 = arith.addf %add3A_862, %exp3A_868 : vector<16xf32>
      %get3A_870 = arith.constant 21 : i32
      %get3A_871 = arith.index_cast %get3A_870 : i32 to index
      %get3A_872 = arith.index_cast %mul3A_312 : i32 to index
      %get3A_873 = tpu.vector_load %arg6[%get3A_871, %get3A_872] {strides = array<i32>} : memref<80x512xf32, #tpu.memory_space<vmem>>, vector<16xf32>,
      %sub3A_874 = arith.subf %get3A_873, %max3A_721 : vector<16xf32>
      %exp3A_875 = math.exp %sub3A_874 : vector<16xf32>
      %add3A_876 = arith.addf %add3A_869, %exp3A_875 : vector<16xf32>
      %get3A_877 = arith.constant 22 : i32
      %get3A_878 = arith.index_cast %get3A_877 : i32 to index
      %get3A_879 = arith.index_cast %mul3A_312 : i32 to index
      %get3A_880 = tpu.vector_load %arg6[%get3A_878, %get3A_879] {strides = array<i32>} : memref<80x512xf32, #tpu.memory_space<vmem>>, vector<16xf32>,
      %sub3A_881 = arith.subf %get3A_880, %max3A_721 : vector<16xf32>
      %exp3A_882 = math.exp %sub3A_881 : vector<16xf32>
      %add3A_883 = arith.addf %add3A_876, %exp3A_882 : vector<16xf32>
      %get3A_884 = arith.constant 23 : i32
      %get3A_885 = arith.index_cast %get3A_884 : i32 to index
      %get3A_886 = arith.index_cast %mul3A_312 : i32 to index
      %get3A_887 = tpu.vector_load %arg6[%get3A_885, %get3A_886] {strides = array<i32>} : memref<80x512xf32, #tpu.memory_space<vmem>>, vector<16xf32>,
      %sub3A_888 = arith.subf %get3A_887, %max3A_721 : vector<16xf32>
      %exp3A_889 = math.exp %sub3A_888 : vector<16xf32>
      %add3A_890 = arith.addf %add3A_883, %exp3A_889 : vector<16xf32>
      %get3A_891 = arith.constant 24 : i32
      %get3A_892 = arith.index_cast %get3A_891 : i32 to index
      %get3A_893 = arith.index_cast %mul3A_312 : i32 to index
      %get3A_894 = tpu.vector_load %arg6[%get3A_892, %get3A_893] {strides = array<i32>} : memref<80x512xf32, #tpu.memory_space<vmem>>, vector<16xf32>,
      %sub3A_895 = arith.subf %get3A_894, %max3A_721 : vector<16xf32>
      %exp3A_896 = math.exp %sub3A_895 : vector<16xf32>
      %add3A_897 = arith.addf %add3A_890, %exp3A_896 : vector<16xf32>
      %get3A_898 = arith.constant 25 : i32
      %get3A_899 = arith.index_cast %get3A_898 : i32 to index
      %get3A_900 = arith.index_cast %mul3A_312 : i32 to index
      %get3A_901 = tpu.vector_load %arg6[%get3A_899, %get3A_900] {strides = array<i32>} : memref<80x512xf32, #tpu.memory_space<vmem>>, vector<16xf32>,
      %sub3A_902 = arith.subf %get3A_901, %max3A_721 : vector<16xf32>
      %exp3A_903 = math.exp %sub3A_902 : vector<16xf32>
      %add3A_904 = arith.addf %add3A_897, %exp3A_903 : vector<16xf32>
      %get3A_905 = arith.constant 26 : i32
      %get3A_906 = arith.index_cast %get3A_905 : i32 to index
      %get3A_907 = arith.index_cast %mul3A_312 : i32 to index
      %get3A_908 = tpu.vector_load %arg6[%get3A_906, %get3A_907] {strides = array<i32>} : memref<80x512xf32, #tpu.memory_space<vmem>>, vector<16xf32>,
      %sub3A_909 = arith.subf %get3A_908, %max3A_721 : vector<16xf32>
      %exp3A_910 = math.exp %sub3A_909 : vector<16xf32>
      %add3A_911 = arith.addf %add3A_904, %exp3A_910 : vector<16xf32>
      %get3A_912 = arith.constant 27 : i32
      %get3A_913 = arith.index_cast %get3A_912 : i32 to index
      %get3A_914 = arith.index_cast %mul3A_312 : i32 to index
      %get3A_915 = tpu.vector_load %arg6[%get3A_913, %get3A_914] {strides = array<i32>} : memref<80x512xf32, #tpu.memory_space<vmem>>, vector<16xf32>,
      %sub3A_916 = arith.subf %get3A_915, %max3A_721 : vector<16xf32>
      %exp3A_917 = math.exp %sub3A_916 : vector<16xf32>
      %add3A_918 = arith.addf %add3A_911, %exp3A_917 : vector<16xf32>
      %get3A_919 = arith.constant 28 : i32
      %get3A_920 = arith.index_cast %get3A_919 : i32 to index
      %get3A_921 = arith.index_cast %mul3A_312 : i32 to index
      %get3A_922 = tpu.vector_load %arg6[%get3A_920, %get3A_921] {strides = array<i32>} : memref<80x512xf32, #tpu.memory_space<vmem>>, vector<16xf32>,
      %sub3A_923 = arith.subf %get3A_922, %max3A_721 : vector<16xf32>
      %exp3A_924 = math.exp %sub3A_923 : vector<16xf32>
      %add3A_925 = arith.addf %add3A_918, %exp3A_924 : vector<16xf32>
      %get3A_926 = arith.constant 29 : i32
      %get3A_927 = arith.index_cast %get3A_926 : i32 to index
      %get3A_928 = arith.index_cast %mul3A_312 : i32 to index
      %get3A_929 = tpu.vector_load %arg6[%get3A_927, %get3A_928] {strides = array<i32>} : memref<80x512xf32, #tpu.memory_space<vmem>>, vector<16xf32>,
      %sub3A_930 = arith.subf %get3A_929, %max3A_721 : vector<16xf32>
      %exp3A_931 = math.exp %sub3A_930 : vector<16xf32>
      %add3A_932 = arith.addf %add3A_925, %exp3A_931 : vector<16xf32>
      %get3A_933 = arith.constant 30 : i32
      %get3A_934 = arith.index_cast %get3A_933 : i32 to index
      %get3A_935 = arith.index_cast %mul3A_312 : i32 to index
      %get3A_936 = tpu.vector_load %arg6[%get3A_934, %get3A_935] {strides = array<i32>} : memref<80x512xf32, #tpu.memory_space<vmem>>, vector<16xf32>,
      %sub3A_937 = arith.subf %get3A_936, %max3A_721 : vector<16xf32>
      %exp3A_938 = math.exp %sub3A_937 : vector<16xf32>
      %add3A_939 = arith.addf %add3A_932, %exp3A_938 : vector<16xf32>
      %get3A_940 = arith.constant 31 : i32
      %get3A_941 = arith.index_cast %get3A_940 : i32 to index
      %get3A_942 = arith.index_cast %mul3A_312 : i32 to index
      %get3A_943 = tpu.vector_load %arg6[%get3A_941, %get3A_942] {strides = array<i32>} : memref<80x512xf32, #tpu.memory_space<vmem>>, vector<16xf32>,
      %sub3A_944 = arith.subf %get3A_943, %max3A_721 : vector<16xf32>
      %exp3A_945 = math.exp %sub3A_944 : vector<16xf32>
      %add3A_946 = arith.addf %add3A_939, %exp3A_945 : vector<16xf32>
      %get3A_947 = arith.constant 32 : i32
      %get3A_948 = arith.index_cast %get3A_947 : i32 to index
      %get3A_949 = arith.index_cast %mul3A_312 : i32 to index
      %get3A_950 = tpu.vector_load %arg6[%get3A_948, %get3A_949] {strides = array<i32>} : memref<80x512xf32, #tpu.memory_space<vmem>>, vector<16xf32>,
      %sub3A_951 = arith.subf %get3A_950, %max3A_721 : vector<16xf32>
      %exp3A_952 = math.exp %sub3A_951 : vector<16xf32>
      %add3A_953 = arith.addf %add3A_946, %exp3A_952 : vector<16xf32>
      %get3A_954 = arith.constant 33 : i32
      %get3A_955 = arith.index_cast %get3A_954 : i32 to index
      %get3A_956 = arith.index_cast %mul3A_312 : i32 to index
      %get3A_957 = tpu.vector_load %arg6[%get3A_955, %get3A_956] {strides = array<i32>} : memref<80x512xf32, #tpu.memory_space<vmem>>, vector<16xf32>,
      %sub3A_958 = arith.subf %get3A_957, %max3A_721 : vector<16xf32>
      %exp3A_959 = math.exp %sub3A_958 : vector<16xf32>
      %add3A_960 = arith.addf %add3A_953, %exp3A_959 : vector<16xf32>
      %get3A_961 = arith.constant 34 : i32
      %get3A_962 = arith.index_cast %get3A_961 : i32 to index
      %get3A_963 = arith.index_cast %mul3A_312 : i32 to index
      %get3A_964 = tpu.vector_load %arg6[%get3A_962, %get3A_963] {strides = array<i32>} : memref<80x512xf32, #tpu.memory_space<vmem>>, vector<16xf32>,
      %sub3A_965 = arith.subf %get3A_964, %max3A_721 : vector<16xf32>
      %exp3A_966 = math.exp %sub3A_965 : vector<16xf32>
      %add3A_967 = arith.addf %add3A_960, %exp3A_966 : vector<16xf32>
      %get3A_968 = arith.constant 35 : i32
      %get3A_969 = arith.index_cast %get3A_968 : i32 to index
      %get3A_970 = arith.index_cast %mul3A_312 : i32 to index
      %get3A_971 = tpu.vector_load %arg6[%get3A_969, %get3A_970] {strides = array<i32>} : memref<80x512xf32, #tpu.memory_space<vmem>>, vector<16xf32>,
      %sub3A_972 = arith.subf %get3A_971, %max3A_721 : vector<16xf32>
      %exp3A_973 = math.exp %sub3A_972 : vector<16xf32>
      %add3A_974 = arith.addf %add3A_967, %exp3A_973 : vector<16xf32>
      %get3A_975 = arith.constant 36 : i32
      %get3A_976 = arith.index_cast %get3A_975 : i32 to index
      %get3A_977 = arith.index_cast %mul3A_312 : i32 to index
      %get3A_978 = tpu.vector_load %arg6[%get3A_976, %get3A_977] {strides = array<i32>} : memref<80x512xf32, #tpu.memory_space<vmem>>, vector<16xf32>,
      %sub3A_979 = arith.subf %get3A_978, %max3A_721 : vector<16xf32>
      %exp3A_980 = math.exp %sub3A_979 : vector<16xf32>
      %add3A_981 = arith.addf %add3A_974, %exp3A_980 : vector<16xf32>
      %get3A_982 = arith.constant 37 : i32
      %get3A_983 = arith.index_cast %get3A_982 : i32 to index
      %get3A_984 = arith.index_cast %mul3A_312 : i32 to index
      %get3A_985 = tpu.vector_load %arg6[%get3A_983, %get3A_984] {strides = array<i32>} : memref<80x512xf32, #tpu.memory_space<vmem>>, vector<16xf32>,
      %sub3A_986 = arith.subf %get3A_985, %max3A_721 : vector<16xf32>
      %exp3A_987 = math.exp %sub3A_986 : vector<16xf32>
      %add3A_988 = arith.addf %add3A_981, %exp3A_987 : vector<16xf32>
      %get3A_989 = arith.constant 38 : i32
      %get3A_990 = arith.index_cast %get3A_989 : i32 to index
      %get3A_991 = arith.index_cast %mul3A_312 : i32 to index
      %get3A_992 = tpu.vector_load %arg6[%get3A_990, %get3A_991] {strides = array<i32>} : memref<80x512xf32, #tpu.memory_space<vmem>>, vector<16xf32>,
      %sub3A_993 = arith.subf %get3A_992, %max3A_721 : vector<16xf32>
      %exp3A_994 = math.exp %sub3A_993 : vector<16xf32>
      %add3A_995 = arith.addf %add3A_988, %exp3A_994 : vector<16xf32>
      %get3A_996 = arith.constant 39 : i32
      %get3A_997 = arith.index_cast %get3A_996 : i32 to index
      %get3A_998 = arith.index_cast %mul3A_312 : i32 to index
      %get3A_999 = tpu.vector_load %arg6[%get3A_997, %get3A_998] {strides = array<i32>} : memref<80x512xf32, #tpu.memory_space<vmem>>, vector<16xf32>,
      %sub3A_1000 = arith.subf %get3A_999, %max3A_721 : vector<16xf32>
      %exp3A_1001 = math.exp %sub3A_1000 : vector<16xf32>
      %add3A_1002 = arith.addf %add3A_995, %exp3A_1001 : vector<16xf32>
      %get3A_1003 = arith.constant 40 : i32
      %get3A_1004 = arith.index_cast %get3A_1003 : i32 to index
      %get3A_1005 = arith.index_cast %mul3A_312 : i32 to index
      %get3A_1006 = tpu.vector_load %arg6[%get3A_1004, %get3A_1005] {strides = array<i32>} : memref<80x512xf32, #tpu.memory_space<vmem>>, vector<16xf32>,
      %sub3A_1007 = arith.subf %get3A_1006, %max3A_721 : vector<16xf32>
      %exp3A_1008 = math.exp %sub3A_1007 : vector<16xf32>
      %add3A_1009 = arith.addf %add3A_1002, %exp3A_1008 : vector<16xf32>
      %get3A_1010 = arith.constant 41 : i32
      %get3A_1011 = arith.index_cast %get3A_1010 : i32 to index
      %get3A_1012 = arith.index_cast %mul3A_312 : i32 to index
      %get3A_1013 = tpu.vector_load %arg6[%get3A_1011, %get3A_1012] {strides = array<i32>} : memref<80x512xf32, #tpu.memory_space<vmem>>, vector<16xf32>,
      %sub3A_1014 = arith.subf %get3A_1013, %max3A_721 : vector<16xf32>
      %exp3A_1015 = math.exp %sub3A_1014 : vector<16xf32>
      %add3A_1016 = arith.addf %add3A_1009, %exp3A_1015 : vector<16xf32>
      %get3A_1017 = arith.constant 42 : i32
      %get3A_1018 = arith.index_cast %get3A_1017 : i32 to index
      %get3A_1019 = arith.index_cast %mul3A_312 : i32 to index
      %get3A_1020 = tpu.vector_load %arg6[%get3A_1018, %get3A_1019] {strides = array<i32>} : memref<80x512xf32, #tpu.memory_space<vmem>>, vector<16xf32>,
      %sub3A_1021 = arith.subf %get3A_1020, %max3A_721 : vector<16xf32>
      %exp3A_1022 = math.exp %sub3A_1021 : vector<16xf32>
      %add3A_1023 = arith.addf %add3A_1016, %exp3A_1022 : vector<16xf32>
      %get3A_1024 = arith.constant 43 : i32
      %get3A_1025 = arith.index_cast %get3A_1024 : i32 to index
      %get3A_1026 = arith.index_cast %mul3A_312 : i32 to index
      %get3A_1027 = tpu.vector_load %arg6[%get3A_1025, %get3A_1026] {strides = array<i32>} : memref<80x512xf32, #tpu.memory_space<vmem>>, vector<16xf32>,
      %sub3A_1028 = arith.subf %get3A_1027, %max3A_721 : vector<16xf32>
      %exp3A_1029 = math.exp %sub3A_1028 : vector<16xf32>
      %add3A_1030 = arith.addf %add3A_1023, %exp3A_1029 : vector<16xf32>
      %get3A_1031 = arith.constant 44 : i32
      %get3A_1032 = arith.index_cast %get3A_1031 : i32 to index
      %get3A_1033 = arith.index_cast %mul3A_312 : i32 to index
      %get3A_1034 = tpu.vector_load %arg6[%get3A_1032, %get3A_1033] {strides = array<i32>} : memref<80x512xf32, #tpu.memory_space<vmem>>, vector<16xf32>,
      %sub3A_1035 = arith.subf %get3A_1034, %max3A_721 : vector<16xf32>
      %exp3A_1036 = math.exp %sub3A_1035 : vector<16xf32>
      %add3A_1037 = arith.addf %add3A_1030, %exp3A_1036 : vector<16xf32>
      %get3A_1038 = arith.constant 45 : i32
      %get3A_1039 = arith.index_cast %get3A_1038 : i32 to index
      %get3A_1040 = arith.index_cast %mul3A_312 : i32 to index
      %get3A_1041 = tpu.vector_load %arg6[%get3A_1039, %get3A_1040] {strides = array<i32>} : memref<80x512xf32, #tpu.memory_space<vmem>>, vector<16xf32>,
      %sub3A_1042 = arith.subf %get3A_1041, %max3A_721 : vector<16xf32>
      %exp3A_1043 = math.exp %sub3A_1042 : vector<16xf32>
      %add3A_1044 = arith.addf %add3A_1037, %exp3A_1043 : vector<16xf32>
      %get3A_1045 = arith.constant 46 : i32
      %get3A_1046 = arith.index_cast %get3A_1045 : i32 to index
      %get3A_1047 = arith.index_cast %mul3A_312 : i32 to index
      %get3A_1048 = tpu.vector_load %arg6[%get3A_1046, %get3A_1047] {strides = array<i32>} : memref<80x512xf32, #tpu.memory_space<vmem>>, vector<16xf32>,
      %sub3A_1049 = arith.subf %get3A_1048, %max3A_721 : vector<16xf32>
      %exp3A_1050 = math.exp %sub3A_1049 : vector<16xf32>
      %add3A_1051 = arith.addf %add3A_1044, %exp3A_1050 : vector<16xf32>
      %get3A_1052 = arith.constant 47 : i32
      %get3A_1053 = arith.index_cast %get3A_1052 : i32 to index
      %get3A_1054 = arith.index_cast %mul3A_312 : i32 to index
      %get3A_1055 = tpu.vector_load %arg6[%get3A_1053, %get3A_1054] {strides = array<i32>} : memref<80x512xf32, #tpu.memory_space<vmem>>, vector<16xf32>,
      %sub3A_1056 = arith.subf %get3A_1055, %max3A_721 : vector<16xf32>
      %exp3A_1057 = math.exp %sub3A_1056 : vector<16xf32>
      %add3A_1058 = arith.addf %add3A_1051, %exp3A_1057 : vector<16xf32>
      %get3A_1059 = arith.constant 48 : i32
      %get3A_1060 = arith.index_cast %get3A_1059 : i32 to index
      %get3A_1061 = arith.index_cast %mul3A_312 : i32 to index
      %get3A_1062 = tpu.vector_load %arg6[%get3A_1060, %get3A_1061] {strides = array<i32>} : memref<80x512xf32, #tpu.memory_space<vmem>>, vector<16xf32>,
      %sub3A_1063 = arith.subf %get3A_1062, %max3A_721 : vector<16xf32>
      %exp3A_1064 = math.exp %sub3A_1063 : vector<16xf32>
      %add3A_1065 = arith.addf %add3A_1058, %exp3A_1064 : vector<16xf32>
      %get3A_1066 = arith.constant 49 : i32
      %get3A_1067 = arith.index_cast %get3A_1066 : i32 to index
      %get3A_1068 = arith.index_cast %mul3A_312 : i32 to index
      %get3A_1069 = tpu.vector_load %arg6[%get3A_1067, %get3A_1068] {strides = array<i32>} : memref<80x512xf32, #tpu.memory_space<vmem>>, vector<16xf32>,
      %sub3A_1070 = arith.subf %get3A_1069, %max3A_721 : vector<16xf32>
      %exp3A_1071 = math.exp %sub3A_1070 : vector<16xf32>
      %add3A_1072 = arith.addf %add3A_1065, %exp3A_1071 : vector<16xf32>
      %get3A_1073 = arith.constant 50 : i32
      %get3A_1074 = arith.index_cast %get3A_1073 : i32 to index
      %get3A_1075 = arith.index_cast %mul3A_312 : i32 to index
      %get3A_1076 = tpu.vector_load %arg6[%get3A_1074, %get3A_1075] {strides = array<i32>} : memref<80x512xf32, #tpu.memory_space<vmem>>, vector<16xf32>,
      %sub3A_1077 = arith.subf %get3A_1076, %max3A_721 : vector<16xf32>
      %exp3A_1078 = math.exp %sub3A_1077 : vector<16xf32>
      %add3A_1079 = arith.addf %add3A_1072, %exp3A_1078 : vector<16xf32>
      %get3A_1080 = arith.constant 51 : i32
      %get3A_1081 = arith.index_cast %get3A_1080 : i32 to index
      %get3A_1082 = arith.index_cast %mul3A_312 : i32 to index
      %get3A_1083 = tpu.vector_load %arg6[%get3A_1081, %get3A_1082] {strides = array<i32>} : memref<80x512xf32, #tpu.memory_space<vmem>>, vector<16xf32>,
      %sub3A_1084 = arith.subf %get3A_1083, %max3A_721 : vector<16xf32>
      %exp3A_1085 = math.exp %sub3A_1084 : vector<16xf32>
      %add3A_1086 = arith.addf %add3A_1079, %exp3A_1085 : vector<16xf32>
      %get3A_1087 = arith.constant 52 : i32
      %get3A_1088 = arith.index_cast %get3A_1087 : i32 to index
      %get3A_1089 = arith.index_cast %mul3A_312 : i32 to index
      %get3A_1090 = tpu.vector_load %arg6[%get3A_1088, %get3A_1089] {strides = array<i32>} : memref<80x512xf32, #tpu.memory_space<vmem>>, vector<16xf32>,
      %sub3A_1091 = arith.subf %get3A_1090, %max3A_721 : vector<16xf32>
      %exp3A_1092 = math.exp %sub3A_1091 : vector<16xf32>
      %add3A_1093 = arith.addf %add3A_1086, %exp3A_1092 : vector<16xf32>
      %get3A_1094 = arith.constant 53 : i32
      %get3A_1095 = arith.index_cast %get3A_1094 : i32 to index
      %get3A_1096 = arith.index_cast %mul3A_312 : i32 to index
      %get3A_1097 = tpu.vector_load %arg6[%get3A_1095, %get3A_1096] {strides = array<i32>} : memref<80x512xf32, #tpu.memory_space<vmem>>, vector<16xf32>,
      %sub3A_1098 = arith.subf %get3A_1097, %max3A_721 : vector<16xf32>
      %exp3A_1099 = math.exp %sub3A_1098 : vector<16xf32>
      %add3A_1100 = arith.addf %add3A_1093, %exp3A_1099 : vector<16xf32>
      %get3A_1101 = arith.constant 54 : i32
      %get3A_1102 = arith.index_cast %get3A_1101 : i32 to index
      %get3A_1103 = arith.index_cast %mul3A_312 : i32 to index
      %get3A_1104 = tpu.vector_load %arg6[%get3A_1102, %get3A_1103] {strides = array<i32>} : memref<80x512xf32, #tpu.memory_space<vmem>>, vector<16xf32>,
      %sub3A_1105 = arith.subf %get3A_1104, %max3A_721 : vector<16xf32>
      %exp3A_1106 = math.exp %sub3A_1105 : vector<16xf32>
      %add3A_1107 = arith.addf %add3A_1100, %exp3A_1106 : vector<16xf32>
      %get3A_1108 = arith.constant 55 : i32
      %get3A_1109 = arith.index_cast %get3A_1108 : i32 to index
      %get3A_1110 = arith.index_cast %mul3A_312 : i32 to index
      %get3A_1111 = tpu.vector_load %arg6[%get3A_1109, %get3A_1110] {strides = array<i32>} : memref<80x512xf32, #tpu.memory_space<vmem>>, vector<16xf32>,
      %sub3A_1112 = arith.subf %get3A_1111, %max3A_721 : vector<16xf32>
      %exp3A_1113 = math.exp %sub3A_1112 : vector<16xf32>
      %add3A_1114 = arith.addf %add3A_1107, %exp3A_1113 : vector<16xf32>
      %get3A_1115 = arith.constant 56 : i32
      %get3A_1116 = arith.index_cast %get3A_1115 : i32 to index
      %get3A_1117 = arith.index_cast %mul3A_312 : i32 to index
      %get3A_1118 = tpu.vector_load %arg6[%get3A_1116, %get3A_1117] {strides = array<i32>} : memref<80x512xf32, #tpu.memory_space<vmem>>, vector<16xf32>,
      %sub3A_1119 = arith.subf %get3A_1118, %max3A_721 : vector<16xf32>
      %exp3A_1120 = math.exp %sub3A_1119 : vector<16xf32>
      %add3A_1121 = arith.addf %add3A_1114, %exp3A_1120 : vector<16xf32>
      %get3A_1122 = arith.constant 57 : i32
      %get3A_1123 = arith.index_cast %get3A_1122 : i32 to index
      %get3A_1124 = arith.index_cast %mul3A_312 : i32 to index
      %get3A_1125 = tpu.vector_load %arg6[%get3A_1123, %get3A_1124] {strides = array<i32>} : memref<80x512xf32, #tpu.memory_space<vmem>>, vector<16xf32>,
      %sub3A_1126 = arith.subf %get3A_1125, %max3A_721 : vector<16xf32>
      %exp3A_1127 = math.exp %sub3A_1126 : vector<16xf32>
      %add3A_1128 = arith.addf %add3A_1121, %exp3A_1127 : vector<16xf32>
      %get3A_1129 = arith.constant 58 : i32
      %get3A_1130 = arith.index_cast %get3A_1129 : i32 to index
      %get3A_1131 = arith.index_cast %mul3A_312 : i32 to index
      %get3A_1132 = tpu.vector_load %arg6[%get3A_1130, %get3A_1131] {strides = array<i32>} : memref<80x512xf32, #tpu.memory_space<vmem>>, vector<16xf32>,
      %sub3A_1133 = arith.subf %get3A_1132, %max3A_721 : vector<16xf32>
      %exp3A_1134 = math.exp %sub3A_1133 : vector<16xf32>
      %add3A_1135 = arith.addf %add3A_1128, %exp3A_1134 : vector<16xf32>
      %get3A_1136 = arith.constant 59 : i32
      %get3A_1137 = arith.index_cast %get3A_1136 : i32 to index
      %get3A_1138 = arith.index_cast %mul3A_312 : i32 to index
      %get3A_1139 = tpu.vector_load %arg6[%get3A_1137, %get3A_1138] {strides = array<i32>} : memref<80x512xf32, #tpu.memory_space<vmem>>, vector<16xf32>,
      %sub3A_1140 = arith.subf %get3A_1139, %max3A_721 : vector<16xf32>
      %exp3A_1141 = math.exp %sub3A_1140 : vector<16xf32>
      %add3A_1142 = arith.addf %add3A_1135, %exp3A_1141 : vector<16xf32>
      %get3A_1143 = arith.constant 60 : i32
      %get3A_1144 = arith.index_cast %get3A_1143 : i32 to index
      %get3A_1145 = arith.index_cast %mul3A_312 : i32 to index
      %get3A_1146 = tpu.vector_load %arg6[%get3A_1144, %get3A_1145] {strides = array<i32>} : memref<80x512xf32, #tpu.memory_space<vmem>>, vector<16xf32>,
      %sub3A_1147 = arith.subf %get3A_1146, %max3A_721 : vector<16xf32>
      %exp3A_1148 = math.exp %sub3A_1147 : vector<16xf32>
      %add3A_1149 = arith.addf %add3A_1142, %exp3A_1148 : vector<16xf32>
      %get3A_1150 = arith.constant 61 : i32
      %get3A_1151 = arith.index_cast %get3A_1150 : i32 to index
      %get3A_1152 = arith.index_cast %mul3A_312 : i32 to index
      %get3A_1153 = tpu.vector_load %arg6[%get3A_1151, %get3A_1152] {strides = array<i32>} : memref<80x512xf32, #tpu.memory_space<vmem>>, vector<16xf32>,
      %sub3A_1154 = arith.subf %get3A_1153, %max3A_721 : vector<16xf32>
      %exp3A_1155 = math.exp %sub3A_1154 : vector<16xf32>
      %add3A_1156 = arith.addf %add3A_1149, %exp3A_1155 : vector<16xf32>
      %get3A_1157 = arith.constant 62 : i32
      %get3A_1158 = arith.index_cast %get3A_1157 : i32 to index
      %get3A_1159 = arith.index_cast %mul3A_312 : i32 to index
      %get3A_1160 = tpu.vector_load %arg6[%get3A_1158, %get3A_1159] {strides = array<i32>} : memref<80x512xf32, #tpu.memory_space<vmem>>, vector<16xf32>,
      %sub3A_1161 = arith.subf %get3A_1160, %max3A_721 : vector<16xf32>
      %exp3A_1162 = math.exp %sub3A_1161 : vector<16xf32>
      %add3A_1163 = arith.addf %add3A_1156, %exp3A_1162 : vector<16xf32>
      %get3A_1164 = arith.constant 63 : i32
      %get3A_1165 = arith.index_cast %get3A_1164 : i32 to index
      %get3A_1166 = arith.index_cast %mul3A_312 : i32 to index
      %get3A_1167 = tpu.vector_load %arg6[%get3A_1165, %get3A_1166] {strides = array<i32>} : memref<80x512xf32, #tpu.memory_space<vmem>>, vector<16xf32>,
      %sub3A_1168 = arith.subf %get3A_1167, %max3A_721 : vector<16xf32>
      %exp3A_1169 = math.exp %sub3A_1168 : vector<16xf32>
      %add3A_1170 = arith.addf %add3A_1163, %exp3A_1169 : vector<16xf32>
      %get3A_1171 = arith.constant 64 : i32
      %get3A_1172 = arith.index_cast %get3A_1171 : i32 to index
      %get3A_1173 = arith.index_cast %mul3A_312 : i32 to index
      %get3A_1174 = tpu.vector_load %arg6[%get3A_1172, %get3A_1173] {strides = array<i32>} : memref<80x512xf32, #tpu.memory_space<vmem>>, vector<16xf32>,
      %sub3A_1175 = arith.subf %get3A_1174, %max3A_721 : vector<16xf32>
      %exp3A_1176 = math.exp %sub3A_1175 : vector<16xf32>
      %add3A_1177 = arith.addf %add3A_1170, %exp3A_1176 : vector<16xf32>
      %get3A_1178 = arith.constant 65 : i32
      %get3A_1179 = arith.index_cast %get3A_1178 : i32 to index
      %get3A_1180 = arith.index_cast %mul3A_312 : i32 to index
      %get3A_1181 = tpu.vector_load %arg6[%get3A_1179, %get3A_1180] {strides = array<i32>} : memref<80x512xf32, #tpu.memory_space<vmem>>, vector<16xf32>,
      %sub3A_1182 = arith.subf %get3A_1181, %max3A_721 : vector<16xf32>
      %exp3A_1183 = math.exp %sub3A_1182 : vector<16xf32>
      %add3A_1184 = arith.addf %add3A_1177, %exp3A_1183 : vector<16xf32>
      %get3A_1185 = arith.constant 66 : i32
      %get3A_1186 = arith.index_cast %get3A_1185 : i32 to index
      %get3A_1187 = arith.index_cast %mul3A_312 : i32 to index
      %get3A_1188 = tpu.vector_load %arg6[%get3A_1186, %get3A_1187] {strides = array<i32>} : memref<80x512xf32, #tpu.memory_space<vmem>>, vector<16xf32>,
      %sub3A_1189 = arith.subf %get3A_1188, %max3A_721 : vector<16xf32>
      %exp3A_1190 = math.exp %sub3A_1189 : vector<16xf32>
      %add3A_1191 = arith.addf %add3A_1184, %exp3A_1190 : vector<16xf32>
      %get3A_1192 = arith.constant 67 : i32
      %get3A_1193 = arith.index_cast %get3A_1192 : i32 to index
      %get3A_1194 = arith.index_cast %mul3A_312 : i32 to index
      %get3A_1195 = tpu.vector_load %arg6[%get3A_1193, %get3A_1194] {strides = array<i32>} : memref<80x512xf32, #tpu.memory_space<vmem>>, vector<16xf32>,
      %sub3A_1196 = arith.subf %get3A_1195, %max3A_721 : vector<16xf32>
      %exp3A_1197 = math.exp %sub3A_1196 : vector<16xf32>
      %add3A_1198 = arith.addf %add3A_1191, %exp3A_1197 : vector<16xf32>
      %get3A_1199 = arith.constant 68 : i32
      %get3A_1200 = arith.index_cast %get3A_1199 : i32 to index
      %get3A_1201 = arith.index_cast %mul3A_312 : i32 to index
      %get3A_1202 = tpu.vector_load %arg6[%get3A_1200, %get3A_1201] {strides = array<i32>} : memref<80x512xf32, #tpu.memory_space<vmem>>, vector<16xf32>,
      %sub3A_1203 = arith.subf %get3A_1202, %max3A_721 : vector<16xf32>
      %exp3A_1204 = math.exp %sub3A_1203 : vector<16xf32>
      %add3A_1205 = arith.addf %add3A_1198, %exp3A_1204 : vector<16xf32>
      %get3A_1206 = arith.constant 69 : i32
      %get3A_1207 = arith.index_cast %get3A_1206 : i32 to index
      %get3A_1208 = arith.index_cast %mul3A_312 : i32 to index
      %get3A_1209 = tpu.vector_load %arg6[%get3A_1207, %get3A_1208] {strides = array<i32>} : memref<80x512xf32, #tpu.memory_space<vmem>>, vector<16xf32>,
      %sub3A_1210 = arith.subf %get3A_1209, %max3A_721 : vector<16xf32>
      %exp3A_1211 = math.exp %sub3A_1210 : vector<16xf32>
      %add3A_1212 = arith.addf %add3A_1205, %exp3A_1211 : vector<16xf32>
      %get3A_1213 = arith.constant 70 : i32
      %get3A_1214 = arith.index_cast %get3A_1213 : i32 to index
      %get3A_1215 = arith.index_cast %mul3A_312 : i32 to index
      %get3A_1216 = tpu.vector_load %arg6[%get3A_1214, %get3A_1215] {strides = array<i32>} : memref<80x512xf32, #tpu.memory_space<vmem>>, vector<16xf32>,
      %sub3A_1217 = arith.subf %get3A_1216, %max3A_721 : vector<16xf32>
      %exp3A_1218 = math.exp %sub3A_1217 : vector<16xf32>
      %add3A_1219 = arith.addf %add3A_1212, %exp3A_1218 : vector<16xf32>
      %get3A_1220 = arith.constant 71 : i32
      %get3A_1221 = arith.index_cast %get3A_1220 : i32 to index
      %get3A_1222 = arith.index_cast %mul3A_312 : i32 to index
      %get3A_1223 = tpu.vector_load %arg6[%get3A_1221, %get3A_1222] {strides = array<i32>} : memref<80x512xf32, #tpu.memory_space<vmem>>, vector<16xf32>,
      %sub3A_1224 = arith.subf %get3A_1223, %max3A_721 : vector<16xf32>
      %exp3A_1225 = math.exp %sub3A_1224 : vector<16xf32>
      %add3A_1226 = arith.addf %add3A_1219, %exp3A_1225 : vector<16xf32>
      %get3A_1227 = arith.constant 72 : i32
      %get3A_1228 = arith.index_cast %get3A_1227 : i32 to index
      %get3A_1229 = arith.index_cast %mul3A_312 : i32 to index
      %get3A_1230 = tpu.vector_load %arg6[%get3A_1228, %get3A_1229] {strides = array<i32>} : memref<80x512xf32, #tpu.memory_space<vmem>>, vector<16xf32>,
      %sub3A_1231 = arith.subf %get3A_1230, %max3A_721 : vector<16xf32>
      %exp3A_1232 = math.exp %sub3A_1231 : vector<16xf32>
      %add3A_1233 = arith.addf %add3A_1226, %exp3A_1232 : vector<16xf32>
      %get3A_1234 = arith.constant 73 : i32
      %get3A_1235 = arith.index_cast %get3A_1234 : i32 to index
      %get3A_1236 = arith.index_cast %mul3A_312 : i32 to index
      %get3A_1237 = tpu.vector_load %arg6[%get3A_1235, %get3A_1236] {strides = array<i32>} : memref<80x512xf32, #tpu.memory_space<vmem>>, vector<16xf32>,
      %sub3A_1238 = arith.subf %get3A_1237, %max3A_721 : vector<16xf32>
      %exp3A_1239 = math.exp %sub3A_1238 : vector<16xf32>
      %add3A_1240 = arith.addf %add3A_1233, %exp3A_1239 : vector<16xf32>
      %get3A_1241 = arith.constant 74 : i32
      %get3A_1242 = arith.index_cast %get3A_1241 : i32 to index
      %get3A_1243 = arith.index_cast %mul3A_312 : i32 to index
      %get3A_1244 = tpu.vector_load %arg6[%get3A_1242, %get3A_1243] {strides = array<i32>} : memref<80x512xf32, #tpu.memory_space<vmem>>, vector<16xf32>,
      %sub3A_1245 = arith.subf %get3A_1244, %max3A_721 : vector<16xf32>
      %exp3A_1246 = math.exp %sub3A_1245 : vector<16xf32>
      %add3A_1247 = arith.addf %add3A_1240, %exp3A_1246 : vector<16xf32>
      %get3A_1248 = arith.constant 75 : i32
      %get3A_1249 = arith.index_cast %get3A_1248 : i32 to index
      %get3A_1250 = arith.index_cast %mul3A_312 : i32 to index
      %get3A_1251 = tpu.vector_load %arg6[%get3A_1249, %get3A_1250] {strides = array<i32>} : memref<80x512xf32, #tpu.memory_space<vmem>>, vector<16xf32>,
      %sub3A_1252 = arith.subf %get3A_1251, %max3A_721 : vector<16xf32>
      %exp3A_1253 = math.exp %sub3A_1252 : vector<16xf32>
      %add3A_1254 = arith.addf %add3A_1247, %exp3A_1253 : vector<16xf32>
      %get3A_1255 = arith.constant 76 : i32
      %get3A_1256 = arith.index_cast %get3A_1255 : i32 to index
      %get3A_1257 = arith.index_cast %mul3A_312 : i32 to index
      %get3A_1258 = tpu.vector_load %arg6[%get3A_1256, %get3A_1257] {strides = array<i32>} : memref<80x512xf32, #tpu.memory_space<vmem>>, vector<16xf32>,
      %sub3A_1259 = arith.subf %get3A_1258, %max3A_721 : vector<16xf32>
      %exp3A_1260 = math.exp %sub3A_1259 : vector<16xf32>
      %add3A_1261 = arith.addf %add3A_1254, %exp3A_1260 : vector<16xf32>
      %get3A_1262 = arith.constant 77 : i32
      %get3A_1263 = arith.index_cast %get3A_1262 : i32 to index
      %get3A_1264 = arith.index_cast %mul3A_312 : i32 to index
      %get3A_1265 = tpu.vector_load %arg6[%get3A_1263, %get3A_1264] {strides = array<i32>} : memref<80x512xf32, #tpu.memory_space<vmem>>, vector<16xf32>,
      %sub3A_1266 = arith.subf %get3A_1265, %max3A_721 : vector<16xf32>
      %exp3A_1267 = math.exp %sub3A_1266 : vector<16xf32>
      %add3A_1268 = arith.addf %add3A_1261, %exp3A_1267 : vector<16xf32>
      %get3A_1269 = arith.constant 78 : i32
      %get3A_1270 = arith.index_cast %get3A_1269 : i32 to index
      %get3A_1271 = arith.index_cast %mul3A_312 : i32 to index
      %get3A_1272 = tpu.vector_load %arg6[%get3A_1270, %get3A_1271] {strides = array<i32>} : memref<80x512xf32, #tpu.memory_space<vmem>>, vector<16xf32>,
      %sub3A_1273 = arith.subf %get3A_1272, %max3A_721 : vector<16xf32>
      %exp3A_1274 = math.exp %sub3A_1273 : vector<16xf32>
      %add3A_1275 = arith.addf %add3A_1268, %exp3A_1274 : vector<16xf32>
      %get3A_1276 = arith.constant 79 : i32
      %get3A_1277 = arith.index_cast %get3A_1276 : i32 to index
      %get3A_1278 = arith.index_cast %mul3A_312 : i32 to index
      %get3A_1279 = tpu.vector_load %arg6[%get3A_1277, %get3A_1278] {strides = array<i32>} : memref<80x512xf32, #tpu.memory_space<vmem>>, vector<16xf32>,
      %sub3A_1280 = arith.subf %get3A_1279, %max3A_721 : vector<16xf32>
      %exp3A_1281 = math.exp %sub3A_1280 : vector<16xf32>
      %add3A_1282 = arith.addf %add3A_1275, %exp3A_1281 : vector<16xf32>
      %bitcast3A = vector.bitcast %add3A_1282 : vector<16xf32> to vector<16xi32>
      %shift_right_logical3A_1283 = arith.constant 23 : i32
      %shift_right_logical3A_1284 = vector.broadcast %shift_right_logical3A_1283 : i32 to vector<16xi32>
      %shift_right_logical3A_1285 = arith.shrui %bitcast3A, %shift_right_logical3A_1284 : vector<16xi32>
      %and3A_1286 = arith.constant 255 : i32
      %and3A_1287 = vector.broadcast %and3A_1286 : i32 to vector<16xi32>
      %and3A_1288 = arith.andi %shift_right_logical3A_1285, %and3A_1287 : vector<16xi32>
      %sub3A_1289 = arith.constant 127 : i32
      %sub3A_1290 = vector.broadcast %sub3A_1289 : i32 to vector<16xi32>
      %sub3A_1291 = arith.subi %and3A_1288, %sub3A_1290 : vector<16xi32>
      %and3A_1292 = arith.constant 8388607 : i32
      %and3A_1293 = vector.broadcast %and3A_1292 : i32 to vector<16xi32>
      %and3A_1294 = arith.andi %bitcast3A, %and3A_1293 : vector<16xi32>
      %or3A = arith.constant 1065353216 : i32
      %or3A_1295 = vector.broadcast %or3A : i32 to vector<16xi32>
      %or3A_1296 = arith.ori %and3A_1294, %or3A_1295 : vector<16xi32>
      %bitcast3A_1297 = vector.bitcast %or3A_1296 : vector<16xi32> to vector<16xf32>
      %sub3A_1298 = arith.constant 1.000000e+00 : f32
      %sub3A_1299 = vector.broadcast %sub3A_1298 : f32 to vector<16xf32>
      %sub3A_1300 = arith.subf %bitcast3A_1297, %sub3A_1299 : vector<16xf32>
      %add3A_1301 = arith.constant 1.000000e+00 : f32
      %add3A_1302 = vector.broadcast %add3A_1301 : f32 to vector<16xf32>
      %add3A_1303 = arith.addf %bitcast3A_1297, %add3A_1302 : vector<16xf32>
      %div3A = arith.divf %sub3A_1300, %add3A_1303 : vector<16xf32>
      %mul3A_1304 = arith.mulf %div3A, %div3A : vector<16xf32>
      %mul3A_1305 = arith.constant 2.000000e+00 : f32
      %mul3A_1306 = vector.broadcast %mul3A_1305 : f32 to vector<16xf32>
      %mul3A_1307 = arith.mulf %mul3A_1306, %div3A : vector<16xf32>
      %mul3A_1308 = arith.constant 2.000000e-01 : f32
      %mul3A_1309 = vector.broadcast %mul3A_1308 : f32 to vector<16xf32>
      %mul3A_1310 = arith.mulf %mul3A_1304, %mul3A_1309 : vector<16xf32>
      %add3A_1311 = arith.constant 0.333333343 : f32
      %add3A_1312 = vector.broadcast %add3A_1311 : f32 to vector<16xf32>
      %add3A_1313 = arith.addf %add3A_1312, %mul3A_1310 : vector<16xf32>
      %mul3A_1314 = arith.mulf %mul3A_1304, %add3A_1313 : vector<16xf32>
      %add3A_1315 = arith.constant 1.000000e+00 : f32
      %add3A_1316 = vector.broadcast %add3A_1315 : f32 to vector<16xf32>
      %add3A_1317 = arith.addf %add3A_1316, %mul3A_1314 : vector<16xf32>
      %mul3A_1318 = arith.mulf %mul3A_1307, %add3A_1317 : vector<16xf32>
      %convert_element_type3A = arith.sitofp %sub3A_1291 : vector<16xi32> to vector<16xf32>
      %mul3A_1319 = vector.broadcast %scan3A_274 : f32 to vector<16xf32>
      %mul3A_1320 = arith.mulf %convert_element_type3A, %mul3A_1319 : vector<16xf32>
      %add3A_1321 = arith.addf %mul3A_1320, %mul3A_1318 : vector<16xf32>
      %sub3A_1322 = arith.subf %gather3A, %max3A_721 : vector<16xf32>
      %sub3A_1323 = arith.subf %sub3A_1322, %add3A_1321 : vector<16xf32>
      %neg3A = arith.constant 0.000000e+00 : f32
      %neg3A_1324 = vector.broadcast %neg3A : f32 to vector<16xf32>
      %neg3A_1325 = arith.subf %neg3A_1324, %gather3A : vector<16xf32>
      %exp3A_1326 = math.exp %neg3A_1325 : vector<16xf32>
      %add3A_1327 = arith.constant 1.000000e+00 : f32
      %add3A_1328 = vector.broadcast %add3A_1327 : f32 to vector<16xf32>
      %add3A_1329 = arith.addf %add3A_1328, %exp3A_1326 : vector<16xf32>
      %div3A_1330 = arith.constant 1.000000e+00 : f32
      %div3A_1331 = vector.broadcast %div3A_1330 : f32 to vector<16xf32>
      %div3A_1332 = arith.divf %div3A_1331, %add3A_1329 : vector<16xf32>
      %sub3A_1333 = arith.subf %div3A_1332, %gather3A_320 : vector<16xf32>
      %abs3A = math.absf %sub3A_1333 : vector<16xf32>
      %mul3A_1334 = arith.constant 3.000000e+01 : f32
      %mul3A_1335 = vector.broadcast %mul3A_1334 : f32 to vector<16xf32>
      %mul3A_1336 = arith.mulf %abs3A, %mul3A_1335 : vector<16xf32>
      %convert_element_type3A_1337 = arith.fptosi %mul3A_1336 : vector<16xf32> to vector<16xi32>
      %jit3A_1338 = arith.constant 0 : i32
      %jit3A_1339 = arith.constant 29 : i32
      %max3A_1340 = vector.broadcast %jit3A_1338 : i32 to vector<16xi32>
      %max3A_1341 = arith.maxsi %max3A_1340, %convert_element_type3A_1337 : vector<16xi32>
      %min3A = vector.broadcast %jit3A_1339 : i32 to vector<16xi32>
      %min3A_1342 = arith.minsi %min3A, %max3A_1341 : vector<16xi32>
      %add3A_1343 = arith.addi %mul3A_269, %min3A_1342 : vector<16xi32>
      tpu.vector_store_idx %arg9[%shift_right_logical3A_264, %add3A_1343], %broadcast_in_dim3A_7 {add = true} : memref<8x128xf32, #tpu.memory_space<vmem>>[vector<16xi32>, vector<16xi32>], vector<16xf32>,
      %add3A_1344 = arith.constant 4 : i32
      %add3A_1345 = vector.broadcast %add3A_1344 : i32 to vector<16xi32>
      %add3A_1346 = arith.addi %shift_right_logical3A_264, %add3A_1345 : vector<16xi32>
      tpu.vector_store_idx %arg9[%add3A_1346, %add3A_1343], %sub3A_1323 {add = true} : memref<8x128xf32, #tpu.memory_space<vmem>>[vector<16xi32>, vector<16xi32>], vector<16xf32>,
    }
    %scan3A_279 = arith.constant 32 : i32
    %add3A_280 = arith.constant 512 : i32
    %add3A_281 = arith.addi %add3A_4, %add3A_280 : i32
    "tpu.region"() ({
      %run_scoped3A = tpu.sem_alloc : memref<!tpu.dma_semaphore, #tpu.memory_space<semaphore_mem>>
      %dma_start3A = arith.constant 0 : i32
      %dma_start3A_300 = tpu.memref_slice %arg2[%dma_start3A, %add3A_281] : memref<80x200000xf32, #tpu.memory_space<hbm>> -> memref<80x512xf32, #tpu.memory_space<hbm>>
      %dma_start3A_301 = arith.constant 0 : i32
      %dma_start3A_302 = tpu.memref_slice %arg2[%dma_start3A_301, %add3A_281] : memref<80x200000xf32, #tpu.memory_space<hbm>> -> memref<80x512xf32, #tpu.memory_space<hbm>>
      tpu.enqueue_dma source(%dma_start3A_302 : memref<80x512xf32, #tpu.memory_space<hbm>>) target(%arg6 : memref<80x512xf32, #tpu.memory_space<vmem>>) target_semaphore(%run_scoped3A : memref<!tpu.dma_semaphore, #tpu.memory_space<semaphore_mem>>)
      %dma_wait3A = arith.constant 0 : i32
      %dma_wait3A_303 = tpu.memref_slice %arg2[%dma_wait3A, %add3A_281] : memref<80x200000xf32, #tpu.memory_space<hbm>> -> memref<80x512xf32, #tpu.memory_space<hbm>>
      %dma_wait3A_304 = arith.constant 0 : i32
      %dma_wait3A_305 = tpu.memref_slice %arg2[%dma_wait3A_304, %add3A_281] : memref<80x200000xf32, #tpu.memory_space<hbm>> -> memref<80x512xf32, #tpu.memory_space<hbm>>
      tpu.wait_dma2 semaphore(%run_scoped3A : memref<!tpu.dma_semaphore, #tpu.memory_space<semaphore_mem>>) src(%dma_wait3A_305 : memref<80x512xf32, #tpu.memory_space<hbm>>) dst(%arg6 : memref<80x512xf32, #tpu.memory_space<vmem>>)
      tpu.yield
    }) : () -> ()
    "tpu.region"() ({
      %run_scoped3A = tpu.sem_alloc : memref<!tpu.dma_semaphore, #tpu.memory_space<semaphore_mem>>
      %dma_start3A = arith.constant 0 : i32
      %dma_start3A_300 = tpu.memref_slice %arg3[%dma_start3A, %add3A_281] : memref<80x200000xf32, #tpu.memory_space<hbm>> -> memref<80x512xf32, #tpu.memory_space<hbm>>
      %dma_start3A_301 = arith.constant 0 : i32
      %dma_start3A_302 = tpu.memref_slice %arg3[%dma_start3A_301, %add3A_281] : memref<80x200000xf32, #tpu.memory_space<hbm>> -> memref<80x512xf32, #tpu.memory_space<hbm>>
      tpu.enqueue_dma source(%dma_start3A_302 : memref<80x512xf32, #tpu.memory_space<hbm>>) target(%arg7 : memref<80x512xf32, #tpu.memory_space<vmem>>) target_semaphore(%run_scoped3A : memref<!tpu.dma_semaphore, #tpu.memory_space<semaphore_mem>>)
      %dma_wait3A = arith.constant 0 : i32
      %dma_wait3A_303 = tpu.memref_slice %arg3[%dma_wait3A, %add3A_281] : memref<80x200000xf32, #tpu.memory_space<hbm>> -> memref<80x512xf32, #tpu.memory_space<hbm>>
      %dma_wait3A_304 = arith.constant 0 : i32
      %dma_wait3A_305 = tpu.memref_slice %arg3[%dma_wait3A_304, %add3A_281] : memref<80x200000xf32, #tpu.memory_space<hbm>> -> memref<80x512xf32, #tpu.memory_space<hbm>>
      tpu.wait_dma2 semaphore(%run_scoped3A : memref<!tpu.dma_semaphore, #tpu.memory_space<semaphore_mem>>) src(%dma_wait3A_305 : memref<80x512xf32, #tpu.memory_space<hbm>>) dst(%arg7 : memref<80x512xf32, #tpu.memory_space<vmem>>)
      tpu.yield
    }) : () -> ()
    %scan3A_282 = arith.constant 0 : i32
    %scan3A_283 = arith.constant 0.693147182 : f32
    %scan3A_284 = arith.constant 32 : i32
    %scan3A_285 = arith.constant 32 : i32
    %scan3A_286 = arith.addi %scan3A_284, %scan3A_285 : i32
    %scan3A_287 = arith.constant 1 : i32
    scf.for %scan3A_300 = %scan3A_284 to %scan3A_286 step %scan3A_287  : i32 {
      %jit3A = arith.constant 32 : i32
      %eq3A = arith.constant 0 : i32
      %eq3A_301 = arith.cmpi eq, %jit3A, %eq3A : i32
      %jit3A_302 = arith.constant 1 : i32
      %select_n3A = arith.select %eq3A_301, %jit3A_302, %jit3A : i32
      %rem3A = arith.remsi %scan3A_300, %select_n3A : i32
      %ne3A = arith.constant 0 : i32
      %ne3A_303 = arith.cmpi ne, %rem3A, %ne3A : i32
      %lt3A = arith.constant 0 : i32
      %lt3A_304 = arith.cmpi slt, %rem3A, %lt3A : i32
      %lt3A_305 = arith.constant 0 : i32
      %lt3A_306 = arith.cmpi slt, %select_n3A, %lt3A_305 : i32
      %ne3A_307 = arith.xori %lt3A_304, %lt3A_306 : i1
      %and3A_308 = arith.andi %ne3A_307, %ne3A_303 : i1
      %add3A_309 = arith.addi %rem3A, %select_n3A : i32
      %select_n3A_310 = arith.select %and3A_308, %add3A_309, %rem3A : i32
      %mul3A_311 = arith.constant 16 : i32
      %mul3A_312 = arith.muli %select_n3A_310, %mul3A_311 : i32
      %add3A_313 = vector.broadcast %mul3A_312 : i32 to vector<16xi32>
      %add3A_314 = arith.addi %add3A_313, %iota3A : vector<16xi32>
      %mul3A_315 = arith.constant 16 : i32
      %mul3A_316 = arith.muli %scan3A_300, %mul3A_315 : i32
      %add3A_317 = arith.addi %and3A_271, %mul3A_316 : i32
      %multiple_of3A_318 = tpu.assume_multiple %add3A_317, 8 : i32
      %get3A = arith.index_cast %multiple_of3A_318 : i32 to index
      %get3A_319 = tpu.vector_load %arg8[%get3A] {strides = array<i32>} : memref<2560xi32, #tpu.memory_space<vmem>>, vector<16xi32>,
      %gather3A = tpu.vector_load_idx %arg6[%get3A_319, %add3A_314] : memref<80x512xf32, #tpu.memory_space<vmem>>[vector<16xi32>, vector<16xi32>], vector<16xf32>,
      %gather3A_320 = tpu.vector_load_idx %arg7[%get3A_319, %add3A_314] : memref<80x512xf32, #tpu.memory_space<vmem>>[vector<16xi32>, vector<16xi32>], vector<16xf32>,
      %broadcast_in_dim3A_321 = arith.constant -3.000000e+38 : f32
      %broadcast_in_dim3A_322 = vector.broadcast %broadcast_in_dim3A_321 : f32 to vector<16xf32>
      %get3A_323 = arith.constant 0 : i32
      %get3A_324 = arith.index_cast %get3A_323 : i32 to index
      %get3A_325 = arith.index_cast %mul3A_312 : i32 to index
      %get3A_326 = tpu.vector_load %arg6[%get3A_324, %get3A_325] {strides = array<i32>} : memref<80x512xf32, #tpu.memory_space<vmem>>, vector<16xf32>,
      %max3A = arith.maximumf %broadcast_in_dim3A_322, %get3A_326 : vector<16xf32>
      %get3A_327 = arith.constant 1 : i32
      %get3A_328 = arith.index_cast %get3A_327 : i32 to index
      %get3A_329 = arith.index_cast %mul3A_312 : i32 to index
      %get3A_330 = tpu.vector_load %arg6[%get3A_328, %get3A_329] {strides = array<i32>} : memref<80x512xf32, #tpu.memory_space<vmem>>, vector<16xf32>,
      %max3A_331 = arith.maximumf %max3A, %get3A_330 : vector<16xf32>
      %get3A_332 = arith.constant 2 : i32
      %get3A_333 = arith.index_cast %get3A_332 : i32 to index
      %get3A_334 = arith.index_cast %mul3A_312 : i32 to index
      %get3A_335 = tpu.vector_load %arg6[%get3A_333, %get3A_334] {strides = array<i32>} : memref<80x512xf32, #tpu.memory_space<vmem>>, vector<16xf32>,
      %max3A_336 = arith.maximumf %max3A_331, %get3A_335 : vector<16xf32>
      %get3A_337 = arith.constant 3 : i32
      %get3A_338 = arith.index_cast %get3A_337 : i32 to index
      %get3A_339 = arith.index_cast %mul3A_312 : i32 to index
      %get3A_340 = tpu.vector_load %arg6[%get3A_338, %get3A_339] {strides = array<i32>} : memref<80x512xf32, #tpu.memory_space<vmem>>, vector<16xf32>,
      %max3A_341 = arith.maximumf %max3A_336, %get3A_340 : vector<16xf32>
      %get3A_342 = arith.constant 4 : i32
      %get3A_343 = arith.index_cast %get3A_342 : i32 to index
      %get3A_344 = arith.index_cast %mul3A_312 : i32 to index
      %get3A_345 = tpu.vector_load %arg6[%get3A_343, %get3A_344] {strides = array<i32>} : memref<80x512xf32, #tpu.memory_space<vmem>>, vector<16xf32>,
      %max3A_346 = arith.maximumf %max3A_341, %get3A_345 : vector<16xf32>
      %get3A_347 = arith.constant 5 : i32
      %get3A_348 = arith.index_cast %get3A_347 : i32 to index
      %get3A_349 = arith.index_cast %mul3A_312 : i32 to index
      %get3A_350 = tpu.vector_load %arg6[%get3A_348, %get3A_349] {strides = array<i32>} : memref<80x512xf32, #tpu.memory_space<vmem>>, vector<16xf32>,
      %max3A_351 = arith.maximumf %max3A_346, %get3A_350 : vector<16xf32>
      %get3A_352 = arith.constant 6 : i32
      %get3A_353 = arith.index_cast %get3A_352 : i32 to index
      %get3A_354 = arith.index_cast %mul3A_312 : i32 to index
      %get3A_355 = tpu.vector_load %arg6[%get3A_353, %get3A_354] {strides = array<i32>} : memref<80x512xf32, #tpu.memory_space<vmem>>, vector<16xf32>,
      %max3A_356 = arith.maximumf %max3A_351, %get3A_355 : vector<16xf32>
      %get3A_357 = arith.constant 7 : i32
      %get3A_358 = arith.index_cast %get3A_357 : i32 to index
      %get3A_359 = arith.index_cast %mul3A_312 : i32 to index
      %get3A_360 = tpu.vector_load %arg6[%get3A_358, %get3A_359] {strides = array<i32>} : memref<80x512xf32, #tpu.memory_space<vmem>>, vector<16xf32>,
      %max3A_361 = arith.maximumf %max3A_356, %get3A_360 : vector<16xf32>
      %get3A_362 = arith.constant 8 : i32
      %get3A_363 = arith.index_cast %get3A_362 : i32 to index
      %get3A_364 = arith.index_cast %mul3A_312 : i32 to index
      %get3A_365 = tpu.vector_load %arg6[%get3A_363, %get3A_364] {strides = array<i32>} : memref<80x512xf32, #tpu.memory_space<vmem>>, vector<16xf32>,
      %max3A_366 = arith.maximumf %max3A_361, %get3A_365 : vector<16xf32>
      %get3A_367 = arith.constant 9 : i32
      %get3A_368 = arith.index_cast %get3A_367 : i32 to index
      %get3A_369 = arith.index_cast %mul3A_312 : i32 to index
      %get3A_370 = tpu.vector_load %arg6[%get3A_368, %get3A_369] {strides = array<i32>} : memref<80x512xf32, #tpu.memory_space<vmem>>, vector<16xf32>,
      %max3A_371 = arith.maximumf %max3A_366, %get3A_370 : vector<16xf32>
      %get3A_372 = arith.constant 10 : i32
      %get3A_373 = arith.index_cast %get3A_372 : i32 to index
      %get3A_374 = arith.index_cast %mul3A_312 : i32 to index
      %get3A_375 = tpu.vector_load %arg6[%get3A_373, %get3A_374] {strides = array<i32>} : memref<80x512xf32, #tpu.memory_space<vmem>>, vector<16xf32>,
      %max3A_376 = arith.maximumf %max3A_371, %get3A_375 : vector<16xf32>
      %get3A_377 = arith.constant 11 : i32
      %get3A_378 = arith.index_cast %get3A_377 : i32 to index
      %get3A_379 = arith.index_cast %mul3A_312 : i32 to index
      %get3A_380 = tpu.vector_load %arg6[%get3A_378, %get3A_379] {strides = array<i32>} : memref<80x512xf32, #tpu.memory_space<vmem>>, vector<16xf32>,
      %max3A_381 = arith.maximumf %max3A_376, %get3A_380 : vector<16xf32>
      %get3A_382 = arith.constant 12 : i32
      %get3A_383 = arith.index_cast %get3A_382 : i32 to index
      %get3A_384 = arith.index_cast %mul3A_312 : i32 to index
      %get3A_385 = tpu.vector_load %arg6[%get3A_383, %get3A_384] {strides = array<i32>} : memref<80x512xf32, #tpu.memory_space<vmem>>, vector<16xf32>,
      %max3A_386 = arith.maximumf %max3A_381, %get3A_385 : vector<16xf32>
      %get3A_387 = arith.constant 13 : i32
      %get3A_388 = arith.index_cast %get3A_387 : i32 to index
      %get3A_389 = arith.index_cast %mul3A_312 : i32 to index
      %get3A_390 = tpu.vector_load %arg6[%get3A_388, %get3A_389] {strides = array<i32>} : memref<80x512xf32, #tpu.memory_space<vmem>>, vector<16xf32>,
      %max3A_391 = arith.maximumf %max3A_386, %get3A_390 : vector<16xf32>
      %get3A_392 = arith.constant 14 : i32
      %get3A_393 = arith.index_cast %get3A_392 : i32 to index
      %get3A_394 = arith.index_cast %mul3A_312 : i32 to index
      %get3A_395 = tpu.vector_load %arg6[%get3A_393, %get3A_394] {strides = array<i32>} : memref<80x512xf32, #tpu.memory_space<vmem>>, vector<16xf32>,
      %max3A_396 = arith.maximumf %max3A_391, %get3A_395 : vector<16xf32>
      %get3A_397 = arith.constant 15 : i32
      %get3A_398 = arith.index_cast %get3A_397 : i32 to index
      %get3A_399 = arith.index_cast %mul3A_312 : i32 to index
      %get3A_400 = tpu.vector_load %arg6[%get3A_398, %get3A_399] {strides = array<i32>} : memref<80x512xf32, #tpu.memory_space<vmem>>, vector<16xf32>,
      %max3A_401 = arith.maximumf %max3A_396, %get3A_400 : vector<16xf32>
      %get3A_402 = arith.constant 16 : i32
      %get3A_403 = arith.index_cast %get3A_402 : i32 to index
      %get3A_404 = arith.index_cast %mul3A_312 : i32 to index
      %get3A_405 = tpu.vector_load %arg6[%get3A_403, %get3A_404] {strides = array<i32>} : memref<80x512xf32, #tpu.memory_space<vmem>>, vector<16xf32>,
      %max3A_406 = arith.maximumf %max3A_401, %get3A_405 : vector<16xf32>
      %get3A_407 = arith.constant 17 : i32
      %get3A_408 = arith.index_cast %get3A_407 : i32 to index
      %get3A_409 = arith.index_cast %mul3A_312 : i32 to index
      %get3A_410 = tpu.vector_load %arg6[%get3A_408, %get3A_409] {strides = array<i32>} : memref<80x512xf32, #tpu.memory_space<vmem>>, vector<16xf32>,
      %max3A_411 = arith.maximumf %max3A_406, %get3A_410 : vector<16xf32>
      %get3A_412 = arith.constant 18 : i32
      %get3A_413 = arith.index_cast %get3A_412 : i32 to index
      %get3A_414 = arith.index_cast %mul3A_312 : i32 to index
      %get3A_415 = tpu.vector_load %arg6[%get3A_413, %get3A_414] {strides = array<i32>} : memref<80x512xf32, #tpu.memory_space<vmem>>, vector<16xf32>,
      %max3A_416 = arith.maximumf %max3A_411, %get3A_415 : vector<16xf32>
      %get3A_417 = arith.constant 19 : i32
      %get3A_418 = arith.index_cast %get3A_417 : i32 to index
      %get3A_419 = arith.index_cast %mul3A_312 : i32 to index
      %get3A_420 = tpu.vector_load %arg6[%get3A_418, %get3A_419] {strides = array<i32>} : memref<80x512xf32, #tpu.memory_space<vmem>>, vector<16xf32>,
      %max3A_421 = arith.maximumf %max3A_416, %get3A_420 : vector<16xf32>
      %get3A_422 = arith.constant 20 : i32
      %get3A_423 = arith.index_cast %get3A_422 : i32 to index
      %get3A_424 = arith.index_cast %mul3A_312 : i32 to index
      %get3A_425 = tpu.vector_load %arg6[%get3A_423, %get3A_424] {strides = array<i32>} : memref<80x512xf32, #tpu.memory_space<vmem>>, vector<16xf32>,
      %max3A_426 = arith.maximumf %max3A_421, %get3A_425 : vector<16xf32>
      %get3A_427 = arith.constant 21 : i32
      %get3A_428 = arith.index_cast %get3A_427 : i32 to index
      %get3A_429 = arith.index_cast %mul3A_312 : i32 to index
      %get3A_430 = tpu.vector_load %arg6[%get3A_428, %get3A_429] {strides = array<i32>} : memref<80x512xf32, #tpu.memory_space<vmem>>, vector<16xf32>,
      %max3A_431 = arith.maximumf %max3A_426, %get3A_430 : vector<16xf32>
      %get3A_432 = arith.constant 22 : i32
      %get3A_433 = arith.index_cast %get3A_432 : i32 to index
      %get3A_434 = arith.index_cast %mul3A_312 : i32 to index
      %get3A_435 = tpu.vector_load %arg6[%get3A_433, %get3A_434] {strides = array<i32>} : memref<80x512xf32, #tpu.memory_space<vmem>>, vector<16xf32>,
      %max3A_436 = arith.maximumf %max3A_431, %get3A_435 : vector<16xf32>
      %get3A_437 = arith.constant 23 : i32
      %get3A_438 = arith.index_cast %get3A_437 : i32 to index
      %get3A_439 = arith.index_cast %mul3A_312 : i32 to index
      %get3A_440 = tpu.vector_load %arg6[%get3A_438, %get3A_439] {strides = array<i32>} : memref<80x512xf32, #tpu.memory_space<vmem>>, vector<16xf32>,
      %max3A_441 = arith.maximumf %max3A_436, %get3A_440 : vector<16xf32>
      %get3A_442 = arith.constant 24 : i32
      %get3A_443 = arith.index_cast %get3A_442 : i32 to index
      %get3A_444 = arith.index_cast %mul3A_312 : i32 to index
      %get3A_445 = tpu.vector_load %arg6[%get3A_443, %get3A_444] {strides = array<i32>} : memref<80x512xf32, #tpu.memory_space<vmem>>, vector<16xf32>,
      %max3A_446 = arith.maximumf %max3A_441, %get3A_445 : vector<16xf32>
      %get3A_447 = arith.constant 25 : i32
      %get3A_448 = arith.index_cast %get3A_447 : i32 to index
      %get3A_449 = arith.index_cast %mul3A_312 : i32 to index
      %get3A_450 = tpu.vector_load %arg6[%get3A_448, %get3A_449] {strides = array<i32>} : memref<80x512xf32, #tpu.memory_space<vmem>>, vector<16xf32>,
      %max3A_451 = arith.maximumf %max3A_446, %get3A_450 : vector<16xf32>
      %get3A_452 = arith.constant 26 : i32
      %get3A_453 = arith.index_cast %get3A_452 : i32 to index
      %get3A_454 = arith.index_cast %mul3A_312 : i32 to index
      %get3A_455 = tpu.vector_load %arg6[%get3A_453, %get3A_454] {strides = array<i32>} : memref<80x512xf32, #tpu.memory_space<vmem>>, vector<16xf32>,
      %max3A_456 = arith.maximumf %max3A_451, %get3A_455 : vector<16xf32>
      %get3A_457 = arith.constant 27 : i32
      %get3A_458 = arith.index_cast %get3A_457 : i32 to index
      %get3A_459 = arith.index_cast %mul3A_312 : i32 to index
      %get3A_460 = tpu.vector_load %arg6[%get3A_458, %get3A_459] {strides = array<i32>} : memref<80x512xf32, #tpu.memory_space<vmem>>, vector<16xf32>,
      %max3A_461 = arith.maximumf %max3A_456, %get3A_460 : vector<16xf32>
      %get3A_462 = arith.constant 28 : i32
      %get3A_463 = arith.index_cast %get3A_462 : i32 to index
      %get3A_464 = arith.index_cast %mul3A_312 : i32 to index
      %get3A_465 = tpu.vector_load %arg6[%get3A_463, %get3A_464] {strides = array<i32>} : memref<80x512xf32, #tpu.memory_space<vmem>>, vector<16xf32>,
      %max3A_466 = arith.maximumf %max3A_461, %get3A_465 : vector<16xf32>
      %get3A_467 = arith.constant 29 : i32
      %get3A_468 = arith.index_cast %get3A_467 : i32 to index
      %get3A_469 = arith.index_cast %mul3A_312 : i32 to index
      %get3A_470 = tpu.vector_load %arg6[%get3A_468, %get3A_469] {strides = array<i32>} : memref<80x512xf32, #tpu.memory_space<vmem>>, vector<16xf32>,
      %max3A_471 = arith.maximumf %max3A_466, %get3A_470 : vector<16xf32>
      %get3A_472 = arith.constant 30 : i32
      %get3A_473 = arith.index_cast %get3A_472 : i32 to index
      %get3A_474 = arith.index_cast %mul3A_312 : i32 to index
      %get3A_475 = tpu.vector_load %arg6[%get3A_473, %get3A_474] {strides = array<i32>} : memref<80x512xf32, #tpu.memory_space<vmem>>, vector<16xf32>,
      %max3A_476 = arith.maximumf %max3A_471, %get3A_475 : vector<16xf32>
      %get3A_477 = arith.constant 31 : i32
      %get3A_478 = arith.index_cast %get3A_477 : i32 to index
      %get3A_479 = arith.index_cast %mul3A_312 : i32 to index
      %get3A_480 = tpu.vector_load %arg6[%get3A_478, %get3A_479] {strides = array<i32>} : memref<80x512xf32, #tpu.memory_space<vmem>>, vector<16xf32>,
      %max3A_481 = arith.maximumf %max3A_476, %get3A_480 : vector<16xf32>
      %get3A_482 = arith.constant 32 : i32
      %get3A_483 = arith.index_cast %get3A_482 : i32 to index
      %get3A_484 = arith.index_cast %mul3A_312 : i32 to index
      %get3A_485 = tpu.vector_load %arg6[%get3A_483, %get3A_484] {strides = array<i32>} : memref<80x512xf32, #tpu.memory_space<vmem>>, vector<16xf32>,
      %max3A_486 = arith.maximumf %max3A_481, %get3A_485 : vector<16xf32>
      %get3A_487 = arith.constant 33 : i32
      %get3A_488 = arith.index_cast %get3A_487 : i32 to index
      %get3A_489 = arith.index_cast %mul3A_312 : i32 to index
      %get3A_490 = tpu.vector_load %arg6[%get3A_488, %get3A_489] {strides = array<i32>} : memref<80x512xf32, #tpu.memory_space<vmem>>, vector<16xf32>,
      %max3A_491 = arith.maximumf %max3A_486, %get3A_490 : vector<16xf32>
      %get3A_492 = arith.constant 34 : i32
      %get3A_493 = arith.index_cast %get3A_492 : i32 to index
      %get3A_494 = arith.index_cast %mul3A_312 : i32 to index
      %get3A_495 = tpu.vector_load %arg6[%get3A_493, %get3A_494] {strides = array<i32>} : memref<80x512xf32, #tpu.memory_space<vmem>>, vector<16xf32>,
      %max3A_496 = arith.maximumf %max3A_491, %get3A_495 : vector<16xf32>
      %get3A_497 = arith.constant 35 : i32
      %get3A_498 = arith.index_cast %get3A_497 : i32 to index
      %get3A_499 = arith.index_cast %mul3A_312 : i32 to index
      %get3A_500 = tpu.vector_load %arg6[%get3A_498, %get3A_499] {strides = array<i32>} : memref<80x512xf32, #tpu.memory_space<vmem>>, vector<16xf32>,
      %max3A_501 = arith.maximumf %max3A_496, %get3A_500 : vector<16xf32>
      %get3A_502 = arith.constant 36 : i32
      %get3A_503 = arith.index_cast %get3A_502 : i32 to index
      %get3A_504 = arith.index_cast %mul3A_312 : i32 to index
      %get3A_505 = tpu.vector_load %arg6[%get3A_503, %get3A_504] {strides = array<i32>} : memref<80x512xf32, #tpu.memory_space<vmem>>, vector<16xf32>,
      %max3A_506 = arith.maximumf %max3A_501, %get3A_505 : vector<16xf32>
      %get3A_507 = arith.constant 37 : i32
      %get3A_508 = arith.index_cast %get3A_507 : i32 to index
      %get3A_509 = arith.index_cast %mul3A_312 : i32 to index
      %get3A_510 = tpu.vector_load %arg6[%get3A_508, %get3A_509] {strides = array<i32>} : memref<80x512xf32, #tpu.memory_space<vmem>>, vector<16xf32>,
      %max3A_511 = arith.maximumf %max3A_506, %get3A_510 : vector<16xf32>
      %get3A_512 = arith.constant 38 : i32
      %get3A_513 = arith.index_cast %get3A_512 : i32 to index
      %get3A_514 = arith.index_cast %mul3A_312 : i32 to index
      %get3A_515 = tpu.vector_load %arg6[%get3A_513, %get3A_514] {strides = array<i32>} : memref<80x512xf32, #tpu.memory_space<vmem>>, vector<16xf32>,
      %max3A_516 = arith.maximumf %max3A_511, %get3A_515 : vector<16xf32>
      %get3A_517 = arith.constant 39 : i32
      %get3A_518 = arith.index_cast %get3A_517 : i32 to index
      %get3A_519 = arith.index_cast %mul3A_312 : i32 to index
      %get3A_520 = tpu.vector_load %arg6[%get3A_518, %get3A_519] {strides = array<i32>} : memref<80x512xf32, #tpu.memory_space<vmem>>, vector<16xf32>,
      %max3A_521 = arith.maximumf %max3A_516, %get3A_520 : vector<16xf32>
      %get3A_522 = arith.constant 40 : i32
      %get3A_523 = arith.index_cast %get3A_522 : i32 to index
      %get3A_524 = arith.index_cast %mul3A_312 : i32 to index
      %get3A_525 = tpu.vector_load %arg6[%get3A_523, %get3A_524] {strides = array<i32>} : memref<80x512xf32, #tpu.memory_space<vmem>>, vector<16xf32>,
      %max3A_526 = arith.maximumf %max3A_521, %get3A_525 : vector<16xf32>
      %get3A_527 = arith.constant 41 : i32
      %get3A_528 = arith.index_cast %get3A_527 : i32 to index
      %get3A_529 = arith.index_cast %mul3A_312 : i32 to index
      %get3A_530 = tpu.vector_load %arg6[%get3A_528, %get3A_529] {strides = array<i32>} : memref<80x512xf32, #tpu.memory_space<vmem>>, vector<16xf32>,
      %max3A_531 = arith.maximumf %max3A_526, %get3A_530 : vector<16xf32>
      %get3A_532 = arith.constant 42 : i32
      %get3A_533 = arith.index_cast %get3A_532 : i32 to index
      %get3A_534 = arith.index_cast %mul3A_312 : i32 to index
      %get3A_535 = tpu.vector_load %arg6[%get3A_533, %get3A_534] {strides = array<i32>} : memref<80x512xf32, #tpu.memory_space<vmem>>, vector<16xf32>,
      %max3A_536 = arith.maximumf %max3A_531, %get3A_535 : vector<16xf32>
      %get3A_537 = arith.constant 43 : i32
      %get3A_538 = arith.index_cast %get3A_537 : i32 to index
      %get3A_539 = arith.index_cast %mul3A_312 : i32 to index
      %get3A_540 = tpu.vector_load %arg6[%get3A_538, %get3A_539] {strides = array<i32>} : memref<80x512xf32, #tpu.memory_space<vmem>>, vector<16xf32>,
      %max3A_541 = arith.maximumf %max3A_536, %get3A_540 : vector<16xf32>
      %get3A_542 = arith.constant 44 : i32
      %get3A_543 = arith.index_cast %get3A_542 : i32 to index
      %get3A_544 = arith.index_cast %mul3A_312 : i32 to index
      %get3A_545 = tpu.vector_load %arg6[%get3A_543, %get3A_544] {strides = array<i32>} : memref<80x512xf32, #tpu.memory_space<vmem>>, vector<16xf32>,
      %max3A_546 = arith.maximumf %max3A_541, %get3A_545 : vector<16xf32>
      %get3A_547 = arith.constant 45 : i32
      %get3A_548 = arith.index_cast %get3A_547 : i32 to index
      %get3A_549 = arith.index_cast %mul3A_312 : i32 to index
      %get3A_550 = tpu.vector_load %arg6[%get3A_548, %get3A_549] {strides = array<i32>} : memref<80x512xf32, #tpu.memory_space<vmem>>, vector<16xf32>,
      %max3A_551 = arith.maximumf %max3A_546, %get3A_550 : vector<16xf32>
      %get3A_552 = arith.constant 46 : i32
      %get3A_553 = arith.index_cast %get3A_552 : i32 to index
      %get3A_554 = arith.index_cast %mul3A_312 : i32 to index
      %get3A_555 = tpu.vector_load %arg6[%get3A_553, %get3A_554] {strides = array<i32>} : memref<80x512xf32, #tpu.memory_space<vmem>>, vector<16xf32>,
      %max3A_556 = arith.maximumf %max3A_551, %get3A_555 : vector<16xf32>
      %get3A_557 = arith.constant 47 : i32
      %get3A_558 = arith.index_cast %get3A_557 : i32 to index
      %get3A_559 = arith.index_cast %mul3A_312 : i32 to index
      %get3A_560 = tpu.vector_load %arg6[%get3A_558, %get3A_559] {strides = array<i32>} : memref<80x512xf32, #tpu.memory_space<vmem>>, vector<16xf32>,
      %max3A_561 = arith.maximumf %max3A_556, %get3A_560 : vector<16xf32>
      %get3A_562 = arith.constant 48 : i32
      %get3A_563 = arith.index_cast %get3A_562 : i32 to index
      %get3A_564 = arith.index_cast %mul3A_312 : i32 to index
      %get3A_565 = tpu.vector_load %arg6[%get3A_563, %get3A_564] {strides = array<i32>} : memref<80x512xf32, #tpu.memory_space<vmem>>, vector<16xf32>,
      %max3A_566 = arith.maximumf %max3A_561, %get3A_565 : vector<16xf32>
      %get3A_567 = arith.constant 49 : i32
      %get3A_568 = arith.index_cast %get3A_567 : i32 to index
      %get3A_569 = arith.index_cast %mul3A_312 : i32 to index
      %get3A_570 = tpu.vector_load %arg6[%get3A_568, %get3A_569] {strides = array<i32>} : memref<80x512xf32, #tpu.memory_space<vmem>>, vector<16xf32>,
      %max3A_571 = arith.maximumf %max3A_566, %get3A_570 : vector<16xf32>
      %get3A_572 = arith.constant 50 : i32
      %get3A_573 = arith.index_cast %get3A_572 : i32 to index
      %get3A_574 = arith.index_cast %mul3A_312 : i32 to index
      %get3A_575 = tpu.vector_load %arg6[%get3A_573, %get3A_574] {strides = array<i32>} : memref<80x512xf32, #tpu.memory_space<vmem>>, vector<16xf32>,
      %max3A_576 = arith.maximumf %max3A_571, %get3A_575 : vector<16xf32>
      %get3A_577 = arith.constant 51 : i32
      %get3A_578 = arith.index_cast %get3A_577 : i32 to index
      %get3A_579 = arith.index_cast %mul3A_312 : i32 to index
      %get3A_580 = tpu.vector_load %arg6[%get3A_578, %get3A_579] {strides = array<i32>} : memref<80x512xf32, #tpu.memory_space<vmem>>, vector<16xf32>,
      %max3A_581 = arith.maximumf %max3A_576, %get3A_580 : vector<16xf32>
      %get3A_582 = arith.constant 52 : i32
      %get3A_583 = arith.index_cast %get3A_582 : i32 to index
      %get3A_584 = arith.index_cast %mul3A_312 : i32 to index
      %get3A_585 = tpu.vector_load %arg6[%get3A_583, %get3A_584] {strides = array<i32>} : memref<80x512xf32, #tpu.memory_space<vmem>>, vector<16xf32>,
      %max3A_586 = arith.maximumf %max3A_581, %get3A_585 : vector<16xf32>
      %get3A_587 = arith.constant 53 : i32
      %get3A_588 = arith.index_cast %get3A_587 : i32 to index
      %get3A_589 = arith.index_cast %mul3A_312 : i32 to index
      %get3A_590 = tpu.vector_load %arg6[%get3A_588, %get3A_589] {strides = array<i32>} : memref<80x512xf32, #tpu.memory_space<vmem>>, vector<16xf32>,
      %max3A_591 = arith.maximumf %max3A_586, %get3A_590 : vector<16xf32>
      %get3A_592 = arith.constant 54 : i32
      %get3A_593 = arith.index_cast %get3A_592 : i32 to index
      %get3A_594 = arith.index_cast %mul3A_312 : i32 to index
      %get3A_595 = tpu.vector_load %arg6[%get3A_593, %get3A_594] {strides = array<i32>} : memref<80x512xf32, #tpu.memory_space<vmem>>, vector<16xf32>,
      %max3A_596 = arith.maximumf %max3A_591, %get3A_595 : vector<16xf32>
      %get3A_597 = arith.constant 55 : i32
      %get3A_598 = arith.index_cast %get3A_597 : i32 to index
      %get3A_599 = arith.index_cast %mul3A_312 : i32 to index
      %get3A_600 = tpu.vector_load %arg6[%get3A_598, %get3A_599] {strides = array<i32>} : memref<80x512xf32, #tpu.memory_space<vmem>>, vector<16xf32>,
      %max3A_601 = arith.maximumf %max3A_596, %get3A_600 : vector<16xf32>
      %get3A_602 = arith.constant 56 : i32
      %get3A_603 = arith.index_cast %get3A_602 : i32 to index
      %get3A_604 = arith.index_cast %mul3A_312 : i32 to index
      %get3A_605 = tpu.vector_load %arg6[%get3A_603, %get3A_604] {strides = array<i32>} : memref<80x512xf32, #tpu.memory_space<vmem>>, vector<16xf32>,
      %max3A_606 = arith.maximumf %max3A_601, %get3A_605 : vector<16xf32>
      %get3A_607 = arith.constant 57 : i32
      %get3A_608 = arith.index_cast %get3A_607 : i32 to index
      %get3A_609 = arith.index_cast %mul3A_312 : i32 to index
      %get3A_610 = tpu.vector_load %arg6[%get3A_608, %get3A_609] {strides = array<i32>} : memref<80x512xf32, #tpu.memory_space<vmem>>, vector<16xf32>,
      %max3A_611 = arith.maximumf %max3A_606, %get3A_610 : vector<16xf32>
      %get3A_612 = arith.constant 58 : i32
      %get3A_613 = arith.index_cast %get3A_612 : i32 to index
      %get3A_614 = arith.index_cast %mul3A_312 : i32 to index
      %get3A_615 = tpu.vector_load %arg6[%get3A_613, %get3A_614] {strides = array<i32>} : memref<80x512xf32, #tpu.memory_space<vmem>>, vector<16xf32>,
      %max3A_616 = arith.maximumf %max3A_611, %get3A_615 : vector<16xf32>
      %get3A_617 = arith.constant 59 : i32
      %get3A_618 = arith.index_cast %get3A_617 : i32 to index
      %get3A_619 = arith.index_cast %mul3A_312 : i32 to index
      %get3A_620 = tpu.vector_load %arg6[%get3A_618, %get3A_619] {strides = array<i32>} : memref<80x512xf32, #tpu.memory_space<vmem>>, vector<16xf32>,
      %max3A_621 = arith.maximumf %max3A_616, %get3A_620 : vector<16xf32>
      %get3A_622 = arith.constant 60 : i32
      %get3A_623 = arith.index_cast %get3A_622 : i32 to index
      %get3A_624 = arith.index_cast %mul3A_312 : i32 to index
      %get3A_625 = tpu.vector_load %arg6[%get3A_623, %get3A_624] {strides = array<i32>} : memref<80x512xf32, #tpu.memory_space<vmem>>, vector<16xf32>,
      %max3A_626 = arith.maximumf %max3A_621, %get3A_625 : vector<16xf32>
      %get3A_627 = arith.constant 61 : i32
      %get3A_628 = arith.index_cast %get3A_627 : i32 to index
      %get3A_629 = arith.index_cast %mul3A_312 : i32 to index
      %get3A_630 = tpu.vector_load %arg6[%get3A_628, %get3A_629] {strides = array<i32>} : memref<80x512xf32, #tpu.memory_space<vmem>>, vector<16xf32>,
      %max3A_631 = arith.maximumf %max3A_626, %get3A_630 : vector<16xf32>
      %get3A_632 = arith.constant 62 : i32
      %get3A_633 = arith.index_cast %get3A_632 : i32 to index
      %get3A_634 = arith.index_cast %mul3A_312 : i32 to index
      %get3A_635 = tpu.vector_load %arg6[%get3A_633, %get3A_634] {strides = array<i32>} : memref<80x512xf32, #tpu.memory_space<vmem>>, vector<16xf32>,
      %max3A_636 = arith.maximumf %max3A_631, %get3A_635 : vector<16xf32>
      %get3A_637 = arith.constant 63 : i32
      %get3A_638 = arith.index_cast %get3A_637 : i32 to index
      %get3A_639 = arith.index_cast %mul3A_312 : i32 to index
      %get3A_640 = tpu.vector_load %arg6[%get3A_638, %get3A_639] {strides = array<i32>} : memref<80x512xf32, #tpu.memory_space<vmem>>, vector<16xf32>,
      %max3A_641 = arith.maximumf %max3A_636, %get3A_640 : vector<16xf32>
      %get3A_642 = arith.constant 64 : i32
      %get3A_643 = arith.index_cast %get3A_642 : i32 to index
      %get3A_644 = arith.index_cast %mul3A_312 : i32 to index
      %get3A_645 = tpu.vector_load %arg6[%get3A_643, %get3A_644] {strides = array<i32>} : memref<80x512xf32, #tpu.memory_space<vmem>>, vector<16xf32>,
      %max3A_646 = arith.maximumf %max3A_641, %get3A_645 : vector<16xf32>
      %get3A_647 = arith.constant 65 : i32
      %get3A_648 = arith.index_cast %get3A_647 : i32 to index
      %get3A_649 = arith.index_cast %mul3A_312 : i32 to index
      %get3A_650 = tpu.vector_load %arg6[%get3A_648, %get3A_649] {strides = array<i32>} : memref<80x512xf32, #tpu.memory_space<vmem>>, vector<16xf32>,
      %max3A_651 = arith.maximumf %max3A_646, %get3A_650 : vector<16xf32>
      %get3A_652 = arith.constant 66 : i32
      %get3A_653 = arith.index_cast %get3A_652 : i32 to index
      %get3A_654 = arith.index_cast %mul3A_312 : i32 to index
      %get3A_655 = tpu.vector_load %arg6[%get3A_653, %get3A_654] {strides = array<i32>} : memref<80x512xf32, #tpu.memory_space<vmem>>, vector<16xf32>,
      %max3A_656 = arith.maximumf %max3A_651, %get3A_655 : vector<16xf32>
      %get3A_657 = arith.constant 67 : i32
      %get3A_658 = arith.index_cast %get3A_657 : i32 to index
      %get3A_659 = arith.index_cast %mul3A_312 : i32 to index
      %get3A_660 = tpu.vector_load %arg6[%get3A_658, %get3A_659] {strides = array<i32>} : memref<80x512xf32, #tpu.memory_space<vmem>>, vector<16xf32>,
      %max3A_661 = arith.maximumf %max3A_656, %get3A_660 : vector<16xf32>
      %get3A_662 = arith.constant 68 : i32
      %get3A_663 = arith.index_cast %get3A_662 : i32 to index
      %get3A_664 = arith.index_cast %mul3A_312 : i32 to index
      %get3A_665 = tpu.vector_load %arg6[%get3A_663, %get3A_664] {strides = array<i32>} : memref<80x512xf32, #tpu.memory_space<vmem>>, vector<16xf32>,
      %max3A_666 = arith.maximumf %max3A_661, %get3A_665 : vector<16xf32>
      %get3A_667 = arith.constant 69 : i32
      %get3A_668 = arith.index_cast %get3A_667 : i32 to index
      %get3A_669 = arith.index_cast %mul3A_312 : i32 to index
      %get3A_670 = tpu.vector_load %arg6[%get3A_668, %get3A_669] {strides = array<i32>} : memref<80x512xf32, #tpu.memory_space<vmem>>, vector<16xf32>,
      %max3A_671 = arith.maximumf %max3A_666, %get3A_670 : vector<16xf32>
      %get3A_672 = arith.constant 70 : i32
      %get3A_673 = arith.index_cast %get3A_672 : i32 to index
      %get3A_674 = arith.index_cast %mul3A_312 : i32 to index
      %get3A_675 = tpu.vector_load %arg6[%get3A_673, %get3A_674] {strides = array<i32>} : memref<80x512xf32, #tpu.memory_space<vmem>>, vector<16xf32>,
      %max3A_676 = arith.maximumf %max3A_671, %get3A_675 : vector<16xf32>
      %get3A_677 = arith.constant 71 : i32
      %get3A_678 = arith.index_cast %get3A_677 : i32 to index
      %get3A_679 = arith.index_cast %mul3A_312 : i32 to index
      %get3A_680 = tpu.vector_load %arg6[%get3A_678, %get3A_679] {strides = array<i32>} : memref<80x512xf32, #tpu.memory_space<vmem>>, vector<16xf32>,
      %max3A_681 = arith.maximumf %max3A_676, %get3A_680 : vector<16xf32>
      %get3A_682 = arith.constant 72 : i32
      %get3A_683 = arith.index_cast %get3A_682 : i32 to index
      %get3A_684 = arith.index_cast %mul3A_312 : i32 to index
      %get3A_685 = tpu.vector_load %arg6[%get3A_683, %get3A_684] {strides = array<i32>} : memref<80x512xf32, #tpu.memory_space<vmem>>, vector<16xf32>,
      %max3A_686 = arith.maximumf %max3A_681, %get3A_685 : vector<16xf32>
      %get3A_687 = arith.constant 73 : i32
      %get3A_688 = arith.index_cast %get3A_687 : i32 to index
      %get3A_689 = arith.index_cast %mul3A_312 : i32 to index
      %get3A_690 = tpu.vector_load %arg6[%get3A_688, %get3A_689] {strides = array<i32>} : memref<80x512xf32, #tpu.memory_space<vmem>>, vector<16xf32>,
      %max3A_691 = arith.maximumf %max3A_686, %get3A_690 : vector<16xf32>
      %get3A_692 = arith.constant 74 : i32
      %get3A_693 = arith.index_cast %get3A_692 : i32 to index
      %get3A_694 = arith.index_cast %mul3A_312 : i32 to index
      %get3A_695 = tpu.vector_load %arg6[%get3A_693, %get3A_694] {strides = array<i32>} : memref<80x512xf32, #tpu.memory_space<vmem>>, vector<16xf32>,
      %max3A_696 = arith.maximumf %max3A_691, %get3A_695 : vector<16xf32>
      %get3A_697 = arith.constant 75 : i32
      %get3A_698 = arith.index_cast %get3A_697 : i32 to index
      %get3A_699 = arith.index_cast %mul3A_312 : i32 to index
      %get3A_700 = tpu.vector_load %arg6[%get3A_698, %get3A_699] {strides = array<i32>} : memref<80x512xf32, #tpu.memory_space<vmem>>, vector<16xf32>,
      %max3A_701 = arith.maximumf %max3A_696, %get3A_700 : vector<16xf32>
      %get3A_702 = arith.constant 76 : i32
      %get3A_703 = arith.index_cast %get3A_702 : i32 to index
      %get3A_704 = arith.index_cast %mul3A_312 : i32 to index
      %get3A_705 = tpu.vector_load %arg6[%get3A_703, %get3A_704] {strides = array<i32>} : memref<80x512xf32, #tpu.memory_space<vmem>>, vector<16xf32>,
      %max3A_706 = arith.maximumf %max3A_701, %get3A_705 : vector<16xf32>
      %get3A_707 = arith.constant 77 : i32
      %get3A_708 = arith.index_cast %get3A_707 : i32 to index
      %get3A_709 = arith.index_cast %mul3A_312 : i32 to index
      %get3A_710 = tpu.vector_load %arg6[%get3A_708, %get3A_709] {strides = array<i32>} : memref<80x512xf32, #tpu.memory_space<vmem>>, vector<16xf32>,
      %max3A_711 = arith.maximumf %max3A_706, %get3A_710 : vector<16xf32>
      %get3A_712 = arith.constant 78 : i32
      %get3A_713 = arith.index_cast %get3A_712 : i32 to index
      %get3A_714 = arith.index_cast %mul3A_312 : i32 to index
      %get3A_715 = tpu.vector_load %arg6[%get3A_713, %get3A_714] {strides = array<i32>} : memref<80x512xf32, #tpu.memory_space<vmem>>, vector<16xf32>,
      %max3A_716 = arith.maximumf %max3A_711, %get3A_715 : vector<16xf32>
      %get3A_717 = arith.constant 79 : i32
      %get3A_718 = arith.index_cast %get3A_717 : i32 to index
      %get3A_719 = arith.index_cast %mul3A_312 : i32 to index
      %get3A_720 = tpu.vector_load %arg6[%get3A_718, %get3A_719] {strides = array<i32>} : memref<80x512xf32, #tpu.memory_space<vmem>>, vector<16xf32>,
      %max3A_721 = arith.maximumf %max3A_716, %get3A_720 : vector<16xf32>
      %broadcast_in_dim3A_722 = arith.constant 0.000000e+00 : f32
      %broadcast_in_dim3A_723 = vector.broadcast %broadcast_in_dim3A_722 : f32 to vector<16xf32>
      %get3A_724 = arith.constant 0 : i32
      %get3A_725 = arith.index_cast %get3A_724 : i32 to index
      %get3A_726 = arith.index_cast %mul3A_312 : i32 to index
      %get3A_727 = tpu.vector_load %arg6[%get3A_725, %get3A_726] {strides = array<i32>} : memref<80x512xf32, #tpu.memory_space<vmem>>, vector<16xf32>,
      %sub3A_728 = arith.subf %get3A_727, %max3A_721 : vector<16xf32>
      %exp3A = math.exp %sub3A_728 : vector<16xf32>
      %add3A_729 = arith.addf %broadcast_in_dim3A_723, %exp3A : vector<16xf32>
      %get3A_730 = arith.constant 1 : i32
      %get3A_731 = arith.index_cast %get3A_730 : i32 to index
      %get3A_732 = arith.index_cast %mul3A_312 : i32 to index
      %get3A_733 = tpu.vector_load %arg6[%get3A_731, %get3A_732] {strides = array<i32>} : memref<80x512xf32, #tpu.memory_space<vmem>>, vector<16xf32>,
      %sub3A_734 = arith.subf %get3A_733, %max3A_721 : vector<16xf32>
      %exp3A_735 = math.exp %sub3A_734 : vector<16xf32>
      %add3A_736 = arith.addf %add3A_729, %exp3A_735 : vector<16xf32>
      %get3A_737 = arith.constant 2 : i32
      %get3A_738 = arith.index_cast %get3A_737 : i32 to index
      %get3A_739 = arith.index_cast %mul3A_312 : i32 to index
      %get3A_740 = tpu.vector_load %arg6[%get3A_738, %get3A_739] {strides = array<i32>} : memref<80x512xf32, #tpu.memory_space<vmem>>, vector<16xf32>,
      %sub3A_741 = arith.subf %get3A_740, %max3A_721 : vector<16xf32>
      %exp3A_742 = math.exp %sub3A_741 : vector<16xf32>
      %add3A_743 = arith.addf %add3A_736, %exp3A_742 : vector<16xf32>
      %get3A_744 = arith.constant 3 : i32
      %get3A_745 = arith.index_cast %get3A_744 : i32 to index
      %get3A_746 = arith.index_cast %mul3A_312 : i32 to index
      %get3A_747 = tpu.vector_load %arg6[%get3A_745, %get3A_746] {strides = array<i32>} : memref<80x512xf32, #tpu.memory_space<vmem>>, vector<16xf32>,
      %sub3A_748 = arith.subf %get3A_747, %max3A_721 : vector<16xf32>
      %exp3A_749 = math.exp %sub3A_748 : vector<16xf32>
      %add3A_750 = arith.addf %add3A_743, %exp3A_749 : vector<16xf32>
      %get3A_751 = arith.constant 4 : i32
      %get3A_752 = arith.index_cast %get3A_751 : i32 to index
      %get3A_753 = arith.index_cast %mul3A_312 : i32 to index
      %get3A_754 = tpu.vector_load %arg6[%get3A_752, %get3A_753] {strides = array<i32>} : memref<80x512xf32, #tpu.memory_space<vmem>>, vector<16xf32>,
      %sub3A_755 = arith.subf %get3A_754, %max3A_721 : vector<16xf32>
      %exp3A_756 = math.exp %sub3A_755 : vector<16xf32>
      %add3A_757 = arith.addf %add3A_750, %exp3A_756 : vector<16xf32>
      %get3A_758 = arith.constant 5 : i32
      %get3A_759 = arith.index_cast %get3A_758 : i32 to index
      %get3A_760 = arith.index_cast %mul3A_312 : i32 to index
      %get3A_761 = tpu.vector_load %arg6[%get3A_759, %get3A_760] {strides = array<i32>} : memref<80x512xf32, #tpu.memory_space<vmem>>, vector<16xf32>,
      %sub3A_762 = arith.subf %get3A_761, %max3A_721 : vector<16xf32>
      %exp3A_763 = math.exp %sub3A_762 : vector<16xf32>
      %add3A_764 = arith.addf %add3A_757, %exp3A_763 : vector<16xf32>
      %get3A_765 = arith.constant 6 : i32
      %get3A_766 = arith.index_cast %get3A_765 : i32 to index
      %get3A_767 = arith.index_cast %mul3A_312 : i32 to index
      %get3A_768 = tpu.vector_load %arg6[%get3A_766, %get3A_767] {strides = array<i32>} : memref<80x512xf32, #tpu.memory_space<vmem>>, vector<16xf32>,
      %sub3A_769 = arith.subf %get3A_768, %max3A_721 : vector<16xf32>
      %exp3A_770 = math.exp %sub3A_769 : vector<16xf32>
      %add3A_771 = arith.addf %add3A_764, %exp3A_770 : vector<16xf32>
      %get3A_772 = arith.constant 7 : i32
      %get3A_773 = arith.index_cast %get3A_772 : i32 to index
      %get3A_774 = arith.index_cast %mul3A_312 : i32 to index
      %get3A_775 = tpu.vector_load %arg6[%get3A_773, %get3A_774] {strides = array<i32>} : memref<80x512xf32, #tpu.memory_space<vmem>>, vector<16xf32>,
      %sub3A_776 = arith.subf %get3A_775, %max3A_721 : vector<16xf32>
      %exp3A_777 = math.exp %sub3A_776 : vector<16xf32>
      %add3A_778 = arith.addf %add3A_771, %exp3A_777 : vector<16xf32>
      %get3A_779 = arith.constant 8 : i32
      %get3A_780 = arith.index_cast %get3A_779 : i32 to index
      %get3A_781 = arith.index_cast %mul3A_312 : i32 to index
      %get3A_782 = tpu.vector_load %arg6[%get3A_780, %get3A_781] {strides = array<i32>} : memref<80x512xf32, #tpu.memory_space<vmem>>, vector<16xf32>,
      %sub3A_783 = arith.subf %get3A_782, %max3A_721 : vector<16xf32>
      %exp3A_784 = math.exp %sub3A_783 : vector<16xf32>
      %add3A_785 = arith.addf %add3A_778, %exp3A_784 : vector<16xf32>
      %get3A_786 = arith.constant 9 : i32
      %get3A_787 = arith.index_cast %get3A_786 : i32 to index
      %get3A_788 = arith.index_cast %mul3A_312 : i32 to index
      %get3A_789 = tpu.vector_load %arg6[%get3A_787, %get3A_788] {strides = array<i32>} : memref<80x512xf32, #tpu.memory_space<vmem>>, vector<16xf32>,
      %sub3A_790 = arith.subf %get3A_789, %max3A_721 : vector<16xf32>
      %exp3A_791 = math.exp %sub3A_790 : vector<16xf32>
      %add3A_792 = arith.addf %add3A_785, %exp3A_791 : vector<16xf32>
      %get3A_793 = arith.constant 10 : i32
      %get3A_794 = arith.index_cast %get3A_793 : i32 to index
      %get3A_795 = arith.index_cast %mul3A_312 : i32 to index
      %get3A_796 = tpu.vector_load %arg6[%get3A_794, %get3A_795] {strides = array<i32>} : memref<80x512xf32, #tpu.memory_space<vmem>>, vector<16xf32>,
      %sub3A_797 = arith.subf %get3A_796, %max3A_721 : vector<16xf32>
      %exp3A_798 = math.exp %sub3A_797 : vector<16xf32>
      %add3A_799 = arith.addf %add3A_792, %exp3A_798 : vector<16xf32>
      %get3A_800 = arith.constant 11 : i32
      %get3A_801 = arith.index_cast %get3A_800 : i32 to index
      %get3A_802 = arith.index_cast %mul3A_312 : i32 to index
      %get3A_803 = tpu.vector_load %arg6[%get3A_801, %get3A_802] {strides = array<i32>} : memref<80x512xf32, #tpu.memory_space<vmem>>, vector<16xf32>,
      %sub3A_804 = arith.subf %get3A_803, %max3A_721 : vector<16xf32>
      %exp3A_805 = math.exp %sub3A_804 : vector<16xf32>
      %add3A_806 = arith.addf %add3A_799, %exp3A_805 : vector<16xf32>
      %get3A_807 = arith.constant 12 : i32
      %get3A_808 = arith.index_cast %get3A_807 : i32 to index
      %get3A_809 = arith.index_cast %mul3A_312 : i32 to index
      %get3A_810 = tpu.vector_load %arg6[%get3A_808, %get3A_809] {strides = array<i32>} : memref<80x512xf32, #tpu.memory_space<vmem>>, vector<16xf32>,
      %sub3A_811 = arith.subf %get3A_810, %max3A_721 : vector<16xf32>
      %exp3A_812 = math.exp %sub3A_811 : vector<16xf32>
      %add3A_813 = arith.addf %add3A_806, %exp3A_812 : vector<16xf32>
      %get3A_814 = arith.constant 13 : i32
      %get3A_815 = arith.index_cast %get3A_814 : i32 to index
      %get3A_816 = arith.index_cast %mul3A_312 : i32 to index
      %get3A_817 = tpu.vector_load %arg6[%get3A_815, %get3A_816] {strides = array<i32>} : memref<80x512xf32, #tpu.memory_space<vmem>>, vector<16xf32>,
      %sub3A_818 = arith.subf %get3A_817, %max3A_721 : vector<16xf32>
      %exp3A_819 = math.exp %sub3A_818 : vector<16xf32>
      %add3A_820 = arith.addf %add3A_813, %exp3A_819 : vector<16xf32>
      %get3A_821 = arith.constant 14 : i32
      %get3A_822 = arith.index_cast %get3A_821 : i32 to index
      %get3A_823 = arith.index_cast %mul3A_312 : i32 to index
      %get3A_824 = tpu.vector_load %arg6[%get3A_822, %get3A_823] {strides = array<i32>} : memref<80x512xf32, #tpu.memory_space<vmem>>, vector<16xf32>,
      %sub3A_825 = arith.subf %get3A_824, %max3A_721 : vector<16xf32>
      %exp3A_826 = math.exp %sub3A_825 : vector<16xf32>
      %add3A_827 = arith.addf %add3A_820, %exp3A_826 : vector<16xf32>
      %get3A_828 = arith.constant 15 : i32
      %get3A_829 = arith.index_cast %get3A_828 : i32 to index
      %get3A_830 = arith.index_cast %mul3A_312 : i32 to index
      %get3A_831 = tpu.vector_load %arg6[%get3A_829, %get3A_830] {strides = array<i32>} : memref<80x512xf32, #tpu.memory_space<vmem>>, vector<16xf32>,
      %sub3A_832 = arith.subf %get3A_831, %max3A_721 : vector<16xf32>
      %exp3A_833 = math.exp %sub3A_832 : vector<16xf32>
      %add3A_834 = arith.addf %add3A_827, %exp3A_833 : vector<16xf32>
      %get3A_835 = arith.constant 16 : i32
      %get3A_836 = arith.index_cast %get3A_835 : i32 to index
      %get3A_837 = arith.index_cast %mul3A_312 : i32 to index
      %get3A_838 = tpu.vector_load %arg6[%get3A_836, %get3A_837] {strides = array<i32>} : memref<80x512xf32, #tpu.memory_space<vmem>>, vector<16xf32>,
      %sub3A_839 = arith.subf %get3A_838, %max3A_721 : vector<16xf32>
      %exp3A_840 = math.exp %sub3A_839 : vector<16xf32>
      %add3A_841 = arith.addf %add3A_834, %exp3A_840 : vector<16xf32>
      %get3A_842 = arith.constant 17 : i32
      %get3A_843 = arith.index_cast %get3A_842 : i32 to index
      %get3A_844 = arith.index_cast %mul3A_312 : i32 to index
      %get3A_845 = tpu.vector_load %arg6[%get3A_843, %get3A_844] {strides = array<i32>} : memref<80x512xf32, #tpu.memory_space<vmem>>, vector<16xf32>,
      %sub3A_846 = arith.subf %get3A_845, %max3A_721 : vector<16xf32>
      %exp3A_847 = math.exp %sub3A_846 : vector<16xf32>
      %add3A_848 = arith.addf %add3A_841, %exp3A_847 : vector<16xf32>
      %get3A_849 = arith.constant 18 : i32
      %get3A_850 = arith.index_cast %get3A_849 : i32 to index
      %get3A_851 = arith.index_cast %mul3A_312 : i32 to index
      %get3A_852 = tpu.vector_load %arg6[%get3A_850, %get3A_851] {strides = array<i32>} : memref<80x512xf32, #tpu.memory_space<vmem>>, vector<16xf32>,
      %sub3A_853 = arith.subf %get3A_852, %max3A_721 : vector<16xf32>
      %exp3A_854 = math.exp %sub3A_853 : vector<16xf32>
      %add3A_855 = arith.addf %add3A_848, %exp3A_854 : vector<16xf32>
      %get3A_856 = arith.constant 19 : i32
      %get3A_857 = arith.index_cast %get3A_856 : i32 to index
      %get3A_858 = arith.index_cast %mul3A_312 : i32 to index
      %get3A_859 = tpu.vector_load %arg6[%get3A_857, %get3A_858] {strides = array<i32>} : memref<80x512xf32, #tpu.memory_space<vmem>>, vector<16xf32>,
      %sub3A_860 = arith.subf %get3A_859, %max3A_721 : vector<16xf32>
      %exp3A_861 = math.exp %sub3A_860 : vector<16xf32>
      %add3A_862 = arith.addf %add3A_855, %exp3A_861 : vector<16xf32>
      %get3A_863 = arith.constant 20 : i32
      %get3A_864 = arith.index_cast %get3A_863 : i32 to index
      %get3A_865 = arith.index_cast %mul3A_312 : i32 to index
      %get3A_866 = tpu.vector_load %arg6[%get3A_864, %get3A_865] {strides = array<i32>} : memref<80x512xf32, #tpu.memory_space<vmem>>, vector<16xf32>,
      %sub3A_867 = arith.subf %get3A_866, %max3A_721 : vector<16xf32>
      %exp3A_868 = math.exp %sub3A_867 : vector<16xf32>
      %add3A_869 = arith.addf %add3A_862, %exp3A_868 : vector<16xf32>
      %get3A_870 = arith.constant 21 : i32
      %get3A_871 = arith.index_cast %get3A_870 : i32 to index
      %get3A_872 = arith.index_cast %mul3A_312 : i32 to index
      %get3A_873 = tpu.vector_load %arg6[%get3A_871, %get3A_872] {strides = array<i32>} : memref<80x512xf32, #tpu.memory_space<vmem>>, vector<16xf32>,
      %sub3A_874 = arith.subf %get3A_873, %max3A_721 : vector<16xf32>
      %exp3A_875 = math.exp %sub3A_874 : vector<16xf32>
      %add3A_876 = arith.addf %add3A_869, %exp3A_875 : vector<16xf32>
      %get3A_877 = arith.constant 22 : i32
      %get3A_878 = arith.index_cast %get3A_877 : i32 to index
      %get3A_879 = arith.index_cast %mul3A_312 : i32 to index
      %get3A_880 = tpu.vector_load %arg6[%get3A_878, %get3A_879] {strides = array<i32>} : memref<80x512xf32, #tpu.memory_space<vmem>>, vector<16xf32>,
      %sub3A_881 = arith.subf %get3A_880, %max3A_721 : vector<16xf32>
      %exp3A_882 = math.exp %sub3A_881 : vector<16xf32>
      %add3A_883 = arith.addf %add3A_876, %exp3A_882 : vector<16xf32>
      %get3A_884 = arith.constant 23 : i32
      %get3A_885 = arith.index_cast %get3A_884 : i32 to index
      %get3A_886 = arith.index_cast %mul3A_312 : i32 to index
      %get3A_887 = tpu.vector_load %arg6[%get3A_885, %get3A_886] {strides = array<i32>} : memref<80x512xf32, #tpu.memory_space<vmem>>, vector<16xf32>,
      %sub3A_888 = arith.subf %get3A_887, %max3A_721 : vector<16xf32>
      %exp3A_889 = math.exp %sub3A_888 : vector<16xf32>
      %add3A_890 = arith.addf %add3A_883, %exp3A_889 : vector<16xf32>
      %get3A_891 = arith.constant 24 : i32
      %get3A_892 = arith.index_cast %get3A_891 : i32 to index
      %get3A_893 = arith.index_cast %mul3A_312 : i32 to index
      %get3A_894 = tpu.vector_load %arg6[%get3A_892, %get3A_893] {strides = array<i32>} : memref<80x512xf32, #tpu.memory_space<vmem>>, vector<16xf32>,
      %sub3A_895 = arith.subf %get3A_894, %max3A_721 : vector<16xf32>
      %exp3A_896 = math.exp %sub3A_895 : vector<16xf32>
      %add3A_897 = arith.addf %add3A_890, %exp3A_896 : vector<16xf32>
      %get3A_898 = arith.constant 25 : i32
      %get3A_899 = arith.index_cast %get3A_898 : i32 to index
      %get3A_900 = arith.index_cast %mul3A_312 : i32 to index
      %get3A_901 = tpu.vector_load %arg6[%get3A_899, %get3A_900] {strides = array<i32>} : memref<80x512xf32, #tpu.memory_space<vmem>>, vector<16xf32>,
      %sub3A_902 = arith.subf %get3A_901, %max3A_721 : vector<16xf32>
      %exp3A_903 = math.exp %sub3A_902 : vector<16xf32>
      %add3A_904 = arith.addf %add3A_897, %exp3A_903 : vector<16xf32>
      %get3A_905 = arith.constant 26 : i32
      %get3A_906 = arith.index_cast %get3A_905 : i32 to index
      %get3A_907 = arith.index_cast %mul3A_312 : i32 to index
      %get3A_908 = tpu.vector_load %arg6[%get3A_906, %get3A_907] {strides = array<i32>} : memref<80x512xf32, #tpu.memory_space<vmem>>, vector<16xf32>,
      %sub3A_909 = arith.subf %get3A_908, %max3A_721 : vector<16xf32>
      %exp3A_910 = math.exp %sub3A_909 : vector<16xf32>
      %add3A_911 = arith.addf %add3A_904, %exp3A_910 : vector<16xf32>
      %get3A_912 = arith.constant 27 : i32
      %get3A_913 = arith.index_cast %get3A_912 : i32 to index
      %get3A_914 = arith.index_cast %mul3A_312 : i32 to index
      %get3A_915 = tpu.vector_load %arg6[%get3A_913, %get3A_914] {strides = array<i32>} : memref<80x512xf32, #tpu.memory_space<vmem>>, vector<16xf32>,
      %sub3A_916 = arith.subf %get3A_915, %max3A_721 : vector<16xf32>
      %exp3A_917 = math.exp %sub3A_916 : vector<16xf32>
      %add3A_918 = arith.addf %add3A_911, %exp3A_917 : vector<16xf32>
      %get3A_919 = arith.constant 28 : i32
      %get3A_920 = arith.index_cast %get3A_919 : i32 to index
      %get3A_921 = arith.index_cast %mul3A_312 : i32 to index
      %get3A_922 = tpu.vector_load %arg6[%get3A_920, %get3A_921] {strides = array<i32>} : memref<80x512xf32, #tpu.memory_space<vmem>>, vector<16xf32>,
      %sub3A_923 = arith.subf %get3A_922, %max3A_721 : vector<16xf32>
      %exp3A_924 = math.exp %sub3A_923 : vector<16xf32>
      %add3A_925 = arith.addf %add3A_918, %exp3A_924 : vector<16xf32>
      %get3A_926 = arith.constant 29 : i32
      %get3A_927 = arith.index_cast %get3A_926 : i32 to index
      %get3A_928 = arith.index_cast %mul3A_312 : i32 to index
      %get3A_929 = tpu.vector_load %arg6[%get3A_927, %get3A_928] {strides = array<i32>} : memref<80x512xf32, #tpu.memory_space<vmem>>, vector<16xf32>,
      %sub3A_930 = arith.subf %get3A_929, %max3A_721 : vector<16xf32>
      %exp3A_931 = math.exp %sub3A_930 : vector<16xf32>
      %add3A_932 = arith.addf %add3A_925, %exp3A_931 : vector<16xf32>
      %get3A_933 = arith.constant 30 : i32
      %get3A_934 = arith.index_cast %get3A_933 : i32 to index
      %get3A_935 = arith.index_cast %mul3A_312 : i32 to index
      %get3A_936 = tpu.vector_load %arg6[%get3A_934, %get3A_935] {strides = array<i32>} : memref<80x512xf32, #tpu.memory_space<vmem>>, vector<16xf32>,
      %sub3A_937 = arith.subf %get3A_936, %max3A_721 : vector<16xf32>
      %exp3A_938 = math.exp %sub3A_937 : vector<16xf32>
      %add3A_939 = arith.addf %add3A_932, %exp3A_938 : vector<16xf32>
      %get3A_940 = arith.constant 31 : i32
      %get3A_941 = arith.index_cast %get3A_940 : i32 to index
      %get3A_942 = arith.index_cast %mul3A_312 : i32 to index
      %get3A_943 = tpu.vector_load %arg6[%get3A_941, %get3A_942] {strides = array<i32>} : memref<80x512xf32, #tpu.memory_space<vmem>>, vector<16xf32>,
      %sub3A_944 = arith.subf %get3A_943, %max3A_721 : vector<16xf32>
      %exp3A_945 = math.exp %sub3A_944 : vector<16xf32>
      %add3A_946 = arith.addf %add3A_939, %exp3A_945 : vector<16xf32>
      %get3A_947 = arith.constant 32 : i32
      %get3A_948 = arith.index_cast %get3A_947 : i32 to index
      %get3A_949 = arith.index_cast %mul3A_312 : i32 to index
      %get3A_950 = tpu.vector_load %arg6[%get3A_948, %get3A_949] {strides = array<i32>} : memref<80x512xf32, #tpu.memory_space<vmem>>, vector<16xf32>,
      %sub3A_951 = arith.subf %get3A_950, %max3A_721 : vector<16xf32>
      %exp3A_952 = math.exp %sub3A_951 : vector<16xf32>
      %add3A_953 = arith.addf %add3A_946, %exp3A_952 : vector<16xf32>
      %get3A_954 = arith.constant 33 : i32
      %get3A_955 = arith.index_cast %get3A_954 : i32 to index
      %get3A_956 = arith.index_cast %mul3A_312 : i32 to index
      %get3A_957 = tpu.vector_load %arg6[%get3A_955, %get3A_956] {strides = array<i32>} : memref<80x512xf32, #tpu.memory_space<vmem>>, vector<16xf32>,
      %sub3A_958 = arith.subf %get3A_957, %max3A_721 : vector<16xf32>
      %exp3A_959 = math.exp %sub3A_958 : vector<16xf32>
      %add3A_960 = arith.addf %add3A_953, %exp3A_959 : vector<16xf32>
      %get3A_961 = arith.constant 34 : i32
      %get3A_962 = arith.index_cast %get3A_961 : i32 to index
      %get3A_963 = arith.index_cast %mul3A_312 : i32 to index
      %get3A_964 = tpu.vector_load %arg6[%get3A_962, %get3A_963] {strides = array<i32>} : memref<80x512xf32, #tpu.memory_space<vmem>>, vector<16xf32>,
      %sub3A_965 = arith.subf %get3A_964, %max3A_721 : vector<16xf32>
      %exp3A_966 = math.exp %sub3A_965 : vector<16xf32>
      %add3A_967 = arith.addf %add3A_960, %exp3A_966 : vector<16xf32>
      %get3A_968 = arith.constant 35 : i32
      %get3A_969 = arith.index_cast %get3A_968 : i32 to index
      %get3A_970 = arith.index_cast %mul3A_312 : i32 to index
      %get3A_971 = tpu.vector_load %arg6[%get3A_969, %get3A_970] {strides = array<i32>} : memref<80x512xf32, #tpu.memory_space<vmem>>, vector<16xf32>,
      %sub3A_972 = arith.subf %get3A_971, %max3A_721 : vector<16xf32>
      %exp3A_973 = math.exp %sub3A_972 : vector<16xf32>
      %add3A_974 = arith.addf %add3A_967, %exp3A_973 : vector<16xf32>
      %get3A_975 = arith.constant 36 : i32
      %get3A_976 = arith.index_cast %get3A_975 : i32 to index
      %get3A_977 = arith.index_cast %mul3A_312 : i32 to index
      %get3A_978 = tpu.vector_load %arg6[%get3A_976, %get3A_977] {strides = array<i32>} : memref<80x512xf32, #tpu.memory_space<vmem>>, vector<16xf32>,
      %sub3A_979 = arith.subf %get3A_978, %max3A_721 : vector<16xf32>
      %exp3A_980 = math.exp %sub3A_979 : vector<16xf32>
      %add3A_981 = arith.addf %add3A_974, %exp3A_980 : vector<16xf32>
      %get3A_982 = arith.constant 37 : i32
      %get3A_983 = arith.index_cast %get3A_982 : i32 to index
      %get3A_984 = arith.index_cast %mul3A_312 : i32 to index
      %get3A_985 = tpu.vector_load %arg6[%get3A_983, %get3A_984] {strides = array<i32>} : memref<80x512xf32, #tpu.memory_space<vmem>>, vector<16xf32>,
      %sub3A_986 = arith.subf %get3A_985, %max3A_721 : vector<16xf32>
      %exp3A_987 = math.exp %sub3A_986 : vector<16xf32>
      %add3A_988 = arith.addf %add3A_981, %exp3A_987 : vector<16xf32>
      %get3A_989 = arith.constant 38 : i32
      %get3A_990 = arith.index_cast %get3A_989 : i32 to index
      %get3A_991 = arith.index_cast %mul3A_312 : i32 to index
      %get3A_992 = tpu.vector_load %arg6[%get3A_990, %get3A_991] {strides = array<i32>} : memref<80x512xf32, #tpu.memory_space<vmem>>, vector<16xf32>,
      %sub3A_993 = arith.subf %get3A_992, %max3A_721 : vector<16xf32>
      %exp3A_994 = math.exp %sub3A_993 : vector<16xf32>
      %add3A_995 = arith.addf %add3A_988, %exp3A_994 : vector<16xf32>
      %get3A_996 = arith.constant 39 : i32
      %get3A_997 = arith.index_cast %get3A_996 : i32 to index
      %get3A_998 = arith.index_cast %mul3A_312 : i32 to index
      %get3A_999 = tpu.vector_load %arg6[%get3A_997, %get3A_998] {strides = array<i32>} : memref<80x512xf32, #tpu.memory_space<vmem>>, vector<16xf32>,
      %sub3A_1000 = arith.subf %get3A_999, %max3A_721 : vector<16xf32>
      %exp3A_1001 = math.exp %sub3A_1000 : vector<16xf32>
      %add3A_1002 = arith.addf %add3A_995, %exp3A_1001 : vector<16xf32>
      %get3A_1003 = arith.constant 40 : i32
      %get3A_1004 = arith.index_cast %get3A_1003 : i32 to index
      %get3A_1005 = arith.index_cast %mul3A_312 : i32 to index
      %get3A_1006 = tpu.vector_load %arg6[%get3A_1004, %get3A_1005] {strides = array<i32>} : memref<80x512xf32, #tpu.memory_space<vmem>>, vector<16xf32>,
      %sub3A_1007 = arith.subf %get3A_1006, %max3A_721 : vector<16xf32>
      %exp3A_1008 = math.exp %sub3A_1007 : vector<16xf32>
      %add3A_1009 = arith.addf %add3A_1002, %exp3A_1008 : vector<16xf32>
      %get3A_1010 = arith.constant 41 : i32
      %get3A_1011 = arith.index_cast %get3A_1010 : i32 to index
      %get3A_1012 = arith.index_cast %mul3A_312 : i32 to index
      %get3A_1013 = tpu.vector_load %arg6[%get3A_1011, %get3A_1012] {strides = array<i32>} : memref<80x512xf32, #tpu.memory_space<vmem>>, vector<16xf32>,
      %sub3A_1014 = arith.subf %get3A_1013, %max3A_721 : vector<16xf32>
      %exp3A_1015 = math.exp %sub3A_1014 : vector<16xf32>
      %add3A_1016 = arith.addf %add3A_1009, %exp3A_1015 : vector<16xf32>
      %get3A_1017 = arith.constant 42 : i32
      %get3A_1018 = arith.index_cast %get3A_1017 : i32 to index
      %get3A_1019 = arith.index_cast %mul3A_312 : i32 to index
      %get3A_1020 = tpu.vector_load %arg6[%get3A_1018, %get3A_1019] {strides = array<i32>} : memref<80x512xf32, #tpu.memory_space<vmem>>, vector<16xf32>,
      %sub3A_1021 = arith.subf %get3A_1020, %max3A_721 : vector<16xf32>
      %exp3A_1022 = math.exp %sub3A_1021 : vector<16xf32>
      %add3A_1023 = arith.addf %add3A_1016, %exp3A_1022 : vector<16xf32>
      %get3A_1024 = arith.constant 43 : i32
      %get3A_1025 = arith.index_cast %get3A_1024 : i32 to index
      %get3A_1026 = arith.index_cast %mul3A_312 : i32 to index
      %get3A_1027 = tpu.vector_load %arg6[%get3A_1025, %get3A_1026] {strides = array<i32>} : memref<80x512xf32, #tpu.memory_space<vmem>>, vector<16xf32>,
      %sub3A_1028 = arith.subf %get3A_1027, %max3A_721 : vector<16xf32>
      %exp3A_1029 = math.exp %sub3A_1028 : vector<16xf32>
      %add3A_1030 = arith.addf %add3A_1023, %exp3A_1029 : vector<16xf32>
      %get3A_1031 = arith.constant 44 : i32
      %get3A_1032 = arith.index_cast %get3A_1031 : i32 to index
      %get3A_1033 = arith.index_cast %mul3A_312 : i32 to index
      %get3A_1034 = tpu.vector_load %arg6[%get3A_1032, %get3A_1033] {strides = array<i32>} : memref<80x512xf32, #tpu.memory_space<vmem>>, vector<16xf32>,
      %sub3A_1035 = arith.subf %get3A_1034, %max3A_721 : vector<16xf32>
      %exp3A_1036 = math.exp %sub3A_1035 : vector<16xf32>
      %add3A_1037 = arith.addf %add3A_1030, %exp3A_1036 : vector<16xf32>
      %get3A_1038 = arith.constant 45 : i32
      %get3A_1039 = arith.index_cast %get3A_1038 : i32 to index
      %get3A_1040 = arith.index_cast %mul3A_312 : i32 to index
      %get3A_1041 = tpu.vector_load %arg6[%get3A_1039, %get3A_1040] {strides = array<i32>} : memref<80x512xf32, #tpu.memory_space<vmem>>, vector<16xf32>,
      %sub3A_1042 = arith.subf %get3A_1041, %max3A_721 : vector<16xf32>
      %exp3A_1043 = math.exp %sub3A_1042 : vector<16xf32>
      %add3A_1044 = arith.addf %add3A_1037, %exp3A_1043 : vector<16xf32>
      %get3A_1045 = arith.constant 46 : i32
      %get3A_1046 = arith.index_cast %get3A_1045 : i32 to index
      %get3A_1047 = arith.index_cast %mul3A_312 : i32 to index
      %get3A_1048 = tpu.vector_load %arg6[%get3A_1046, %get3A_1047] {strides = array<i32>} : memref<80x512xf32, #tpu.memory_space<vmem>>, vector<16xf32>,
      %sub3A_1049 = arith.subf %get3A_1048, %max3A_721 : vector<16xf32>
      %exp3A_1050 = math.exp %sub3A_1049 : vector<16xf32>
      %add3A_1051 = arith.addf %add3A_1044, %exp3A_1050 : vector<16xf32>
      %get3A_1052 = arith.constant 47 : i32
      %get3A_1053 = arith.index_cast %get3A_1052 : i32 to index
      %get3A_1054 = arith.index_cast %mul3A_312 : i32 to index
      %get3A_1055 = tpu.vector_load %arg6[%get3A_1053, %get3A_1054] {strides = array<i32>} : memref<80x512xf32, #tpu.memory_space<vmem>>, vector<16xf32>,
      %sub3A_1056 = arith.subf %get3A_1055, %max3A_721 : vector<16xf32>
      %exp3A_1057 = math.exp %sub3A_1056 : vector<16xf32>
      %add3A_1058 = arith.addf %add3A_1051, %exp3A_1057 : vector<16xf32>
      %get3A_1059 = arith.constant 48 : i32
      %get3A_1060 = arith.index_cast %get3A_1059 : i32 to index
      %get3A_1061 = arith.index_cast %mul3A_312 : i32 to index
      %get3A_1062 = tpu.vector_load %arg6[%get3A_1060, %get3A_1061] {strides = array<i32>} : memref<80x512xf32, #tpu.memory_space<vmem>>, vector<16xf32>,
      %sub3A_1063 = arith.subf %get3A_1062, %max3A_721 : vector<16xf32>
      %exp3A_1064 = math.exp %sub3A_1063 : vector<16xf32>
      %add3A_1065 = arith.addf %add3A_1058, %exp3A_1064 : vector<16xf32>
      %get3A_1066 = arith.constant 49 : i32
      %get3A_1067 = arith.index_cast %get3A_1066 : i32 to index
      %get3A_1068 = arith.index_cast %mul3A_312 : i32 to index
      %get3A_1069 = tpu.vector_load %arg6[%get3A_1067, %get3A_1068] {strides = array<i32>} : memref<80x512xf32, #tpu.memory_space<vmem>>, vector<16xf32>,
      %sub3A_1070 = arith.subf %get3A_1069, %max3A_721 : vector<16xf32>
      %exp3A_1071 = math.exp %sub3A_1070 : vector<16xf32>
      %add3A_1072 = arith.addf %add3A_1065, %exp3A_1071 : vector<16xf32>
      %get3A_1073 = arith.constant 50 : i32
      %get3A_1074 = arith.index_cast %get3A_1073 : i32 to index
      %get3A_1075 = arith.index_cast %mul3A_312 : i32 to index
      %get3A_1076 = tpu.vector_load %arg6[%get3A_1074, %get3A_1075] {strides = array<i32>} : memref<80x512xf32, #tpu.memory_space<vmem>>, vector<16xf32>,
      %sub3A_1077 = arith.subf %get3A_1076, %max3A_721 : vector<16xf32>
      %exp3A_1078 = math.exp %sub3A_1077 : vector<16xf32>
      %add3A_1079 = arith.addf %add3A_1072, %exp3A_1078 : vector<16xf32>
      %get3A_1080 = arith.constant 51 : i32
      %get3A_1081 = arith.index_cast %get3A_1080 : i32 to index
      %get3A_1082 = arith.index_cast %mul3A_312 : i32 to index
      %get3A_1083 = tpu.vector_load %arg6[%get3A_1081, %get3A_1082] {strides = array<i32>} : memref<80x512xf32, #tpu.memory_space<vmem>>, vector<16xf32>,
      %sub3A_1084 = arith.subf %get3A_1083, %max3A_721 : vector<16xf32>
      %exp3A_1085 = math.exp %sub3A_1084 : vector<16xf32>
      %add3A_1086 = arith.addf %add3A_1079, %exp3A_1085 : vector<16xf32>
      %get3A_1087 = arith.constant 52 : i32
      %get3A_1088 = arith.index_cast %get3A_1087 : i32 to index
      %get3A_1089 = arith.index_cast %mul3A_312 : i32 to index
      %get3A_1090 = tpu.vector_load %arg6[%get3A_1088, %get3A_1089] {strides = array<i32>} : memref<80x512xf32, #tpu.memory_space<vmem>>, vector<16xf32>,
      %sub3A_1091 = arith.subf %get3A_1090, %max3A_721 : vector<16xf32>
      %exp3A_1092 = math.exp %sub3A_1091 : vector<16xf32>
      %add3A_1093 = arith.addf %add3A_1086, %exp3A_1092 : vector<16xf32>
      %get3A_1094 = arith.constant 53 : i32
      %get3A_1095 = arith.index_cast %get3A_1094 : i32 to index
      %get3A_1096 = arith.index_cast %mul3A_312 : i32 to index
      %get3A_1097 = tpu.vector_load %arg6[%get3A_1095, %get3A_1096] {strides = array<i32>} : memref<80x512xf32, #tpu.memory_space<vmem>>, vector<16xf32>,
      %sub3A_1098 = arith.subf %get3A_1097, %max3A_721 : vector<16xf32>
      %exp3A_1099 = math.exp %sub3A_1098 : vector<16xf32>
      %add3A_1100 = arith.addf %add3A_1093, %exp3A_1099 : vector<16xf32>
      %get3A_1101 = arith.constant 54 : i32
      %get3A_1102 = arith.index_cast %get3A_1101 : i32 to index
      %get3A_1103 = arith.index_cast %mul3A_312 : i32 to index
      %get3A_1104 = tpu.vector_load %arg6[%get3A_1102, %get3A_1103] {strides = array<i32>} : memref<80x512xf32, #tpu.memory_space<vmem>>, vector<16xf32>,
      %sub3A_1105 = arith.subf %get3A_1104, %max3A_721 : vector<16xf32>
      %exp3A_1106 = math.exp %sub3A_1105 : vector<16xf32>
      %add3A_1107 = arith.addf %add3A_1100, %exp3A_1106 : vector<16xf32>
      %get3A_1108 = arith.constant 55 : i32
      %get3A_1109 = arith.index_cast %get3A_1108 : i32 to index
      %get3A_1110 = arith.index_cast %mul3A_312 : i32 to index
      %get3A_1111 = tpu.vector_load %arg6[%get3A_1109, %get3A_1110] {strides = array<i32>} : memref<80x512xf32, #tpu.memory_space<vmem>>, vector<16xf32>,
      %sub3A_1112 = arith.subf %get3A_1111, %max3A_721 : vector<16xf32>
      %exp3A_1113 = math.exp %sub3A_1112 : vector<16xf32>
      %add3A_1114 = arith.addf %add3A_1107, %exp3A_1113 : vector<16xf32>
      %get3A_1115 = arith.constant 56 : i32
      %get3A_1116 = arith.index_cast %get3A_1115 : i32 to index
      %get3A_1117 = arith.index_cast %mul3A_312 : i32 to index
      %get3A_1118 = tpu.vector_load %arg6[%get3A_1116, %get3A_1117] {strides = array<i32>} : memref<80x512xf32, #tpu.memory_space<vmem>>, vector<16xf32>,
      %sub3A_1119 = arith.subf %get3A_1118, %max3A_721 : vector<16xf32>
      %exp3A_1120 = math.exp %sub3A_1119 : vector<16xf32>
      %add3A_1121 = arith.addf %add3A_1114, %exp3A_1120 : vector<16xf32>
      %get3A_1122 = arith.constant 57 : i32
      %get3A_1123 = arith.index_cast %get3A_1122 : i32 to index
      %get3A_1124 = arith.index_cast %mul3A_312 : i32 to index
      %get3A_1125 = tpu.vector_load %arg6[%get3A_1123, %get3A_1124] {strides = array<i32>} : memref<80x512xf32, #tpu.memory_space<vmem>>, vector<16xf32>,
      %sub3A_1126 = arith.subf %get3A_1125, %max3A_721 : vector<16xf32>
      %exp3A_1127 = math.exp %sub3A_1126 : vector<16xf32>
      %add3A_1128 = arith.addf %add3A_1121, %exp3A_1127 : vector<16xf32>
      %get3A_1129 = arith.constant 58 : i32
      %get3A_1130 = arith.index_cast %get3A_1129 : i32 to index
      %get3A_1131 = arith.index_cast %mul3A_312 : i32 to index
      %get3A_1132 = tpu.vector_load %arg6[%get3A_1130, %get3A_1131] {strides = array<i32>} : memref<80x512xf32, #tpu.memory_space<vmem>>, vector<16xf32>,
      %sub3A_1133 = arith.subf %get3A_1132, %max3A_721 : vector<16xf32>
      %exp3A_1134 = math.exp %sub3A_1133 : vector<16xf32>
      %add3A_1135 = arith.addf %add3A_1128, %exp3A_1134 : vector<16xf32>
      %get3A_1136 = arith.constant 59 : i32
      %get3A_1137 = arith.index_cast %get3A_1136 : i32 to index
      %get3A_1138 = arith.index_cast %mul3A_312 : i32 to index
      %get3A_1139 = tpu.vector_load %arg6[%get3A_1137, %get3A_1138] {strides = array<i32>} : memref<80x512xf32, #tpu.memory_space<vmem>>, vector<16xf32>,
      %sub3A_1140 = arith.subf %get3A_1139, %max3A_721 : vector<16xf32>
      %exp3A_1141 = math.exp %sub3A_1140 : vector<16xf32>
      %add3A_1142 = arith.addf %add3A_1135, %exp3A_1141 : vector<16xf32>
      %get3A_1143 = arith.constant 60 : i32
      %get3A_1144 = arith.index_cast %get3A_1143 : i32 to index
      %get3A_1145 = arith.index_cast %mul3A_312 : i32 to index
      %get3A_1146 = tpu.vector_load %arg6[%get3A_1144, %get3A_1145] {strides = array<i32>} : memref<80x512xf32, #tpu.memory_space<vmem>>, vector<16xf32>,
      %sub3A_1147 = arith.subf %get3A_1146, %max3A_721 : vector<16xf32>
      %exp3A_1148 = math.exp %sub3A_1147 : vector<16xf32>
      %add3A_1149 = arith.addf %add3A_1142, %exp3A_1148 : vector<16xf32>
      %get3A_1150 = arith.constant 61 : i32
      %get3A_1151 = arith.index_cast %get3A_1150 : i32 to index
      %get3A_1152 = arith.index_cast %mul3A_312 : i32 to index
      %get3A_1153 = tpu.vector_load %arg6[%get3A_1151, %get3A_1152] {strides = array<i32>} : memref<80x512xf32, #tpu.memory_space<vmem>>, vector<16xf32>,
      %sub3A_1154 = arith.subf %get3A_1153, %max3A_721 : vector<16xf32>
      %exp3A_1155 = math.exp %sub3A_1154 : vector<16xf32>
      %add3A_1156 = arith.addf %add3A_1149, %exp3A_1155 : vector<16xf32>
      %get3A_1157 = arith.constant 62 : i32
      %get3A_1158 = arith.index_cast %get3A_1157 : i32 to index
      %get3A_1159 = arith.index_cast %mul3A_312 : i32 to index
      %get3A_1160 = tpu.vector_load %arg6[%get3A_1158, %get3A_1159] {strides = array<i32>} : memref<80x512xf32, #tpu.memory_space<vmem>>, vector<16xf32>,
      %sub3A_1161 = arith.subf %get3A_1160, %max3A_721 : vector<16xf32>
      %exp3A_1162 = math.exp %sub3A_1161 : vector<16xf32>
      %add3A_1163 = arith.addf %add3A_1156, %exp3A_1162 : vector<16xf32>
      %get3A_1164 = arith.constant 63 : i32
      %get3A_1165 = arith.index_cast %get3A_1164 : i32 to index
      %get3A_1166 = arith.index_cast %mul3A_312 : i32 to index
      %get3A_1167 = tpu.vector_load %arg6[%get3A_1165, %get3A_1166] {strides = array<i32>} : memref<80x512xf32, #tpu.memory_space<vmem>>, vector<16xf32>,
      %sub3A_1168 = arith.subf %get3A_1167, %max3A_721 : vector<16xf32>
      %exp3A_1169 = math.exp %sub3A_1168 : vector<16xf32>
      %add3A_1170 = arith.addf %add3A_1163, %exp3A_1169 : vector<16xf32>
      %get3A_1171 = arith.constant 64 : i32
      %get3A_1172 = arith.index_cast %get3A_1171 : i32 to index
      %get3A_1173 = arith.index_cast %mul3A_312 : i32 to index
      %get3A_1174 = tpu.vector_load %arg6[%get3A_1172, %get3A_1173] {strides = array<i32>} : memref<80x512xf32, #tpu.memory_space<vmem>>, vector<16xf32>,
      %sub3A_1175 = arith.subf %get3A_1174, %max3A_721 : vector<16xf32>
      %exp3A_1176 = math.exp %sub3A_1175 : vector<16xf32>
      %add3A_1177 = arith.addf %add3A_1170, %exp3A_1176 : vector<16xf32>
      %get3A_1178 = arith.constant 65 : i32
      %get3A_1179 = arith.index_cast %get3A_1178 : i32 to index
      %get3A_1180 = arith.index_cast %mul3A_312 : i32 to index
      %get3A_1181 = tpu.vector_load %arg6[%get3A_1179, %get3A_1180] {strides = array<i32>} : memref<80x512xf32, #tpu.memory_space<vmem>>, vector<16xf32>,
      %sub3A_1182 = arith.subf %get3A_1181, %max3A_721 : vector<16xf32>
      %exp3A_1183 = math.exp %sub3A_1182 : vector<16xf32>
      %add3A_1184 = arith.addf %add3A_1177, %exp3A_1183 : vector<16xf32>
      %get3A_1185 = arith.constant 66 : i32
      %get3A_1186 = arith.index_cast %get3A_1185 : i32 to index
      %get3A_1187 = arith.index_cast %mul3A_312 : i32 to index
      %get3A_1188 = tpu.vector_load %arg6[%get3A_1186, %get3A_1187] {strides = array<i32>} : memref<80x512xf32, #tpu.memory_space<vmem>>, vector<16xf32>,
      %sub3A_1189 = arith.subf %get3A_1188, %max3A_721 : vector<16xf32>
      %exp3A_1190 = math.exp %sub3A_1189 : vector<16xf32>
      %add3A_1191 = arith.addf %add3A_1184, %exp3A_1190 : vector<16xf32>
      %get3A_1192 = arith.constant 67 : i32
      %get3A_1193 = arith.index_cast %get3A_1192 : i32 to index
      %get3A_1194 = arith.index_cast %mul3A_312 : i32 to index
      %get3A_1195 = tpu.vector_load %arg6[%get3A_1193, %get3A_1194] {strides = array<i32>} : memref<80x512xf32, #tpu.memory_space<vmem>>, vector<16xf32>,
      %sub3A_1196 = arith.subf %get3A_1195, %max3A_721 : vector<16xf32>
      %exp3A_1197 = math.exp %sub3A_1196 : vector<16xf32>
      %add3A_1198 = arith.addf %add3A_1191, %exp3A_1197 : vector<16xf32>
      %get3A_1199 = arith.constant 68 : i32
      %get3A_1200 = arith.index_cast %get3A_1199 : i32 to index
      %get3A_1201 = arith.index_cast %mul3A_312 : i32 to index
      %get3A_1202 = tpu.vector_load %arg6[%get3A_1200, %get3A_1201] {strides = array<i32>} : memref<80x512xf32, #tpu.memory_space<vmem>>, vector<16xf32>,
      %sub3A_1203 = arith.subf %get3A_1202, %max3A_721 : vector<16xf32>
      %exp3A_1204 = math.exp %sub3A_1203 : vector<16xf32>
      %add3A_1205 = arith.addf %add3A_1198, %exp3A_1204 : vector<16xf32>
      %get3A_1206 = arith.constant 69 : i32
      %get3A_1207 = arith.index_cast %get3A_1206 : i32 to index
      %get3A_1208 = arith.index_cast %mul3A_312 : i32 to index
      %get3A_1209 = tpu.vector_load %arg6[%get3A_1207, %get3A_1208] {strides = array<i32>} : memref<80x512xf32, #tpu.memory_space<vmem>>, vector<16xf32>,
      %sub3A_1210 = arith.subf %get3A_1209, %max3A_721 : vector<16xf32>
      %exp3A_1211 = math.exp %sub3A_1210 : vector<16xf32>
      %add3A_1212 = arith.addf %add3A_1205, %exp3A_1211 : vector<16xf32>
      %get3A_1213 = arith.constant 70 : i32
      %get3A_1214 = arith.index_cast %get3A_1213 : i32 to index
      %get3A_1215 = arith.index_cast %mul3A_312 : i32 to index
      %get3A_1216 = tpu.vector_load %arg6[%get3A_1214, %get3A_1215] {strides = array<i32>} : memref<80x512xf32, #tpu.memory_space<vmem>>, vector<16xf32>,
      %sub3A_1217 = arith.subf %get3A_1216, %max3A_721 : vector<16xf32>
      %exp3A_1218 = math.exp %sub3A_1217 : vector<16xf32>
      %add3A_1219 = arith.addf %add3A_1212, %exp3A_1218 : vector<16xf32>
      %get3A_1220 = arith.constant 71 : i32
      %get3A_1221 = arith.index_cast %get3A_1220 : i32 to index
      %get3A_1222 = arith.index_cast %mul3A_312 : i32 to index
      %get3A_1223 = tpu.vector_load %arg6[%get3A_1221, %get3A_1222] {strides = array<i32>} : memref<80x512xf32, #tpu.memory_space<vmem>>, vector<16xf32>,
      %sub3A_1224 = arith.subf %get3A_1223, %max3A_721 : vector<16xf32>
      %exp3A_1225 = math.exp %sub3A_1224 : vector<16xf32>
      %add3A_1226 = arith.addf %add3A_1219, %exp3A_1225 : vector<16xf32>
      %get3A_1227 = arith.constant 72 : i32
      %get3A_1228 = arith.index_cast %get3A_1227 : i32 to index
      %get3A_1229 = arith.index_cast %mul3A_312 : i32 to index
      %get3A_1230 = tpu.vector_load %arg6[%get3A_1228, %get3A_1229] {strides = array<i32>} : memref<80x512xf32, #tpu.memory_space<vmem>>, vector<16xf32>,
      %sub3A_1231 = arith.subf %get3A_1230, %max3A_721 : vector<16xf32>
      %exp3A_1232 = math.exp %sub3A_1231 : vector<16xf32>
      %add3A_1233 = arith.addf %add3A_1226, %exp3A_1232 : vector<16xf32>
      %get3A_1234 = arith.constant 73 : i32
      %get3A_1235 = arith.index_cast %get3A_1234 : i32 to index
      %get3A_1236 = arith.index_cast %mul3A_312 : i32 to index
      %get3A_1237 = tpu.vector_load %arg6[%get3A_1235, %get3A_1236] {strides = array<i32>} : memref<80x512xf32, #tpu.memory_space<vmem>>, vector<16xf32>,
      %sub3A_1238 = arith.subf %get3A_1237, %max3A_721 : vector<16xf32>
      %exp3A_1239 = math.exp %sub3A_1238 : vector<16xf32>
      %add3A_1240 = arith.addf %add3A_1233, %exp3A_1239 : vector<16xf32>
      %get3A_1241 = arith.constant 74 : i32
      %get3A_1242 = arith.index_cast %get3A_1241 : i32 to index
      %get3A_1243 = arith.index_cast %mul3A_312 : i32 to index
      %get3A_1244 = tpu.vector_load %arg6[%get3A_1242, %get3A_1243] {strides = array<i32>} : memref<80x512xf32, #tpu.memory_space<vmem>>, vector<16xf32>,
      %sub3A_1245 = arith.subf %get3A_1244, %max3A_721 : vector<16xf32>
      %exp3A_1246 = math.exp %sub3A_1245 : vector<16xf32>
      %add3A_1247 = arith.addf %add3A_1240, %exp3A_1246 : vector<16xf32>
      %get3A_1248 = arith.constant 75 : i32
      %get3A_1249 = arith.index_cast %get3A_1248 : i32 to index
      %get3A_1250 = arith.index_cast %mul3A_312 : i32 to index
      %get3A_1251 = tpu.vector_load %arg6[%get3A_1249, %get3A_1250] {strides = array<i32>} : memref<80x512xf32, #tpu.memory_space<vmem>>, vector<16xf32>,
      %sub3A_1252 = arith.subf %get3A_1251, %max3A_721 : vector<16xf32>
      %exp3A_1253 = math.exp %sub3A_1252 : vector<16xf32>
      %add3A_1254 = arith.addf %add3A_1247, %exp3A_1253 : vector<16xf32>
      %get3A_1255 = arith.constant 76 : i32
      %get3A_1256 = arith.index_cast %get3A_1255 : i32 to index
      %get3A_1257 = arith.index_cast %mul3A_312 : i32 to index
      %get3A_1258 = tpu.vector_load %arg6[%get3A_1256, %get3A_1257] {strides = array<i32>} : memref<80x512xf32, #tpu.memory_space<vmem>>, vector<16xf32>,
      %sub3A_1259 = arith.subf %get3A_1258, %max3A_721 : vector<16xf32>
      %exp3A_1260 = math.exp %sub3A_1259 : vector<16xf32>
      %add3A_1261 = arith.addf %add3A_1254, %exp3A_1260 : vector<16xf32>
      %get3A_1262 = arith.constant 77 : i32
      %get3A_1263 = arith.index_cast %get3A_1262 : i32 to index
      %get3A_1264 = arith.index_cast %mul3A_312 : i32 to index
      %get3A_1265 = tpu.vector_load %arg6[%get3A_1263, %get3A_1264] {strides = array<i32>} : memref<80x512xf32, #tpu.memory_space<vmem>>, vector<16xf32>,
      %sub3A_1266 = arith.subf %get3A_1265, %max3A_721 : vector<16xf32>
      %exp3A_1267 = math.exp %sub3A_1266 : vector<16xf32>
      %add3A_1268 = arith.addf %add3A_1261, %exp3A_1267 : vector<16xf32>
      %get3A_1269 = arith.constant 78 : i32
      %get3A_1270 = arith.index_cast %get3A_1269 : i32 to index
      %get3A_1271 = arith.index_cast %mul3A_312 : i32 to index
      %get3A_1272 = tpu.vector_load %arg6[%get3A_1270, %get3A_1271] {strides = array<i32>} : memref<80x512xf32, #tpu.memory_space<vmem>>, vector<16xf32>,
      %sub3A_1273 = arith.subf %get3A_1272, %max3A_721 : vector<16xf32>
      %exp3A_1274 = math.exp %sub3A_1273 : vector<16xf32>
      %add3A_1275 = arith.addf %add3A_1268, %exp3A_1274 : vector<16xf32>
      %get3A_1276 = arith.constant 79 : i32
      %get3A_1277 = arith.index_cast %get3A_1276 : i32 to index
      %get3A_1278 = arith.index_cast %mul3A_312 : i32 to index
      %get3A_1279 = tpu.vector_load %arg6[%get3A_1277, %get3A_1278] {strides = array<i32>} : memref<80x512xf32, #tpu.memory_space<vmem>>, vector<16xf32>,
      %sub3A_1280 = arith.subf %get3A_1279, %max3A_721 : vector<16xf32>
      %exp3A_1281 = math.exp %sub3A_1280 : vector<16xf32>
      %add3A_1282 = arith.addf %add3A_1275, %exp3A_1281 : vector<16xf32>
      %bitcast3A = vector.bitcast %add3A_1282 : vector<16xf32> to vector<16xi32>
      %shift_right_logical3A_1283 = arith.constant 23 : i32
      %shift_right_logical3A_1284 = vector.broadcast %shift_right_logical3A_1283 : i32 to vector<16xi32>
      %shift_right_logical3A_1285 = arith.shrui %bitcast3A, %shift_right_logical3A_1284 : vector<16xi32>
      %and3A_1286 = arith.constant 255 : i32
      %and3A_1287 = vector.broadcast %and3A_1286 : i32 to vector<16xi32>
      %and3A_1288 = arith.andi %shift_right_logical3A_1285, %and3A_1287 : vector<16xi32>
      %sub3A_1289 = arith.constant 127 : i32
      %sub3A_1290 = vector.broadcast %sub3A_1289 : i32 to vector<16xi32>
      %sub3A_1291 = arith.subi %and3A_1288, %sub3A_1290 : vector<16xi32>
      %and3A_1292 = arith.constant 8388607 : i32
      %and3A_1293 = vector.broadcast %and3A_1292 : i32 to vector<16xi32>
      %and3A_1294 = arith.andi %bitcast3A, %and3A_1293 : vector<16xi32>
      %or3A = arith.constant 1065353216 : i32
      %or3A_1295 = vector.broadcast %or3A : i32 to vector<16xi32>
      %or3A_1296 = arith.ori %and3A_1294, %or3A_1295 : vector<16xi32>
      %bitcast3A_1297 = vector.bitcast %or3A_1296 : vector<16xi32> to vector<16xf32>
      %sub3A_1298 = arith.constant 1.000000e+00 : f32
      %sub3A_1299 = vector.broadcast %sub3A_1298 : f32 to vector<16xf32>
      %sub3A_1300 = arith.subf %bitcast3A_1297, %sub3A_1299 : vector<16xf32>
      %add3A_1301 = arith.constant 1.000000e+00 : f32
      %add3A_1302 = vector.broadcast %add3A_1301 : f32 to vector<16xf32>
      %add3A_1303 = arith.addf %bitcast3A_1297, %add3A_1302 : vector<16xf32>
      %div3A = arith.divf %sub3A_1300, %add3A_1303 : vector<16xf32>
      %mul3A_1304 = arith.mulf %div3A, %div3A : vector<16xf32>
      %mul3A_1305 = arith.constant 2.000000e+00 : f32
      %mul3A_1306 = vector.broadcast %mul3A_1305 : f32 to vector<16xf32>
      %mul3A_1307 = arith.mulf %mul3A_1306, %div3A : vector<16xf32>
      %mul3A_1308 = arith.constant 2.000000e-01 : f32
      %mul3A_1309 = vector.broadcast %mul3A_1308 : f32 to vector<16xf32>
      %mul3A_1310 = arith.mulf %mul3A_1304, %mul3A_1309 : vector<16xf32>
      %add3A_1311 = arith.constant 0.333333343 : f32
      %add3A_1312 = vector.broadcast %add3A_1311 : f32 to vector<16xf32>
      %add3A_1313 = arith.addf %add3A_1312, %mul3A_1310 : vector<16xf32>
      %mul3A_1314 = arith.mulf %mul3A_1304, %add3A_1313 : vector<16xf32>
      %add3A_1315 = arith.constant 1.000000e+00 : f32
      %add3A_1316 = vector.broadcast %add3A_1315 : f32 to vector<16xf32>
      %add3A_1317 = arith.addf %add3A_1316, %mul3A_1314 : vector<16xf32>
      %mul3A_1318 = arith.mulf %mul3A_1307, %add3A_1317 : vector<16xf32>
      %convert_element_type3A = arith.sitofp %sub3A_1291 : vector<16xi32> to vector<16xf32>
      %mul3A_1319 = vector.broadcast %scan3A_283 : f32 to vector<16xf32>
      %mul3A_1320 = arith.mulf %convert_element_type3A, %mul3A_1319 : vector<16xf32>
      %add3A_1321 = arith.addf %mul3A_1320, %mul3A_1318 : vector<16xf32>
      %sub3A_1322 = arith.subf %gather3A, %max3A_721 : vector<16xf32>
      %sub3A_1323 = arith.subf %sub3A_1322, %add3A_1321 : vector<16xf32>
      %neg3A = arith.constant 0.000000e+00 : f32
      %neg3A_1324 = vector.broadcast %neg3A : f32 to vector<16xf32>
      %neg3A_1325 = arith.subf %neg3A_1324, %gather3A : vector<16xf32>
      %exp3A_1326 = math.exp %neg3A_1325 : vector<16xf32>
      %add3A_1327 = arith.constant 1.000000e+00 : f32
      %add3A_1328 = vector.broadcast %add3A_1327 : f32 to vector<16xf32>
      %add3A_1329 = arith.addf %add3A_1328, %exp3A_1326 : vector<16xf32>
      %div3A_1330 = arith.constant 1.000000e+00 : f32
      %div3A_1331 = vector.broadcast %div3A_1330 : f32 to vector<16xf32>
      %div3A_1332 = arith.divf %div3A_1331, %add3A_1329 : vector<16xf32>
      %sub3A_1333 = arith.subf %div3A_1332, %gather3A_320 : vector<16xf32>
      %abs3A = math.absf %sub3A_1333 : vector<16xf32>
      %mul3A_1334 = arith.constant 3.000000e+01 : f32
      %mul3A_1335 = vector.broadcast %mul3A_1334 : f32 to vector<16xf32>
      %mul3A_1336 = arith.mulf %abs3A, %mul3A_1335 : vector<16xf32>
      %convert_element_type3A_1337 = arith.fptosi %mul3A_1336 : vector<16xf32> to vector<16xi32>
      %jit3A_1338 = arith.constant 0 : i32
      %jit3A_1339 = arith.constant 29 : i32
      %max3A_1340 = vector.broadcast %jit3A_1338 : i32 to vector<16xi32>
      %max3A_1341 = arith.maxsi %max3A_1340, %convert_element_type3A_1337 : vector<16xi32>
      %min3A = vector.broadcast %jit3A_1339 : i32 to vector<16xi32>
      %min3A_1342 = arith.minsi %min3A, %max3A_1341 : vector<16xi32>
      %add3A_1343 = arith.addi %mul3A_269, %min3A_1342 : vector<16xi32>
      tpu.vector_store_idx %arg9[%shift_right_logical3A_264, %add3A_1343], %broadcast_in_dim3A_7 {add = true} : memref<8x128xf32, #tpu.memory_space<vmem>>[vector<16xi32>, vector<16xi32>], vector<16xf32>,
      %add3A_1344 = arith.constant 4 : i32
      %add3A_1345 = vector.broadcast %add3A_1344 : i32 to vector<16xi32>
      %add3A_1346 = arith.addi %shift_right_logical3A_264, %add3A_1345 : vector<16xi32>
      tpu.vector_store_idx %arg9[%add3A_1346, %add3A_1343], %sub3A_1323 {add = true} : memref<8x128xf32, #tpu.memory_space<vmem>>[vector<16xi32>, vector<16xi32>], vector<16xf32>,
    }
    %scan3A_288 = arith.constant 32 : i32
    %add3A_289 = arith.constant 1024 : i32
    %add3A_290 = arith.addi %add3A_4, %add3A_289 : i32
    "tpu.region"() ({
      %run_scoped3A = tpu.sem_alloc : memref<!tpu.dma_semaphore, #tpu.memory_space<semaphore_mem>>
      %dma_start3A = arith.constant 0 : i32
      %dma_start3A_300 = tpu.memref_slice %arg2[%dma_start3A, %add3A_290] : memref<80x200000xf32, #tpu.memory_space<hbm>> -> memref<80x512xf32, #tpu.memory_space<hbm>>
      %dma_start3A_301 = arith.constant 0 : i32
      %dma_start3A_302 = tpu.memref_slice %arg2[%dma_start3A_301, %add3A_290] : memref<80x200000xf32, #tpu.memory_space<hbm>> -> memref<80x512xf32, #tpu.memory_space<hbm>>
      tpu.enqueue_dma source(%dma_start3A_302 : memref<80x512xf32, #tpu.memory_space<hbm>>) target(%arg6 : memref<80x512xf32, #tpu.memory_space<vmem>>) target_semaphore(%run_scoped3A : memref<!tpu.dma_semaphore, #tpu.memory_space<semaphore_mem>>)
      %dma_wait3A = arith.constant 0 : i32
      %dma_wait3A_303 = tpu.memref_slice %arg2[%dma_wait3A, %add3A_290] : memref<80x200000xf32, #tpu.memory_space<hbm>> -> memref<80x512xf32, #tpu.memory_space<hbm>>
      %dma_wait3A_304 = arith.constant 0 : i32
      %dma_wait3A_305 = tpu.memref_slice %arg2[%dma_wait3A_304, %add3A_290] : memref<80x200000xf32, #tpu.memory_space<hbm>> -> memref<80x512xf32, #tpu.memory_space<hbm>>
      tpu.wait_dma2 semaphore(%run_scoped3A : memref<!tpu.dma_semaphore, #tpu.memory_space<semaphore_mem>>) src(%dma_wait3A_305 : memref<80x512xf32, #tpu.memory_space<hbm>>) dst(%arg6 : memref<80x512xf32, #tpu.memory_space<vmem>>)
      tpu.yield
    }) : () -> ()
    "tpu.region"() ({
      %run_scoped3A = tpu.sem_alloc : memref<!tpu.dma_semaphore, #tpu.memory_space<semaphore_mem>>
      %dma_start3A = arith.constant 0 : i32
      %dma_start3A_300 = tpu.memref_slice %arg3[%dma_start3A, %add3A_290] : memref<80x200000xf32, #tpu.memory_space<hbm>> -> memref<80x512xf32, #tpu.memory_space<hbm>>
      %dma_start3A_301 = arith.constant 0 : i32
      %dma_start3A_302 = tpu.memref_slice %arg3[%dma_start3A_301, %add3A_290] : memref<80x200000xf32, #tpu.memory_space<hbm>> -> memref<80x512xf32, #tpu.memory_space<hbm>>
      tpu.enqueue_dma source(%dma_start3A_302 : memref<80x512xf32, #tpu.memory_space<hbm>>) target(%arg7 : memref<80x512xf32, #tpu.memory_space<vmem>>) target_semaphore(%run_scoped3A : memref<!tpu.dma_semaphore, #tpu.memory_space<semaphore_mem>>)
      %dma_wait3A = arith.constant 0 : i32
      %dma_wait3A_303 = tpu.memref_slice %arg3[%dma_wait3A, %add3A_290] : memref<80x200000xf32, #tpu.memory_space<hbm>> -> memref<80x512xf32, #tpu.memory_space<hbm>>
      %dma_wait3A_304 = arith.constant 0 : i32
      %dma_wait3A_305 = tpu.memref_slice %arg3[%dma_wait3A_304, %add3A_290] : memref<80x200000xf32, #tpu.memory_space<hbm>> -> memref<80x512xf32, #tpu.memory_space<hbm>>
      tpu.wait_dma2 semaphore(%run_scoped3A : memref<!tpu.dma_semaphore, #tpu.memory_space<semaphore_mem>>) src(%dma_wait3A_305 : memref<80x512xf32, #tpu.memory_space<hbm>>) dst(%arg7 : memref<80x512xf32, #tpu.memory_space<vmem>>)
      tpu.yield
    }) : () -> ()
    %scan3A_291 = arith.constant 0 : i32
    %scan3A_292 = arith.constant 0.693147182 : f32
    %scan3A_293 = arith.constant 64 : i32
    %scan3A_294 = arith.constant 32 : i32
    %scan3A_295 = arith.addi %scan3A_293, %scan3A_294 : i32
    %scan3A_296 = arith.constant 1 : i32
    scf.for %scan3A_300 = %scan3A_293 to %scan3A_295 step %scan3A_296  : i32 {
      %jit3A = arith.constant 32 : i32
      %eq3A = arith.constant 0 : i32
      %eq3A_301 = arith.cmpi eq, %jit3A, %eq3A : i32
      %jit3A_302 = arith.constant 1 : i32
      %select_n3A = arith.select %eq3A_301, %jit3A_302, %jit3A : i32
      %rem3A = arith.remsi %scan3A_300, %select_n3A : i32
      %ne3A = arith.constant 0 : i32
      %ne3A_303 = arith.cmpi ne, %rem3A, %ne3A : i32
      %lt3A = arith.constant 0 : i32
      %lt3A_304 = arith.cmpi slt, %rem3A, %lt3A : i32
      %lt3A_305 = arith.constant 0 : i32
      %lt3A_306 = arith.cmpi slt, %select_n3A, %lt3A_305 : i32
      %ne3A_307 = arith.xori %lt3A_304, %lt3A_306 : i1
      %and3A_308 = arith.andi %ne3A_307, %ne3A_303 : i1
      %add3A_309 = arith.addi %rem3A, %select_n3A : i32
      %select_n3A_310 = arith.select %and3A_308, %add3A_309, %rem3A : i32
      %mul3A_311 = arith.constant 16 : i32
      %mul3A_312 = arith.muli %select_n3A_310, %mul3A_311 : i32
      %add3A_313 = vector.broadcast %mul3A_312 : i32 to vector<16xi32>
      %add3A_314 = arith.addi %add3A_313, %iota3A : vector<16xi32>
      %mul3A_315 = arith.constant 16 : i32
      %mul3A_316 = arith.muli %scan3A_300, %mul3A_315 : i32
      %add3A_317 = arith.addi %and3A_271, %mul3A_316 : i32
      %multiple_of3A_318 = tpu.assume_multiple %add3A_317, 8 : i32
      %get3A = arith.index_cast %multiple_of3A_318 : i32 to index
      %get3A_319 = tpu.vector_load %arg8[%get3A] {strides = array<i32>} : memref<2560xi32, #tpu.memory_space<vmem>>, vector<16xi32>,
      %gather3A = tpu.vector_load_idx %arg6[%get3A_319, %add3A_314] : memref<80x512xf32, #tpu.memory_space<vmem>>[vector<16xi32>, vector<16xi32>], vector<16xf32>,
      %gather3A_320 = tpu.vector_load_idx %arg7[%get3A_319, %add3A_314] : memref<80x512xf32, #tpu.memory_space<vmem>>[vector<16xi32>, vector<16xi32>], vector<16xf32>,
      %broadcast_in_dim3A_321 = arith.constant -3.000000e+38 : f32
      %broadcast_in_dim3A_322 = vector.broadcast %broadcast_in_dim3A_321 : f32 to vector<16xf32>
      %get3A_323 = arith.constant 0 : i32
      %get3A_324 = arith.index_cast %get3A_323 : i32 to index
      %get3A_325 = arith.index_cast %mul3A_312 : i32 to index
      %get3A_326 = tpu.vector_load %arg6[%get3A_324, %get3A_325] {strides = array<i32>} : memref<80x512xf32, #tpu.memory_space<vmem>>, vector<16xf32>,
      %max3A = arith.maximumf %broadcast_in_dim3A_322, %get3A_326 : vector<16xf32>
      %get3A_327 = arith.constant 1 : i32
      %get3A_328 = arith.index_cast %get3A_327 : i32 to index
      %get3A_329 = arith.index_cast %mul3A_312 : i32 to index
      %get3A_330 = tpu.vector_load %arg6[%get3A_328, %get3A_329] {strides = array<i32>} : memref<80x512xf32, #tpu.memory_space<vmem>>, vector<16xf32>,
      %max3A_331 = arith.maximumf %max3A, %get3A_330 : vector<16xf32>
      %get3A_332 = arith.constant 2 : i32
      %get3A_333 = arith.index_cast %get3A_332 : i32 to index
      %get3A_334 = arith.index_cast %mul3A_312 : i32 to index
      %get3A_335 = tpu.vector_load %arg6[%get3A_333, %get3A_334] {strides = array<i32>} : memref<80x512xf32, #tpu.memory_space<vmem>>, vector<16xf32>,
      %max3A_336 = arith.maximumf %max3A_331, %get3A_335 : vector<16xf32>
      %get3A_337 = arith.constant 3 : i32
      %get3A_338 = arith.index_cast %get3A_337 : i32 to index
      %get3A_339 = arith.index_cast %mul3A_312 : i32 to index
      %get3A_340 = tpu.vector_load %arg6[%get3A_338, %get3A_339] {strides = array<i32>} : memref<80x512xf32, #tpu.memory_space<vmem>>, vector<16xf32>,
      %max3A_341 = arith.maximumf %max3A_336, %get3A_340 : vector<16xf32>
      %get3A_342 = arith.constant 4 : i32
      %get3A_343 = arith.index_cast %get3A_342 : i32 to index
      %get3A_344 = arith.index_cast %mul3A_312 : i32 to index
      %get3A_345 = tpu.vector_load %arg6[%get3A_343, %get3A_344] {strides = array<i32>} : memref<80x512xf32, #tpu.memory_space<vmem>>, vector<16xf32>,
      %max3A_346 = arith.maximumf %max3A_341, %get3A_345 : vector<16xf32>
      %get3A_347 = arith.constant 5 : i32
      %get3A_348 = arith.index_cast %get3A_347 : i32 to index
      %get3A_349 = arith.index_cast %mul3A_312 : i32 to index
      %get3A_350 = tpu.vector_load %arg6[%get3A_348, %get3A_349] {strides = array<i32>} : memref<80x512xf32, #tpu.memory_space<vmem>>, vector<16xf32>,
      %max3A_351 = arith.maximumf %max3A_346, %get3A_350 : vector<16xf32>
      %get3A_352 = arith.constant 6 : i32
      %get3A_353 = arith.index_cast %get3A_352 : i32 to index
      %get3A_354 = arith.index_cast %mul3A_312 : i32 to index
      %get3A_355 = tpu.vector_load %arg6[%get3A_353, %get3A_354] {strides = array<i32>} : memref<80x512xf32, #tpu.memory_space<vmem>>, vector<16xf32>,
      %max3A_356 = arith.maximumf %max3A_351, %get3A_355 : vector<16xf32>
      %get3A_357 = arith.constant 7 : i32
      %get3A_358 = arith.index_cast %get3A_357 : i32 to index
      %get3A_359 = arith.index_cast %mul3A_312 : i32 to index
      %get3A_360 = tpu.vector_load %arg6[%get3A_358, %get3A_359] {strides = array<i32>} : memref<80x512xf32, #tpu.memory_space<vmem>>, vector<16xf32>,
      %max3A_361 = arith.maximumf %max3A_356, %get3A_360 : vector<16xf32>
      %get3A_362 = arith.constant 8 : i32
      %get3A_363 = arith.index_cast %get3A_362 : i32 to index
      %get3A_364 = arith.index_cast %mul3A_312 : i32 to index
      %get3A_365 = tpu.vector_load %arg6[%get3A_363, %get3A_364] {strides = array<i32>} : memref<80x512xf32, #tpu.memory_space<vmem>>, vector<16xf32>,
      %max3A_366 = arith.maximumf %max3A_361, %get3A_365 : vector<16xf32>
      %get3A_367 = arith.constant 9 : i32
      %get3A_368 = arith.index_cast %get3A_367 : i32 to index
      %get3A_369 = arith.index_cast %mul3A_312 : i32 to index
      %get3A_370 = tpu.vector_load %arg6[%get3A_368, %get3A_369] {strides = array<i32>} : memref<80x512xf32, #tpu.memory_space<vmem>>, vector<16xf32>,
      %max3A_371 = arith.maximumf %max3A_366, %get3A_370 : vector<16xf32>
      %get3A_372 = arith.constant 10 : i32
      %get3A_373 = arith.index_cast %get3A_372 : i32 to index
      %get3A_374 = arith.index_cast %mul3A_312 : i32 to index
      %get3A_375 = tpu.vector_load %arg6[%get3A_373, %get3A_374] {strides = array<i32>} : memref<80x512xf32, #tpu.memory_space<vmem>>, vector<16xf32>,
      %max3A_376 = arith.maximumf %max3A_371, %get3A_375 : vector<16xf32>
      %get3A_377 = arith.constant 11 : i32
      %get3A_378 = arith.index_cast %get3A_377 : i32 to index
      %get3A_379 = arith.index_cast %mul3A_312 : i32 to index
      %get3A_380 = tpu.vector_load %arg6[%get3A_378, %get3A_379] {strides = array<i32>} : memref<80x512xf32, #tpu.memory_space<vmem>>, vector<16xf32>,
      %max3A_381 = arith.maximumf %max3A_376, %get3A_380 : vector<16xf32>
      %get3A_382 = arith.constant 12 : i32
      %get3A_383 = arith.index_cast %get3A_382 : i32 to index
      %get3A_384 = arith.index_cast %mul3A_312 : i32 to index
      %get3A_385 = tpu.vector_load %arg6[%get3A_383, %get3A_384] {strides = array<i32>} : memref<80x512xf32, #tpu.memory_space<vmem>>, vector<16xf32>,
      %max3A_386 = arith.maximumf %max3A_381, %get3A_385 : vector<16xf32>
      %get3A_387 = arith.constant 13 : i32
      %get3A_388 = arith.index_cast %get3A_387 : i32 to index
      %get3A_389 = arith.index_cast %mul3A_312 : i32 to index
      %get3A_390 = tpu.vector_load %arg6[%get3A_388, %get3A_389] {strides = array<i32>} : memref<80x512xf32, #tpu.memory_space<vmem>>, vector<16xf32>,
      %max3A_391 = arith.maximumf %max3A_386, %get3A_390 : vector<16xf32>
      %get3A_392 = arith.constant 14 : i32
      %get3A_393 = arith.index_cast %get3A_392 : i32 to index
      %get3A_394 = arith.index_cast %mul3A_312 : i32 to index
      %get3A_395 = tpu.vector_load %arg6[%get3A_393, %get3A_394] {strides = array<i32>} : memref<80x512xf32, #tpu.memory_space<vmem>>, vector<16xf32>,
      %max3A_396 = arith.maximumf %max3A_391, %get3A_395 : vector<16xf32>
      %get3A_397 = arith.constant 15 : i32
      %get3A_398 = arith.index_cast %get3A_397 : i32 to index
      %get3A_399 = arith.index_cast %mul3A_312 : i32 to index
      %get3A_400 = tpu.vector_load %arg6[%get3A_398, %get3A_399] {strides = array<i32>} : memref<80x512xf32, #tpu.memory_space<vmem>>, vector<16xf32>,
      %max3A_401 = arith.maximumf %max3A_396, %get3A_400 : vector<16xf32>
      %get3A_402 = arith.constant 16 : i32
      %get3A_403 = arith.index_cast %get3A_402 : i32 to index
      %get3A_404 = arith.index_cast %mul3A_312 : i32 to index
      %get3A_405 = tpu.vector_load %arg6[%get3A_403, %get3A_404] {strides = array<i32>} : memref<80x512xf32, #tpu.memory_space<vmem>>, vector<16xf32>,
      %max3A_406 = arith.maximumf %max3A_401, %get3A_405 : vector<16xf32>
      %get3A_407 = arith.constant 17 : i32
      %get3A_408 = arith.index_cast %get3A_407 : i32 to index
      %get3A_409 = arith.index_cast %mul3A_312 : i32 to index
      %get3A_410 = tpu.vector_load %arg6[%get3A_408, %get3A_409] {strides = array<i32>} : memref<80x512xf32, #tpu.memory_space<vmem>>, vector<16xf32>,
      %max3A_411 = arith.maximumf %max3A_406, %get3A_410 : vector<16xf32>
      %get3A_412 = arith.constant 18 : i32
      %get3A_413 = arith.index_cast %get3A_412 : i32 to index
      %get3A_414 = arith.index_cast %mul3A_312 : i32 to index
      %get3A_415 = tpu.vector_load %arg6[%get3A_413, %get3A_414] {strides = array<i32>} : memref<80x512xf32, #tpu.memory_space<vmem>>, vector<16xf32>,
      %max3A_416 = arith.maximumf %max3A_411, %get3A_415 : vector<16xf32>
      %get3A_417 = arith.constant 19 : i32
      %get3A_418 = arith.index_cast %get3A_417 : i32 to index
      %get3A_419 = arith.index_cast %mul3A_312 : i32 to index
      %get3A_420 = tpu.vector_load %arg6[%get3A_418, %get3A_419] {strides = array<i32>} : memref<80x512xf32, #tpu.memory_space<vmem>>, vector<16xf32>,
      %max3A_421 = arith.maximumf %max3A_416, %get3A_420 : vector<16xf32>
      %get3A_422 = arith.constant 20 : i32
      %get3A_423 = arith.index_cast %get3A_422 : i32 to index
      %get3A_424 = arith.index_cast %mul3A_312 : i32 to index
      %get3A_425 = tpu.vector_load %arg6[%get3A_423, %get3A_424] {strides = array<i32>} : memref<80x512xf32, #tpu.memory_space<vmem>>, vector<16xf32>,
      %max3A_426 = arith.maximumf %max3A_421, %get3A_425 : vector<16xf32>
      %get3A_427 = arith.constant 21 : i32
      %get3A_428 = arith.index_cast %get3A_427 : i32 to index
      %get3A_429 = arith.index_cast %mul3A_312 : i32 to index
      %get3A_430 = tpu.vector_load %arg6[%get3A_428, %get3A_429] {strides = array<i32>} : memref<80x512xf32, #tpu.memory_space<vmem>>, vector<16xf32>,
      %max3A_431 = arith.maximumf %max3A_426, %get3A_430 : vector<16xf32>
      %get3A_432 = arith.constant 22 : i32
      %get3A_433 = arith.index_cast %get3A_432 : i32 to index
      %get3A_434 = arith.index_cast %mul3A_312 : i32 to index
      %get3A_435 = tpu.vector_load %arg6[%get3A_433, %get3A_434] {strides = array<i32>} : memref<80x512xf32, #tpu.memory_space<vmem>>, vector<16xf32>,
      %max3A_436 = arith.maximumf %max3A_431, %get3A_435 : vector<16xf32>
      %get3A_437 = arith.constant 23 : i32
      %get3A_438 = arith.index_cast %get3A_437 : i32 to index
      %get3A_439 = arith.index_cast %mul3A_312 : i32 to index
      %get3A_440 = tpu.vector_load %arg6[%get3A_438, %get3A_439] {strides = array<i32>} : memref<80x512xf32, #tpu.memory_space<vmem>>, vector<16xf32>,
      %max3A_441 = arith.maximumf %max3A_436, %get3A_440 : vector<16xf32>
      %get3A_442 = arith.constant 24 : i32
      %get3A_443 = arith.index_cast %get3A_442 : i32 to index
      %get3A_444 = arith.index_cast %mul3A_312 : i32 to index
      %get3A_445 = tpu.vector_load %arg6[%get3A_443, %get3A_444] {strides = array<i32>} : memref<80x512xf32, #tpu.memory_space<vmem>>, vector<16xf32>,
      %max3A_446 = arith.maximumf %max3A_441, %get3A_445 : vector<16xf32>
      %get3A_447 = arith.constant 25 : i32
      %get3A_448 = arith.index_cast %get3A_447 : i32 to index
      %get3A_449 = arith.index_cast %mul3A_312 : i32 to index
      %get3A_450 = tpu.vector_load %arg6[%get3A_448, %get3A_449] {strides = array<i32>} : memref<80x512xf32, #tpu.memory_space<vmem>>, vector<16xf32>,
      %max3A_451 = arith.maximumf %max3A_446, %get3A_450 : vector<16xf32>
      %get3A_452 = arith.constant 26 : i32
      %get3A_453 = arith.index_cast %get3A_452 : i32 to index
      %get3A_454 = arith.index_cast %mul3A_312 : i32 to index
      %get3A_455 = tpu.vector_load %arg6[%get3A_453, %get3A_454] {strides = array<i32>} : memref<80x512xf32, #tpu.memory_space<vmem>>, vector<16xf32>,
      %max3A_456 = arith.maximumf %max3A_451, %get3A_455 : vector<16xf32>
      %get3A_457 = arith.constant 27 : i32
      %get3A_458 = arith.index_cast %get3A_457 : i32 to index
      %get3A_459 = arith.index_cast %mul3A_312 : i32 to index
      %get3A_460 = tpu.vector_load %arg6[%get3A_458, %get3A_459] {strides = array<i32>} : memref<80x512xf32, #tpu.memory_space<vmem>>, vector<16xf32>,
      %max3A_461 = arith.maximumf %max3A_456, %get3A_460 : vector<16xf32>
      %get3A_462 = arith.constant 28 : i32
      %get3A_463 = arith.index_cast %get3A_462 : i32 to index
      %get3A_464 = arith.index_cast %mul3A_312 : i32 to index
      %get3A_465 = tpu.vector_load %arg6[%get3A_463, %get3A_464] {strides = array<i32>} : memref<80x512xf32, #tpu.memory_space<vmem>>, vector<16xf32>,
      %max3A_466 = arith.maximumf %max3A_461, %get3A_465 : vector<16xf32>
      %get3A_467 = arith.constant 29 : i32
      %get3A_468 = arith.index_cast %get3A_467 : i32 to index
      %get3A_469 = arith.index_cast %mul3A_312 : i32 to index
      %get3A_470 = tpu.vector_load %arg6[%get3A_468, %get3A_469] {strides = array<i32>} : memref<80x512xf32, #tpu.memory_space<vmem>>, vector<16xf32>,
      %max3A_471 = arith.maximumf %max3A_466, %get3A_470 : vector<16xf32>
      %get3A_472 = arith.constant 30 : i32
      %get3A_473 = arith.index_cast %get3A_472 : i32 to index
      %get3A_474 = arith.index_cast %mul3A_312 : i32 to index
      %get3A_475 = tpu.vector_load %arg6[%get3A_473, %get3A_474] {strides = array<i32>} : memref<80x512xf32, #tpu.memory_space<vmem>>, vector<16xf32>,
      %max3A_476 = arith.maximumf %max3A_471, %get3A_475 : vector<16xf32>
      %get3A_477 = arith.constant 31 : i32
      %get3A_478 = arith.index_cast %get3A_477 : i32 to index
      %get3A_479 = arith.index_cast %mul3A_312 : i32 to index
      %get3A_480 = tpu.vector_load %arg6[%get3A_478, %get3A_479] {strides = array<i32>} : memref<80x512xf32, #tpu.memory_space<vmem>>, vector<16xf32>,
      %max3A_481 = arith.maximumf %max3A_476, %get3A_480 : vector<16xf32>
      %get3A_482 = arith.constant 32 : i32
      %get3A_483 = arith.index_cast %get3A_482 : i32 to index
      %get3A_484 = arith.index_cast %mul3A_312 : i32 to index
      %get3A_485 = tpu.vector_load %arg6[%get3A_483, %get3A_484] {strides = array<i32>} : memref<80x512xf32, #tpu.memory_space<vmem>>, vector<16xf32>,
      %max3A_486 = arith.maximumf %max3A_481, %get3A_485 : vector<16xf32>
      %get3A_487 = arith.constant 33 : i32
      %get3A_488 = arith.index_cast %get3A_487 : i32 to index
      %get3A_489 = arith.index_cast %mul3A_312 : i32 to index
      %get3A_490 = tpu.vector_load %arg6[%get3A_488, %get3A_489] {strides = array<i32>} : memref<80x512xf32, #tpu.memory_space<vmem>>, vector<16xf32>,
      %max3A_491 = arith.maximumf %max3A_486, %get3A_490 : vector<16xf32>
      %get3A_492 = arith.constant 34 : i32
      %get3A_493 = arith.index_cast %get3A_492 : i32 to index
      %get3A_494 = arith.index_cast %mul3A_312 : i32 to index
      %get3A_495 = tpu.vector_load %arg6[%get3A_493, %get3A_494] {strides = array<i32>} : memref<80x512xf32, #tpu.memory_space<vmem>>, vector<16xf32>,
      %max3A_496 = arith.maximumf %max3A_491, %get3A_495 : vector<16xf32>
      %get3A_497 = arith.constant 35 : i32
      %get3A_498 = arith.index_cast %get3A_497 : i32 to index
      %get3A_499 = arith.index_cast %mul3A_312 : i32 to index
      %get3A_500 = tpu.vector_load %arg6[%get3A_498, %get3A_499] {strides = array<i32>} : memref<80x512xf32, #tpu.memory_space<vmem>>, vector<16xf32>,
      %max3A_501 = arith.maximumf %max3A_496, %get3A_500 : vector<16xf32>
      %get3A_502 = arith.constant 36 : i32
      %get3A_503 = arith.index_cast %get3A_502 : i32 to index
      %get3A_504 = arith.index_cast %mul3A_312 : i32 to index
      %get3A_505 = tpu.vector_load %arg6[%get3A_503, %get3A_504] {strides = array<i32>} : memref<80x512xf32, #tpu.memory_space<vmem>>, vector<16xf32>,
      %max3A_506 = arith.maximumf %max3A_501, %get3A_505 : vector<16xf32>
      %get3A_507 = arith.constant 37 : i32
      %get3A_508 = arith.index_cast %get3A_507 : i32 to index
      %get3A_509 = arith.index_cast %mul3A_312 : i32 to index
      %get3A_510 = tpu.vector_load %arg6[%get3A_508, %get3A_509] {strides = array<i32>} : memref<80x512xf32, #tpu.memory_space<vmem>>, vector<16xf32>,
      %max3A_511 = arith.maximumf %max3A_506, %get3A_510 : vector<16xf32>
      %get3A_512 = arith.constant 38 : i32
      %get3A_513 = arith.index_cast %get3A_512 : i32 to index
      %get3A_514 = arith.index_cast %mul3A_312 : i32 to index
      %get3A_515 = tpu.vector_load %arg6[%get3A_513, %get3A_514] {strides = array<i32>} : memref<80x512xf32, #tpu.memory_space<vmem>>, vector<16xf32>,
      %max3A_516 = arith.maximumf %max3A_511, %get3A_515 : vector<16xf32>
      %get3A_517 = arith.constant 39 : i32
      %get3A_518 = arith.index_cast %get3A_517 : i32 to index
      %get3A_519 = arith.index_cast %mul3A_312 : i32 to index
      %get3A_520 = tpu.vector_load %arg6[%get3A_518, %get3A_519] {strides = array<i32>} : memref<80x512xf32, #tpu.memory_space<vmem>>, vector<16xf32>,
      %max3A_521 = arith.maximumf %max3A_516, %get3A_520 : vector<16xf32>
      %get3A_522 = arith.constant 40 : i32
      %get3A_523 = arith.index_cast %get3A_522 : i32 to index
      %get3A_524 = arith.index_cast %mul3A_312 : i32 to index
      %get3A_525 = tpu.vector_load %arg6[%get3A_523, %get3A_524] {strides = array<i32>} : memref<80x512xf32, #tpu.memory_space<vmem>>, vector<16xf32>,
      %max3A_526 = arith.maximumf %max3A_521, %get3A_525 : vector<16xf32>
      %get3A_527 = arith.constant 41 : i32
      %get3A_528 = arith.index_cast %get3A_527 : i32 to index
      %get3A_529 = arith.index_cast %mul3A_312 : i32 to index
      %get3A_530 = tpu.vector_load %arg6[%get3A_528, %get3A_529] {strides = array<i32>} : memref<80x512xf32, #tpu.memory_space<vmem>>, vector<16xf32>,
      %max3A_531 = arith.maximumf %max3A_526, %get3A_530 : vector<16xf32>
      %get3A_532 = arith.constant 42 : i32
      %get3A_533 = arith.index_cast %get3A_532 : i32 to index
      %get3A_534 = arith.index_cast %mul3A_312 : i32 to index
      %get3A_535 = tpu.vector_load %arg6[%get3A_533, %get3A_534] {strides = array<i32>} : memref<80x512xf32, #tpu.memory_space<vmem>>, vector<16xf32>,
      %max3A_536 = arith.maximumf %max3A_531, %get3A_535 : vector<16xf32>
      %get3A_537 = arith.constant 43 : i32
      %get3A_538 = arith.index_cast %get3A_537 : i32 to index
      %get3A_539 = arith.index_cast %mul3A_312 : i32 to index
      %get3A_540 = tpu.vector_load %arg6[%get3A_538, %get3A_539] {strides = array<i32>} : memref<80x512xf32, #tpu.memory_space<vmem>>, vector<16xf32>,
      %max3A_541 = arith.maximumf %max3A_536, %get3A_540 : vector<16xf32>
      %get3A_542 = arith.constant 44 : i32
      %get3A_543 = arith.index_cast %get3A_542 : i32 to index
      %get3A_544 = arith.index_cast %mul3A_312 : i32 to index
      %get3A_545 = tpu.vector_load %arg6[%get3A_543, %get3A_544] {strides = array<i32>} : memref<80x512xf32, #tpu.memory_space<vmem>>, vector<16xf32>,
      %max3A_546 = arith.maximumf %max3A_541, %get3A_545 : vector<16xf32>
      %get3A_547 = arith.constant 45 : i32
      %get3A_548 = arith.index_cast %get3A_547 : i32 to index
      %get3A_549 = arith.index_cast %mul3A_312 : i32 to index
      %get3A_550 = tpu.vector_load %arg6[%get3A_548, %get3A_549] {strides = array<i32>} : memref<80x512xf32, #tpu.memory_space<vmem>>, vector<16xf32>,
      %max3A_551 = arith.maximumf %max3A_546, %get3A_550 : vector<16xf32>
      %get3A_552 = arith.constant 46 : i32
      %get3A_553 = arith.index_cast %get3A_552 : i32 to index
      %get3A_554 = arith.index_cast %mul3A_312 : i32 to index
      %get3A_555 = tpu.vector_load %arg6[%get3A_553, %get3A_554] {strides = array<i32>} : memref<80x512xf32, #tpu.memory_space<vmem>>, vector<16xf32>,
      %max3A_556 = arith.maximumf %max3A_551, %get3A_555 : vector<16xf32>
      %get3A_557 = arith.constant 47 : i32
      %get3A_558 = arith.index_cast %get3A_557 : i32 to index
      %get3A_559 = arith.index_cast %mul3A_312 : i32 to index
      %get3A_560 = tpu.vector_load %arg6[%get3A_558, %get3A_559] {strides = array<i32>} : memref<80x512xf32, #tpu.memory_space<vmem>>, vector<16xf32>,
      %max3A_561 = arith.maximumf %max3A_556, %get3A_560 : vector<16xf32>
      %get3A_562 = arith.constant 48 : i32
      %get3A_563 = arith.index_cast %get3A_562 : i32 to index
      %get3A_564 = arith.index_cast %mul3A_312 : i32 to index
      %get3A_565 = tpu.vector_load %arg6[%get3A_563, %get3A_564] {strides = array<i32>} : memref<80x512xf32, #tpu.memory_space<vmem>>, vector<16xf32>,
      %max3A_566 = arith.maximumf %max3A_561, %get3A_565 : vector<16xf32>
      %get3A_567 = arith.constant 49 : i32
      %get3A_568 = arith.index_cast %get3A_567 : i32 to index
      %get3A_569 = arith.index_cast %mul3A_312 : i32 to index
      %get3A_570 = tpu.vector_load %arg6[%get3A_568, %get3A_569] {strides = array<i32>} : memref<80x512xf32, #tpu.memory_space<vmem>>, vector<16xf32>,
      %max3A_571 = arith.maximumf %max3A_566, %get3A_570 : vector<16xf32>
      %get3A_572 = arith.constant 50 : i32
      %get3A_573 = arith.index_cast %get3A_572 : i32 to index
      %get3A_574 = arith.index_cast %mul3A_312 : i32 to index
      %get3A_575 = tpu.vector_load %arg6[%get3A_573, %get3A_574] {strides = array<i32>} : memref<80x512xf32, #tpu.memory_space<vmem>>, vector<16xf32>,
      %max3A_576 = arith.maximumf %max3A_571, %get3A_575 : vector<16xf32>
      %get3A_577 = arith.constant 51 : i32
      %get3A_578 = arith.index_cast %get3A_577 : i32 to index
      %get3A_579 = arith.index_cast %mul3A_312 : i32 to index
      %get3A_580 = tpu.vector_load %arg6[%get3A_578, %get3A_579] {strides = array<i32>} : memref<80x512xf32, #tpu.memory_space<vmem>>, vector<16xf32>,
      %max3A_581 = arith.maximumf %max3A_576, %get3A_580 : vector<16xf32>
      %get3A_582 = arith.constant 52 : i32
      %get3A_583 = arith.index_cast %get3A_582 : i32 to index
      %get3A_584 = arith.index_cast %mul3A_312 : i32 to index
      %get3A_585 = tpu.vector_load %arg6[%get3A_583, %get3A_584] {strides = array<i32>} : memref<80x512xf32, #tpu.memory_space<vmem>>, vector<16xf32>,
      %max3A_586 = arith.maximumf %max3A_581, %get3A_585 : vector<16xf32>
      %get3A_587 = arith.constant 53 : i32
      %get3A_588 = arith.index_cast %get3A_587 : i32 to index
      %get3A_589 = arith.index_cast %mul3A_312 : i32 to index
      %get3A_590 = tpu.vector_load %arg6[%get3A_588, %get3A_589] {strides = array<i32>} : memref<80x512xf32, #tpu.memory_space<vmem>>, vector<16xf32>,
      %max3A_591 = arith.maximumf %max3A_586, %get3A_590 : vector<16xf32>
      %get3A_592 = arith.constant 54 : i32
      %get3A_593 = arith.index_cast %get3A_592 : i32 to index
      %get3A_594 = arith.index_cast %mul3A_312 : i32 to index
      %get3A_595 = tpu.vector_load %arg6[%get3A_593, %get3A_594] {strides = array<i32>} : memref<80x512xf32, #tpu.memory_space<vmem>>, vector<16xf32>,
      %max3A_596 = arith.maximumf %max3A_591, %get3A_595 : vector<16xf32>
      %get3A_597 = arith.constant 55 : i32
      %get3A_598 = arith.index_cast %get3A_597 : i32 to index
      %get3A_599 = arith.index_cast %mul3A_312 : i32 to index
      %get3A_600 = tpu.vector_load %arg6[%get3A_598, %get3A_599] {strides = array<i32>} : memref<80x512xf32, #tpu.memory_space<vmem>>, vector<16xf32>,
      %max3A_601 = arith.maximumf %max3A_596, %get3A_600 : vector<16xf32>
      %get3A_602 = arith.constant 56 : i32
      %get3A_603 = arith.index_cast %get3A_602 : i32 to index
      %get3A_604 = arith.index_cast %mul3A_312 : i32 to index
      %get3A_605 = tpu.vector_load %arg6[%get3A_603, %get3A_604] {strides = array<i32>} : memref<80x512xf32, #tpu.memory_space<vmem>>, vector<16xf32>,
      %max3A_606 = arith.maximumf %max3A_601, %get3A_605 : vector<16xf32>
      %get3A_607 = arith.constant 57 : i32
      %get3A_608 = arith.index_cast %get3A_607 : i32 to index
      %get3A_609 = arith.index_cast %mul3A_312 : i32 to index
      %get3A_610 = tpu.vector_load %arg6[%get3A_608, %get3A_609] {strides = array<i32>} : memref<80x512xf32, #tpu.memory_space<vmem>>, vector<16xf32>,
      %max3A_611 = arith.maximumf %max3A_606, %get3A_610 : vector<16xf32>
      %get3A_612 = arith.constant 58 : i32
      %get3A_613 = arith.index_cast %get3A_612 : i32 to index
      %get3A_614 = arith.index_cast %mul3A_312 : i32 to index
      %get3A_615 = tpu.vector_load %arg6[%get3A_613, %get3A_614] {strides = array<i32>} : memref<80x512xf32, #tpu.memory_space<vmem>>, vector<16xf32>,
      %max3A_616 = arith.maximumf %max3A_611, %get3A_615 : vector<16xf32>
      %get3A_617 = arith.constant 59 : i32
      %get3A_618 = arith.index_cast %get3A_617 : i32 to index
      %get3A_619 = arith.index_cast %mul3A_312 : i32 to index
      %get3A_620 = tpu.vector_load %arg6[%get3A_618, %get3A_619] {strides = array<i32>} : memref<80x512xf32, #tpu.memory_space<vmem>>, vector<16xf32>,
      %max3A_621 = arith.maximumf %max3A_616, %get3A_620 : vector<16xf32>
      %get3A_622 = arith.constant 60 : i32
      %get3A_623 = arith.index_cast %get3A_622 : i32 to index
      %get3A_624 = arith.index_cast %mul3A_312 : i32 to index
      %get3A_625 = tpu.vector_load %arg6[%get3A_623, %get3A_624] {strides = array<i32>} : memref<80x512xf32, #tpu.memory_space<vmem>>, vector<16xf32>,
      %max3A_626 = arith.maximumf %max3A_621, %get3A_625 : vector<16xf32>
      %get3A_627 = arith.constant 61 : i32
      %get3A_628 = arith.index_cast %get3A_627 : i32 to index
      %get3A_629 = arith.index_cast %mul3A_312 : i32 to index
      %get3A_630 = tpu.vector_load %arg6[%get3A_628, %get3A_629] {strides = array<i32>} : memref<80x512xf32, #tpu.memory_space<vmem>>, vector<16xf32>,
      %max3A_631 = arith.maximumf %max3A_626, %get3A_630 : vector<16xf32>
      %get3A_632 = arith.constant 62 : i32
      %get3A_633 = arith.index_cast %get3A_632 : i32 to index
      %get3A_634 = arith.index_cast %mul3A_312 : i32 to index
      %get3A_635 = tpu.vector_load %arg6[%get3A_633, %get3A_634] {strides = array<i32>} : memref<80x512xf32, #tpu.memory_space<vmem>>, vector<16xf32>,
      %max3A_636 = arith.maximumf %max3A_631, %get3A_635 : vector<16xf32>
      %get3A_637 = arith.constant 63 : i32
      %get3A_638 = arith.index_cast %get3A_637 : i32 to index
      %get3A_639 = arith.index_cast %mul3A_312 : i32 to index
      %get3A_640 = tpu.vector_load %arg6[%get3A_638, %get3A_639] {strides = array<i32>} : memref<80x512xf32, #tpu.memory_space<vmem>>, vector<16xf32>,
      %max3A_641 = arith.maximumf %max3A_636, %get3A_640 : vector<16xf32>
      %get3A_642 = arith.constant 64 : i32
      %get3A_643 = arith.index_cast %get3A_642 : i32 to index
      %get3A_644 = arith.index_cast %mul3A_312 : i32 to index
      %get3A_645 = tpu.vector_load %arg6[%get3A_643, %get3A_644] {strides = array<i32>} : memref<80x512xf32, #tpu.memory_space<vmem>>, vector<16xf32>,
      %max3A_646 = arith.maximumf %max3A_641, %get3A_645 : vector<16xf32>
      %get3A_647 = arith.constant 65 : i32
      %get3A_648 = arith.index_cast %get3A_647 : i32 to index
      %get3A_649 = arith.index_cast %mul3A_312 : i32 to index
      %get3A_650 = tpu.vector_load %arg6[%get3A_648, %get3A_649] {strides = array<i32>} : memref<80x512xf32, #tpu.memory_space<vmem>>, vector<16xf32>,
      %max3A_651 = arith.maximumf %max3A_646, %get3A_650 : vector<16xf32>
      %get3A_652 = arith.constant 66 : i32
      %get3A_653 = arith.index_cast %get3A_652 : i32 to index
      %get3A_654 = arith.index_cast %mul3A_312 : i32 to index
      %get3A_655 = tpu.vector_load %arg6[%get3A_653, %get3A_654] {strides = array<i32>} : memref<80x512xf32, #tpu.memory_space<vmem>>, vector<16xf32>,
      %max3A_656 = arith.maximumf %max3A_651, %get3A_655 : vector<16xf32>
      %get3A_657 = arith.constant 67 : i32
      %get3A_658 = arith.index_cast %get3A_657 : i32 to index
      %get3A_659 = arith.index_cast %mul3A_312 : i32 to index
      %get3A_660 = tpu.vector_load %arg6[%get3A_658, %get3A_659] {strides = array<i32>} : memref<80x512xf32, #tpu.memory_space<vmem>>, vector<16xf32>,
      %max3A_661 = arith.maximumf %max3A_656, %get3A_660 : vector<16xf32>
      %get3A_662 = arith.constant 68 : i32
      %get3A_663 = arith.index_cast %get3A_662 : i32 to index
      %get3A_664 = arith.index_cast %mul3A_312 : i32 to index
      %get3A_665 = tpu.vector_load %arg6[%get3A_663, %get3A_664] {strides = array<i32>} : memref<80x512xf32, #tpu.memory_space<vmem>>, vector<16xf32>,
      %max3A_666 = arith.maximumf %max3A_661, %get3A_665 : vector<16xf32>
      %get3A_667 = arith.constant 69 : i32
      %get3A_668 = arith.index_cast %get3A_667 : i32 to index
      %get3A_669 = arith.index_cast %mul3A_312 : i32 to index
      %get3A_670 = tpu.vector_load %arg6[%get3A_668, %get3A_669] {strides = array<i32>} : memref<80x512xf32, #tpu.memory_space<vmem>>, vector<16xf32>,
      %max3A_671 = arith.maximumf %max3A_666, %get3A_670 : vector<16xf32>
      %get3A_672 = arith.constant 70 : i32
      %get3A_673 = arith.index_cast %get3A_672 : i32 to index
      %get3A_674 = arith.index_cast %mul3A_312 : i32 to index
      %get3A_675 = tpu.vector_load %arg6[%get3A_673, %get3A_674] {strides = array<i32>} : memref<80x512xf32, #tpu.memory_space<vmem>>, vector<16xf32>,
      %max3A_676 = arith.maximumf %max3A_671, %get3A_675 : vector<16xf32>
      %get3A_677 = arith.constant 71 : i32
      %get3A_678 = arith.index_cast %get3A_677 : i32 to index
      %get3A_679 = arith.index_cast %mul3A_312 : i32 to index
      %get3A_680 = tpu.vector_load %arg6[%get3A_678, %get3A_679] {strides = array<i32>} : memref<80x512xf32, #tpu.memory_space<vmem>>, vector<16xf32>,
      %max3A_681 = arith.maximumf %max3A_676, %get3A_680 : vector<16xf32>
      %get3A_682 = arith.constant 72 : i32
      %get3A_683 = arith.index_cast %get3A_682 : i32 to index
      %get3A_684 = arith.index_cast %mul3A_312 : i32 to index
      %get3A_685 = tpu.vector_load %arg6[%get3A_683, %get3A_684] {strides = array<i32>} : memref<80x512xf32, #tpu.memory_space<vmem>>, vector<16xf32>,
      %max3A_686 = arith.maximumf %max3A_681, %get3A_685 : vector<16xf32>
      %get3A_687 = arith.constant 73 : i32
      %get3A_688 = arith.index_cast %get3A_687 : i32 to index
      %get3A_689 = arith.index_cast %mul3A_312 : i32 to index
      %get3A_690 = tpu.vector_load %arg6[%get3A_688, %get3A_689] {strides = array<i32>} : memref<80x512xf32, #tpu.memory_space<vmem>>, vector<16xf32>,
      %max3A_691 = arith.maximumf %max3A_686, %get3A_690 : vector<16xf32>
      %get3A_692 = arith.constant 74 : i32
      %get3A_693 = arith.index_cast %get3A_692 : i32 to index
      %get3A_694 = arith.index_cast %mul3A_312 : i32 to index
      %get3A_695 = tpu.vector_load %arg6[%get3A_693, %get3A_694] {strides = array<i32>} : memref<80x512xf32, #tpu.memory_space<vmem>>, vector<16xf32>,
      %max3A_696 = arith.maximumf %max3A_691, %get3A_695 : vector<16xf32>
      %get3A_697 = arith.constant 75 : i32
      %get3A_698 = arith.index_cast %get3A_697 : i32 to index
      %get3A_699 = arith.index_cast %mul3A_312 : i32 to index
      %get3A_700 = tpu.vector_load %arg6[%get3A_698, %get3A_699] {strides = array<i32>} : memref<80x512xf32, #tpu.memory_space<vmem>>, vector<16xf32>,
      %max3A_701 = arith.maximumf %max3A_696, %get3A_700 : vector<16xf32>
      %get3A_702 = arith.constant 76 : i32
      %get3A_703 = arith.index_cast %get3A_702 : i32 to index
      %get3A_704 = arith.index_cast %mul3A_312 : i32 to index
      %get3A_705 = tpu.vector_load %arg6[%get3A_703, %get3A_704] {strides = array<i32>} : memref<80x512xf32, #tpu.memory_space<vmem>>, vector<16xf32>,
      %max3A_706 = arith.maximumf %max3A_701, %get3A_705 : vector<16xf32>
      %get3A_707 = arith.constant 77 : i32
      %get3A_708 = arith.index_cast %get3A_707 : i32 to index
      %get3A_709 = arith.index_cast %mul3A_312 : i32 to index
      %get3A_710 = tpu.vector_load %arg6[%get3A_708, %get3A_709] {strides = array<i32>} : memref<80x512xf32, #tpu.memory_space<vmem>>, vector<16xf32>,
      %max3A_711 = arith.maximumf %max3A_706, %get3A_710 : vector<16xf32>
      %get3A_712 = arith.constant 78 : i32
      %get3A_713 = arith.index_cast %get3A_712 : i32 to index
      %get3A_714 = arith.index_cast %mul3A_312 : i32 to index
      %get3A_715 = tpu.vector_load %arg6[%get3A_713, %get3A_714] {strides = array<i32>} : memref<80x512xf32, #tpu.memory_space<vmem>>, vector<16xf32>,
      %max3A_716 = arith.maximumf %max3A_711, %get3A_715 : vector<16xf32>
      %get3A_717 = arith.constant 79 : i32
      %get3A_718 = arith.index_cast %get3A_717 : i32 to index
      %get3A_719 = arith.index_cast %mul3A_312 : i32 to index
      %get3A_720 = tpu.vector_load %arg6[%get3A_718, %get3A_719] {strides = array<i32>} : memref<80x512xf32, #tpu.memory_space<vmem>>, vector<16xf32>,
      %max3A_721 = arith.maximumf %max3A_716, %get3A_720 : vector<16xf32>
      %broadcast_in_dim3A_722 = arith.constant 0.000000e+00 : f32
      %broadcast_in_dim3A_723 = vector.broadcast %broadcast_in_dim3A_722 : f32 to vector<16xf32>
      %get3A_724 = arith.constant 0 : i32
      %get3A_725 = arith.index_cast %get3A_724 : i32 to index
      %get3A_726 = arith.index_cast %mul3A_312 : i32 to index
      %get3A_727 = tpu.vector_load %arg6[%get3A_725, %get3A_726] {strides = array<i32>} : memref<80x512xf32, #tpu.memory_space<vmem>>, vector<16xf32>,
      %sub3A_728 = arith.subf %get3A_727, %max3A_721 : vector<16xf32>
      %exp3A = math.exp %sub3A_728 : vector<16xf32>
      %add3A_729 = arith.addf %broadcast_in_dim3A_723, %exp3A : vector<16xf32>
      %get3A_730 = arith.constant 1 : i32
      %get3A_731 = arith.index_cast %get3A_730 : i32 to index
      %get3A_732 = arith.index_cast %mul3A_312 : i32 to index
      %get3A_733 = tpu.vector_load %arg6[%get3A_731, %get3A_732] {strides = array<i32>} : memref<80x512xf32, #tpu.memory_space<vmem>>, vector<16xf32>,
      %sub3A_734 = arith.subf %get3A_733, %max3A_721 : vector<16xf32>
      %exp3A_735 = math.exp %sub3A_734 : vector<16xf32>
      %add3A_736 = arith.addf %add3A_729, %exp3A_735 : vector<16xf32>
      %get3A_737 = arith.constant 2 : i32
      %get3A_738 = arith.index_cast %get3A_737 : i32 to index
      %get3A_739 = arith.index_cast %mul3A_312 : i32 to index
      %get3A_740 = tpu.vector_load %arg6[%get3A_738, %get3A_739] {strides = array<i32>} : memref<80x512xf32, #tpu.memory_space<vmem>>, vector<16xf32>,
      %sub3A_741 = arith.subf %get3A_740, %max3A_721 : vector<16xf32>
      %exp3A_742 = math.exp %sub3A_741 : vector<16xf32>
      %add3A_743 = arith.addf %add3A_736, %exp3A_742 : vector<16xf32>
      %get3A_744 = arith.constant 3 : i32
      %get3A_745 = arith.index_cast %get3A_744 : i32 to index
      %get3A_746 = arith.index_cast %mul3A_312 : i32 to index
      %get3A_747 = tpu.vector_load %arg6[%get3A_745, %get3A_746] {strides = array<i32>} : memref<80x512xf32, #tpu.memory_space<vmem>>, vector<16xf32>,
      %sub3A_748 = arith.subf %get3A_747, %max3A_721 : vector<16xf32>
      %exp3A_749 = math.exp %sub3A_748 : vector<16xf32>
      %add3A_750 = arith.addf %add3A_743, %exp3A_749 : vector<16xf32>
      %get3A_751 = arith.constant 4 : i32
      %get3A_752 = arith.index_cast %get3A_751 : i32 to index
      %get3A_753 = arith.index_cast %mul3A_312 : i32 to index
      %get3A_754 = tpu.vector_load %arg6[%get3A_752, %get3A_753] {strides = array<i32>} : memref<80x512xf32, #tpu.memory_space<vmem>>, vector<16xf32>,
      %sub3A_755 = arith.subf %get3A_754, %max3A_721 : vector<16xf32>
      %exp3A_756 = math.exp %sub3A_755 : vector<16xf32>
      %add3A_757 = arith.addf %add3A_750, %exp3A_756 : vector<16xf32>
      %get3A_758 = arith.constant 5 : i32
      %get3A_759 = arith.index_cast %get3A_758 : i32 to index
      %get3A_760 = arith.index_cast %mul3A_312 : i32 to index
      %get3A_761 = tpu.vector_load %arg6[%get3A_759, %get3A_760] {strides = array<i32>} : memref<80x512xf32, #tpu.memory_space<vmem>>, vector<16xf32>,
      %sub3A_762 = arith.subf %get3A_761, %max3A_721 : vector<16xf32>
      %exp3A_763 = math.exp %sub3A_762 : vector<16xf32>
      %add3A_764 = arith.addf %add3A_757, %exp3A_763 : vector<16xf32>
      %get3A_765 = arith.constant 6 : i32
      %get3A_766 = arith.index_cast %get3A_765 : i32 to index
      %get3A_767 = arith.index_cast %mul3A_312 : i32 to index
      %get3A_768 = tpu.vector_load %arg6[%get3A_766, %get3A_767] {strides = array<i32>} : memref<80x512xf32, #tpu.memory_space<vmem>>, vector<16xf32>,
      %sub3A_769 = arith.subf %get3A_768, %max3A_721 : vector<16xf32>
      %exp3A_770 = math.exp %sub3A_769 : vector<16xf32>
      %add3A_771 = arith.addf %add3A_764, %exp3A_770 : vector<16xf32>
      %get3A_772 = arith.constant 7 : i32
      %get3A_773 = arith.index_cast %get3A_772 : i32 to index
      %get3A_774 = arith.index_cast %mul3A_312 : i32 to index
      %get3A_775 = tpu.vector_load %arg6[%get3A_773, %get3A_774] {strides = array<i32>} : memref<80x512xf32, #tpu.memory_space<vmem>>, vector<16xf32>,
      %sub3A_776 = arith.subf %get3A_775, %max3A_721 : vector<16xf32>
      %exp3A_777 = math.exp %sub3A_776 : vector<16xf32>
      %add3A_778 = arith.addf %add3A_771, %exp3A_777 : vector<16xf32>
      %get3A_779 = arith.constant 8 : i32
      %get3A_780 = arith.index_cast %get3A_779 : i32 to index
      %get3A_781 = arith.index_cast %mul3A_312 : i32 to index
      %get3A_782 = tpu.vector_load %arg6[%get3A_780, %get3A_781] {strides = array<i32>} : memref<80x512xf32, #tpu.memory_space<vmem>>, vector<16xf32>,
      %sub3A_783 = arith.subf %get3A_782, %max3A_721 : vector<16xf32>
      %exp3A_784 = math.exp %sub3A_783 : vector<16xf32>
      %add3A_785 = arith.addf %add3A_778, %exp3A_784 : vector<16xf32>
      %get3A_786 = arith.constant 9 : i32
      %get3A_787 = arith.index_cast %get3A_786 : i32 to index
      %get3A_788 = arith.index_cast %mul3A_312 : i32 to index
      %get3A_789 = tpu.vector_load %arg6[%get3A_787, %get3A_788] {strides = array<i32>} : memref<80x512xf32, #tpu.memory_space<vmem>>, vector<16xf32>,
      %sub3A_790 = arith.subf %get3A_789, %max3A_721 : vector<16xf32>
      %exp3A_791 = math.exp %sub3A_790 : vector<16xf32>
      %add3A_792 = arith.addf %add3A_785, %exp3A_791 : vector<16xf32>
      %get3A_793 = arith.constant 10 : i32
      %get3A_794 = arith.index_cast %get3A_793 : i32 to index
      %get3A_795 = arith.index_cast %mul3A_312 : i32 to index
      %get3A_796 = tpu.vector_load %arg6[%get3A_794, %get3A_795] {strides = array<i32>} : memref<80x512xf32, #tpu.memory_space<vmem>>, vector<16xf32>,
      %sub3A_797 = arith.subf %get3A_796, %max3A_721 : vector<16xf32>
      %exp3A_798 = math.exp %sub3A_797 : vector<16xf32>
      %add3A_799 = arith.addf %add3A_792, %exp3A_798 : vector<16xf32>
      %get3A_800 = arith.constant 11 : i32
      %get3A_801 = arith.index_cast %get3A_800 : i32 to index
      %get3A_802 = arith.index_cast %mul3A_312 : i32 to index
      %get3A_803 = tpu.vector_load %arg6[%get3A_801, %get3A_802] {strides = array<i32>} : memref<80x512xf32, #tpu.memory_space<vmem>>, vector<16xf32>,
      %sub3A_804 = arith.subf %get3A_803, %max3A_721 : vector<16xf32>
      %exp3A_805 = math.exp %sub3A_804 : vector<16xf32>
      %add3A_806 = arith.addf %add3A_799, %exp3A_805 : vector<16xf32>
      %get3A_807 = arith.constant 12 : i32
      %get3A_808 = arith.index_cast %get3A_807 : i32 to index
      %get3A_809 = arith.index_cast %mul3A_312 : i32 to index
      %get3A_810 = tpu.vector_load %arg6[%get3A_808, %get3A_809] {strides = array<i32>} : memref<80x512xf32, #tpu.memory_space<vmem>>, vector<16xf32>,
      %sub3A_811 = arith.subf %get3A_810, %max3A_721 : vector<16xf32>
      %exp3A_812 = math.exp %sub3A_811 : vector<16xf32>
      %add3A_813 = arith.addf %add3A_806, %exp3A_812 : vector<16xf32>
      %get3A_814 = arith.constant 13 : i32
      %get3A_815 = arith.index_cast %get3A_814 : i32 to index
      %get3A_816 = arith.index_cast %mul3A_312 : i32 to index
      %get3A_817 = tpu.vector_load %arg6[%get3A_815, %get3A_816] {strides = array<i32>} : memref<80x512xf32, #tpu.memory_space<vmem>>, vector<16xf32>,
      %sub3A_818 = arith.subf %get3A_817, %max3A_721 : vector<16xf32>
      %exp3A_819 = math.exp %sub3A_818 : vector<16xf32>
      %add3A_820 = arith.addf %add3A_813, %exp3A_819 : vector<16xf32>
      %get3A_821 = arith.constant 14 : i32
      %get3A_822 = arith.index_cast %get3A_821 : i32 to index
      %get3A_823 = arith.index_cast %mul3A_312 : i32 to index
      %get3A_824 = tpu.vector_load %arg6[%get3A_822, %get3A_823] {strides = array<i32>} : memref<80x512xf32, #tpu.memory_space<vmem>>, vector<16xf32>,
      %sub3A_825 = arith.subf %get3A_824, %max3A_721 : vector<16xf32>
      %exp3A_826 = math.exp %sub3A_825 : vector<16xf32>
      %add3A_827 = arith.addf %add3A_820, %exp3A_826 : vector<16xf32>
      %get3A_828 = arith.constant 15 : i32
      %get3A_829 = arith.index_cast %get3A_828 : i32 to index
      %get3A_830 = arith.index_cast %mul3A_312 : i32 to index
      %get3A_831 = tpu.vector_load %arg6[%get3A_829, %get3A_830] {strides = array<i32>} : memref<80x512xf32, #tpu.memory_space<vmem>>, vector<16xf32>,
      %sub3A_832 = arith.subf %get3A_831, %max3A_721 : vector<16xf32>
      %exp3A_833 = math.exp %sub3A_832 : vector<16xf32>
      %add3A_834 = arith.addf %add3A_827, %exp3A_833 : vector<16xf32>
      %get3A_835 = arith.constant 16 : i32
      %get3A_836 = arith.index_cast %get3A_835 : i32 to index
      %get3A_837 = arith.index_cast %mul3A_312 : i32 to index
      %get3A_838 = tpu.vector_load %arg6[%get3A_836, %get3A_837] {strides = array<i32>} : memref<80x512xf32, #tpu.memory_space<vmem>>, vector<16xf32>,
      %sub3A_839 = arith.subf %get3A_838, %max3A_721 : vector<16xf32>
      %exp3A_840 = math.exp %sub3A_839 : vector<16xf32>
      %add3A_841 = arith.addf %add3A_834, %exp3A_840 : vector<16xf32>
      %get3A_842 = arith.constant 17 : i32
      %get3A_843 = arith.index_cast %get3A_842 : i32 to index
      %get3A_844 = arith.index_cast %mul3A_312 : i32 to index
      %get3A_845 = tpu.vector_load %arg6[%get3A_843, %get3A_844] {strides = array<i32>} : memref<80x512xf32, #tpu.memory_space<vmem>>, vector<16xf32>,
      %sub3A_846 = arith.subf %get3A_845, %max3A_721 : vector<16xf32>
      %exp3A_847 = math.exp %sub3A_846 : vector<16xf32>
      %add3A_848 = arith.addf %add3A_841, %exp3A_847 : vector<16xf32>
      %get3A_849 = arith.constant 18 : i32
      %get3A_850 = arith.index_cast %get3A_849 : i32 to index
      %get3A_851 = arith.index_cast %mul3A_312 : i32 to index
      %get3A_852 = tpu.vector_load %arg6[%get3A_850, %get3A_851] {strides = array<i32>} : memref<80x512xf32, #tpu.memory_space<vmem>>, vector<16xf32>,
      %sub3A_853 = arith.subf %get3A_852, %max3A_721 : vector<16xf32>
      %exp3A_854 = math.exp %sub3A_853 : vector<16xf32>
      %add3A_855 = arith.addf %add3A_848, %exp3A_854 : vector<16xf32>
      %get3A_856 = arith.constant 19 : i32
      %get3A_857 = arith.index_cast %get3A_856 : i32 to index
      %get3A_858 = arith.index_cast %mul3A_312 : i32 to index
      %get3A_859 = tpu.vector_load %arg6[%get3A_857, %get3A_858] {strides = array<i32>} : memref<80x512xf32, #tpu.memory_space<vmem>>, vector<16xf32>,
      %sub3A_860 = arith.subf %get3A_859, %max3A_721 : vector<16xf32>
      %exp3A_861 = math.exp %sub3A_860 : vector<16xf32>
      %add3A_862 = arith.addf %add3A_855, %exp3A_861 : vector<16xf32>
      %get3A_863 = arith.constant 20 : i32
      %get3A_864 = arith.index_cast %get3A_863 : i32 to index
      %get3A_865 = arith.index_cast %mul3A_312 : i32 to index
      %get3A_866 = tpu.vector_load %arg6[%get3A_864, %get3A_865] {strides = array<i32>} : memref<80x512xf32, #tpu.memory_space<vmem>>, vector<16xf32>,
      %sub3A_867 = arith.subf %get3A_866, %max3A_721 : vector<16xf32>
      %exp3A_868 = math.exp %sub3A_867 : vector<16xf32>
      %add3A_869 = arith.addf %add3A_862, %exp3A_868 : vector<16xf32>
      %get3A_870 = arith.constant 21 : i32
      %get3A_871 = arith.index_cast %get3A_870 : i32 to index
      %get3A_872 = arith.index_cast %mul3A_312 : i32 to index
      %get3A_873 = tpu.vector_load %arg6[%get3A_871, %get3A_872] {strides = array<i32>} : memref<80x512xf32, #tpu.memory_space<vmem>>, vector<16xf32>,
      %sub3A_874 = arith.subf %get3A_873, %max3A_721 : vector<16xf32>
      %exp3A_875 = math.exp %sub3A_874 : vector<16xf32>
      %add3A_876 = arith.addf %add3A_869, %exp3A_875 : vector<16xf32>
      %get3A_877 = arith.constant 22 : i32
      %get3A_878 = arith.index_cast %get3A_877 : i32 to index
      %get3A_879 = arith.index_cast %mul3A_312 : i32 to index
      %get3A_880 = tpu.vector_load %arg6[%get3A_878, %get3A_879] {strides = array<i32>} : memref<80x512xf32, #tpu.memory_space<vmem>>, vector<16xf32>,
      %sub3A_881 = arith.subf %get3A_880, %max3A_721 : vector<16xf32>
      %exp3A_882 = math.exp %sub3A_881 : vector<16xf32>
      %add3A_883 = arith.addf %add3A_876, %exp3A_882 : vector<16xf32>
      %get3A_884 = arith.constant 23 : i32
      %get3A_885 = arith.index_cast %get3A_884 : i32 to index
      %get3A_886 = arith.index_cast %mul3A_312 : i32 to index
      %get3A_887 = tpu.vector_load %arg6[%get3A_885, %get3A_886] {strides = array<i32>} : memref<80x512xf32, #tpu.memory_space<vmem>>, vector<16xf32>,
      %sub3A_888 = arith.subf %get3A_887, %max3A_721 : vector<16xf32>
      %exp3A_889 = math.exp %sub3A_888 : vector<16xf32>
      %add3A_890 = arith.addf %add3A_883, %exp3A_889 : vector<16xf32>
      %get3A_891 = arith.constant 24 : i32
      %get3A_892 = arith.index_cast %get3A_891 : i32 to index
      %get3A_893 = arith.index_cast %mul3A_312 : i32 to index
      %get3A_894 = tpu.vector_load %arg6[%get3A_892, %get3A_893] {strides = array<i32>} : memref<80x512xf32, #tpu.memory_space<vmem>>, vector<16xf32>,
      %sub3A_895 = arith.subf %get3A_894, %max3A_721 : vector<16xf32>
      %exp3A_896 = math.exp %sub3A_895 : vector<16xf32>
      %add3A_897 = arith.addf %add3A_890, %exp3A_896 : vector<16xf32>
      %get3A_898 = arith.constant 25 : i32
      %get3A_899 = arith.index_cast %get3A_898 : i32 to index
      %get3A_900 = arith.index_cast %mul3A_312 : i32 to index
      %get3A_901 = tpu.vector_load %arg6[%get3A_899, %get3A_900] {strides = array<i32>} : memref<80x512xf32, #tpu.memory_space<vmem>>, vector<16xf32>,
      %sub3A_902 = arith.subf %get3A_901, %max3A_721 : vector<16xf32>
      %exp3A_903 = math.exp %sub3A_902 : vector<16xf32>
      %add3A_904 = arith.addf %add3A_897, %exp3A_903 : vector<16xf32>
      %get3A_905 = arith.constant 26 : i32
      %get3A_906 = arith.index_cast %get3A_905 : i32 to index
      %get3A_907 = arith.index_cast %mul3A_312 : i32 to index
      %get3A_908 = tpu.vector_load %arg6[%get3A_906, %get3A_907] {strides = array<i32>} : memref<80x512xf32, #tpu.memory_space<vmem>>, vector<16xf32>,
      %sub3A_909 = arith.subf %get3A_908, %max3A_721 : vector<16xf32>
      %exp3A_910 = math.exp %sub3A_909 : vector<16xf32>
      %add3A_911 = arith.addf %add3A_904, %exp3A_910 : vector<16xf32>
      %get3A_912 = arith.constant 27 : i32
      %get3A_913 = arith.index_cast %get3A_912 : i32 to index
      %get3A_914 = arith.index_cast %mul3A_312 : i32 to index
      %get3A_915 = tpu.vector_load %arg6[%get3A_913, %get3A_914] {strides = array<i32>} : memref<80x512xf32, #tpu.memory_space<vmem>>, vector<16xf32>,
      %sub3A_916 = arith.subf %get3A_915, %max3A_721 : vector<16xf32>
      %exp3A_917 = math.exp %sub3A_916 : vector<16xf32>
      %add3A_918 = arith.addf %add3A_911, %exp3A_917 : vector<16xf32>
      %get3A_919 = arith.constant 28 : i32
      %get3A_920 = arith.index_cast %get3A_919 : i32 to index
      %get3A_921 = arith.index_cast %mul3A_312 : i32 to index
      %get3A_922 = tpu.vector_load %arg6[%get3A_920, %get3A_921] {strides = array<i32>} : memref<80x512xf32, #tpu.memory_space<vmem>>, vector<16xf32>,
      %sub3A_923 = arith.subf %get3A_922, %max3A_721 : vector<16xf32>
      %exp3A_924 = math.exp %sub3A_923 : vector<16xf32>
      %add3A_925 = arith.addf %add3A_918, %exp3A_924 : vector<16xf32>
      %get3A_926 = arith.constant 29 : i32
      %get3A_927 = arith.index_cast %get3A_926 : i32 to index
      %get3A_928 = arith.index_cast %mul3A_312 : i32 to index
      %get3A_929 = tpu.vector_load %arg6[%get3A_927, %get3A_928] {strides = array<i32>} : memref<80x512xf32, #tpu.memory_space<vmem>>, vector<16xf32>,
      %sub3A_930 = arith.subf %get3A_929, %max3A_721 : vector<16xf32>
      %exp3A_931 = math.exp %sub3A_930 : vector<16xf32>
      %add3A_932 = arith.addf %add3A_925, %exp3A_931 : vector<16xf32>
      %get3A_933 = arith.constant 30 : i32
      %get3A_934 = arith.index_cast %get3A_933 : i32 to index
      %get3A_935 = arith.index_cast %mul3A_312 : i32 to index
      %get3A_936 = tpu.vector_load %arg6[%get3A_934, %get3A_935] {strides = array<i32>} : memref<80x512xf32, #tpu.memory_space<vmem>>, vector<16xf32>,
      %sub3A_937 = arith.subf %get3A_936, %max3A_721 : vector<16xf32>
      %exp3A_938 = math.exp %sub3A_937 : vector<16xf32>
      %add3A_939 = arith.addf %add3A_932, %exp3A_938 : vector<16xf32>
      %get3A_940 = arith.constant 31 : i32
      %get3A_941 = arith.index_cast %get3A_940 : i32 to index
      %get3A_942 = arith.index_cast %mul3A_312 : i32 to index
      %get3A_943 = tpu.vector_load %arg6[%get3A_941, %get3A_942] {strides = array<i32>} : memref<80x512xf32, #tpu.memory_space<vmem>>, vector<16xf32>,
      %sub3A_944 = arith.subf %get3A_943, %max3A_721 : vector<16xf32>
      %exp3A_945 = math.exp %sub3A_944 : vector<16xf32>
      %add3A_946 = arith.addf %add3A_939, %exp3A_945 : vector<16xf32>
      %get3A_947 = arith.constant 32 : i32
      %get3A_948 = arith.index_cast %get3A_947 : i32 to index
      %get3A_949 = arith.index_cast %mul3A_312 : i32 to index
      %get3A_950 = tpu.vector_load %arg6[%get3A_948, %get3A_949] {strides = array<i32>} : memref<80x512xf32, #tpu.memory_space<vmem>>, vector<16xf32>,
      %sub3A_951 = arith.subf %get3A_950, %max3A_721 : vector<16xf32>
      %exp3A_952 = math.exp %sub3A_951 : vector<16xf32>
      %add3A_953 = arith.addf %add3A_946, %exp3A_952 : vector<16xf32>
      %get3A_954 = arith.constant 33 : i32
      %get3A_955 = arith.index_cast %get3A_954 : i32 to index
      %get3A_956 = arith.index_cast %mul3A_312 : i32 to index
      %get3A_957 = tpu.vector_load %arg6[%get3A_955, %get3A_956] {strides = array<i32>} : memref<80x512xf32, #tpu.memory_space<vmem>>, vector<16xf32>,
      %sub3A_958 = arith.subf %get3A_957, %max3A_721 : vector<16xf32>
      %exp3A_959 = math.exp %sub3A_958 : vector<16xf32>
      %add3A_960 = arith.addf %add3A_953, %exp3A_959 : vector<16xf32>
      %get3A_961 = arith.constant 34 : i32
      %get3A_962 = arith.index_cast %get3A_961 : i32 to index
      %get3A_963 = arith.index_cast %mul3A_312 : i32 to index
      %get3A_964 = tpu.vector_load %arg6[%get3A_962, %get3A_963] {strides = array<i32>} : memref<80x512xf32, #tpu.memory_space<vmem>>, vector<16xf32>,
      %sub3A_965 = arith.subf %get3A_964, %max3A_721 : vector<16xf32>
      %exp3A_966 = math.exp %sub3A_965 : vector<16xf32>
      %add3A_967 = arith.addf %add3A_960, %exp3A_966 : vector<16xf32>
      %get3A_968 = arith.constant 35 : i32
      %get3A_969 = arith.index_cast %get3A_968 : i32 to index
      %get3A_970 = arith.index_cast %mul3A_312 : i32 to index
      %get3A_971 = tpu.vector_load %arg6[%get3A_969, %get3A_970] {strides = array<i32>} : memref<80x512xf32, #tpu.memory_space<vmem>>, vector<16xf32>,
      %sub3A_972 = arith.subf %get3A_971, %max3A_721 : vector<16xf32>
      %exp3A_973 = math.exp %sub3A_972 : vector<16xf32>
      %add3A_974 = arith.addf %add3A_967, %exp3A_973 : vector<16xf32>
      %get3A_975 = arith.constant 36 : i32
      %get3A_976 = arith.index_cast %get3A_975 : i32 to index
      %get3A_977 = arith.index_cast %mul3A_312 : i32 to index
      %get3A_978 = tpu.vector_load %arg6[%get3A_976, %get3A_977] {strides = array<i32>} : memref<80x512xf32, #tpu.memory_space<vmem>>, vector<16xf32>,
      %sub3A_979 = arith.subf %get3A_978, %max3A_721 : vector<16xf32>
      %exp3A_980 = math.exp %sub3A_979 : vector<16xf32>
      %add3A_981 = arith.addf %add3A_974, %exp3A_980 : vector<16xf32>
      %get3A_982 = arith.constant 37 : i32
      %get3A_983 = arith.index_cast %get3A_982 : i32 to index
      %get3A_984 = arith.index_cast %mul3A_312 : i32 to index
      %get3A_985 = tpu.vector_load %arg6[%get3A_983, %get3A_984] {strides = array<i32>} : memref<80x512xf32, #tpu.memory_space<vmem>>, vector<16xf32>,
      %sub3A_986 = arith.subf %get3A_985, %max3A_721 : vector<16xf32>
      %exp3A_987 = math.exp %sub3A_986 : vector<16xf32>
      %add3A_988 = arith.addf %add3A_981, %exp3A_987 : vector<16xf32>
      %get3A_989 = arith.constant 38 : i32
      %get3A_990 = arith.index_cast %get3A_989 : i32 to index
      %get3A_991 = arith.index_cast %mul3A_312 : i32 to index
      %get3A_992 = tpu.vector_load %arg6[%get3A_990, %get3A_991] {strides = array<i32>} : memref<80x512xf32, #tpu.memory_space<vmem>>, vector<16xf32>,
      %sub3A_993 = arith.subf %get3A_992, %max3A_721 : vector<16xf32>
      %exp3A_994 = math.exp %sub3A_993 : vector<16xf32>
      %add3A_995 = arith.addf %add3A_988, %exp3A_994 : vector<16xf32>
      %get3A_996 = arith.constant 39 : i32
      %get3A_997 = arith.index_cast %get3A_996 : i32 to index
      %get3A_998 = arith.index_cast %mul3A_312 : i32 to index
      %get3A_999 = tpu.vector_load %arg6[%get3A_997, %get3A_998] {strides = array<i32>} : memref<80x512xf32, #tpu.memory_space<vmem>>, vector<16xf32>,
      %sub3A_1000 = arith.subf %get3A_999, %max3A_721 : vector<16xf32>
      %exp3A_1001 = math.exp %sub3A_1000 : vector<16xf32>
      %add3A_1002 = arith.addf %add3A_995, %exp3A_1001 : vector<16xf32>
      %get3A_1003 = arith.constant 40 : i32
      %get3A_1004 = arith.index_cast %get3A_1003 : i32 to index
      %get3A_1005 = arith.index_cast %mul3A_312 : i32 to index
      %get3A_1006 = tpu.vector_load %arg6[%get3A_1004, %get3A_1005] {strides = array<i32>} : memref<80x512xf32, #tpu.memory_space<vmem>>, vector<16xf32>,
      %sub3A_1007 = arith.subf %get3A_1006, %max3A_721 : vector<16xf32>
      %exp3A_1008 = math.exp %sub3A_1007 : vector<16xf32>
      %add3A_1009 = arith.addf %add3A_1002, %exp3A_1008 : vector<16xf32>
      %get3A_1010 = arith.constant 41 : i32
      %get3A_1011 = arith.index_cast %get3A_1010 : i32 to index
      %get3A_1012 = arith.index_cast %mul3A_312 : i32 to index
      %get3A_1013 = tpu.vector_load %arg6[%get3A_1011, %get3A_1012] {strides = array<i32>} : memref<80x512xf32, #tpu.memory_space<vmem>>, vector<16xf32>,
      %sub3A_1014 = arith.subf %get3A_1013, %max3A_721 : vector<16xf32>
      %exp3A_1015 = math.exp %sub3A_1014 : vector<16xf32>
      %add3A_1016 = arith.addf %add3A_1009, %exp3A_1015 : vector<16xf32>
      %get3A_1017 = arith.constant 42 : i32
      %get3A_1018 = arith.index_cast %get3A_1017 : i32 to index
      %get3A_1019 = arith.index_cast %mul3A_312 : i32 to index
      %get3A_1020 = tpu.vector_load %arg6[%get3A_1018, %get3A_1019] {strides = array<i32>} : memref<80x512xf32, #tpu.memory_space<vmem>>, vector<16xf32>,
      %sub3A_1021 = arith.subf %get3A_1020, %max3A_721 : vector<16xf32>
      %exp3A_1022 = math.exp %sub3A_1021 : vector<16xf32>
      %add3A_1023 = arith.addf %add3A_1016, %exp3A_1022 : vector<16xf32>
      %get3A_1024 = arith.constant 43 : i32
      %get3A_1025 = arith.index_cast %get3A_1024 : i32 to index
      %get3A_1026 = arith.index_cast %mul3A_312 : i32 to index
      %get3A_1027 = tpu.vector_load %arg6[%get3A_1025, %get3A_1026] {strides = array<i32>} : memref<80x512xf32, #tpu.memory_space<vmem>>, vector<16xf32>,
      %sub3A_1028 = arith.subf %get3A_1027, %max3A_721 : vector<16xf32>
      %exp3A_1029 = math.exp %sub3A_1028 : vector<16xf32>
      %add3A_1030 = arith.addf %add3A_1023, %exp3A_1029 : vector<16xf32>
      %get3A_1031 = arith.constant 44 : i32
      %get3A_1032 = arith.index_cast %get3A_1031 : i32 to index
      %get3A_1033 = arith.index_cast %mul3A_312 : i32 to index
      %get3A_1034 = tpu.vector_load %arg6[%get3A_1032, %get3A_1033] {strides = array<i32>} : memref<80x512xf32, #tpu.memory_space<vmem>>, vector<16xf32>,
      %sub3A_1035 = arith.subf %get3A_1034, %max3A_721 : vector<16xf32>
      %exp3A_1036 = math.exp %sub3A_1035 : vector<16xf32>
      %add3A_1037 = arith.addf %add3A_1030, %exp3A_1036 : vector<16xf32>
      %get3A_1038 = arith.constant 45 : i32
      %get3A_1039 = arith.index_cast %get3A_1038 : i32 to index
      %get3A_1040 = arith.index_cast %mul3A_312 : i32 to index
      %get3A_1041 = tpu.vector_load %arg6[%get3A_1039, %get3A_1040] {strides = array<i32>} : memref<80x512xf32, #tpu.memory_space<vmem>>, vector<16xf32>,
      %sub3A_1042 = arith.subf %get3A_1041, %max3A_721 : vector<16xf32>
      %exp3A_1043 = math.exp %sub3A_1042 : vector<16xf32>
      %add3A_1044 = arith.addf %add3A_1037, %exp3A_1043 : vector<16xf32>
      %get3A_1045 = arith.constant 46 : i32
      %get3A_1046 = arith.index_cast %get3A_1045 : i32 to index
      %get3A_1047 = arith.index_cast %mul3A_312 : i32 to index
      %get3A_1048 = tpu.vector_load %arg6[%get3A_1046, %get3A_1047] {strides = array<i32>} : memref<80x512xf32, #tpu.memory_space<vmem>>, vector<16xf32>,
      %sub3A_1049 = arith.subf %get3A_1048, %max3A_721 : vector<16xf32>
      %exp3A_1050 = math.exp %sub3A_1049 : vector<16xf32>
      %add3A_1051 = arith.addf %add3A_1044, %exp3A_1050 : vector<16xf32>
      %get3A_1052 = arith.constant 47 : i32
      %get3A_1053 = arith.index_cast %get3A_1052 : i32 to index
      %get3A_1054 = arith.index_cast %mul3A_312 : i32 to index
      %get3A_1055 = tpu.vector_load %arg6[%get3A_1053, %get3A_1054] {strides = array<i32>} : memref<80x512xf32, #tpu.memory_space<vmem>>, vector<16xf32>,
      %sub3A_1056 = arith.subf %get3A_1055, %max3A_721 : vector<16xf32>
      %exp3A_1057 = math.exp %sub3A_1056 : vector<16xf32>
      %add3A_1058 = arith.addf %add3A_1051, %exp3A_1057 : vector<16xf32>
      %get3A_1059 = arith.constant 48 : i32
      %get3A_1060 = arith.index_cast %get3A_1059 : i32 to index
      %get3A_1061 = arith.index_cast %mul3A_312 : i32 to index
      %get3A_1062 = tpu.vector_load %arg6[%get3A_1060, %get3A_1061] {strides = array<i32>} : memref<80x512xf32, #tpu.memory_space<vmem>>, vector<16xf32>,
      %sub3A_1063 = arith.subf %get3A_1062, %max3A_721 : vector<16xf32>
      %exp3A_1064 = math.exp %sub3A_1063 : vector<16xf32>
      %add3A_1065 = arith.addf %add3A_1058, %exp3A_1064 : vector<16xf32>
      %get3A_1066 = arith.constant 49 : i32
      %get3A_1067 = arith.index_cast %get3A_1066 : i32 to index
      %get3A_1068 = arith.index_cast %mul3A_312 : i32 to index
      %get3A_1069 = tpu.vector_load %arg6[%get3A_1067, %get3A_1068] {strides = array<i32>} : memref<80x512xf32, #tpu.memory_space<vmem>>, vector<16xf32>,
      %sub3A_1070 = arith.subf %get3A_1069, %max3A_721 : vector<16xf32>
      %exp3A_1071 = math.exp %sub3A_1070 : vector<16xf32>
      %add3A_1072 = arith.addf %add3A_1065, %exp3A_1071 : vector<16xf32>
      %get3A_1073 = arith.constant 50 : i32
      %get3A_1074 = arith.index_cast %get3A_1073 : i32 to index
      %get3A_1075 = arith.index_cast %mul3A_312 : i32 to index
      %get3A_1076 = tpu.vector_load %arg6[%get3A_1074, %get3A_1075] {strides = array<i32>} : memref<80x512xf32, #tpu.memory_space<vmem>>, vector<16xf32>,
      %sub3A_1077 = arith.subf %get3A_1076, %max3A_721 : vector<16xf32>
      %exp3A_1078 = math.exp %sub3A_1077 : vector<16xf32>
      %add3A_1079 = arith.addf %add3A_1072, %exp3A_1078 : vector<16xf32>
      %get3A_1080 = arith.constant 51 : i32
      %get3A_1081 = arith.index_cast %get3A_1080 : i32 to index
      %get3A_1082 = arith.index_cast %mul3A_312 : i32 to index
      %get3A_1083 = tpu.vector_load %arg6[%get3A_1081, %get3A_1082] {strides = array<i32>} : memref<80x512xf32, #tpu.memory_space<vmem>>, vector<16xf32>,
      %sub3A_1084 = arith.subf %get3A_1083, %max3A_721 : vector<16xf32>
      %exp3A_1085 = math.exp %sub3A_1084 : vector<16xf32>
      %add3A_1086 = arith.addf %add3A_1079, %exp3A_1085 : vector<16xf32>
      %get3A_1087 = arith.constant 52 : i32
      %get3A_1088 = arith.index_cast %get3A_1087 : i32 to index
      %get3A_1089 = arith.index_cast %mul3A_312 : i32 to index
      %get3A_1090 = tpu.vector_load %arg6[%get3A_1088, %get3A_1089] {strides = array<i32>} : memref<80x512xf32, #tpu.memory_space<vmem>>, vector<16xf32>,
      %sub3A_1091 = arith.subf %get3A_1090, %max3A_721 : vector<16xf32>
      %exp3A_1092 = math.exp %sub3A_1091 : vector<16xf32>
      %add3A_1093 = arith.addf %add3A_1086, %exp3A_1092 : vector<16xf32>
      %get3A_1094 = arith.constant 53 : i32
      %get3A_1095 = arith.index_cast %get3A_1094 : i32 to index
      %get3A_1096 = arith.index_cast %mul3A_312 : i32 to index
      %get3A_1097 = tpu.vector_load %arg6[%get3A_1095, %get3A_1096] {strides = array<i32>} : memref<80x512xf32, #tpu.memory_space<vmem>>, vector<16xf32>,
      %sub3A_1098 = arith.subf %get3A_1097, %max3A_721 : vector<16xf32>
      %exp3A_1099 = math.exp %sub3A_1098 : vector<16xf32>
      %add3A_1100 = arith.addf %add3A_1093, %exp3A_1099 : vector<16xf32>
      %get3A_1101 = arith.constant 54 : i32
      %get3A_1102 = arith.index_cast %get3A_1101 : i32 to index
      %get3A_1103 = arith.index_cast %mul3A_312 : i32 to index
      %get3A_1104 = tpu.vector_load %arg6[%get3A_1102, %get3A_1103] {strides = array<i32>} : memref<80x512xf32, #tpu.memory_space<vmem>>, vector<16xf32>,
      %sub3A_1105 = arith.subf %get3A_1104, %max3A_721 : vector<16xf32>
      %exp3A_1106 = math.exp %sub3A_1105 : vector<16xf32>
      %add3A_1107 = arith.addf %add3A_1100, %exp3A_1106 : vector<16xf32>
      %get3A_1108 = arith.constant 55 : i32
      %get3A_1109 = arith.index_cast %get3A_1108 : i32 to index
      %get3A_1110 = arith.index_cast %mul3A_312 : i32 to index
      %get3A_1111 = tpu.vector_load %arg6[%get3A_1109, %get3A_1110] {strides = array<i32>} : memref<80x512xf32, #tpu.memory_space<vmem>>, vector<16xf32>,
      %sub3A_1112 = arith.subf %get3A_1111, %max3A_721 : vector<16xf32>
      %exp3A_1113 = math.exp %sub3A_1112 : vector<16xf32>
      %add3A_1114 = arith.addf %add3A_1107, %exp3A_1113 : vector<16xf32>
      %get3A_1115 = arith.constant 56 : i32
      %get3A_1116 = arith.index_cast %get3A_1115 : i32 to index
      %get3A_1117 = arith.index_cast %mul3A_312 : i32 to index
      %get3A_1118 = tpu.vector_load %arg6[%get3A_1116, %get3A_1117] {strides = array<i32>} : memref<80x512xf32, #tpu.memory_space<vmem>>, vector<16xf32>,
      %sub3A_1119 = arith.subf %get3A_1118, %max3A_721 : vector<16xf32>
      %exp3A_1120 = math.exp %sub3A_1119 : vector<16xf32>
      %add3A_1121 = arith.addf %add3A_1114, %exp3A_1120 : vector<16xf32>
      %get3A_1122 = arith.constant 57 : i32
      %get3A_1123 = arith.index_cast %get3A_1122 : i32 to index
      %get3A_1124 = arith.index_cast %mul3A_312 : i32 to index
      %get3A_1125 = tpu.vector_load %arg6[%get3A_1123, %get3A_1124] {strides = array<i32>} : memref<80x512xf32, #tpu.memory_space<vmem>>, vector<16xf32>,
      %sub3A_1126 = arith.subf %get3A_1125, %max3A_721 : vector<16xf32>
      %exp3A_1127 = math.exp %sub3A_1126 : vector<16xf32>
      %add3A_1128 = arith.addf %add3A_1121, %exp3A_1127 : vector<16xf32>
      %get3A_1129 = arith.constant 58 : i32
      %get3A_1130 = arith.index_cast %get3A_1129 : i32 to index
      %get3A_1131 = arith.index_cast %mul3A_312 : i32 to index
      %get3A_1132 = tpu.vector_load %arg6[%get3A_1130, %get3A_1131] {strides = array<i32>} : memref<80x512xf32, #tpu.memory_space<vmem>>, vector<16xf32>,
      %sub3A_1133 = arith.subf %get3A_1132, %max3A_721 : vector<16xf32>
      %exp3A_1134 = math.exp %sub3A_1133 : vector<16xf32>
      %add3A_1135 = arith.addf %add3A_1128, %exp3A_1134 : vector<16xf32>
      %get3A_1136 = arith.constant 59 : i32
      %get3A_1137 = arith.index_cast %get3A_1136 : i32 to index
      %get3A_1138 = arith.index_cast %mul3A_312 : i32 to index
      %get3A_1139 = tpu.vector_load %arg6[%get3A_1137, %get3A_1138] {strides = array<i32>} : memref<80x512xf32, #tpu.memory_space<vmem>>, vector<16xf32>,
      %sub3A_1140 = arith.subf %get3A_1139, %max3A_721 : vector<16xf32>
      %exp3A_1141 = math.exp %sub3A_1140 : vector<16xf32>
      %add3A_1142 = arith.addf %add3A_1135, %exp3A_1141 : vector<16xf32>
      %get3A_1143 = arith.constant 60 : i32
      %get3A_1144 = arith.index_cast %get3A_1143 : i32 to index
      %get3A_1145 = arith.index_cast %mul3A_312 : i32 to index
      %get3A_1146 = tpu.vector_load %arg6[%get3A_1144, %get3A_1145] {strides = array<i32>} : memref<80x512xf32, #tpu.memory_space<vmem>>, vector<16xf32>,
      %sub3A_1147 = arith.subf %get3A_1146, %max3A_721 : vector<16xf32>
      %exp3A_1148 = math.exp %sub3A_1147 : vector<16xf32>
      %add3A_1149 = arith.addf %add3A_1142, %exp3A_1148 : vector<16xf32>
      %get3A_1150 = arith.constant 61 : i32
      %get3A_1151 = arith.index_cast %get3A_1150 : i32 to index
      %get3A_1152 = arith.index_cast %mul3A_312 : i32 to index
      %get3A_1153 = tpu.vector_load %arg6[%get3A_1151, %get3A_1152] {strides = array<i32>} : memref<80x512xf32, #tpu.memory_space<vmem>>, vector<16xf32>,
      %sub3A_1154 = arith.subf %get3A_1153, %max3A_721 : vector<16xf32>
      %exp3A_1155 = math.exp %sub3A_1154 : vector<16xf32>
      %add3A_1156 = arith.addf %add3A_1149, %exp3A_1155 : vector<16xf32>
      %get3A_1157 = arith.constant 62 : i32
      %get3A_1158 = arith.index_cast %get3A_1157 : i32 to index
      %get3A_1159 = arith.index_cast %mul3A_312 : i32 to index
      %get3A_1160 = tpu.vector_load %arg6[%get3A_1158, %get3A_1159] {strides = array<i32>} : memref<80x512xf32, #tpu.memory_space<vmem>>, vector<16xf32>,
      %sub3A_1161 = arith.subf %get3A_1160, %max3A_721 : vector<16xf32>
      %exp3A_1162 = math.exp %sub3A_1161 : vector<16xf32>
      %add3A_1163 = arith.addf %add3A_1156, %exp3A_1162 : vector<16xf32>
      %get3A_1164 = arith.constant 63 : i32
      %get3A_1165 = arith.index_cast %get3A_1164 : i32 to index
      %get3A_1166 = arith.index_cast %mul3A_312 : i32 to index
      %get3A_1167 = tpu.vector_load %arg6[%get3A_1165, %get3A_1166] {strides = array<i32>} : memref<80x512xf32, #tpu.memory_space<vmem>>, vector<16xf32>,
      %sub3A_1168 = arith.subf %get3A_1167, %max3A_721 : vector<16xf32>
      %exp3A_1169 = math.exp %sub3A_1168 : vector<16xf32>
      %add3A_1170 = arith.addf %add3A_1163, %exp3A_1169 : vector<16xf32>
      %get3A_1171 = arith.constant 64 : i32
      %get3A_1172 = arith.index_cast %get3A_1171 : i32 to index
      %get3A_1173 = arith.index_cast %mul3A_312 : i32 to index
      %get3A_1174 = tpu.vector_load %arg6[%get3A_1172, %get3A_1173] {strides = array<i32>} : memref<80x512xf32, #tpu.memory_space<vmem>>, vector<16xf32>,
      %sub3A_1175 = arith.subf %get3A_1174, %max3A_721 : vector<16xf32>
      %exp3A_1176 = math.exp %sub3A_1175 : vector<16xf32>
      %add3A_1177 = arith.addf %add3A_1170, %exp3A_1176 : vector<16xf32>
      %get3A_1178 = arith.constant 65 : i32
      %get3A_1179 = arith.index_cast %get3A_1178 : i32 to index
      %get3A_1180 = arith.index_cast %mul3A_312 : i32 to index
      %get3A_1181 = tpu.vector_load %arg6[%get3A_1179, %get3A_1180] {strides = array<i32>} : memref<80x512xf32, #tpu.memory_space<vmem>>, vector<16xf32>,
      %sub3A_1182 = arith.subf %get3A_1181, %max3A_721 : vector<16xf32>
      %exp3A_1183 = math.exp %sub3A_1182 : vector<16xf32>
      %add3A_1184 = arith.addf %add3A_1177, %exp3A_1183 : vector<16xf32>
      %get3A_1185 = arith.constant 66 : i32
      %get3A_1186 = arith.index_cast %get3A_1185 : i32 to index
      %get3A_1187 = arith.index_cast %mul3A_312 : i32 to index
      %get3A_1188 = tpu.vector_load %arg6[%get3A_1186, %get3A_1187] {strides = array<i32>} : memref<80x512xf32, #tpu.memory_space<vmem>>, vector<16xf32>,
      %sub3A_1189 = arith.subf %get3A_1188, %max3A_721 : vector<16xf32>
      %exp3A_1190 = math.exp %sub3A_1189 : vector<16xf32>
      %add3A_1191 = arith.addf %add3A_1184, %exp3A_1190 : vector<16xf32>
      %get3A_1192 = arith.constant 67 : i32
      %get3A_1193 = arith.index_cast %get3A_1192 : i32 to index
      %get3A_1194 = arith.index_cast %mul3A_312 : i32 to index
      %get3A_1195 = tpu.vector_load %arg6[%get3A_1193, %get3A_1194] {strides = array<i32>} : memref<80x512xf32, #tpu.memory_space<vmem>>, vector<16xf32>,
      %sub3A_1196 = arith.subf %get3A_1195, %max3A_721 : vector<16xf32>
      %exp3A_1197 = math.exp %sub3A_1196 : vector<16xf32>
      %add3A_1198 = arith.addf %add3A_1191, %exp3A_1197 : vector<16xf32>
      %get3A_1199 = arith.constant 68 : i32
      %get3A_1200 = arith.index_cast %get3A_1199 : i32 to index
      %get3A_1201 = arith.index_cast %mul3A_312 : i32 to index
      %get3A_1202 = tpu.vector_load %arg6[%get3A_1200, %get3A_1201] {strides = array<i32>} : memref<80x512xf32, #tpu.memory_space<vmem>>, vector<16xf32>,
      %sub3A_1203 = arith.subf %get3A_1202, %max3A_721 : vector<16xf32>
      %exp3A_1204 = math.exp %sub3A_1203 : vector<16xf32>
      %add3A_1205 = arith.addf %add3A_1198, %exp3A_1204 : vector<16xf32>
      %get3A_1206 = arith.constant 69 : i32
      %get3A_1207 = arith.index_cast %get3A_1206 : i32 to index
      %get3A_1208 = arith.index_cast %mul3A_312 : i32 to index
      %get3A_1209 = tpu.vector_load %arg6[%get3A_1207, %get3A_1208] {strides = array<i32>} : memref<80x512xf32, #tpu.memory_space<vmem>>, vector<16xf32>,
      %sub3A_1210 = arith.subf %get3A_1209, %max3A_721 : vector<16xf32>
      %exp3A_1211 = math.exp %sub3A_1210 : vector<16xf32>
      %add3A_1212 = arith.addf %add3A_1205, %exp3A_1211 : vector<16xf32>
      %get3A_1213 = arith.constant 70 : i32
      %get3A_1214 = arith.index_cast %get3A_1213 : i32 to index
      %get3A_1215 = arith.index_cast %mul3A_312 : i32 to index
      %get3A_1216 = tpu.vector_load %arg6[%get3A_1214, %get3A_1215] {strides = array<i32>} : memref<80x512xf32, #tpu.memory_space<vmem>>, vector<16xf32>,
      %sub3A_1217 = arith.subf %get3A_1216, %max3A_721 : vector<16xf32>
      %exp3A_1218 = math.exp %sub3A_1217 : vector<16xf32>
      %add3A_1219 = arith.addf %add3A_1212, %exp3A_1218 : vector<16xf32>
      %get3A_1220 = arith.constant 71 : i32
      %get3A_1221 = arith.index_cast %get3A_1220 : i32 to index
      %get3A_1222 = arith.index_cast %mul3A_312 : i32 to index
      %get3A_1223 = tpu.vector_load %arg6[%get3A_1221, %get3A_1222] {strides = array<i32>} : memref<80x512xf32, #tpu.memory_space<vmem>>, vector<16xf32>,
      %sub3A_1224 = arith.subf %get3A_1223, %max3A_721 : vector<16xf32>
      %exp3A_1225 = math.exp %sub3A_1224 : vector<16xf32>
      %add3A_1226 = arith.addf %add3A_1219, %exp3A_1225 : vector<16xf32>
      %get3A_1227 = arith.constant 72 : i32
      %get3A_1228 = arith.index_cast %get3A_1227 : i32 to index
      %get3A_1229 = arith.index_cast %mul3A_312 : i32 to index
      %get3A_1230 = tpu.vector_load %arg6[%get3A_1228, %get3A_1229] {strides = array<i32>} : memref<80x512xf32, #tpu.memory_space<vmem>>, vector<16xf32>,
      %sub3A_1231 = arith.subf %get3A_1230, %max3A_721 : vector<16xf32>
      %exp3A_1232 = math.exp %sub3A_1231 : vector<16xf32>
      %add3A_1233 = arith.addf %add3A_1226, %exp3A_1232 : vector<16xf32>
      %get3A_1234 = arith.constant 73 : i32
      %get3A_1235 = arith.index_cast %get3A_1234 : i32 to index
      %get3A_1236 = arith.index_cast %mul3A_312 : i32 to index
      %get3A_1237 = tpu.vector_load %arg6[%get3A_1235, %get3A_1236] {strides = array<i32>} : memref<80x512xf32, #tpu.memory_space<vmem>>, vector<16xf32>,
      %sub3A_1238 = arith.subf %get3A_1237, %max3A_721 : vector<16xf32>
      %exp3A_1239 = math.exp %sub3A_1238 : vector<16xf32>
      %add3A_1240 = arith.addf %add3A_1233, %exp3A_1239 : vector<16xf32>
      %get3A_1241 = arith.constant 74 : i32
      %get3A_1242 = arith.index_cast %get3A_1241 : i32 to index
      %get3A_1243 = arith.index_cast %mul3A_312 : i32 to index
      %get3A_1244 = tpu.vector_load %arg6[%get3A_1242, %get3A_1243] {strides = array<i32>} : memref<80x512xf32, #tpu.memory_space<vmem>>, vector<16xf32>,
      %sub3A_1245 = arith.subf %get3A_1244, %max3A_721 : vector<16xf32>
      %exp3A_1246 = math.exp %sub3A_1245 : vector<16xf32>
      %add3A_1247 = arith.addf %add3A_1240, %exp3A_1246 : vector<16xf32>
      %get3A_1248 = arith.constant 75 : i32
      %get3A_1249 = arith.index_cast %get3A_1248 : i32 to index
      %get3A_1250 = arith.index_cast %mul3A_312 : i32 to index
      %get3A_1251 = tpu.vector_load %arg6[%get3A_1249, %get3A_1250] {strides = array<i32>} : memref<80x512xf32, #tpu.memory_space<vmem>>, vector<16xf32>,
      %sub3A_1252 = arith.subf %get3A_1251, %max3A_721 : vector<16xf32>
      %exp3A_1253 = math.exp %sub3A_1252 : vector<16xf32>
      %add3A_1254 = arith.addf %add3A_1247, %exp3A_1253 : vector<16xf32>
      %get3A_1255 = arith.constant 76 : i32
      %get3A_1256 = arith.index_cast %get3A_1255 : i32 to index
      %get3A_1257 = arith.index_cast %mul3A_312 : i32 to index
      %get3A_1258 = tpu.vector_load %arg6[%get3A_1256, %get3A_1257] {strides = array<i32>} : memref<80x512xf32, #tpu.memory_space<vmem>>, vector<16xf32>,
      %sub3A_1259 = arith.subf %get3A_1258, %max3A_721 : vector<16xf32>
      %exp3A_1260 = math.exp %sub3A_1259 : vector<16xf32>
      %add3A_1261 = arith.addf %add3A_1254, %exp3A_1260 : vector<16xf32>
      %get3A_1262 = arith.constant 77 : i32
      %get3A_1263 = arith.index_cast %get3A_1262 : i32 to index
      %get3A_1264 = arith.index_cast %mul3A_312 : i32 to index
      %get3A_1265 = tpu.vector_load %arg6[%get3A_1263, %get3A_1264] {strides = array<i32>} : memref<80x512xf32, #tpu.memory_space<vmem>>, vector<16xf32>,
      %sub3A_1266 = arith.subf %get3A_1265, %max3A_721 : vector<16xf32>
      %exp3A_1267 = math.exp %sub3A_1266 : vector<16xf32>
      %add3A_1268 = arith.addf %add3A_1261, %exp3A_1267 : vector<16xf32>
      %get3A_1269 = arith.constant 78 : i32
      %get3A_1270 = arith.index_cast %get3A_1269 : i32 to index
      %get3A_1271 = arith.index_cast %mul3A_312 : i32 to index
      %get3A_1272 = tpu.vector_load %arg6[%get3A_1270, %get3A_1271] {strides = array<i32>} : memref<80x512xf32, #tpu.memory_space<vmem>>, vector<16xf32>,
      %sub3A_1273 = arith.subf %get3A_1272, %max3A_721 : vector<16xf32>
      %exp3A_1274 = math.exp %sub3A_1273 : vector<16xf32>
      %add3A_1275 = arith.addf %add3A_1268, %exp3A_1274 : vector<16xf32>
      %get3A_1276 = arith.constant 79 : i32
      %get3A_1277 = arith.index_cast %get3A_1276 : i32 to index
      %get3A_1278 = arith.index_cast %mul3A_312 : i32 to index
      %get3A_1279 = tpu.vector_load %arg6[%get3A_1277, %get3A_1278] {strides = array<i32>} : memref<80x512xf32, #tpu.memory_space<vmem>>, vector<16xf32>,
      %sub3A_1280 = arith.subf %get3A_1279, %max3A_721 : vector<16xf32>
      %exp3A_1281 = math.exp %sub3A_1280 : vector<16xf32>
      %add3A_1282 = arith.addf %add3A_1275, %exp3A_1281 : vector<16xf32>
      %bitcast3A = vector.bitcast %add3A_1282 : vector<16xf32> to vector<16xi32>
      %shift_right_logical3A_1283 = arith.constant 23 : i32
      %shift_right_logical3A_1284 = vector.broadcast %shift_right_logical3A_1283 : i32 to vector<16xi32>
      %shift_right_logical3A_1285 = arith.shrui %bitcast3A, %shift_right_logical3A_1284 : vector<16xi32>
      %and3A_1286 = arith.constant 255 : i32
      %and3A_1287 = vector.broadcast %and3A_1286 : i32 to vector<16xi32>
      %and3A_1288 = arith.andi %shift_right_logical3A_1285, %and3A_1287 : vector<16xi32>
      %sub3A_1289 = arith.constant 127 : i32
      %sub3A_1290 = vector.broadcast %sub3A_1289 : i32 to vector<16xi32>
      %sub3A_1291 = arith.subi %and3A_1288, %sub3A_1290 : vector<16xi32>
      %and3A_1292 = arith.constant 8388607 : i32
      %and3A_1293 = vector.broadcast %and3A_1292 : i32 to vector<16xi32>
      %and3A_1294 = arith.andi %bitcast3A, %and3A_1293 : vector<16xi32>
      %or3A = arith.constant 1065353216 : i32
      %or3A_1295 = vector.broadcast %or3A : i32 to vector<16xi32>
      %or3A_1296 = arith.ori %and3A_1294, %or3A_1295 : vector<16xi32>
      %bitcast3A_1297 = vector.bitcast %or3A_1296 : vector<16xi32> to vector<16xf32>
      %sub3A_1298 = arith.constant 1.000000e+00 : f32
      %sub3A_1299 = vector.broadcast %sub3A_1298 : f32 to vector<16xf32>
      %sub3A_1300 = arith.subf %bitcast3A_1297, %sub3A_1299 : vector<16xf32>
      %add3A_1301 = arith.constant 1.000000e+00 : f32
      %add3A_1302 = vector.broadcast %add3A_1301 : f32 to vector<16xf32>
      %add3A_1303 = arith.addf %bitcast3A_1297, %add3A_1302 : vector<16xf32>
      %div3A = arith.divf %sub3A_1300, %add3A_1303 : vector<16xf32>
      %mul3A_1304 = arith.mulf %div3A, %div3A : vector<16xf32>
      %mul3A_1305 = arith.constant 2.000000e+00 : f32
      %mul3A_1306 = vector.broadcast %mul3A_1305 : f32 to vector<16xf32>
      %mul3A_1307 = arith.mulf %mul3A_1306, %div3A : vector<16xf32>
      %mul3A_1308 = arith.constant 2.000000e-01 : f32
      %mul3A_1309 = vector.broadcast %mul3A_1308 : f32 to vector<16xf32>
      %mul3A_1310 = arith.mulf %mul3A_1304, %mul3A_1309 : vector<16xf32>
      %add3A_1311 = arith.constant 0.333333343 : f32
      %add3A_1312 = vector.broadcast %add3A_1311 : f32 to vector<16xf32>
      %add3A_1313 = arith.addf %add3A_1312, %mul3A_1310 : vector<16xf32>
      %mul3A_1314 = arith.mulf %mul3A_1304, %add3A_1313 : vector<16xf32>
      %add3A_1315 = arith.constant 1.000000e+00 : f32
      %add3A_1316 = vector.broadcast %add3A_1315 : f32 to vector<16xf32>
      %add3A_1317 = arith.addf %add3A_1316, %mul3A_1314 : vector<16xf32>
      %mul3A_1318 = arith.mulf %mul3A_1307, %add3A_1317 : vector<16xf32>
      %convert_element_type3A = arith.sitofp %sub3A_1291 : vector<16xi32> to vector<16xf32>
      %mul3A_1319 = vector.broadcast %scan3A_292 : f32 to vector<16xf32>
      %mul3A_1320 = arith.mulf %convert_element_type3A, %mul3A_1319 : vector<16xf32>
      %add3A_1321 = arith.addf %mul3A_1320, %mul3A_1318 : vector<16xf32>
      %sub3A_1322 = arith.subf %gather3A, %max3A_721 : vector<16xf32>
      %sub3A_1323 = arith.subf %sub3A_1322, %add3A_1321 : vector<16xf32>
      %neg3A = arith.constant 0.000000e+00 : f32
      %neg3A_1324 = vector.broadcast %neg3A : f32 to vector<16xf32>
      %neg3A_1325 = arith.subf %neg3A_1324, %gather3A : vector<16xf32>
      %exp3A_1326 = math.exp %neg3A_1325 : vector<16xf32>
      %add3A_1327 = arith.constant 1.000000e+00 : f32
      %add3A_1328 = vector.broadcast %add3A_1327 : f32 to vector<16xf32>
      %add3A_1329 = arith.addf %add3A_1328, %exp3A_1326 : vector<16xf32>
      %div3A_1330 = arith.constant 1.000000e+00 : f32
      %div3A_1331 = vector.broadcast %div3A_1330 : f32 to vector<16xf32>
      %div3A_1332 = arith.divf %div3A_1331, %add3A_1329 : vector<16xf32>
      %sub3A_1333 = arith.subf %div3A_1332, %gather3A_320 : vector<16xf32>
      %abs3A = math.absf %sub3A_1333 : vector<16xf32>
      %mul3A_1334 = arith.constant 3.000000e+01 : f32
      %mul3A_1335 = vector.broadcast %mul3A_1334 : f32 to vector<16xf32>
      %mul3A_1336 = arith.mulf %abs3A, %mul3A_1335 : vector<16xf32>
      %convert_element_type3A_1337 = arith.fptosi %mul3A_1336 : vector<16xf32> to vector<16xi32>
      %jit3A_1338 = arith.constant 0 : i32
      %jit3A_1339 = arith.constant 29 : i32
      %max3A_1340 = vector.broadcast %jit3A_1338 : i32 to vector<16xi32>
      %max3A_1341 = arith.maxsi %max3A_1340, %convert_element_type3A_1337 : vector<16xi32>
      %min3A = vector.broadcast %jit3A_1339 : i32 to vector<16xi32>
      %min3A_1342 = arith.minsi %min3A, %max3A_1341 : vector<16xi32>
      %add3A_1343 = arith.addi %mul3A_269, %min3A_1342 : vector<16xi32>
      tpu.vector_store_idx %arg9[%shift_right_logical3A_264, %add3A_1343], %broadcast_in_dim3A_7 {add = true} : memref<8x128xf32, #tpu.memory_space<vmem>>[vector<16xi32>, vector<16xi32>], vector<16xf32>,
      %add3A_1344 = arith.constant 4 : i32
      %add3A_1345 = vector.broadcast %add3A_1344 : i32 to vector<16xi32>
      %add3A_1346 = arith.addi %shift_right_logical3A_264, %add3A_1345 : vector<16xi32>
      tpu.vector_store_idx %arg9[%add3A_1346, %add3A_1343], %sub3A_1323 {add = true} : memref<8x128xf32, #tpu.memory_space<vmem>>[vector<16xi32>, vector<16xi32>], vector<16xf32>,
    }
    %scan3A_297 = arith.constant 32 : i32
    %mul3A_298 = arith.constant 8 : i32
    %mul3A_299 = arith.muli %add3A, %mul3A_298 : i32
    "tpu.region"() ({
      %run_scoped3A = tpu.sem_alloc : memref<!tpu.dma_semaphore, #tpu.memory_space<semaphore_mem>>
      %dma_start3A = arith.constant 0 : i32
      %dma_start3A_300 = tpu.memref_slice %arg5[%mul3A_299, %dma_start3A] : memref<256x128xf32, #tpu.memory_space<hbm>> -> memref<8x128xf32, #tpu.memory_space<hbm>>
      %dma_start3A_301 = arith.constant 0 : i32
      %dma_start3A_302 = tpu.memref_slice %arg5[%mul3A_299, %dma_start3A_301] : memref<256x128xf32, #tpu.memory_space<hbm>> -> memref<8x128xf32, #tpu.memory_space<hbm>>
      tpu.enqueue_dma source(%arg9 : memref<8x128xf32, #tpu.memory_space<vmem>>) target(%dma_start3A_302 : memref<8x128xf32, #tpu.memory_space<hbm>>) target_semaphore(%run_scoped3A : memref<!tpu.dma_semaphore, #tpu.memory_space<semaphore_mem>>)
      %dma_wait3A = arith.constant 0 : i32
      %dma_wait3A_303 = tpu.memref_slice %arg5[%mul3A_299, %dma_wait3A] : memref<256x128xf32, #tpu.memory_space<hbm>> -> memref<8x128xf32, #tpu.memory_space<hbm>>
      %dma_wait3A_304 = arith.constant 0 : i32
      %dma_wait3A_305 = tpu.memref_slice %arg5[%mul3A_299, %dma_wait3A_304] : memref<256x128xf32, #tpu.memory_space<hbm>> -> memref<8x128xf32, #tpu.memory_space<hbm>>
      tpu.wait_dma2 semaphore(%run_scoped3A : memref<!tpu.dma_semaphore, #tpu.memory_space<semaphore_mem>>) src(%arg9 : memref<8x128xf32, #tpu.memory_space<vmem>>) dst(%dma_wait3A_305 : memref<8x128xf32, #tpu.memory_space<hbm>>)
      tpu.yield
    }) : () -> ()
    return
  }
}

module attributes {stable_mosaic.version = 14 : i64} {
  func.func @body(%arg0: i32, %arg1: memref<80x8192xf32, #tpu.memory_space<vmem>>, %arg2: memref<80x8192xf32, #tpu.memory_space<vmem>>, %arg3: memref<1x1x8192xi32, #tpu.memory_space<vmem>>, %arg4: memref<32x128xf32, #tpu.memory_space<vmem>>) attributes {dimension_semantics = [#tpu.dimension_semantics<arbitrary>], iteration_bounds = array<i64: 19>, scalar_prefetch = 0 : i64, scratch_operands = 0 : i64, tpu.core_type = #tpu.core_type<tc>, window_params = [{transform_indices = @transform_0, window_bounds = array<i64: 80, 8192>}, {transform_indices = @transform_1, window_bounds = array<i64: 80, 8192>}, {transform_indices = @transform_2, window_bounds = array<i64: 1, 1, 8192>}, {pipeline_mode = #tpu.pipeline_mode<synchronous>, transform_indices = @transform_3, window_bounds = array<i64: 32, 128>}]} {
    %eq3A = arith.constant 0 : i32
    %eq3A_0 = arith.cmpi eq, %arg0, %eq3A : i32
    %convert_element_type3A = arith.extui %eq3A_0 : i1 to i32
    %cond3A = arith.constant 0 : i32
    %cond3A_1 = arith.cmpi ne, %convert_element_type3A, %cond3A : i32
    scf.if %cond3A_1 {
      %broadcast_in_dim3A_91 = arith.constant 0.000000e+00 : f32
      %broadcast_in_dim3A_92 = vector.broadcast %broadcast_in_dim3A_91 : f32 to vector<32x128xf32>
      %swap3A_93 = arith.constant 0 : index
      %swap3A_94 = arith.constant 0 : index
      %swap3A_95 = vector.load %arg4[%swap3A_93, %swap3A_94] : memref<32x128xf32, #tpu.memory_space<vmem>>, vector<32x128xf32>
      tpu.vector_store %arg4[%swap3A_93, %swap3A_94], %broadcast_in_dim3A_92 {strides = array<i32>} : memref<32x128xf32, #tpu.memory_space<vmem>>, vector<32x128xf32>,
    } else {
    }
    %get3A = arith.constant 0 : index
    %get3A_2 = arith.constant 0 : index
    %get3A_3 = vector.load %arg1[%get3A, %get3A_2] : memref<80x8192xf32, #tpu.memory_space<vmem>>, vector<80x8192xf32>
    %get3A_4 = arith.constant 0 : index
    %get3A_5 = arith.constant 0 : index
    %get3A_6 = vector.load %arg2[%get3A_4, %get3A_5] : memref<80x8192xf32, #tpu.memory_space<vmem>>, vector<80x8192xf32>
    %get3A_7 = arith.constant 0 : index
    %get3A_8 = arith.constant 0 : index
    %get3A_9 = arith.constant 0 : index
    %get3A_10 = vector.load %arg3[%get3A_7, %get3A_8, %get3A_9] : memref<1x1x8192xi32, #tpu.memory_space<vmem>>, vector<1x1x8192xi32>
    %reshape3A = vector.shape_cast %get3A_10 : vector<1x1x8192xi32> to vector<1x8192xi32>
    %reduce_max3A = arith.constant dense<0xFF800000> : vector<8192xf32>
    %reduce_max3A_11 = vector.multi_reduction <maximumf>, %get3A_3, %reduce_max3A [0] : vector<80x8192xf32> to vector<8192xf32>
    %broadcast_in_dim3A = vector.shape_cast %reduce_max3A_11 : vector<8192xf32> to vector<1x8192xf32>
    %sub3A = vector.broadcast %broadcast_in_dim3A : vector<1x8192xf32> to vector<80x8192xf32>
    %sub3A_12 = arith.subf %get3A_3, %sub3A : vector<80x8192xf32>
    %exp3A = math.exp %sub3A_12 : vector<80x8192xf32>
    %reduce_sum3A = arith.constant dense<0.000000e+00> : vector<8192xf32>
    %reduce_sum3A_13 = vector.multi_reduction <add>, %exp3A, %reduce_sum3A [0] : vector<80x8192xf32> to vector<8192xf32>
    %broadcast_in_dim3A_14 = vector.shape_cast %reduce_sum3A_13 : vector<8192xf32> to vector<1x8192xf32>
    %log3A = math.log %broadcast_in_dim3A_14 : vector<1x8192xf32>
    %add3A = arith.addf %broadcast_in_dim3A, %log3A : vector<1x8192xf32>
    %iota3A = tpu.iota {dimensions = array<i32: 0>} : vector<80x8192xi32>
    %eq3A_15 = vector.broadcast %reshape3A : vector<1x8192xi32> to vector<80x8192xi32>
    %eq3A_16 = arith.cmpi eq, %iota3A, %eq3A_15 : vector<80x8192xi32>
    %jit3A = arith.constant 0.000000e+00 : f32
    %broadcast_in_dim3A_17 = vector.broadcast %jit3A : f32 to vector<80x8192xf32>
    %select_n3A = arith.select %eq3A_16, %get3A_3, %broadcast_in_dim3A_17 : vector<80x8192xi1>, vector<80x8192xf32>
    %reduce_sum3A_18 = arith.constant dense<0.000000e+00> : vector<8192xf32>
    %reduce_sum3A_19 = vector.multi_reduction <add>, %select_n3A, %reduce_sum3A_18 [0] : vector<80x8192xf32> to vector<8192xf32>
    %broadcast_in_dim3A_20 = vector.shape_cast %reduce_sum3A_19 : vector<8192xf32> to vector<1x8192xf32>
    %jit3A_21 = arith.constant 0.000000e+00 : f32
    %broadcast_in_dim3A_22 = vector.broadcast %jit3A_21 : f32 to vector<80x8192xf32>
    %select_n3A_23 = arith.select %eq3A_16, %get3A_6, %broadcast_in_dim3A_22 : vector<80x8192xi1>, vector<80x8192xf32>
    %reduce_sum3A_24 = arith.constant dense<0.000000e+00> : vector<8192xf32>
    %reduce_sum3A_25 = vector.multi_reduction <add>, %select_n3A_23, %reduce_sum3A_24 [0] : vector<80x8192xf32> to vector<8192xf32>
    %broadcast_in_dim3A_26 = vector.shape_cast %reduce_sum3A_25 : vector<8192xf32> to vector<1x8192xf32>
    %sub3A_27 = arith.subf %broadcast_in_dim3A_20, %add3A : vector<1x8192xf32>
    %logistic3A = arith.negf %broadcast_in_dim3A_20 : vector<1x8192xf32>
    %logistic3A_28 = math.exp %logistic3A : vector<1x8192xf32>
    %logistic3A_29 = arith.constant 1.000000e+00 : f32
    %logistic3A_30 = vector.broadcast %logistic3A_29 : f32 to vector<1x8192xf32>
    %logistic3A_31 = arith.addf %logistic3A_30, %logistic3A_28 : vector<1x8192xf32>
    %logistic3A_32 = arith.divf %logistic3A_30, %logistic3A_31 : vector<1x8192xf32>
    %sub3A_33 = arith.subf %logistic3A_32, %broadcast_in_dim3A_26 : vector<1x8192xf32>
    %abs3A = math.absf %sub3A_33 : vector<1x8192xf32>
    %mul3A = arith.constant 3.000000e+01 : f32
    %mul3A_34 = vector.broadcast %mul3A : f32 to vector<1x8192xf32>
    %mul3A_35 = arith.mulf %abs3A, %mul3A_34 : vector<1x8192xf32>
    %floor3A = math.floor %mul3A_35 : vector<1x8192xf32>
    %convert_element_type3A_36 = arith.fptosi %floor3A : vector<1x8192xf32> to vector<1x8192xi32>
    %jit3A_37 = arith.constant 0 : i32
    %jit3A_38 = arith.constant 29 : i32
    %max3A = vector.broadcast %jit3A_37 : i32 to vector<1x8192xi32>
    %max3A_39 = arith.maxsi %max3A, %convert_element_type3A_36 : vector<1x8192xi32>
    %min3A = vector.broadcast %jit3A_38 : i32 to vector<1x8192xi32>
    %min3A_40 = arith.minsi %min3A, %max3A_39 : vector<1x8192xi32>
    %iota3A_41 = tpu.iota {dimensions = array<i32: 1>} : vector<1x8192xi32>
    %lt3A = arith.constant 18 : i32
    %lt3A_42 = arith.cmpi slt, %arg0, %lt3A : i32
    %add3A_43 = arith.constant 6 : i32
    %add3A_44 = arith.addi %arg0, %add3A_43 : i32
    %select_n3A_45 = arith.select %lt3A_42, %arg0, %add3A_44 : i32
    %mul3A_46 = arith.constant 8192 : i32
    %mul3A_47 = arith.muli %select_n3A_45, %mul3A_46 : i32
    %add3A_48 = vector.broadcast %mul3A_47 : i32 to vector<1x8192xi32>
    %add3A_49 = arith.addi %iota3A_41, %add3A_48 : vector<1x8192xi32>
    %lt3A_50 = arith.constant 200000 : i32
    %lt3A_51 = vector.broadcast %lt3A_50 : i32 to vector<1x8192xi32>
    %lt3A_52 = arith.cmpi slt, %add3A_49, %lt3A_51 : vector<1x8192xi32>
    %iota3A_53 = tpu.iota {dimensions = array<i32: 0>} : vector<32x8192xi32>
    %eq3A_54 = vector.broadcast %min3A_40 : vector<1x8192xi32> to vector<32x8192xi32>
    %eq3A_55 = arith.cmpi eq, %iota3A_53, %eq3A_54 : vector<32x8192xi32>
    %and3A = vector.broadcast %lt3A_52 : vector<1x8192xi1> to vector<32x8192xi1>
    %and3A_56 = arith.andi %eq3A_55, %and3A : vector<32x8192xi1>
    %convert_element_type3A_57 = arith.extui %and3A_56 : vector<32x8192xi1> to vector<32x8192xi32>
    %convert_element_type3A_58 = arith.sitofp %convert_element_type3A_57 : vector<32x8192xi32> to vector<32x8192xf32>
    %reduce_sum3A_59 = arith.constant dense<0.000000e+00> : vector<32xf32>
    %reduce_sum3A_60 = vector.multi_reduction <add>, %convert_element_type3A_58, %reduce_sum3A_59 [1] : vector<32x8192xf32> to vector<32xf32>
    %broadcast_in_dim3A_61 = vector.shape_cast %reduce_sum3A_60 : vector<32xf32> to vector<32x1xf32>
    %jit3A_62 = arith.constant 0.000000e+00 : f32
    %broadcast_in_dim3A_63 = vector.shape_cast %sub3A_27 : vector<1x8192xf32> to vector<1x8192xf32>
    %broadcast_in_dim3A_64 = vector.broadcast %broadcast_in_dim3A_63 : vector<1x8192xf32> to vector<32x8192xf32>
    %broadcast_in_dim3A_65 = vector.broadcast %jit3A_62 : f32 to vector<32x8192xf32>
    %select_n3A_66 = arith.select %and3A_56, %broadcast_in_dim3A_64, %broadcast_in_dim3A_65 : vector<32x8192xi1>, vector<32x8192xf32>
    %reduce_sum3A_67 = arith.constant dense<0.000000e+00> : vector<32xf32>
    %reduce_sum3A_68 = vector.multi_reduction <add>, %select_n3A_66, %reduce_sum3A_67 [1] : vector<32x8192xf32> to vector<32xf32>
    %broadcast_in_dim3A_69 = vector.shape_cast %reduce_sum3A_68 : vector<32xf32> to vector<32x1xf32>
    %iota3A_70 = tpu.iota {dimensions = array<i32: 1>} : vector<32x128xi32>
    %eq3A_71 = arith.constant 0 : i32
    %eq3A_72 = vector.broadcast %eq3A_71 : i32 to vector<32x128xi32>
    %eq3A_73 = arith.cmpi eq, %iota3A_70, %eq3A_72 : vector<32x128xi32>
    %broadcast_in_dim3A_74 = vector.shape_cast %broadcast_in_dim3A_61 : vector<32x1xf32> to vector<32x1xf32>
    %broadcast_in_dim3A_75 = vector.broadcast %broadcast_in_dim3A_74 : vector<32x1xf32> to vector<32x128xf32>
    %eq3A_76 = arith.constant 1 : i32
    %eq3A_77 = vector.broadcast %eq3A_76 : i32 to vector<32x128xi32>
    %eq3A_78 = arith.cmpi eq, %iota3A_70, %eq3A_77 : vector<32x128xi32>
    %broadcast_in_dim3A_79 = vector.shape_cast %broadcast_in_dim3A_69 : vector<32x1xf32> to vector<32x1xf32>
    %broadcast_in_dim3A_80 = vector.broadcast %broadcast_in_dim3A_79 : vector<32x1xf32> to vector<32x128xf32>
    %jit3A_81 = arith.constant 0.000000e+00 : f32
    %broadcast_in_dim3A_82 = vector.broadcast %jit3A_81 : f32 to vector<32x128xf32>
    %select_n3A_83 = arith.select %eq3A_78, %broadcast_in_dim3A_80, %broadcast_in_dim3A_82 : vector<32x128xi1>, vector<32x128xf32>
    %select_n3A_84 = arith.select %eq3A_73, %broadcast_in_dim3A_75, %select_n3A_83 : vector<32x128xi1>, vector<32x128xf32>
    %get3A_85 = arith.constant 0 : index
    %get3A_86 = arith.constant 0 : index
    %get3A_87 = vector.load %arg4[%get3A_85, %get3A_86] : memref<32x128xf32, #tpu.memory_space<vmem>>, vector<32x128xf32>
    %add3A_88 = arith.addf %get3A_87, %select_n3A_84 : vector<32x128xf32>
    %swap3A = arith.constant 0 : index
    %swap3A_89 = arith.constant 0 : index
    %swap3A_90 = vector.load %arg4[%swap3A, %swap3A_89] : memref<32x128xf32, #tpu.memory_space<vmem>>, vector<32x128xf32>
    tpu.vector_store %arg4[%swap3A, %swap3A_89], %add3A_88 {strides = array<i32>} : memref<32x128xf32, #tpu.memory_space<vmem>>, vector<32x128xf32>,
    return
  }
  func.func @transform_0(%arg0: i32) -> (i32, i32) {
    %lt3A = arith.constant 18 : i32
    %lt3A_0 = arith.cmpi slt, %arg0, %lt3A : i32
    %add3A = arith.constant 6 : i32
    %add3A_1 = arith.addi %arg0, %add3A : i32
    %select_n3A = arith.select %lt3A_0, %arg0, %add3A_1 : i32
    %c0_i32 = arith.constant 0 : i32
    %c0_i32_2 = arith.constant 0 : i32
    return %c0_i32, %select_n3A : i32, i32
  }
  func.func @transform_1(%arg0: i32) -> (i32, i32) {
    %lt3A = arith.constant 18 : i32
    %lt3A_0 = arith.cmpi slt, %arg0, %lt3A : i32
    %add3A = arith.constant 6 : i32
    %add3A_1 = arith.addi %arg0, %add3A : i32
    %select_n3A = arith.select %lt3A_0, %arg0, %add3A_1 : i32
    %c0_i32 = arith.constant 0 : i32
    %c0_i32_2 = arith.constant 0 : i32
    return %c0_i32, %select_n3A : i32, i32
  }
  func.func @transform_2(%arg0: i32) -> (i32, i32, i32) {
    %c0_i32 = arith.constant 0 : i32
    %c0_i32_0 = arith.constant 0 : i32
    %c0_i32_1 = arith.constant 0 : i32
    return %arg0, %c0_i32, %c0_i32_0 : i32, i32, i32
  }
  func.func @transform_3(%arg0: i32) -> (i32, i32) {
    %c0_i32 = arith.constant 0 : i32
    %c0_i32_0 = arith.constant 0 : i32
    %c0_i32_1 = arith.constant 0 : i32
    return %c0_i32, %c0_i32_0 : i32, i32
  }
}

module attributes {stable_mosaic.version = 14 : i64} {
  func.func @body(%arg0: memref<32x128xf32, #tpu.memory_space<vmem>>, %arg1: memref<256x128xf32, #tpu.memory_space<vmem>>, %arg2: memref<8x128xf32, #tpu.memory_space<vmem>>) attributes {dimension_semantics = [], scalar_prefetch = 0 : i64, scratch_operands = 0 : i64, tpu.core_type = #tpu.core_type<tc>} {
    %get3A = arith.constant 0 : index
    %get3A_0 = arith.constant 0 : index
    %get3A_1 = vector.load %arg1[%get3A, %get3A_0] : memref<256x128xf32, #tpu.memory_space<vmem>>, vector<256x128xf32>
    %broadcast_in_dim3A = arith.constant 0.000000e+00 : f32
    %broadcast_in_dim3A_2 = vector.broadcast %broadcast_in_dim3A : f32 to vector<8x128xf32>
    %slice3A = vector.extract_strided_slice %get3A_1 {offsets = [0, 0], sizes = [8, 128], strides = [1, 1]} : vector<256x128xf32> to vector<8x128xf32>
    %add3A = arith.addf %broadcast_in_dim3A_2, %slice3A : vector<8x128xf32>
    %slice3A_3 = vector.extract_strided_slice %get3A_1 {offsets = [8, 0], sizes = [8, 128], strides = [1, 1]} : vector<256x128xf32> to vector<8x128xf32>
    %add3A_4 = arith.addf %add3A, %slice3A_3 : vector<8x128xf32>
    %slice3A_5 = vector.extract_strided_slice %get3A_1 {offsets = [16, 0], sizes = [8, 128], strides = [1, 1]} : vector<256x128xf32> to vector<8x128xf32>
    %add3A_6 = arith.addf %add3A_4, %slice3A_5 : vector<8x128xf32>
    %slice3A_7 = vector.extract_strided_slice %get3A_1 {offsets = [24, 0], sizes = [8, 128], strides = [1, 1]} : vector<256x128xf32> to vector<8x128xf32>
    %add3A_8 = arith.addf %add3A_6, %slice3A_7 : vector<8x128xf32>
    %slice3A_9 = vector.extract_strided_slice %get3A_1 {offsets = [32, 0], sizes = [8, 128], strides = [1, 1]} : vector<256x128xf32> to vector<8x128xf32>
    %add3A_10 = arith.addf %add3A_8, %slice3A_9 : vector<8x128xf32>
    %slice3A_11 = vector.extract_strided_slice %get3A_1 {offsets = [40, 0], sizes = [8, 128], strides = [1, 1]} : vector<256x128xf32> to vector<8x128xf32>
    %add3A_12 = arith.addf %add3A_10, %slice3A_11 : vector<8x128xf32>
    %slice3A_13 = vector.extract_strided_slice %get3A_1 {offsets = [48, 0], sizes = [8, 128], strides = [1, 1]} : vector<256x128xf32> to vector<8x128xf32>
    %add3A_14 = arith.addf %add3A_12, %slice3A_13 : vector<8x128xf32>
    %slice3A_15 = vector.extract_strided_slice %get3A_1 {offsets = [56, 0], sizes = [8, 128], strides = [1, 1]} : vector<256x128xf32> to vector<8x128xf32>
    %add3A_16 = arith.addf %add3A_14, %slice3A_15 : vector<8x128xf32>
    %slice3A_17 = vector.extract_strided_slice %get3A_1 {offsets = [64, 0], sizes = [8, 128], strides = [1, 1]} : vector<256x128xf32> to vector<8x128xf32>
    %add3A_18 = arith.addf %add3A_16, %slice3A_17 : vector<8x128xf32>
    %slice3A_19 = vector.extract_strided_slice %get3A_1 {offsets = [72, 0], sizes = [8, 128], strides = [1, 1]} : vector<256x128xf32> to vector<8x128xf32>
    %add3A_20 = arith.addf %add3A_18, %slice3A_19 : vector<8x128xf32>
    %slice3A_21 = vector.extract_strided_slice %get3A_1 {offsets = [80, 0], sizes = [8, 128], strides = [1, 1]} : vector<256x128xf32> to vector<8x128xf32>
    %add3A_22 = arith.addf %add3A_20, %slice3A_21 : vector<8x128xf32>
    %slice3A_23 = vector.extract_strided_slice %get3A_1 {offsets = [88, 0], sizes = [8, 128], strides = [1, 1]} : vector<256x128xf32> to vector<8x128xf32>
    %add3A_24 = arith.addf %add3A_22, %slice3A_23 : vector<8x128xf32>
    %slice3A_25 = vector.extract_strided_slice %get3A_1 {offsets = [96, 0], sizes = [8, 128], strides = [1, 1]} : vector<256x128xf32> to vector<8x128xf32>
    %add3A_26 = arith.addf %add3A_24, %slice3A_25 : vector<8x128xf32>
    %slice3A_27 = vector.extract_strided_slice %get3A_1 {offsets = [104, 0], sizes = [8, 128], strides = [1, 1]} : vector<256x128xf32> to vector<8x128xf32>
    %add3A_28 = arith.addf %add3A_26, %slice3A_27 : vector<8x128xf32>
    %slice3A_29 = vector.extract_strided_slice %get3A_1 {offsets = [112, 0], sizes = [8, 128], strides = [1, 1]} : vector<256x128xf32> to vector<8x128xf32>
    %add3A_30 = arith.addf %add3A_28, %slice3A_29 : vector<8x128xf32>
    %slice3A_31 = vector.extract_strided_slice %get3A_1 {offsets = [120, 0], sizes = [8, 128], strides = [1, 1]} : vector<256x128xf32> to vector<8x128xf32>
    %add3A_32 = arith.addf %add3A_30, %slice3A_31 : vector<8x128xf32>
    %slice3A_33 = vector.extract_strided_slice %get3A_1 {offsets = [128, 0], sizes = [8, 128], strides = [1, 1]} : vector<256x128xf32> to vector<8x128xf32>
    %add3A_34 = arith.addf %add3A_32, %slice3A_33 : vector<8x128xf32>
    %slice3A_35 = vector.extract_strided_slice %get3A_1 {offsets = [136, 0], sizes = [8, 128], strides = [1, 1]} : vector<256x128xf32> to vector<8x128xf32>
    %add3A_36 = arith.addf %add3A_34, %slice3A_35 : vector<8x128xf32>
    %slice3A_37 = vector.extract_strided_slice %get3A_1 {offsets = [144, 0], sizes = [8, 128], strides = [1, 1]} : vector<256x128xf32> to vector<8x128xf32>
    %add3A_38 = arith.addf %add3A_36, %slice3A_37 : vector<8x128xf32>
    %slice3A_39 = vector.extract_strided_slice %get3A_1 {offsets = [152, 0], sizes = [8, 128], strides = [1, 1]} : vector<256x128xf32> to vector<8x128xf32>
    %add3A_40 = arith.addf %add3A_38, %slice3A_39 : vector<8x128xf32>
    %slice3A_41 = vector.extract_strided_slice %get3A_1 {offsets = [160, 0], sizes = [8, 128], strides = [1, 1]} : vector<256x128xf32> to vector<8x128xf32>
    %add3A_42 = arith.addf %add3A_40, %slice3A_41 : vector<8x128xf32>
    %slice3A_43 = vector.extract_strided_slice %get3A_1 {offsets = [168, 0], sizes = [8, 128], strides = [1, 1]} : vector<256x128xf32> to vector<8x128xf32>
    %add3A_44 = arith.addf %add3A_42, %slice3A_43 : vector<8x128xf32>
    %slice3A_45 = vector.extract_strided_slice %get3A_1 {offsets = [176, 0], sizes = [8, 128], strides = [1, 1]} : vector<256x128xf32> to vector<8x128xf32>
    %add3A_46 = arith.addf %add3A_44, %slice3A_45 : vector<8x128xf32>
    %slice3A_47 = vector.extract_strided_slice %get3A_1 {offsets = [184, 0], sizes = [8, 128], strides = [1, 1]} : vector<256x128xf32> to vector<8x128xf32>
    %add3A_48 = arith.addf %add3A_46, %slice3A_47 : vector<8x128xf32>
    %slice3A_49 = vector.extract_strided_slice %get3A_1 {offsets = [192, 0], sizes = [8, 128], strides = [1, 1]} : vector<256x128xf32> to vector<8x128xf32>
    %add3A_50 = arith.addf %add3A_48, %slice3A_49 : vector<8x128xf32>
    %slice3A_51 = vector.extract_strided_slice %get3A_1 {offsets = [200, 0], sizes = [8, 128], strides = [1, 1]} : vector<256x128xf32> to vector<8x128xf32>
    %add3A_52 = arith.addf %add3A_50, %slice3A_51 : vector<8x128xf32>
    %slice3A_53 = vector.extract_strided_slice %get3A_1 {offsets = [208, 0], sizes = [8, 128], strides = [1, 1]} : vector<256x128xf32> to vector<8x128xf32>
    %add3A_54 = arith.addf %add3A_52, %slice3A_53 : vector<8x128xf32>
    %slice3A_55 = vector.extract_strided_slice %get3A_1 {offsets = [216, 0], sizes = [8, 128], strides = [1, 1]} : vector<256x128xf32> to vector<8x128xf32>
    %add3A_56 = arith.addf %add3A_54, %slice3A_55 : vector<8x128xf32>
    %slice3A_57 = vector.extract_strided_slice %get3A_1 {offsets = [224, 0], sizes = [8, 128], strides = [1, 1]} : vector<256x128xf32> to vector<8x128xf32>
    %add3A_58 = arith.addf %add3A_56, %slice3A_57 : vector<8x128xf32>
    %slice3A_59 = vector.extract_strided_slice %get3A_1 {offsets = [232, 0], sizes = [8, 128], strides = [1, 1]} : vector<256x128xf32> to vector<8x128xf32>
    %add3A_60 = arith.addf %add3A_58, %slice3A_59 : vector<8x128xf32>
    %slice3A_61 = vector.extract_strided_slice %get3A_1 {offsets = [240, 0], sizes = [8, 128], strides = [1, 1]} : vector<256x128xf32> to vector<8x128xf32>
    %add3A_62 = arith.addf %add3A_60, %slice3A_61 : vector<8x128xf32>
    %slice3A_63 = vector.extract_strided_slice %get3A_1 {offsets = [248, 0], sizes = [8, 128], strides = [1, 1]} : vector<256x128xf32> to vector<8x128xf32>
    %add3A_64 = arith.addf %add3A_62, %slice3A_63 : vector<8x128xf32>
    %slice3A_65 = vector.extract_strided_slice %add3A_64 {offsets = [0, 0], sizes = [4, 128], strides = [1, 1]} : vector<8x128xf32> to vector<4x128xf32>
    %reduce_sum3A = arith.constant dense<0.000000e+00> : vector<128xf32>
    %reduce_sum3A_66 = vector.multi_reduction <add>, %slice3A_65, %reduce_sum3A [0] : vector<4x128xf32> to vector<128xf32>
    %broadcast_in_dim3A_67 = vector.shape_cast %reduce_sum3A_66 : vector<128xf32> to vector<1x128xf32>
    %slice3A_68 = vector.extract_strided_slice %add3A_64 {offsets = [4, 0], sizes = [4, 128], strides = [1, 1]} : vector<8x128xf32> to vector<4x128xf32>
    %reduce_sum3A_69 = arith.constant dense<0.000000e+00> : vector<128xf32>
    %reduce_sum3A_70 = vector.multi_reduction <add>, %slice3A_68, %reduce_sum3A_69 [0] : vector<4x128xf32> to vector<128xf32>
    %broadcast_in_dim3A_71 = vector.shape_cast %reduce_sum3A_70 : vector<128xf32> to vector<1x128xf32>
    %broadcast_in_dim3A_72 = arith.constant 0.000000e+00 : f32
    %broadcast_in_dim3A_73 = vector.broadcast %broadcast_in_dim3A_72 : f32 to vector<1x32xf32>
    %broadcast_in_dim3A_74 = arith.constant 0.000000e+00 : f32
    %broadcast_in_dim3A_75 = vector.broadcast %broadcast_in_dim3A_74 : f32 to vector<1x32xf32>
    %slice3A_76 = vector.extract_strided_slice %broadcast_in_dim3A_67 {offsets = [0, 0], sizes = [1, 32], strides = [1, 1]} : vector<1x128xf32> to vector<1x32xf32>
    %add3A_77 = arith.addf %broadcast_in_dim3A_73, %slice3A_76 : vector<1x32xf32>
    %slice3A_78 = vector.extract_strided_slice %broadcast_in_dim3A_71 {offsets = [0, 0], sizes = [1, 32], strides = [1, 1]} : vector<1x128xf32> to vector<1x32xf32>
    %add3A_79 = arith.addf %broadcast_in_dim3A_75, %slice3A_78 : vector<1x32xf32>
    %slice3A_80 = vector.extract_strided_slice %broadcast_in_dim3A_67 {offsets = [0, 32], sizes = [1, 32], strides = [1, 1]} : vector<1x128xf32> to vector<1x32xf32>
    %add3A_81 = arith.addf %add3A_77, %slice3A_80 : vector<1x32xf32>
    %slice3A_82 = vector.extract_strided_slice %broadcast_in_dim3A_71 {offsets = [0, 32], sizes = [1, 32], strides = [1, 1]} : vector<1x128xf32> to vector<1x32xf32>
    %add3A_83 = arith.addf %add3A_79, %slice3A_82 : vector<1x32xf32>
    %slice3A_84 = vector.extract_strided_slice %broadcast_in_dim3A_67 {offsets = [0, 64], sizes = [1, 32], strides = [1, 1]} : vector<1x128xf32> to vector<1x32xf32>
    %add3A_85 = arith.addf %add3A_81, %slice3A_84 : vector<1x32xf32>
    %slice3A_86 = vector.extract_strided_slice %broadcast_in_dim3A_71 {offsets = [0, 64], sizes = [1, 32], strides = [1, 1]} : vector<1x128xf32> to vector<1x32xf32>
    %add3A_87 = arith.addf %add3A_83, %slice3A_86 : vector<1x32xf32>
    %slice3A_88 = vector.extract_strided_slice %broadcast_in_dim3A_67 {offsets = [0, 96], sizes = [1, 32], strides = [1, 1]} : vector<1x128xf32> to vector<1x32xf32>
    %add3A_89 = arith.addf %add3A_85, %slice3A_88 : vector<1x32xf32>
    %slice3A_90 = vector.extract_strided_slice %broadcast_in_dim3A_71 {offsets = [0, 96], sizes = [1, 32], strides = [1, 1]} : vector<1x128xf32> to vector<1x32xf32>
    %add3A_91 = arith.addf %add3A_87, %slice3A_90 : vector<1x32xf32>
    %get3A_92 = arith.constant 0 : index
    %get3A_93 = arith.constant 0 : index
    %get3A_94 = vector.load %arg0[%get3A_92, %get3A_93] : memref<32x128xf32, #tpu.memory_space<vmem>>, vector<32x128xf32>
    %slice3A_95 = vector.extract_strided_slice %get3A_94 {offsets = [0, 0], sizes = [32, 1], strides = [1, 1]} : vector<32x128xf32> to vector<32x1xf32>
    %reshape3A = vector.shape_cast %slice3A_95 : vector<32x1xf32> to vector<1x32xf32>
    %slice3A_96 = vector.extract_strided_slice %get3A_94 {offsets = [0, 1], sizes = [32, 1], strides = [1, 1]} : vector<32x128xf32> to vector<32x1xf32>
    %reshape3A_97 = vector.shape_cast %slice3A_96 : vector<32x1xf32> to vector<1x32xf32>
    %add3A_98 = arith.addf %add3A_89, %reshape3A : vector<1x32xf32>
    %add3A_99 = arith.addf %add3A_91, %reshape3A_97 : vector<1x32xf32>
    %gt3A = arith.constant 0.000000e+00 : f32
    %gt3A_100 = vector.broadcast %gt3A : f32 to vector<1x32xf32>
    %gt3A_101 = arith.cmpf ogt, %add3A_98, %gt3A_100 : vector<1x32xf32>
    %convert_element_type3A = arith.extui %gt3A_101 : vector<1x32xi1> to vector<1x32xi32>
    %convert_element_type3A_102 = arith.sitofp %convert_element_type3A : vector<1x32xi32> to vector<1x32xf32>
    %reduce_sum3A_103 = vector.shape_cast %convert_element_type3A_102 : vector<1x32xf32> to vector<1x1x32xf32>
    %reduce_sum3A_104 = arith.constant dense<0.000000e+00> : vector<1xf32>
    %reduce_sum3A_105 = vector.multi_reduction <add>, %reduce_sum3A_103, %reduce_sum3A_104 [1, 2] : vector<1x1x32xf32> to vector<1xf32>
    %reduce_sum3A_106 = vector.shape_cast %reduce_sum3A_105 : vector<1xf32> to vector<1x1x1xf32>
    %reduce_sum3A_107 = vector.extract %reduce_sum3A_106[0, 0, 0] : f32 from vector<1x1x1xf32>
    %gt3A_108 = arith.constant 0.000000e+00 : f32
    %gt3A_109 = vector.broadcast %gt3A_108 : f32 to vector<1x32xf32>
    %gt3A_110 = arith.cmpf ogt, %add3A_98, %gt3A_109 : vector<1x32xf32>
    %max3A = arith.constant 1.000000e+00 : f32
    %max3A_111 = vector.broadcast %max3A : f32 to vector<1x32xf32>
    %max3A_112 = arith.maximumf %add3A_98, %max3A_111 : vector<1x32xf32>
    %div3A = arith.divf %add3A_99, %max3A_112 : vector<1x32xf32>
    %jit3A = arith.constant 0.000000e+00 : f32
    %broadcast_in_dim3A_113 = vector.broadcast %jit3A : f32 to vector<1x32xf32>
    %select_n3A = arith.select %gt3A_110, %div3A, %broadcast_in_dim3A_113 : vector<1x32xi1>, vector<1x32xf32>
    %reduce_sum3A_114 = vector.shape_cast %select_n3A : vector<1x32xf32> to vector<1x1x32xf32>
    %reduce_sum3A_115 = arith.constant dense<0.000000e+00> : vector<1xf32>
    %reduce_sum3A_116 = vector.multi_reduction <add>, %reduce_sum3A_114, %reduce_sum3A_115 [1, 2] : vector<1x1x32xf32> to vector<1xf32>
    %reduce_sum3A_117 = vector.shape_cast %reduce_sum3A_116 : vector<1xf32> to vector<1x1x1xf32>
    %reduce_sum3A_118 = vector.extract %reduce_sum3A_117[0, 0, 0] : f32 from vector<1x1x1xf32>
    %neg3A = arith.constant 0.000000e+00 : f32
    %neg3A_119 = arith.subf %neg3A, %reduce_sum3A_118 : f32
    %max3A_120 = arith.constant 1.000000e+00 : f32
    %max3A_121 = arith.maximumf %reduce_sum3A_107, %max3A_120 : f32
    %div3A_122 = arith.divf %neg3A_119, %max3A_121 : f32
    %broadcast_in_dim3A_123 = vector.broadcast %div3A_122 : f32 to vector<8x128xf32>
    %swap3A = arith.constant 0 : index
    %swap3A_124 = arith.constant 0 : index
    %swap3A_125 = vector.load %arg2[%swap3A, %swap3A_124] : memref<8x128xf32, #tpu.memory_space<vmem>>, vector<8x128xf32>
    tpu.vector_store %arg2[%swap3A, %swap3A_124], %broadcast_in_dim3A_123 {strides = array<i32>} : memref<8x128xf32, #tpu.memory_space<vmem>>, vector<8x128xf32>,
    return
  }
}

</mosaic_0001>

<sc_bundles>
// kernel: kernel.5.cloned.1.call-start
scs
__scs_entry_jumppad:
0x0: {  	(pc) =	sbr.rel $0x88, $3  }
0x1: {  	(tag) =	ssettag $0x0;
	lr =	simm.s32 $0x1  }
0x2: {  	[smem:$0x3F9E] =	sst lr;
	_ =	strace $0xD0000000  }
0x3: {  	_ = 	snop  }
0x4: {  	_ = 	snop  }
0x5: {  	_ = 	snop  }
0x6: {  	_ = 	snop  }
0x7: {  	_ = 	snop  }
__scs_overlays_trampoline_lowered:
0x8: {  	[smem:$0x3FAD] =	sst s0  }
0x9: {  	[smem:$0x3FAE] =	sst s1  }
0xa: {  	[smem:$0x3FAF] =	sst s2  }
0xb: {  	[smem:$0x3FB0] =	sst s3  }
0xc: {  	[smem:$0x3FB1] =	sst s4  }
0xd: {  	[smem:$0x3FB2] =	sst s5  }
0xe: {  	[smem:$0x3FB3] =	sst s6  }
0xf: {  	[smem:$0x3FB4] =	sst s7  }
0x10: {  	[smem:$0x3FB5] =	sst s8  }
0x11: {  	[smem:$0x3FB6] =	sst s9;
	s0 =	simm.s32 @!p0 $0x0  }
0x12: {  	s1 =	sld [smem:$0x3F9C];
	s0 =	simm.s32 @p0 $0x1  }
0x13: {  	[smem:$0x3FB7] =	sst s0;
	s0 =	simm.s32 @!p1 $0x0  }
0x14: {  	s2 =	sld [smem:$0x3F9B];
	s0 =	simm.s32 @p1 $0x1  }
0x15: {  	[smem:$0x3FB8] =	sst s0;
	s0 =	simm.s32 @!p2 $0x0  }
0x16: {  	s3 =	sld [smem:$0x3FDB];
	s0 =	simm.s32 @p2 $0x1  }
0x17: {  	s4 =	simm.s32 $0x1BF5;
	[smem:$0x3FBA] =	sst s0  }
0x18: {  	s0 =	sld [smem:$0x3F9D];
	_ =	swait.ge [sflag:s4], $0x0  }
0x19: {  	s7 =	sld [smem:$0x3F9E]  }
0x1a: {  	s8 =	sadd.s32 $0xFFFFE003, lr  }
0x1b: {  	s9 =	sadd.s32 $0xFFFFFEF7, lr;
	s5 =	simm.s32 $0xFFFFFFFF;
	p2 =	slt.u32 s8, $0xFFFFF086  }
0x1c: {  	p1 =	slt.u32 s9, $0xF7A;
	s5 =	simm.s32 @!p2 $0x0  }
0x1d: {  	s5 =	simm.s32 @p1 $0x1;
	p0 =	seq.s32 s7, s2  }
0x1e: {  	s7 =	smul.u32 @!p0 $0xF7A, s2;
	p2 =	seq.s32 @!p0 s5, $0x0  }
0x1f: {  	s9 =	smul.u32 $0xF7A, s1;
	s8 =	simm.s32 @!p0 $0x1BF5;
	p2 =	por !p2, p0  }
0x20: {  	[sflag:s8] =	ssyncset.s32 @!p0 $0xFFFFF086;
	s6 =	sadd.s32 @!p0 s3, s7;
	s7 =	simm.s32 @!p0 $0x108  }
0x21: {  	s3 =	sadd.s32 s3, s9;
	s6 =	sadd.s32 @!p0 $0x88, s6;
	s7 =	simm.s32 @p2 $0x1082  }
0x22: {  	[simem:s7], [sflag:s8] =	dma.local @!p0 [hbm:s6], $0xF7A  }
0x23: {  	s9 =	sor.u32 $0xD0000000, s2;
	s6 =	simm.s32 $0x108;
	_ =	swait.ge @!p0 [sflag:s8], $0x0  }
0x24: {  	s3 =	sadd.s32 $0x88, s3;
	s6 =	simm.s32 @!p1 $0x1082;
	[sflag:s4] =	ssyncset.s32 $0xFFFFF086  }
0x25: {  	[simem:s6], [sflag:s4] =	dma.local [hbm:s3], $0xF7A  }
0x26: {  	[smem:$0x3F9E] =	sst s1;
	(tag) =	ssettag s2;
	_ =	strace s9  }
0x27: {  	s1 =	sld [smem:$0x3FAE]  }
0x28: {  	s2 =	sld [smem:$0x3FAF]  }
0x29: {  	s4 =	sld [smem:$0x3FB1]  }
0x2a: {  	p0 =	seq.s32 s5, $0x0;
	s5 =	sld [smem:$0x3FB2]  }
0x2b: {  	s6 =	sld [smem:$0x3FB3]  }
0x2c: {  	s7 =	sld [smem:$0x3FB4]  }
0x2d: {  	s3 =	simm.s32 $0x108;
	s8 =	sld [smem:$0x3FB5]  }
0x2e: {  	s3 =	simm.s32 @!p0 $0x1082;
	s9 =	sld [smem:$0x3FB6]  }
0x2f: {  	lr =	sadd.s32 s0, s3;
	s0 =	sld [smem:$0x3FAD]  }
0x30: {  	s3 =	sld [smem:$0x3FB0]  }
0x31: {  	[smem:$0x3FB9] =	sst s10  }
0x32: {  	s10 =	sld [smem:$0x3FB7];
	_ =	sdelay $0x3  }
0x33: {  	p0 =	seq.s32 s10, $0x1;
	s10 =	sld [smem:$0x3FB9];
	_ =	sdelay $0x3  }
0x34: {  	[smem:$0x3FB9] =	sst s10  }
0x35: {  	s10 =	sld [smem:$0x3FB8];
	_ =	sdelay $0x3  }
0x36: {  	p1 =	seq.s32 s10, $0x1;
	s10 =	sld [smem:$0x3FB9];
	_ =	sdelay $0x3  }
0x37: {  	[smem:$0x3FB9] =	sst s10  }
0x38: {  	s10 =	sld [smem:$0x3FBA]  }
0x39: {  	_ = 	snop;
	(pc) =	sbr.ind lr, $3  }
0x3a: {  	_ = 	snop  }
0x3b: {  	_ = 	snop  }
0x3c: {  	p2 =	seq.s32 s10, $0x1;
	s10 =	sld [smem:$0x3FB9]  }
0x3d: {  	_ =	shalt  }
0x3e: {  	_ =	shalt  }
0x3f: {  	_ =	shalt  }
0x40: {  	_ =	shalt  }
0x41: {  	_ =	shalt  }
0x42: {  	_ =	shalt  }
0x43: {  	_ =	shalt  }
0x44: {  	_ =	shalt  }
0x45: {  	_ =	shalt  }
0x46: {  	_ =	shalt  }
0x47: {  	_ =	shalt  }
0x48: {  	_ =	shalt  }
0x49: {  	_ =	shalt  }
0x4a: {  	_ =	shalt  }
0x4b: {  	_ =	shalt  }
0x4c: {  	_ =	shalt  }
0x4d: {  	_ =	shalt  }
0x4e: {  	_ =	shalt  }
0x4f: {  	_ =	shalt  }
0x50: {  	_ =	shalt  }
0x51: {  	_ =	shalt  }
0x52: {  	_ =	shalt  }
0x53: {  	_ =	shalt  }
0x54: {  	_ =	shalt  }
0x55: {  	_ =	shalt  }
0x56: {  	_ =	shalt  }
0x57: {  	_ =	shalt  }
0x58: {  	_ =	shalt  }
0x59: {  	_ =	shalt  }
0x5a: {  	_ =	shalt  }
0x5b: {  	_ =	shalt  }
0x5c: {  	_ =	shalt  }
0x5d: {  	_ =	shalt  }
0x5e: {  	_ =	shalt  }
0x5f: {  	_ =	shalt  }
0x60: {  	_ =	shalt  }
0x61: {  	_ =	shalt  }
0x62: {  	_ =	shalt  }
0x63: {  	_ =	shalt  }
0x64: {  	_ =	shalt  }
0x65: {  	_ =	shalt  }
0x66: {  	_ =	shalt  }
0x67: {  	_ =	shalt  }
0x68: {  	_ =	shalt  }
0x69: {  	_ =	shalt  }
0x6a: {  	_ =	shalt  }
0x6b: {  	_ =	shalt  }
0x6c: {  	_ =	shalt  }
0x6d: {  	_ =	shalt  }
0x6e: {  	_ =	shalt  }
0x6f: {  	_ =	shalt  }
0x70: {  	_ =	shalt  }
0x71: {  	_ =	shalt  }
0x72: {  	_ =	shalt  }
0x73: {  	_ =	shalt  }
0x74: {  	_ =	shalt  }
0x75: {  	_ =	shalt  }
0x76: {  	_ =	shalt  }
0x77: {  	_ =	shalt  }
0x78: {  	_ =	shalt  }
0x79: {  	_ =	shalt  }
0x7a: {  	_ =	shalt  }
0x7b: {  	_ =	shalt  }
0x7c: {  	_ =	shalt  }
0x7d: {  	_ =	shalt  }
0x7e: {  	_ =	shalt  }
0x7f: {  	_ =	shalt  }
0x80: {  	_ =	shalt  }
0x81: {  	_ =	shalt  }
0x82: {  	_ =	shalt  }
0x83: {  	_ =	shalt  }
0x84: {  	_ =	shalt  }
0x85: {  	_ =	shalt  }
0x86: {  	_ =	shalt  }
0x87: {  	_ =	shalt  }
.Lfunc_end0:
.L_simem_size_0:
called_computation_lowered:
.L_overlay_start_0:
0x88: {  	s2 =	sld [smem:$0x3FD9]  }
0x89: {  	s3 =	sld [smem:$0x3FFE];
	_ =	sdelay $0x1  }
0x8a: {  	s1 =	srdreg.scid  }
0x8b: {  	s0 =	sand.u32 $0x1, s1  }
0x8c: {  	s17 =	sshll.u32 s0, $0xA;
	s2 =	sadd.s32 s3, s2  }
0x8d: {  	s2 =	sadd.s32 s2, s17  }
0x8e: {  	[smem:$0x3FC5] =	sst s2  }
0x8f: {  	_ = 	snop  }
0x90: {  	s2 =	sld [smem:$0x3FC9]  }
0x91: {  	s18 =	sld [smem:$0x3FC8]  }
0x92: {  	s4 =	sld [smem:$0x3FC7];
	(tm) =	ssettm $0x1  }
0x93: {  	s5 =	sld [smem:$0x3FFB];
	_ =	sdelay $0x3  }
0x94: {  	_ =	strace s5  }
0x95: {  	s5 =	sld [smem:$0x3FFC];
	_ =	sdelay $0x3  }
0x96: {  	_ =	strace s5  }
0x97: {  	s5 =	sld [smem:$0x3FFD];
	_ =	sdelay $0x3  }
0x98: {  	_ =	strace s5  }
0x99: {  	_ =	strace $0x8FFFFFFF  }
0x9a: {  	s19 =	sld [smem:$0x3FDB];
	_ =	sdelay $0x1  }
0x9b: {  	s6 =	simm.s32 $_scs_section_size  }
0x9c: {  	s7 =	simm.s32 $_size__tile_overlayer_lowered;
	s8 =	simm.s32 $_tile_overlayer_lowered  }
0x9d: {  	s22 =	simm.s32 $0x1BFF;
	s21 =	sshll.u32 s8, $0x1;
	s5 =	sadd.s32 s6, s19  }
0x9e: {  	s9 =	simm.s32 $0x0;
	s20 =	sshll.u32 s7, $0x1;
	s7 =	sadd.s32 s21, s5  }
0x9f: {  	[timem:s9], [sflag:s22] =	dma.local [hbm:s7], s20  }
0xa0: {  	_ =	swait.ge [sflag:s22], s20  }
0xa1: {  	s6 =	ssub.s32 $0x0, s20;
	[sflag:s22] =	ssyncset.done $0x0  }
0xa2: {  	[sflag:s22] =	ssyncadd.s32 s6;
	_ =	sdelay $0x1  }
0xa3: {  	s23 =	simm.s32 $0x1B8B  }
0xa4: {  	_ =	swait.ge [sflag:s23], $0x1  }
0xa5: {  	[sflag:s23] =	ssyncset.done $0x0  }
0xa6: {  	s25 =	simm.s32 $0x1B8E;
	s24 =	sld [smem:$0x3FFE];
	[sflag:s23] =	ssyncadd.s32 $0xFFFFFFFF  }
0xa7: {  	s26 =	simm.s32 $execute0_lowered;
	[smem:$0x3FD2] =	sst s25  }
0xa8: {  	s7 =	sshll.u32 s26, $0x1;
	_ =	strace $0x80000046;
	[dreg:$0x1] =	wrdreg $0xFFFFFFFF  }
0xa9: {  	s28 =	simm.s32 $_size_execute0_lowered;
	s5 =	sadd.s32 s5, s7;
	[dreg:$0x0] =	wrdreg $0x0  }
0xaa: {  	s7 =	sshll.u32 s28, $0x1;
	[dreg:$0x2] =	wrdreg s5  }
0xab: {  	[dreg:$0x3] =	wrdreg s7  }
0xac: {  	[dreg:$0x4] =	wrdreg $0xC0  }
0xad: {  	_ =	task [dreg:s9], $0x5FFFF  }
0xae: {  	[dreg:$0x1] =	wrdreg $0xFFFFFFFF  }
0xaf: {  	[dreg:$0x0] =	wrdreg $0x60  }
0xb0: {  	[dreg:$0x2] =	wrdreg s2  }
0xb1: {  	[dreg:$0x3] =	wrdreg s18  }
0xb2: {  	[dreg:$0x4] =	wrdreg s4  }
0xb3: {  	[dreg:$0x5] =	wrdreg s24  }
0xb4: {  	[dreg:$0x6] =	wrdreg $0x9  }
0xb5: {  	_ =	task.clear_ibuf [dreg:s9], $0x7FFFF;
	_ =	strace $0x90000046  }
0xb6: {  	s29 =	simm.s32 $0x9;
	_ =	strace $0x80000048  }
0xb7: {  	_ =	swait.ge [sflag:s29], $0x1  }
0xb8: {  	[sflag:s29] =	ssyncadd.s32 $0xFFFFFFFF  }
0xb9: {  	_ =	strace $0x90000048  }
0xba: {  	_ =	sfence  }
0xbb: {  	s30 =	sld [smem:$0x0];
	_ =	sdelay $0x2  }
0xbc: {  	s31 =	sshll.u32 s1, $0xD;
	s1 =	sshrl.u32 s1, $0x2  }
0xbd: {  	s3 =	sand.u32 $0x4000, s31;
	s1 =	sadd.s32 s1, s30  }
0xbe: {  	s0 =	sor.u32 s3, s0;
	s1 =	sshll.u32 s1, $0x11  }
0xbf: {  	s0 =	sor.u32 s1, s0  }
0xc0: {  	s0 =	sadd.s32 $0x8F2B, s0  }
0xc1: {  	[sflag:s0] =	ssyncadd.remote.s32 $0x1  }
0xc2: {  	_ =	sfence.sel $0xFFFF  }
0xc3: {  	[dreg:$0x0] =	wrdreg $0xFFFFFFFF;
	(pc) =	sbr.abs _section_cstart, $3  }
0xc4: {  	[dreg:$0x1] =	wrdreg $0xFFFFFFFF  }
0xc5: {  	_ =	task.clear_ibuf [dreg:s9], $0x2FFFF;
	_ =	strace $0x9FFFFFFF  }
0xc6: {  	(tm) =	ssettm $0x7FFFFFFF  }
0xc7: {  	_ =	shalt  }
tec
execute0_lowered:
.L_overlay_start_1:
0x0: {  	(tag) =	ssettag $0x1  }
0x1: {  	s8 =	rddreg [dreg:$0x0]  }
0x2: {  	s9 =	rddreg [dreg:$0x1]  }
0x3: {  	s1 =	srdreg.scid;
	s3 =	rddreg [dreg:$0x2]  }
0x4: {  	s0 =	stileid.u32;
	s4 =	rddreg [dreg:$0x3];
	s2 =	simm.s32 $0x0  }
0x5: {  	s16 =	simm.s32 $0x1000;
	s17 =	simm.s32 $0x186C00;
	s18 =	simm.s32 $0xA000  }
0x6: {  	s19 =	simm.s32 $0x14A00;
	s20 =	simm.s32 $0x0;
	s6 =	sand.u32 $0x1, s1  }
0x7: {  	s28 =	sshll.u32 s0, $0x1;
	s1 =	rddreg [dreg:$0x4];
	s31 =	smul.u32 $0xC00, s0  }
0x8: {  	[smem:$0x7FF] =	sst s2;
	s5 =	sor.u32 s6, s28;
	s15 =	smul.u32 $0x600, s6  }
0x9: {  	_ =	strace $0x80000047;
	s29 =	ssub.s32 $0x2, s6;
	s7 =	smul.u32 $0x600, s5  }
0xa: {  	s10 =	sshll.u32 s5, $0x7;
	s12 =	sshrl.u32 s29, $0x1;
	s13 =	smul.u32 $0x3000, s5  }
0xb: {  	s10 =	sadd.s32 s10, s4;
	s12 =	ssub.s32 s29, s12;
	s7 =	sadd.s32 $0x24000, s7  }
0xc: {  	s30 =	sshrl.u32 s13, $0x3;
	s10 =	sadd.s32 $0x800, s10;
	s12 =	smax.u32 s12, $0x1  }
0xd: {  	v0 =	vlaneseq.u32;
	s11 =	sshrl.u32 s7, $0x3;
	s4 =	sadd.s32 s8, s7;
	s5 =	sadd.s32 s9, s7  }
0xe: {  	v6 =	vmul.u32 $0x20, v0;
	s13 =	sadd.s32 $0x24200, s30;
	s14 =	sadd.s32 $0x24400, s30;
	s11 =	sand.u32 $0x7F80, s11  }
0xf: {  	s6 =	sadd.s32 s8, s13;
	s7 =	sadd.s32 s9, s13;
	s8 =	sadd.s32 s8, s14  }
0x10: {  	v7 =	vor.u32 $0x200, v6;
	[tilespmem:$0x1FFE0] =	vst v6;
	s9 =	sadd.s32 s9, s14;
	s3 =	sadd.s32 s3, s11;
	s11 =	sadd.s32 s15, s31  }
0x11: {  	[tilespmem:$0x1FFF0] =	vst v7;
	s14 =	simm.s32 $0x14000;
	s15 =	simm.s32 $0x1;
	s13 =	sand.u32 $0x200, s11  }
.LBB2_1:
0x12: {  	v0 =	vimm.f32 $0.0e+00  }
0x13: {  	[tilespmem:$0x14A00] =	vst v0  }
0x14: {  	[tilespmem:$0x14A10] =	vst v0  }
0x15: {  	[tilespmem:$0x14A20] =	vst v0  }
0x16: {  	[tilespmem:$0x14A30] =	vst v0  }
0x17: {  	[tilespmem:$0x14A40] =	vst v0  }
0x18: {  	[tilespmem:$0x14A50] =	vst v0  }
0x19: {  	[tilespmem:$0x14A60] =	vst v0  }
0x1a: {  	[tilespmem:$0x14A70] =	vst v0  }
0x1b: {  	[tilespmem:$0x14A80] =	vst v0  }
0x1c: {  	[tilespmem:$0x14A90] =	vst v0  }
0x1d: {  	[tilespmem:$0x14AA0] =	vst v0  }
0x1e: {  	[tilespmem:$0x14AB0] =	vst v0  }
0x1f: {  	[tilespmem:$0x14AC0] =	vst v0  }
0x20: {  	[tilespmem:$0x14AD0] =	vst v0  }
0x21: {  	[tilespmem:$0x14AE0] =	vst v0  }
0x22: {  	[tilespmem:$0x14AF0] =	vst v0  }
0x23: {  	[tilespmem:$0x14B00] =	vst v0  }
0x24: {  	[tilespmem:$0x14B10] =	vst v0  }
0x25: {  	[tilespmem:$0x14B20] =	vst v0  }
0x26: {  	[tilespmem:$0x14B30] =	vst v0  }
0x27: {  	[tilespmem:$0x14B40] =	vst v0  }
0x28: {  	[tilespmem:$0x14B50] =	vst v0  }
0x29: {  	[tilespmem:$0x14B60] =	vst v0  }
0x2a: {  	[tilespmem:$0x14B70] =	vst v0  }
0x2b: {  	[tilespmem:$0x14B80] =	vst v0  }
0x2c: {  	[tilespmem:$0x14B90] =	vst v0  }
0x2d: {  	[tilespmem:$0x14BA0] =	vst v0  }
0x2e: {  	[tilespmem:$0x14BB0] =	vst v0  }
0x2f: {  	[tilespmem:$0x14BC0] =	vst v0  }
0x30: {  	[tilespmem:$0x14BD0] =	vst v0  }
0x31: {  	[tilespmem:$0x14BE0] =	vst v0  }
0x32: {  	[tilespmem:$0x14BF0] =	vst v0  }
0x33: {  	[tilespmem:$0x14C00] =	vst v0  }
0x34: {  	[tilespmem:$0x14C10] =	vst v0  }
0x35: {  	[tilespmem:$0x14C20] =	vst v0  }
0x36: {  	[tilespmem:$0x14C30] =	vst v0  }
0x37: {  	[tilespmem:$0x14C40] =	vst v0  }
0x38: {  	[tilespmem:$0x14C50] =	vst v0  }
0x39: {  	[tilespmem:$0x14C60] =	vst v0  }
0x3a: {  	[tilespmem:$0x14C70] =	vst v0  }
0x3b: {  	[tilespmem:$0x14C80] =	vst v0  }
0x3c: {  	[tilespmem:$0x14C90] =	vst v0  }
0x3d: {  	[tilespmem:$0x14CA0] =	vst v0  }
0x3e: {  	[tilespmem:$0x14CB0] =	vst v0  }
0x3f: {  	[tilespmem:$0x14CC0] =	vst v0  }
0x40: {  	[tilespmem:$0x14CD0] =	vst v0  }
0x41: {  	[tilespmem:$0x14CE0] =	vst v0  }
0x42: {  	[tilespmem:$0x14CF0] =	vst v0  }
0x43: {  	[tilespmem:$0x14D00] =	vst v0  }
0x44: {  	[tilespmem:$0x14D10] =	vst v0  }
0x45: {  	[tilespmem:$0x14D20] =	vst v0  }
0x46: {  	[tilespmem:$0x14D30] =	vst v0  }
0x47: {  	[tilespmem:$0x14D40] =	vst v0  }
0x48: {  	[tilespmem:$0x14D50] =	vst v0  }
0x49: {  	[tilespmem:$0x14D60] =	vst v0  }
0x4a: {  	[tilespmem:$0x14D70] =	vst v0  }
0x4b: {  	[tilespmem:$0x14D80] =	vst v0  }
0x4c: {  	[tilespmem:$0x14D90] =	vst v0  }
0x4d: {  	[tilespmem:$0x14DA0] =	vst v0  }
0x4e: {  	[tilespmem:$0x14DB0] =	vst v0  }
0x4f: {  	[tilespmem:$0x14DC0] =	vst v0  }
0x50: {  	[tilespmem:$0x14DD0] =	vst v0  }
0x51: {  	[tilespmem:$0x14DE0] =	vst v0  }
0x52: {  	[tilespmem:$0x14DF0] =	vst v0  }
0x53: {  	[tilespmem:s14], [sflag:$0x1] =	stream.linear.gather [hbm4b:s3+s2], $0xA00, $0x38;
	[tilespmem:$0x14E00] =	vst v63  }
0x54: {  	_ =	swait.ge [sflag:s15], $0xA00  }
0x55: {  	[sflag:s15] =	ssyncset.done $0x0  }
0x56: {  	[sflag:s15] =	ssyncadd.s32 $0xFFFFF600  }
0x57: {  	[tilespmem:s2], [sflag:$0x1] =	stream.strided.gather [hbm4b:s4+s16], $0xA000, s17, s16, $0x38;
	[tilespmem:$0x14E00] =	vst v63  }
0x58: {  	_ =	swait.ge [sflag:s15], $0xA000  }
0x59: {  	[sflag:s15] =	ssyncset.done $0x0  }
0x5a: {  	[sflag:s15] =	ssyncadd.s32 $0xFFFF6000  }
0x5b: {  	[tilespmem:s18], [sflag:$0x1] =	stream.strided.gather [hbm4b:s5+s16], $0xA000, s17, s16, $0x38;
	[tilespmem:$0x14E00] =	vst v63  }
0x5c: {  	_ =	swait.ge [sflag:s15], $0xA000  }
0x5d: {  	[sflag:s15] =	ssyncset.done $0x0  }
0x5e: {  	s21 =	simm.s32 $0x0;
	s22 =	simm.s32 $0x0;
	[sflag:s15] =	ssyncadd.s32 $0xFFFF6000  }
.LBB2_2:
0x5f: {  	s23 =	sand.u32 $0x70, s21;
	s24 =	sand.u32 $0xC00, s22  }
0x60: {  	s24 =	sor.u32 s23, s24  }
0x61: {  	v6 =	vld [tilespmem:s24+$0x0]  }
0x62: {  	v7 =	vld [tilespmem:s24+$0x80]  }
0x63: {  	v8 =	vld [tilespmem:s24+$0x100]  }
0x64: {  	v9 =	vld [tilespmem:s24+$0x180]  }
0x65: {  	v10 =	vld [tilespmem:s24+$0x200]  }
0x66: {  	s25 =	sor.u32 s21, s22;
	v11 =	vld [tilespmem:s24+$0x280];
	v5 =	vmax.f32 v6, $-3.000000010e+38  }
0x67: {  	s26 =	sor.u32 $0x380, s25;
	v12 =	vld [tilespmem:s24+$0x300];
	v5 =	vmax.f32 v5, v7  }
0x68: {  	v13 =	vld [tilespmem:s26+$0x0];
	v5 =	vmax.f32 v5, v8  }
0x69: {  	v14 =	vld [tilespmem:s24+$0x1000];
	v5 =	vmax.f32 v5, v9  }
0x6a: {  	v15 =	vld [tilespmem:s24+$0x1080];
	v5 =	vmax.f32 v5, v10  }
0x6b: {  	v16 =	vld [tilespmem:s24+$0x1100];
	v5 =	vmax.f32 v5, v11  }
0x6c: {  	v17 =	vld [tilespmem:s24+$0x1180];
	v5 =	vmax.f32 v5, v12  }
0x6d: {  	v18 =	vld [tilespmem:s24+$0x1200];
	v5 =	vmax.f32 v5, v13  }
0x6e: {  	v19 =	vld [tilespmem:s24+$0x1280];
	v5 =	vmax.f32 v5, v14  }
0x6f: {  	s31 =	sor.u32 $0x1380, s25;
	v20 =	vld [tilespmem:s24+$0x1300];
	v5 =	vmax.f32 v5, v15  }
0x70: {  	v21 =	vld [tilespmem:s31+$0x0];
	v5 =	vmax.f32 v5, v16  }
0x71: {  	v22 =	vld [tilespmem:s24+$0x2000];
	v5 =	vmax.f32 v5, v17  }
0x72: {  	v63 =	vld [tilespmem:s24+$0x2080];
	v5 =	vmax.f32 v5, v18  }
0x73: {  	v62 =	vld [tilespmem:s24+$0x2100];
	v5 =	vmax.f32 v5, v19  }
0x74: {  	v61 =	vld [tilespmem:s24+$0x2180];
	v5 =	vmax.f32 v5, v20  }
0x75: {  	v60 =	vld [tilespmem:s24+$0x2200];
	v5 =	vmax.f32 v5, v21  }
0x76: {  	v59 =	vld [tilespmem:s24+$0x2280];
	v5 =	vmax.f32 v5, v22  }
0x77: {  	s28 =	sor.u32 $0x2380, s25;
	v58 =	vld [tilespmem:s24+$0x2300];
	v5 =	vmax.f32 v5, v63  }
0x78: {  	v57 =	vld [tilespmem:s28+$0x0];
	v5 =	vmax.f32 v5, v62  }
0x79: {  	v56 =	vld [tilespmem:s24+$0x3000];
	v5 =	vmax.f32 v5, v61  }
0x7a: {  	v55 =	vld [tilespmem:s24+$0x3080];
	v5 =	vmax.f32 v5, v60  }
0x7b: {  	v54 =	vld [tilespmem:s24+$0x3100];
	v5 =	vmax.f32 v5, v59  }
0x7c: {  	v53 =	vld [tilespmem:s24+$0x3180];
	v5 =	vmax.f32 v5, v58  }
0x7d: {  	v52 =	vld [tilespmem:s24+$0x3200];
	v5 =	vmax.f32 v5, v57  }
0x7e: {  	v51 =	vld [tilespmem:s24+$0x3280];
	v5 =	vmax.f32 v5, v56  }
0x7f: {  	s29 =	sor.u32 $0x3380, s25;
	v23 =	vld [tilespmem:s24+$0x3300];
	v5 =	vmax.f32 v5, v55  }
0x80: {  	v24 =	vld [tilespmem:s29+$0x0];
	v5 =	vmax.f32 v5, v54  }
0x81: {  	v25 =	vld [tilespmem:s24+$0x4000];
	v5 =	vmax.f32 v5, v53  }
0x82: {  	v26 =	vld [tilespmem:s24+$0x4080];
	v5 =	vmax.f32 v5, v52  }
0x83: {  	v27 =	vld [tilespmem:s24+$0x4100];
	v5 =	vmax.f32 v5, v51  }
0x84: {  	v50 =	vld [tilespmem:s24+$0x4180];
	v5 =	vmax.f32 v5, v23  }
0x85: {  	v49 =	vld [tilespmem:s24+$0x4200];
	v5 =	vmax.f32 v5, v24  }
0x86: {  	v48 =	vld [tilespmem:s24+$0x4280];
	v5 =	vmax.f32 v5, v25  }
0x87: {  	s30 =	sor.u32 $0x4380, s25;
	v47 =	vld [tilespmem:s24+$0x4300];
	v5 =	vmax.f32 v5, v26  }
0x88: {  	v46 =	vld [tilespmem:s30+$0x0];
	v5 =	vmax.f32 v5, v27  }
0x89: {  	v45 =	vld [tilespmem:s24+$0x5000];
	v5 =	vmax.f32 v5, v50  }
0x8a: {  	v44 =	vld [tilespmem:s24+$0x5080];
	v5 =	vmax.f32 v5, v49  }
0x8b: {  	v43 =	vld [tilespmem:s24+$0x5100];
	v5 =	vmax.f32 v5, v48  }
0x8c: {  	v42 =	vld [tilespmem:s24+$0x5180];
	v5 =	vmax.f32 v5, v47  }
0x8d: {  	v41 =	vld [tilespmem:s24+$0x5200];
	v5 =	vmax.f32 v5, v46  }
0x8e: {  	v40 =	vld [tilespmem:s24+$0x5280];
	v5 =	vmax.f32 v5, v45  }
0x8f: {  	v39 =	vld [tilespmem:s24+$0x5300];
	s31 =	sor.u32 $0x5380, s25;
	v5 =	vmax.f32 v5, v44  }
0x90: {  	v38 =	vld [tilespmem:s31+$0x0];
	v5 =	vmax.f32 v5, v43  }
0x91: {  	v37 =	vld [tilespmem:s24+$0x6000];
	v5 =	vmax.f32 v5, v42  }
0x92: {  	v36 =	vld [tilespmem:s24+$0x6080];
	v5 =	vmax.f32 v5, v41  }
0x93: {  	v35 =	vld [tilespmem:s24+$0x6100];
	v5 =	vmax.f32 v5, v40  }
0x94: {  	v34 =	vld [tilespmem:s24+$0x6180];
	v5 =	vmax.f32 v5, v39  }
0x95: {  	v33 =	vld [tilespmem:s24+$0x6200];
	v5 =	vmax.f32 v5, v38  }
0x96: {  	v32 =	vld [tilespmem:s24+$0x6280];
	v5 =	vmax.f32 v5, v37  }
0x97: {  	v31 =	vld [tilespmem:s24+$0x6300];
	s28 =	sor.u32 $0x6380, s25;
	v5 =	vmax.f32 v5, v36  }
0x98: {  	v30 =	vld [tilespmem:s28+$0x0];
	v5 =	vmax.f32 v5, v35  }
0x99: {  	v29 =	vld [tilespmem:s24+$0x7000];
	v5 =	vmax.f32 v5, v34  }
0x9a: {  	v28 =	vld [tilespmem:s24+$0x7080];
	v5 =	vmax.f32 v5, v33  }
0x9b: {  	v1 =	vld [tilespmem:s24+$0x7100];
	v5 =	vmax.f32 v5, v32  }
0x9c: {  	v0 =	vld [tilespmem:s24+$0x7180];
	v5 =	vmax.f32 v5, v31  }
0x9d: {  	v4 =	vld [tilespmem:s24+$0x7200];
	v5 =	vmax.f32 v5, v30  }
0x9e: {  	v3 =	vld [tilespmem:s24+$0x7280];
	v5 =	vmax.f32 v5, v29  }
0x9f: {  	v2 =	vld [tilespmem:s24+$0x7300];
	s29 =	sor.u32 $0x7380, s25;
	v5 =	vmax.f32 v5, v28  }
0xa0: {  	[tilespmem:$0x1FE90] =	vst v1;
	v5 =	vmax.f32 v5, v1;
	v1 =	vld [tilespmem:s29+$0x0]  }
0xa1: {  	[tilespmem:$0x1FEA0] =	vst v0;
	v5 =	vmax.f32 v5, v0;
	v0 =	vld [tilespmem:s24+$0x8000]  }
0xa2: {  	[tilespmem:$0x1FEB0] =	vst v4;
	v5 =	vmax.f32 v5, v4;
	v4 =	vld [tilespmem:s24+$0x8080]  }
0xa3: {  	[tilespmem:$0x1FEC0] =	vst v3;
	v5 =	vmax.f32 v5, v3;
	v3 =	vld [tilespmem:s24+$0x8100]  }
0xa4: {  	[tilespmem:$0x1FED0] =	vst v2;
	v5 =	vmax.f32 v5, v2;
	v2 =	vld [tilespmem:s24+$0x8180]  }
0xa5: {  	[tilespmem:$0x1FEE0] =	vst v1;
	v5 =	vmax.f32 v5, v1;
	v1 =	vld [tilespmem:s24+$0x8200]  }
0xa6: {  	[tilespmem:$0x1FEF0] =	vst v0;
	v5 =	vmax.f32 v5, v0;
	v0 =	vld [tilespmem:s24+$0x8280]  }
0xa7: {  	s30 =	sor.u32 $0x8380, s25;
	[tilespmem:$0x1FF00] =	vst v4;
	v5 =	vmax.f32 v5, v4;
	v4 =	vld [tilespmem:s24+$0x8300]  }
0xa8: {  	[tilespmem:$0x1FF10] =	vst v3;
	v5 =	vmax.f32 v5, v3;
	v3 =	vld [tilespmem:s30+$0x0]  }
0xa9: {  	[tilespmem:$0x1FF20] =	vst v2;
	v5 =	vmax.f32 v5, v2;
	v2 =	vld [tilespmem:s24+$0x9000]  }
0xaa: {  	[tilespmem:$0x1FF30] =	vst v1;
	v5 =	vmax.f32 v5, v1;
	v1 =	vld [tilespmem:s24+$0x9080]  }
0xab: {  	[tilespmem:$0x1FF40] =	vst v0;
	v5 =	vmax.f32 v5, v0;
	v0 =	vld [tilespmem:s24+$0x9100]  }
0xac: {  	[tilespmem:$0x1FF50] =	vst v4;
	v5 =	vmax.f32 v5, v4;
	v4 =	vld [tilespmem:s24+$0x9180]  }
0xad: {  	[tilespmem:$0x1FF60] =	vst v3;
	v5 =	vmax.f32 v5, v3;
	v3 =	vld [tilespmem:s24+$0x9200]  }
0xae: {  	[tilespmem:$0x1FF70] =	vst v2;
	v5 =	vmax.f32 v5, v2;
	v2 =	vld [tilespmem:s24+$0x9280]  }
0xaf: {  	s25 =	sor.u32 $0x9380, s25;
	[tilespmem:$0x1FF80] =	vst v1;
	v5 =	vmax.f32 v5, v1;
	v1 =	vld [tilespmem:s24+$0x9300]  }
0xb0: {  	[tilespmem:$0x1FF90] =	vst v0;
	v5 =	vmax.f32 v5, v0;
	v0 =	vld [tilespmem:s25+$0x0]  }
0xb1: {  	v5 =	vmax.f32 v5, v4  }
0xb2: {  	v5 =	vmax.f32 v5, v3  }
0xb3: {  	v5 =	vmax.f32 v5, v2  }
0xb4: {  	v5 =	vmax.f32 v5, v1  }
0xb5: {  	v5 =	vmax.f32 v5, v0  }
0xb6: {  	[tilespmem:$0x1FFD0] =	vst v0;
	v0 =	vsub.f32 v6, v5;
	_ =	sdelay $0x1  }
0xb7: {  	v6 =	vsub.f32 v7, v5;
	v0 =	vmul.f32 $1.442695020e+00, v0;
	_ =	sdelay $0x1  }
0xb8: {  	v8 =	vsub.f32 v8, v5;
	v7 =	vmul.f32 $1.442695020e+00, v6;
	(erf) = vpow2.f32 v0;
	_ =	sdelay $0x1  }
0xb9: {  	v6 =	vmul.f32 $1.442695020e+00, v8;
	(erf) = vpow2.f32 v7;
	v7 =	vsub.f32 v9, v5;
	_ =	sdelay $0x1  }
0xba: {  	v9 =	vsub.f32 v10, v5;
	(erf) = vpow2.f32 v6;
	v8 =	vmul.f32 $1.442695020e+00, v7;
	_ =	sdelay $0x1  }
0xbb: {  	v6 =	vsub.f32 v11, v5;
	v10 =	vmul.f32 $1.442695020e+00, v9;
	(erf) = vpow2.f32 v8;
	_ =	sdelay $0x1  }
0xbc: {  	v7 =	vmul.f32 $1.442695020e+00, v6;
	v8 =	vsub.f32 v12, v5;
	(erf) = vpow2.f32 v10  }
0xbd: {  	v11 =	vsub.f32 v13, v5;
	v9 =	vpop (erf)  }
0xbe: {  	[tilespmem:$0x1FFA0] =	vst v4;
	v4 =	vmovc v2;
	v10 =	vmul.f32 $1.442695020e+00, v8;
	(erf) = vpow2.f32 v7;
	v2 =	vadd.f32 $0.0e+00, v9  }
0xbf: {  	v14 =	vsub.f32 v14, v5;
	v12 =	vpop (erf)  }
0xc0: {  	v13 =	vmul.f32 $1.442695020e+00, v11;
	(erf) = vpow2.f32 v10;
	v2 =	vadd.f32 v2, v12  }
0xc1: {  	v9 =	vsub.f32 v15, v5;
	v6 =	vpop (erf)  }
0xc2: {  	v8 =	vmul.f32 $1.442695020e+00, v14;
	(erf) = vpow2.f32 v13;
	v2 =	vadd.f32 v2, v6  }
0xc3: {  	v11 =	vmul.f32 $1.442695020e+00, v9;
	v10 =	vpop (erf)  }
0xc4: {  	v12 =	vsub.f32 v16, v5;
	(erf) = vpow2.f32 v8;
	v2 =	vadd.f32 v2, v10  }
0xc5: {  	v15 =	vsub.f32 v17, v5;
	v13 =	vpop (erf)  }
0xc6: {  	v14 =	vmul.f32 $1.442695020e+00, v12;
	(erf) = vpow2.f32 v11;
	v2 =	vadd.f32 v2, v13  }
0xc7: {  	v6 =	vsub.f32 v18, v5;
	v16 =	vpop (erf)  }
0xc8: {  	v17 =	vmul.f32 $1.442695020e+00, v15;
	(erf) = vpow2.f32 v14;
	v2 =	vadd.f32 v2, v16  }
0xc9: {  	v9 =	vmul.f32 $1.442695020e+00, v6;
	v8 =	vpop (erf)  }
0xca: {  	v10 =	vsub.f32 v19, v5;
	(erf) = vpow2.f32 v17;
	v2 =	vadd.f32 v2, v8  }
0xcb: {  	v13 =	vsub.f32 v20, v5;
	v11 =	vpop (erf)  }
0xcc: {  	v12 =	vmul.f32 $1.442695020e+00, v10;
	(erf) = vpow2.f32 v9;
	v2 =	vadd.f32 v2, v11  }
0xcd: {  	v15 =	vmul.f32 $1.442695020e+00, v13;
	v14 =	vpop (erf)  }
0xce: {  	v16 =	vsub.f32 v21, v5;
	(erf) = vpow2.f32 v12;
	v2 =	vadd.f32 v2, v14  }
0xcf: {  	v19 =	vsub.f32 v22, v5;
	v17 =	vpop (erf)  }
0xd0: {  	v18 =	vmul.f32 $1.442695020e+00, v16;
	(erf) = vpow2.f32 v15;
	v2 =	vadd.f32 v2, v17  }
0xd1: {  	v22 =	vsub.f32 v63, v5;
	v20 =	vpop (erf)  }
0xd2: {  	v21 =	vmul.f32 $1.442695020e+00, v19;
	(erf) = vpow2.f32 v18;
	v2 =	vadd.f32 v2, v20  }
0xd3: {  	v6 =	vmul.f32 $1.442695020e+00, v22;
	v63 =	vpop (erf)  }
0xd4: {  	v8 =	vsub.f32 v62, v5;
	(erf) = vpow2.f32 v21;
	v2 =	vadd.f32 v2, v63  }
0xd5: {  	v11 =	vsub.f32 v61, v5;
	v9 =	vpop (erf)  }
0xd6: {  	v10 =	vmul.f32 $1.442695020e+00, v8;
	(erf) = vpow2.f32 v6;
	v2 =	vadd.f32 v2, v9  }
0xd7: {  	[tilespmem:$0x1FFC0] =	vst v1;
	v1 =	vmul.f32 $1.442695020e+00, v11;
	v12 =	vpop (erf)  }
0xd8: {  	v14 =	vsub.f32 v60, v5;
	(erf) = vpow2.f32 v10;
	v2 =	vadd.f32 v2, v12  }
0xd9: {  	v17 =	vsub.f32 v59, v5;
	v13 =	vpop (erf)  }
0xda: {  	v16 =	vmul.f32 $1.442695020e+00, v14;
	(erf) = vpow2.f32 v1;
	v0 =	vadd.f32 v2, v13  }
0xdb: {  	v19 =	vmul.f32 $1.442695020e+00, v17;
	v15 =	vpop (erf)  }
0xdc: {  	v20 =	vsub.f32 v58, v5;
	(erf) = vpow2.f32 v16;
	v0 =	vadd.f32 v0, v15  }
0xdd: {  	v57 =	vsub.f32 v57, v5;
	v18 =	vpop (erf)  }
0xde: {  	v22 =	vmul.f32 $1.442695020e+00, v20;
	(erf) = vpow2.f32 v19;
	v0 =	vadd.f32 v0, v18  }
0xdf: {  	v60 =	vsub.f32 v56, v5;
	v21 =	vpop (erf)  }
0xe0: {  	v59 =	vmul.f32 $1.442695020e+00, v57;
	(erf) = vpow2.f32 v22;
	v0 =	vadd.f32 v0, v21  }
0xe1: {  	v62 =	vsub.f32 v55, v5;
	v58 =	vpop (erf)  }
0xe2: {  	v61 =	vmul.f32 $1.442695020e+00, v60;
	(erf) = vpow2.f32 v59;
	v0 =	vadd.f32 v0, v58  }
0xe3: {  	v6 =	vmul.f32 $1.442695020e+00, v62;
	v63 =	vpop (erf)  }
0xe4: {  	v9 =	vsub.f32 v54, v5;
	(erf) = vpow2.f32 v61;
	v0 =	vadd.f32 v0, v63  }
0xe5: {  	v12 =	vsub.f32 v53, v5;
	v8 =	vpop (erf)  }
0xe6: {  	v11 =	vmul.f32 $1.442695020e+00, v9;
	(erf) = vpow2.f32 v6;
	v0 =	vadd.f32 v0, v8  }
0xe7: {  	v14 =	vmul.f32 $1.442695020e+00, v12;
	v10 =	vpop (erf)  }
0xe8: {  	v15 =	vsub.f32 v52, v5;
	(erf) = vpow2.f32 v11;
	v0 =	vadd.f32 v0, v10  }
0xe9: {  	v18 =	vsub.f32 v51, v5;
	v13 =	vpop (erf)  }
0xea: {  	v17 =	vmul.f32 $1.442695020e+00, v15;
	(erf) = vpow2.f32 v14;
	v0 =	vadd.f32 v0, v13  }
0xeb: {  	v20 =	vmul.f32 $1.442695020e+00, v18;
	v16 =	vpop (erf)  }
0xec: {  	v21 =	vsub.f32 v23, v5;
	(erf) = vpow2.f32 v17;
	v0 =	vadd.f32 v0, v16  }
0xed: {  	v51 =	vsub.f32 v24, v5;
	v19 =	vpop (erf)  }
0xee: {  	v23 =	vmul.f32 $1.442695020e+00, v21;
	(erf) = vpow2.f32 v20;
	v0 =	vadd.f32 v0, v19  }
0xef: {  	v53 =	vsub.f32 v25, v5;
	v22 =	vpop (erf)  }
0xf0: {  	v52 =	vmul.f32 $1.442695020e+00, v51;
	(erf) = vpow2.f32 v23;
	v0 =	vadd.f32 v0, v22  }
0xf1: {  	v57 =	vsub.f32 v26, v5;
	v54 =	vpop (erf)  }
0xf2: {  	v55 =	vmul.f32 $1.442695020e+00, v53;
	(erf) = vpow2.f32 v52;
	v0 =	vadd.f32 v0, v54  }
0xf3: {  	v60 =	vsub.f32 v27, v5;
	v56 =	vpop (erf)  }
0xf4: {  	v59 =	vmul.f32 $1.442695020e+00, v57;
	(erf) = vpow2.f32 v55;
	v0 =	vadd.f32 v0, v56  }
0xf5: {  	v62 =	vmul.f32 $1.442695020e+00, v60;
	v58 =	vpop (erf)  }
0xf6: {  	v63 =	vsub.f32 v50, v5;
	(erf) = vpow2.f32 v59;
	v0 =	vadd.f32 v0, v58  }
0xf7: {  	v9 =	vsub.f32 v49, v5;
	v61 =	vpop (erf)  }
0xf8: {  	v8 =	vmul.f32 $1.442695020e+00, v63;
	(erf) = vpow2.f32 v62;
	v0 =	vadd.f32 v0, v61  }
0xf9: {  	v12 =	vsub.f32 v48, v5;
	v6 =	vpop (erf)  }
0xfa: {  	v11 =	vmul.f32 $1.442695020e+00, v9;
	(erf) = vpow2.f32 v8;
	v0 =	vadd.f32 v0, v6  }
0xfb: {  	v15 =	vsub.f32 v47, v5;
	v10 =	vpop (erf)  }
0xfc: {  	v14 =	vmul.f32 $1.442695020e+00, v12;
	(erf) = vpow2.f32 v11;
	v0 =	vadd.f32 v0, v10  }
0xfd: {  	v17 =	vsub.f32 v46, v5;
	v13 =	vpop (erf)  }
0xfe: {  	v16 =	vmul.f32 $1.442695020e+00, v15;
	(erf) = vpow2.f32 v14;
	v0 =	vadd.f32 v0, v13  }
0xff: {  	v21 =	vsub.f32 v45, v5;
	v18 =	vpop (erf)  }
0x100: {  	v19 =	vmul.f32 $1.442695020e+00, v17;
	(erf) = vpow2.f32 v16;
	v0 =	vadd.f32 v0, v18  }
0x101: {  	v24 =	vsub.f32 v44, v5;
	v20 =	vpop (erf)  }
0x102: {  	v23 =	vmul.f32 $1.442695020e+00, v21;
	(erf) = vpow2.f32 v19;
	v0 =	vadd.f32 v0, v20  }
0x103: {  	v27 =	vsub.f32 v43, v5;
	v22 =	vpop (erf)  }
0x104: {  	v26 =	vmul.f32 $1.442695020e+00, v24;
	(erf) = vpow2.f32 v23;
	v0 =	vadd.f32 v0, v22  }
0x105: {  	v44 =	vmul.f32 $1.442695020e+00, v27;
	v25 =	vpop (erf)  }
0x106: {  	v45 =	vsub.f32 v42, v5;
	(erf) = vpow2.f32 v26;
	v0 =	vadd.f32 v0, v25  }
0x107: {  	v48 =	vsub.f32 v41, v5;
	v43 =	vpop (erf)  }
0x108: {  	v47 =	vmul.f32 $1.442695020e+00, v45;
	(erf) = vpow2.f32 v44;
	v0 =	vadd.f32 v0, v43  }
0x109: {  	v51 =	vsub.f32 v40, v5;
	v46 =	vpop (erf)  }
0x10a: {  	v50 =	vmul.f32 $1.442695020e+00, v48;
	(erf) = vpow2.f32 v47;
	v0 =	vadd.f32 v0, v46  }
0x10b: {  	v53 =	vsub.f32 v39, v5;
	v49 =	vpop (erf)  }
0x10c: {  	v52 =	vmul.f32 $1.442695020e+00, v51;
	(erf) = vpow2.f32 v50;
	v0 =	vadd.f32 v0, v49  }
0x10d: {  	v57 =	vsub.f32 v38, v5;
	v54 =	vpop (erf)  }
0x10e: {  	v55 =	vmul.f32 $1.442695020e+00, v53;
	(erf) = vpow2.f32 v52;
	v0 =	vadd.f32 v0, v54  }
0x10f: {  	v60 =	vsub.f32 v37, v5;
	v56 =	vpop (erf)  }
0x110: {  	v59 =	vmul.f32 $1.442695020e+00, v57;
	(erf) = vpow2.f32 v55;
	v0 =	vadd.f32 v0, v56  }
0x111: {  	v63 =	vsub.f32 v36, v5;
	v58 =	vpop (erf)  }
0x112: {  	v62 =	vmul.f32 $1.442695020e+00, v60;
	(erf) = vpow2.f32 v59;
	v0 =	vadd.f32 v0, v58  }
0x113: {  	v9 =	vsub.f32 v35, v5;
	v61 =	vpop (erf)  }
0x114: {  	v8 =	vmul.f32 $1.442695020e+00, v63;
	(erf) = vpow2.f32 v62;
	v0 =	vadd.f32 v0, v61  }
0x115: {  	v12 =	vsub.f32 v34, v5;
	v6 =	vpop (erf)  }
0x116: {  	v11 =	vmul.f32 $1.442695020e+00, v9;
	(erf) = vpow2.f32 v8;
	v0 =	vadd.f32 v0, v6  }
0x117: {  	v15 =	vsub.f32 v33, v5;
	v10 =	vpop (erf)  }
0x118: {  	v14 =	vmul.f32 $1.442695020e+00, v12;
	(erf) = vpow2.f32 v11;
	v0 =	vadd.f32 v0, v10  }
0x119: {  	v17 =	vsub.f32 v32, v5;
	v13 =	vpop (erf)  }
0x11a: {  	v16 =	vmul.f32 $1.442695020e+00, v15;
	(erf) = vpow2.f32 v14;
	v0 =	vadd.f32 v0, v13  }
0x11b: {  	v21 =	vsub.f32 v31, v5;
	v18 =	vpop (erf)  }
0x11c: {  	v19 =	vmul.f32 $1.442695020e+00, v17;
	(erf) = vpow2.f32 v16;
	v0 =	vadd.f32 v0, v18  }
0x11d: {  	v24 =	vsub.f32 v30, v5;
	v20 =	vpop (erf)  }
0x11e: {  	v34 =	vld [tilespmem:$0x1FE90];
	v23 =	vmul.f32 $1.442695020e+00, v21;
	(erf) = vpow2.f32 v19;
	v0 =	vadd.f32 v0, v20  }
0x11f: {  	v27 =	vsub.f32 v29, v5;
	v22 =	vpop (erf)  }
0x120: {  	v26 =	vmul.f32 $1.442695020e+00, v24;
	(erf) = vpow2.f32 v23;
	v0 =	vadd.f32 v0, v22  }
0x121: {  	v37 =	vld [tilespmem:$0x1FEA0];
	v30 =	vmul.f32 $1.442695020e+00, v27;
	v25 =	vpop (erf)  }
0x122: {  	v39 =	vld [tilespmem:$0x1FEB0];
	v31 =	vsub.f32 v28, v5;
	(erf) = vpow2.f32 v26;
	v0 =	vadd.f32 v0, v25  }
0x123: {  	[tilespmem:$0x1FFB0] =	vst v3;
	v3 =	vsub.f32 v34, v5;
	v29 =	vpop (erf)  }
0x124: {  	v33 =	vmul.f32 $1.442695020e+00, v31;
	v43 =	vld [tilespmem:$0x1FEC0];
	(erf) = vpow2.f32 v30;
	v0 =	vadd.f32 v0, v29  }
0x125: {  	v36 =	vmul.f32 $1.442695020e+00, v3;
	v32 =	vpop (erf)  }
0x126: {  	v3 =	vsub.f32 v37, v5;
	v46 =	vld [tilespmem:$0x1FED0];
	(erf) = vpow2.f32 v33;
	v0 =	vadd.f32 v0, v32  }
0x127: {  	v2 =	vsub.f32 v39, v5;
	v35 =	vpop (erf)  }
0x128: {  	v38 =	vmul.f32 $1.442695020e+00, v3;
	v49 =	vld [tilespmem:$0x1FEE0];
	(erf) = vpow2.f32 v36;
	v0 =	vadd.f32 v0, v35  }
0x129: {  	v3 =	vsub.f32 v43, v5;
	v40 =	vpop (erf)  }
0x12a: {  	v41 =	vmul.f32 $1.442695020e+00, v2;
	v52 =	vld [tilespmem:$0x1FEF0];
	(erf) = vpow2.f32 v38;
	v0 =	vadd.f32 v0, v40  }
0x12b: {  	v45 =	vmul.f32 $1.442695020e+00, v3;
	v3 =	vsub.f32 v46, v5;
	v42 =	vpop (erf)  }
0x12c: {  	v55 =	vld [tilespmem:$0x1FF00];
	(erf) = vpow2.f32 v41;
	v0 =	vadd.f32 v0, v42  }
0x12d: {  	v48 =	vmul.f32 $1.442695020e+00, v3;
	v3 =	vsub.f32 v49, v5;
	v44 =	vpop (erf)  }
0x12e: {  	(erf) = vpow2.f32 v45;
	v0 =	vadd.f32 v0, v44  }
0x12f: {  	v58 =	vld [tilespmem:$0x1FF10];
	v51 =	vmul.f32 $1.442695020e+00, v3;
	v3 =	vsub.f32 v52, v5;
	v47 =	vpop (erf)  }
0x130: {  	v60 =	vld [tilespmem:$0x1FF20];
	(erf) = vpow2.f32 v48;
	v0 =	vadd.f32 v0, v47  }
0x131: {  	v54 =	vmul.f32 $1.442695020e+00, v3;
	v3 =	vsub.f32 v55, v5;
	v50 =	vpop (erf)  }
0x132: {  	v6 =	vld [tilespmem:$0x1FF30];
	(erf) = vpow2.f32 v51;
	v0 =	vadd.f32 v0, v50  }
0x133: {  	v57 =	vmul.f32 $1.442695020e+00, v3;
	v53 =	vpop (erf)  }
0x134: {  	v3 =	vsub.f32 v58, v5;
	v10 =	vld [tilespmem:$0x1FF40];
	(erf) = vpow2.f32 v54;
	v0 =	vadd.f32 v0, v53  }
0x135: {  	v2 =	vsub.f32 v60, v5;
	v56 =	vpop (erf)  }
0x136: {  	v59 =	vmul.f32 $1.442695020e+00, v3;
	v13 =	vld [tilespmem:$0x1FF50];
	(erf) = vpow2.f32 v57;
	v0 =	vadd.f32 v0, v56  }
0x137: {  	v3 =	vsub.f32 v6, v5;
	v61 =	vpop (erf)  }
0x138: {  	v62 =	vmul.f32 $1.442695020e+00, v2;
	v16 =	vld [tilespmem:$0x1FF60];
	(erf) = vpow2.f32 v59;
	v0 =	vadd.f32 v0, v61  }
0x139: {  	v9 =	vmul.f32 $1.442695020e+00, v3;
	v3 =	vsub.f32 v10, v5;
	v63 =	vpop (erf)  }
0x13a: {  	v19 =	vld [tilespmem:$0x1FF70];
	(erf) = vpow2.f32 v62;
	v0 =	vadd.f32 v0, v63  }
0x13b: {  	v12 =	vmul.f32 $1.442695020e+00, v3;
	v3 =	vsub.f32 v13, v5;
	v8 =	vpop (erf)  }
0x13c: {  	(erf) = vpow2.f32 v9;
	v0 =	vadd.f32 v0, v8  }
0x13d: {  	v22 =	vld [tilespmem:$0x1FF80];
	v15 =	vmul.f32 $1.442695020e+00, v3;
	v3 =	vsub.f32 v16, v5;
	v11 =	vpop (erf)  }
0x13e: {  	v24 =	vld [tilespmem:$0x1FF90];
	(erf) = vpow2.f32 v12;
	v0 =	vadd.f32 v0, v11  }
0x13f: {  	v18 =	vmul.f32 $1.442695020e+00, v3;
	v3 =	vsub.f32 v19, v5;
	v14 =	vpop (erf)  }
0x140: {  	v28 =	vld [tilespmem:$0x1FFA0];
	(erf) = vpow2.f32 v15;
	v0 =	vadd.f32 v0, v14  }
0x141: {  	v21 =	vmul.f32 $1.442695020e+00, v3;
	v17 =	vpop (erf)  }
0x142: {  	v3 =	vsub.f32 v22, v5;
	(erf) = vpow2.f32 v18;
	v0 =	vadd.f32 v0, v17  }
0x143: {  	v31 =	vld [tilespmem:$0x1FFB0];
	v2 =	vsub.f32 v24, v5;
	v20 =	vpop (erf)  }
0x144: {  	v23 =	vmul.f32 $1.442695020e+00, v3;
	(erf) = vpow2.f32 v21;
	v0 =	vadd.f32 v0, v20  }
0x145: {  	v3 =	vsub.f32 v28, v5;
	v25 =	vpop (erf)  }
0x146: {  	v37 =	vld [tilespmem:$0x1FFC0];
	v26 =	vmul.f32 $1.442695020e+00, v2;
	(erf) = vpow2.f32 v23;
	v0 =	vadd.f32 v0, v25  }
0x147: {  	v30 =	vmul.f32 $1.442695020e+00, v3;
	v27 =	vpop (erf)  }
0x148: {  	v3 =	vsub.f32 v31, v5;
	(erf) = vpow2.f32 v26;
	v0 =	vadd.f32 v0, v27  }
0x149: {  	s31 =	sadd.s32 s21, s11;
	v34 =	vsub.f32 v4, v5;
	v41 =	vld [tilespmem:$0x1FFD0];
	v29 =	vpop (erf)  }
0x14a: {  	s24 =	sand.u32 $0x380, s31;
	v33 =	vmul.f32 $1.442695020e+00, v3;
	(erf) = vpow2.f32 v30;
	v0 =	vadd.f32 v0, v29  }
0x14b: {  	s23 =	sor.u32 s23, s24;
	v3 =	vsub.f32 v37, v5;
	v32 =	vpop (erf)  }
0x14c: {  	v36 =	vmul.f32 $1.442695020e+00, v34;
	v38 =	vld [tilespmem:s23+$0x14000];
	(erf) = vpow2.f32 v33;
	v0 =	vadd.f32 v0, v32  }
0x14d: {  	v7 =	vlaneseq.u32;
	v40 =	vmul.f32 $1.442695020e+00, v3;
	v35 =	vpop (erf)  }
0x14e: {  	v3 =	vsub.f32 v41, v5;
	(erf) = vpow2.f32 v36;
	v0 =	vadd.f32 v0, v35  }
0x14f: {  	v43 =	vor.u32 s21, v7;
	v42 =	vmov s21;
	v39 =	vpop (erf)  }
0x150: {  	v3 =	vmul.f32 $1.442695020e+00, v3;
	(erf) = vpow2.f32 v40;
	v0 =	vadd.f32 v0, v39  }
0x151: {  	v1 =	vand.u32 $0x7F, v43;
	v46 =	vshll.u32 v38, $0x9;
	v6 =	vshll.u32 v42, $0x3;
	v45 =	vpop (erf)  }
0x152: {  	v6 =	vand.u32 $0xC00, v6;
	(erf) = vpow2.f32 v3;
	v0 =	vadd.f32 v0, v45  }
0x153: {  	v4 =	vshll.u32 v38, $0x7;
	v2 =	vand.u32 $0xFFFFF000, v46;
	v1 =	vor.u32 v6, v1;
	v47 =	vpop (erf)  }
0x154: {  	v4 =	vand.u32 $0x380, v4;
	v1 =	vor.u32 v2, v1;
	v0 =	vadd.f32 v0, v47  }
0x155: {  	v1 =	vor.u32 v4, v1;
	v48 =	vpop (erf)  }
0x156: {  	v0 =	vadd.f32 v0, v48  }
0x157: {  	v49 =	vpop (erf)  }
0x158: {  	v0 =	vadd.f32 v0, v49  }
0x159: {  	v50 =	vpop (erf)  }
0x15a: {  	v51 =	vld.idx.msk [tilespmem:v1+s2+$0x0], $0xffff;
	v0 =	vadd.f32 v0, v50  }
0x15b: {  	v52 =	vpop (erf)  }
0x15c: {  	v0 =	vadd.f32 v0, v52;
	_ =	sdelay $0x1  }
0x15d: {  	v2 =	vand.u32 $0x7FFFFF, v0  }
0x15e: {  	v53 =	vsub.f32 $0.0e+00, v51;
	v2 =	vor.u32 $0x3F800000, v2  }
0x15f: {  	v54 =	vadd.f32 $1.000000000e+00, v2  }
0x160: {  	v4 =	vmul.f32 $1.442695020e+00, v53  }
0x161: {  	(erf) = vrcp.f32 v54  }
0x162: {  	(erf) = vpow2.f32 v4;
	_ =	sdelay $0x7  }
0x163: {  	v55 =	vpop (erf)  }
0x164: {  	v56 =	vpop (erf)  }
0x165: {  	v6 =	vadd.f32 $1.000000000e+00, v56;
	_ =	sdelay $0x1  }
0x166: {  	(erf) = vrcp.f32 v6;
	_ =	sdelay $0x4  }
0x167: {  	v1 =	vld.idx.msk [tilespmem:v1+s18+$0x0], $0xffff;
	_ =	sdelay $0x1  }
0x168: {  	v2 =	vadd.f32 $-1.000000000e+00, v2;
	_ =	sdelay $0x1  }
0x169: {  	v2 =	vmul.f32 v55, v2;
	v57 =	vpop (erf)  }
0x16a: {  	v1 =	vsub.f32 v57, v1  }
0x16b: {  	v58 =	vmul.f32 v2, v2  }
0x16c: {  	v1 =	vand.u32 $0x7FFFFFFF, v1  }
0x16d: {  	v59 =	vmul.f32 $2.000000030e-01, v58;
	v1 =	vmul.f32 $3.000000000e+01, v1;
	_ =	sdelay $0x1  }
0x16e: {  	v0 =	vshrl.u32 v0, $0x17;
	v6 =	vadd.f32 $3.333333430e-01, v59;
	v1 =	vtrunc.f32 v1  }
0x16f: {  	v60 =	vld [tilespmem:$0x1FFE0];
	v0 =	vand.u32 $0xFF, v0;
	v1 =	vcvt.f32.s32 v1  }
0x170: {  	v44 =	vld [tilespmem:$0x1FFF0];
	v0 =	vadd.s32 $0xFFFFFF81, v0;
	v4 =	vmul.f32 v6, v58  }
0x171: {  	v0 =	vcvt.s32.f32 v0;
	vm0 =	vgt.s32 v1, $0x0  }
0x172: {  	v2 =	vadd.f32 v2, v2;
	v4 =	vadd.f32 $1.000000000e+00, v4;
	v1 =	vnsel vm0, $0x0, v1  }
0x173: {  	v1 =	vmin.u32 v1, $0x1D  }
0x174: {  	v0 =	vmul.f32 $6.931471820e-01, v0;
	v2 =	vmul.f32 v4, v2;
	v61 =	vor.u32 v60, v1  }
0x175: {  	p0 =	sne.s32 s22, $0xF80;
	v1 =	vor.u32 v44, v1  }
.Ltmp0:
0x176: {  	v62 =	vsub.f32 v51, v5;
	v0 =	vadd.f32 v2, v0;
	(pc) =	sbr.rel @p0 .LBB2_2-.Ltmp0, $4  }
0x177: {  	_ = 	snop  }
0x178: {  	v63 =	vimm.f32 $1.000000000e+00;
	v0 =	vsub.f32 v62, v0  }
0x179: {  	[tilespmem:v61+s19+$0x0] =	vst.idx.add.f32.msk $0xffff, v63  }
0x17a: {  	s22 =	sadd.s32 $0x80, s22;
	s21 =	sadd.s32 $0x10, s21;
	[tilespmem:v1+s19+$0x0] =	vst.idx.add.f32.msk $0xffff, v0  }
0x17b: {  	s21 =	simm.s32 $0x0  }
0x17c: {  	[tilespmem:s21], [sflag:$0x1] =	stream.strided.gather [hbm4b:s6+s16], $0xA000, s17, s16, $0x38;
	[tilespmem:$0x14E00] =	vst v63  }
0x17d: {  	_ =	swait.ge [sflag:s15], $0xA000  }
0x17e: {  	[sflag:s15] =	ssyncset.done $0x0  }
0x17f: {  	[sflag:s15] =	ssyncadd.s32 $0xFFFF6000  }
0x180: {  	[tilespmem:s18], [sflag:$0x1] =	stream.strided.gather [hbm4b:s7+s16], $0xA000, s17, s16, $0x38;
	[tilespmem:$0x14E00] =	vst v63  }
0x181: {  	_ =	swait.ge [sflag:s15], $0xA000  }
0x182: {  	[sflag:s15] =	ssyncset.done $0x0  }
0x183: {  	s22 =	simm.s32 $0x200;
	[sflag:s15] =	ssyncadd.s32 $0xFFFF6000  }
.LBB2_4:
0x184: {  	s23 =	sand.u32 $0x70, s22;
	s24 =	sand.u32 $0xC00, s21  }
0x185: {  	s24 =	sor.u32 s23, s24  }
0x186: {  	v6 =	vld [tilespmem:s24+$0x0]  }
0x187: {  	v7 =	vld [tilespmem:s24+$0x80]  }
0x188: {  	v8 =	vld [tilespmem:s24+$0x100]  }
0x189: {  	v9 =	vld [tilespmem:s24+$0x180]  }
0x18a: {  	v10 =	vld [tilespmem:s24+$0x200]  }
0x18b: {  	s25 =	sor.u32 s22, s21;
	v11 =	vld [tilespmem:s24+$0x280];
	v5 =	vmax.f32 v6, $-3.000000010e+38  }
0x18c: {  	s26 =	sor.u32 $0x380, s25;
	v12 =	vld [tilespmem:s24+$0x300];
	v5 =	vmax.f32 v5, v7  }
0x18d: {  	v13 =	vld [tilespmem:s26+$0x0];
	v5 =	vmax.f32 v5, v8  }
0x18e: {  	v14 =	vld [tilespmem:s24+$0x1000];
	v5 =	vmax.f32 v5, v9  }
0x18f: {  	v15 =	vld [tilespmem:s24+$0x1080];
	v5 =	vmax.f32 v5, v10  }
0x190: {  	v16 =	vld [tilespmem:s24+$0x1100];
	v5 =	vmax.f32 v5, v11  }
0x191: {  	v17 =	vld [tilespmem:s24+$0x1180];
	v5 =	vmax.f32 v5, v12  }
0x192: {  	v18 =	vld [tilespmem:s24+$0x1200];
	v5 =	vmax.f32 v5, v13  }
0x193: {  	v19 =	vld [tilespmem:s24+$0x1280];
	v5 =	vmax.f32 v5, v14  }
0x194: {  	s30 =	sor.u32 $0x1380, s25;
	v20 =	vld [tilespmem:s24+$0x1300];
	v5 =	vmax.f32 v5, v15  }
0x195: {  	v21 =	vld [tilespmem:s30+$0x0];
	v5 =	vmax.f32 v5, v16  }
0x196: {  	v22 =	vld [tilespmem:s24+$0x2000];
	v5 =	vmax.f32 v5, v17  }
0x197: {  	v63 =	vld [tilespmem:s24+$0x2080];
	v5 =	vmax.f32 v5, v18  }
0x198: {  	v62 =	vld [tilespmem:s24+$0x2100];
	v5 =	vmax.f32 v5, v19  }
0x199: {  	v61 =	vld [tilespmem:s24+$0x2180];
	v5 =	vmax.f32 v5, v20  }
0x19a: {  	v60 =	vld [tilespmem:s24+$0x2200];
	v5 =	vmax.f32 v5, v21  }
0x19b: {  	v59 =	vld [tilespmem:s24+$0x2280];
	v5 =	vmax.f32 v5, v22  }
0x19c: {  	s31 =	sor.u32 $0x2380, s25;
	v58 =	vld [tilespmem:s24+$0x2300];
	v5 =	vmax.f32 v5, v63  }
0x19d: {  	v57 =	vld [tilespmem:s31+$0x0];
	v5 =	vmax.f32 v5, v62  }
0x19e: {  	v56 =	vld [tilespmem:s24+$0x3000];
	v5 =	vmax.f32 v5, v61  }
0x19f: {  	v55 =	vld [tilespmem:s24+$0x3080];
	v5 =	vmax.f32 v5, v60  }
0x1a0: {  	v54 =	vld [tilespmem:s24+$0x3100];
	v5 =	vmax.f32 v5, v59  }
0x1a1: {  	v53 =	vld [tilespmem:s24+$0x3180];
	v5 =	vmax.f32 v5, v58  }
0x1a2: {  	v52 =	vld [tilespmem:s24+$0x3200];
	v5 =	vmax.f32 v5, v57  }
0x1a3: {  	v51 =	vld [tilespmem:s24+$0x3280];
	v5 =	vmax.f32 v5, v56  }
0x1a4: {  	s28 =	sor.u32 $0x3380, s25;
	v23 =	vld [tilespmem:s24+$0x3300];
	v5 =	vmax.f32 v5, v55  }
0x1a5: {  	v24 =	vld [tilespmem:s28+$0x0];
	v5 =	vmax.f32 v5, v54  }
0x1a6: {  	v25 =	vld [tilespmem:s24+$0x4000];
	v5 =	vmax.f32 v5, v53  }
0x1a7: {  	v26 =	vld [tilespmem:s24+$0x4080];
	v5 =	vmax.f32 v5, v52  }
0x1a8: {  	v27 =	vld [tilespmem:s24+$0x4100];
	v5 =	vmax.f32 v5, v51  }
0x1a9: {  	v50 =	vld [tilespmem:s24+$0x4180];
	v5 =	vmax.f32 v5, v23  }
0x1aa: {  	v49 =	vld [tilespmem:s24+$0x4200];
	v5 =	vmax.f32 v5, v24  }
0x1ab: {  	v48 =	vld [tilespmem:s24+$0x4280];
	v5 =	vmax.f32 v5, v25  }
0x1ac: {  	s29 =	sor.u32 $0x4380, s25;
	v47 =	vld [tilespmem:s24+$0x4300];
	v5 =	vmax.f32 v5, v26  }
0x1ad: {  	v46 =	vld [tilespmem:s29+$0x0];
	v5 =	vmax.f32 v5, v27  }
0x1ae: {  	v45 =	vld [tilespmem:s24+$0x5000];
	v5 =	vmax.f32 v5, v50  }
0x1af: {  	v44 =	vld [tilespmem:s24+$0x5080];
	v5 =	vmax.f32 v5, v49  }
0x1b0: {  	v43 =	vld [tilespmem:s24+$0x5100];
	v5 =	vmax.f32 v5, v48  }
0x1b1: {  	v42 =	vld [tilespmem:s24+$0x5180];
	v5 =	vmax.f32 v5, v47  }
0x1b2: {  	v41 =	vld [tilespmem:s24+$0x5200];
	v5 =	vmax.f32 v5, v46  }
0x1b3: {  	v40 =	vld [tilespmem:s24+$0x5280];
	v5 =	vmax.f32 v5, v45  }
0x1b4: {  	v39 =	vld [tilespmem:s24+$0x5300];
	s30 =	sor.u32 $0x5380, s25;
	v5 =	vmax.f32 v5, v44  }
0x1b5: {  	v38 =	vld [tilespmem:s30+$0x0];
	v5 =	vmax.f32 v5, v43  }
0x1b6: {  	v37 =	vld [tilespmem:s24+$0x6000];
	v5 =	vmax.f32 v5, v42  }
0x1b7: {  	v36 =	vld [tilespmem:s24+$0x6080];
	v5 =	vmax.f32 v5, v41  }
0x1b8: {  	v35 =	vld [tilespmem:s24+$0x6100];
	v5 =	vmax.f32 v5, v40  }
0x1b9: {  	v34 =	vld [tilespmem:s24+$0x6180];
	v5 =	vmax.f32 v5, v39  }
0x1ba: {  	v33 =	vld [tilespmem:s24+$0x6200];
	v5 =	vmax.f32 v5, v38  }
0x1bb: {  	v32 =	vld [tilespmem:s24+$0x6280];
	v5 =	vmax.f32 v5, v37  }
0x1bc: {  	v31 =	vld [tilespmem:s24+$0x6300];
	s31 =	sor.u32 $0x6380, s25;
	v5 =	vmax.f32 v5, v36  }
0x1bd: {  	v30 =	vld [tilespmem:s31+$0x0];
	v5 =	vmax.f32 v5, v35  }
0x1be: {  	v29 =	vld [tilespmem:s24+$0x7000];
	v5 =	vmax.f32 v5, v34  }
0x1bf: {  	v28 =	vld [tilespmem:s24+$0x7080];
	v5 =	vmax.f32 v5, v33  }
0x1c0: {  	v1 =	vld [tilespmem:s24+$0x7100];
	v5 =	vmax.f32 v5, v32  }
0x1c1: {  	v0 =	vld [tilespmem:s24+$0x7180];
	v5 =	vmax.f32 v5, v31  }
0x1c2: {  	v4 =	vld [tilespmem:s24+$0x7200];
	v5 =	vmax.f32 v5, v30  }
0x1c3: {  	v3 =	vld [tilespmem:s24+$0x7280];
	v5 =	vmax.f32 v5, v29  }
0x1c4: {  	v2 =	vld [tilespmem:s24+$0x7300];
	s28 =	sor.u32 $0x7380, s25;
	v5 =	vmax.f32 v5, v28  }
0x1c5: {  	[tilespmem:$0x1FD40] =	vst v1;
	v5 =	vmax.f32 v5, v1;
	v1 =	vld [tilespmem:s28+$0x0]  }
0x1c6: {  	[tilespmem:$0x1FD50] =	vst v0;
	v5 =	vmax.f32 v5, v0;
	v0 =	vld [tilespmem:s24+$0x8000]  }
0x1c7: {  	[tilespmem:$0x1FD60] =	vst v4;
	v5 =	vmax.f32 v5, v4;
	v4 =	vld [tilespmem:s24+$0x8080]  }
0x1c8: {  	[tilespmem:$0x1FD70] =	vst v3;
	v5 =	vmax.f32 v5, v3;
	v3 =	vld [tilespmem:s24+$0x8100]  }
0x1c9: {  	[tilespmem:$0x1FD80] =	vst v2;
	v5 =	vmax.f32 v5, v2;
	v2 =	vld [tilespmem:s24+$0x8180]  }
0x1ca: {  	[tilespmem:$0x1FD90] =	vst v1;
	v5 =	vmax.f32 v5, v1;
	v1 =	vld [tilespmem:s24+$0x8200]  }
0x1cb: {  	[tilespmem:$0x1FDA0] =	vst v0;
	v5 =	vmax.f32 v5, v0;
	v0 =	vld [tilespmem:s24+$0x8280]  }
0x1cc: {  	s29 =	sor.u32 $0x8380, s25;
	[tilespmem:$0x1FDB0] =	vst v4;
	v5 =	vmax.f32 v5, v4;
	v4 =	vld [tilespmem:s24+$0x8300]  }
0x1cd: {  	[tilespmem:$0x1FDC0] =	vst v3;
	v5 =	vmax.f32 v5, v3;
	v3 =	vld [tilespmem:s29+$0x0]  }
0x1ce: {  	[tilespmem:$0x1FDD0] =	vst v2;
	v5 =	vmax.f32 v5, v2;
	v2 =	vld [tilespmem:s24+$0x9000]  }
0x1cf: {  	[tilespmem:$0x1FDE0] =	vst v1;
	v5 =	vmax.f32 v5, v1;
	v1 =	vld [tilespmem:s24+$0x9080]  }
0x1d0: {  	[tilespmem:$0x1FDF0] =	vst v0;
	v5 =	vmax.f32 v5, v0;
	v0 =	vld [tilespmem:s24+$0x9100]  }
0x1d1: {  	[tilespmem:$0x1FE00] =	vst v4;
	v5 =	vmax.f32 v5, v4;
	v4 =	vld [tilespmem:s24+$0x9180]  }
0x1d2: {  	[tilespmem:$0x1FE10] =	vst v3;
	v5 =	vmax.f32 v5, v3;
	v3 =	vld [tilespmem:s24+$0x9200]  }
0x1d3: {  	[tilespmem:$0x1FE20] =	vst v2;
	v5 =	vmax.f32 v5, v2;
	v2 =	vld [tilespmem:s24+$0x9280]  }
0x1d4: {  	s25 =	sor.u32 $0x9380, s25;
	[tilespmem:$0x1FE30] =	vst v1;
	v5 =	vmax.f32 v5, v1;
	v1 =	vld [tilespmem:s24+$0x9300]  }
0x1d5: {  	[tilespmem:$0x1FE40] =	vst v0;
	v5 =	vmax.f32 v5, v0;
	v0 =	vld [tilespmem:s25+$0x0]  }
0x1d6: {  	v5 =	vmax.f32 v5, v4  }
0x1d7: {  	v5 =	vmax.f32 v5, v3  }
0x1d8: {  	v5 =	vmax.f32 v5, v2  }
0x1d9: {  	v5 =	vmax.f32 v5, v1  }
0x1da: {  	v5 =	vmax.f32 v5, v0  }
0x1db: {  	[tilespmem:$0x1FE80] =	vst v0;
	v0 =	vsub.f32 v6, v5;
	_ =	sdelay $0x1  }
0x1dc: {  	v6 =	vsub.f32 v7, v5;
	v0 =	vmul.f32 $1.442695020e+00, v0;
	_ =	sdelay $0x1  }
0x1dd: {  	v7 =	vmul.f32 $1.442695020e+00, v6;
	v6 =	vsub.f32 v8, v5;
	(erf) = vpow2.f32 v0;
	_ =	sdelay $0x1  }
0x1de: {  	v8 =	vsub.f32 v9, v5;
	(erf) = vpow2.f32 v7;
	v7 =	vmul.f32 $1.442695020e+00, v6;
	_ =	sdelay $0x1  }
0x1df: {  	v9 =	vmul.f32 $1.442695020e+00, v8;
	v6 =	vsub.f32 v10, v5;
	(erf) = vpow2.f32 v7;
	_ =	sdelay $0x1  }
0x1e0: {  	v8 =	vsub.f32 v11, v5;
	v7 =	vmul.f32 $1.442695020e+00, v6;
	(erf) = vpow2.f32 v9;
	_ =	sdelay $0x1  }
0x1e1: {  	v10 =	vsub.f32 v12, v5;
	v9 =	vmul.f32 $1.442695020e+00, v8;
	(erf) = vpow2.f32 v7  }
0x1e2: {  	v13 =	vsub.f32 v13, v5;
	v11 =	vpop (erf)  }
0x1e3: {  	[tilespmem:$0x1FE50] =	vst v4;
	v4 =	vmovc v2;
	v12 =	vmul.f32 $1.442695020e+00, v10;
	(erf) = vpow2.f32 v9;
	v2 =	vadd.f32 $0.0e+00, v11  }
0x1e4: {  	v8 =	vsub.f32 v14, v5;
	v6 =	vpop (erf)  }
0x1e5: {  	v7 =	vmul.f32 $1.442695020e+00, v13;
	(erf) = vpow2.f32 v12;
	v2 =	vadd.f32 v2, v6  }
0x1e6: {  	v10 =	vmul.f32 $1.442695020e+00, v8;
	v9 =	vpop (erf)  }
0x1e7: {  	v11 =	vsub.f32 v15, v5;
	(erf) = vpow2.f32 v7;
	v2 =	vadd.f32 v2, v9  }
0x1e8: {  	v14 =	vsub.f32 v16, v5;
	v12 =	vpop (erf)  }
0x1e9: {  	v13 =	vmul.f32 $1.442695020e+00, v11;
	(erf) = vpow2.f32 v10;
	v2 =	vadd.f32 v2, v12  }
0x1ea: {  	v6 =	vsub.f32 v17, v5;
	v15 =	vpop (erf)  }
0x1eb: {  	v16 =	vmul.f32 $1.442695020e+00, v14;
	(erf) = vpow2.f32 v13;
	v2 =	vadd.f32 v2, v15  }
0x1ec: {  	v8 =	vmul.f32 $1.442695020e+00, v6;
	v7 =	vpop (erf)  }
0x1ed: {  	v9 =	vsub.f32 v18, v5;
	(erf) = vpow2.f32 v16;
	v2 =	vadd.f32 v2, v7  }
0x1ee: {  	v12 =	vsub.f32 v19, v5;
	v10 =	vpop (erf)  }
0x1ef: {  	v11 =	vmul.f32 $1.442695020e+00, v9;
	(erf) = vpow2.f32 v8;
	v2 =	vadd.f32 v2, v10  }
0x1f0: {  	v14 =	vmul.f32 $1.442695020e+00, v12;
	v13 =	vpop (erf)  }
0x1f1: {  	v15 =	vsub.f32 v20, v5;
	(erf) = vpow2.f32 v11;
	v2 =	vadd.f32 v2, v13  }
0x1f2: {  	v18 =	vsub.f32 v21, v5;
	v16 =	vpop (erf)  }
0x1f3: {  	v17 =	vmul.f32 $1.442695020e+00, v15;
	(erf) = vpow2.f32 v14;
	v2 =	vadd.f32 v2, v16  }
0x1f4: {  	v21 =	vsub.f32 v22, v5;
	v19 =	vpop (erf)  }
0x1f5: {  	v20 =	vmul.f32 $1.442695020e+00, v18;
	(erf) = vpow2.f32 v17;
	v2 =	vadd.f32 v2, v19  }
0x1f6: {  	v7 =	vsub.f32 v63, v5;
	v22 =	vpop (erf)  }
0x1f7: {  	v6 =	vmul.f32 $1.442695020e+00, v21;
	(erf) = vpow2.f32 v20;
	v2 =	vadd.f32 v2, v22  }
0x1f8: {  	v9 =	vmul.f32 $1.442695020e+00, v7;
	v8 =	vpop (erf)  }
0x1f9: {  	v10 =	vsub.f32 v62, v5;
	(erf) = vpow2.f32 v6;
	v2 =	vadd.f32 v2, v8  }
0x1fa: {  	v13 =	vsub.f32 v61, v5;
	v11 =	vpop (erf)  }
0x1fb: {  	v12 =	vmul.f32 $1.442695020e+00, v10;
	(erf) = vpow2.f32 v9;
	v2 =	vadd.f32 v2, v11  }
0x1fc: {  	[tilespmem:$0x1FE70] =	vst v1;
	v1 =	vmul.f32 $1.442695020e+00, v13;
	v14 =	vpop (erf)  }
0x1fd: {  	v16 =	vsub.f32 v60, v5;
	(erf) = vpow2.f32 v12;
	v2 =	vadd.f32 v2, v14  }
0x1fe: {  	v19 =	vsub.f32 v59, v5;
	v15 =	vpop (erf)  }
0x1ff: {  	v18 =	vmul.f32 $1.442695020e+00, v16;
	(erf) = vpow2.f32 v1;
	v0 =	vadd.f32 v2, v15  }
0x200: {  	v21 =	vmul.f32 $1.442695020e+00, v19;
	v17 =	vpop (erf)  }
0x201: {  	v22 =	vsub.f32 v58, v5;
	(erf) = vpow2.f32 v18;
	v0 =	vadd.f32 v0, v17  }
0x202: {  	v60 =	vsub.f32 v57, v5;
	v20 =	vpop (erf)  }
0x203: {  	v59 =	vmul.f32 $1.442695020e+00, v22;
	(erf) = vpow2.f32 v21;
	v0 =	vadd.f32 v0, v20  }
0x204: {  	v63 =	vsub.f32 v56, v5;
	v58 =	vpop (erf)  }
0x205: {  	v62 =	vmul.f32 $1.442695020e+00, v60;
	(erf) = vpow2.f32 v59;
	v0 =	vadd.f32 v0, v58  }
0x206: {  	v7 =	vsub.f32 v55, v5;
	v61 =	vpop (erf)  }
0x207: {  	v6 =	vmul.f32 $1.442695020e+00, v63;
	(erf) = vpow2.f32 v62;
	v0 =	vadd.f32 v0, v61  }
0x208: {  	v11 =	vsub.f32 v54, v5;
	v8 =	vpop (erf)  }
0x209: {  	v9 =	vmul.f32 $1.442695020e+00, v7;
	(erf) = vpow2.f32 v6;
	v0 =	vadd.f32 v0, v8  }
0x20a: {  	v13 =	vmul.f32 $1.442695020e+00, v11;
	v10 =	vpop (erf)  }
0x20b: {  	v14 =	vsub.f32 v53, v5;
	(erf) = vpow2.f32 v9;
	v0 =	vadd.f32 v0, v10  }
0x20c: {  	v17 =	vsub.f32 v52, v5;
	v12 =	vpop (erf)  }
0x20d: {  	v16 =	vmul.f32 $1.442695020e+00, v14;
	(erf) = vpow2.f32 v13;
	v0 =	vadd.f32 v0, v12  }
0x20e: {  	v19 =	vmul.f32 $1.442695020e+00, v17;
	v15 =	vpop (erf)  }
0x20f: {  	v20 =	vsub.f32 v51, v5;
	(erf) = vpow2.f32 v16;
	v0 =	vadd.f32 v0, v15  }
0x210: {  	v23 =	vsub.f32 v23, v5;
	v18 =	vpop (erf)  }
0x211: {  	v22 =	vmul.f32 $1.442695020e+00, v20;
	(erf) = vpow2.f32 v19;
	v0 =	vadd.f32 v0, v18  }
0x212: {  	v53 =	vsub.f32 v24, v5;
	v21 =	vpop (erf)  }
0x213: {  	v52 =	vmul.f32 $1.442695020e+00, v23;
	(erf) = vpow2.f32 v22;
	v0 =	vadd.f32 v0, v21  }
0x214: {  	v55 =	vsub.f32 v25, v5;
	v51 =	vpop (erf)  }
0x215: {  	v54 =	vmul.f32 $1.442695020e+00, v53;
	(erf) = vpow2.f32 v52;
	v0 =	vadd.f32 v0, v51  }
0x216: {  	v57 =	vmul.f32 $1.442695020e+00, v55;
	v56 =	vpop (erf)  }
0x217: {  	v59 =	vsub.f32 v26, v5;
	(erf) = vpow2.f32 v54;
	v0 =	vadd.f32 v0, v56  }
0x218: {  	v62 =	vsub.f32 v27, v5;
	v58 =	vpop (erf)  }
0x219: {  	v61 =	vmul.f32 $1.442695020e+00, v59;
	(erf) = vpow2.f32 v57;
	v0 =	vadd.f32 v0, v58  }
0x21a: {  	v7 =	vsub.f32 v50, v5;
	v60 =	vpop (erf)  }
0x21b: {  	v6 =	vmul.f32 $1.442695020e+00, v62;
	(erf) = vpow2.f32 v61;
	v0 =	vadd.f32 v0, v60  }
0x21c: {  	v9 =	vmul.f32 $1.442695020e+00, v7;
	v63 =	vpop (erf)  }
0x21d: {  	v10 =	vsub.f32 v49, v5;
	(erf) = vpow2.f32 v6;
	v0 =	vadd.f32 v0, v63  }
0x21e: {  	v13 =	vsub.f32 v48, v5;
	v8 =	vpop (erf)  }
0x21f: {  	v12 =	vmul.f32 $1.442695020e+00, v10;
	(erf) = vpow2.f32 v9;
	v0 =	vadd.f32 v0, v8  }
0x220: {  	v16 =	vsub.f32 v47, v5;
	v11 =	vpop (erf)  }
0x221: {  	v15 =	vmul.f32 $1.442695020e+00, v13;
	(erf) = vpow2.f32 v12;
	v0 =	vadd.f32 v0, v11  }
0x222: {  	v17 =	vmul.f32 $1.442695020e+00, v16;
	v14 =	vpop (erf)  }
0x223: {  	v18 =	vsub.f32 v46, v5;
	(erf) = vpow2.f32 v15;
	v0 =	vadd.f32 v0, v14  }
0x224: {  	v22 =	vsub.f32 v45, v5;
	v19 =	vpop (erf)  }
0x225: {  	v20 =	vmul.f32 $1.442695020e+00, v18;
	(erf) = vpow2.f32 v17;
	v0 =	vadd.f32 v0, v19  }
0x226: {  	v25 =	vsub.f32 v44, v5;
	v21 =	vpop (erf)  }
0x227: {  	v24 =	vmul.f32 $1.442695020e+00, v22;
	(erf) = vpow2.f32 v20;
	v0 =	vadd.f32 v0, v21  }
0x228: {  	v44 =	vsub.f32 v43, v5;
	v23 =	vpop (erf)  }
0x229: {  	v27 =	vmul.f32 $1.442695020e+00, v25;
	(erf) = vpow2.f32 v24;
	v0 =	vadd.f32 v0, v23  }
0x22a: {  	v47 =	vsub.f32 v42, v5;
	v26 =	vpop (erf)  }
0x22b: {  	v46 =	vmul.f32 $1.442695020e+00, v44;
	(erf) = vpow2.f32 v27;
	v0 =	vadd.f32 v0, v26  }
0x22c: {  	v50 =	vsub.f32 v41, v5;
	v45 =	vpop (erf)  }
0x22d: {  	v49 =	vmul.f32 $1.442695020e+00, v47;
	(erf) = vpow2.f32 v46;
	v0 =	vadd.f32 v0, v45  }
0x22e: {  	v53 =	vsub.f32 v40, v5;
	v48 =	vpop (erf)  }
0x22f: {  	v52 =	vmul.f32 $1.442695020e+00, v50;
	(erf) = vpow2.f32 v49;
	v0 =	vadd.f32 v0, v48  }
0x230: {  	v55 =	vsub.f32 v39, v5;
	v51 =	vpop (erf)  }
0x231: {  	v54 =	vmul.f32 $1.442695020e+00, v53;
	(erf) = vpow2.f32 v52;
	v0 =	vadd.f32 v0, v51  }
0x232: {  	v59 =	vsub.f32 v38, v5;
	v56 =	vpop (erf)  }
0x233: {  	v57 =	vmul.f32 $1.442695020e+00, v55;
	(erf) = vpow2.f32 v54;
	v0 =	vadd.f32 v0, v56  }
0x234: {  	v62 =	vsub.f32 v37, v5;
	v58 =	vpop (erf)  }
0x235: {  	v61 =	vmul.f32 $1.442695020e+00, v59;
	(erf) = vpow2.f32 v57;
	v0 =	vadd.f32 v0, v58  }
0x236: {  	v7 =	vsub.f32 v36, v5;
	v60 =	vpop (erf)  }
0x237: {  	v6 =	vmul.f32 $1.442695020e+00, v62;
	(erf) = vpow2.f32 v61;
	v0 =	vadd.f32 v0, v60  }
0x238: {  	v10 =	vsub.f32 v35, v5;
	v63 =	vpop (erf)  }
0x239: {  	v9 =	vmul.f32 $1.442695020e+00, v7;
	(erf) = vpow2.f32 v6;
	v0 =	vadd.f32 v0, v63  }
0x23a: {  	v13 =	vsub.f32 v34, v5;
	v8 =	vpop (erf)  }
0x23b: {  	v12 =	vmul.f32 $1.442695020e+00, v10;
	(erf) = vpow2.f32 v9;
	v0 =	vadd.f32 v0, v8  }
0x23c: {  	v16 =	vsub.f32 v33, v5;
	v11 =	vpop (erf)  }
0x23d: {  	v15 =	vmul.f32 $1.442695020e+00, v13;
	(erf) = vpow2.f32 v12;
	v0 =	vadd.f32 v0, v11  }
0x23e: {  	v18 =	vsub.f32 v32, v5;
	v14 =	vpop (erf)  }
0x23f: {  	v17 =	vmul.f32 $1.442695020e+00, v16;
	(erf) = vpow2.f32 v15;
	v0 =	vadd.f32 v0, v14  }
0x240: {  	v22 =	vsub.f32 v31, v5;
	v19 =	vpop (erf)  }
0x241: {  	v20 =	vmul.f32 $1.442695020e+00, v18;
	(erf) = vpow2.f32 v17;
	v0 =	vadd.f32 v0, v19  }
0x242: {  	v25 =	vsub.f32 v30, v5;
	v21 =	vpop (erf)  }
0x243: {  	v36 =	vld [tilespmem:$0x1FD40];
	v24 =	vmul.f32 $1.442695020e+00, v22;
	(erf) = vpow2.f32 v20;
	v0 =	vadd.f32 v0, v21  }
0x244: {  	v30 =	vsub.f32 v29, v5;
	v23 =	vpop (erf)  }
0x245: {  	v27 =	vmul.f32 $1.442695020e+00, v25;
	(erf) = vpow2.f32 v24;
	v0 =	vadd.f32 v0, v23  }
0x246: {  	v39 =	vld [tilespmem:$0x1FD50];
	v33 =	vsub.f32 v28, v5;
	v26 =	vpop (erf)  }
0x247: {  	v41 =	vld [tilespmem:$0x1FD60];
	v32 =	vmul.f32 $1.442695020e+00, v30;
	(erf) = vpow2.f32 v27;
	v0 =	vadd.f32 v0, v26  }
0x248: {  	[tilespmem:$0x1FE60] =	vst v3;
	v3 =	vsub.f32 v36, v5;
	v31 =	vpop (erf)  }
0x249: {  	v35 =	vmul.f32 $1.442695020e+00, v33;
	v45 =	vld [tilespmem:$0x1FD70];
	(erf) = vpow2.f32 v32;
	v0 =	vadd.f32 v0, v31  }
0x24a: {  	v38 =	vmul.f32 $1.442695020e+00, v3;
	v34 =	vpop (erf)  }
0x24b: {  	v3 =	vsub.f32 v39, v5;
	v48 =	vld [tilespmem:$0x1FD80];
	(erf) = vpow2.f32 v35;
	v0 =	vadd.f32 v0, v34  }
0x24c: {  	v2 =	vsub.f32 v41, v5;
	v37 =	vpop (erf)  }
0x24d: {  	v40 =	vmul.f32 $1.442695020e+00, v3;
	v51 =	vld [tilespmem:$0x1FD90];
	(erf) = vpow2.f32 v38;
	v0 =	vadd.f32 v0, v37  }
0x24e: {  	v3 =	vsub.f32 v45, v5;
	v42 =	vpop (erf)  }
0x24f: {  	v43 =	vmul.f32 $1.442695020e+00, v2;
	v54 =	vld [tilespmem:$0x1FDA0];
	(erf) = vpow2.f32 v40;
	v0 =	vadd.f32 v0, v42  }
0x250: {  	v47 =	vmul.f32 $1.442695020e+00, v3;
	v3 =	vsub.f32 v48, v5;
	v44 =	vpop (erf)  }
0x251: {  	v57 =	vld [tilespmem:$0x1FDB0];
	(erf) = vpow2.f32 v43;
	v0 =	vadd.f32 v0, v44  }
0x252: {  	v50 =	vmul.f32 $1.442695020e+00, v3;
	v3 =	vsub.f32 v51, v5;
	v46 =	vpop (erf)  }
0x253: {  	(erf) = vpow2.f32 v47;
	v0 =	vadd.f32 v0, v46  }
0x254: {  	v60 =	vld [tilespmem:$0x1FDC0];
	v53 =	vmul.f32 $1.442695020e+00, v3;
	v3 =	vsub.f32 v54, v5;
	v49 =	vpop (erf)  }
0x255: {  	v62 =	vld [tilespmem:$0x1FDD0];
	(erf) = vpow2.f32 v50;
	v0 =	vadd.f32 v0, v49  }
0x256: {  	v56 =	vmul.f32 $1.442695020e+00, v3;
	v3 =	vsub.f32 v57, v5;
	v52 =	vpop (erf)  }
0x257: {  	v8 =	vld [tilespmem:$0x1FDE0];
	(erf) = vpow2.f32 v53;
	v0 =	vadd.f32 v0, v52  }
0x258: {  	v59 =	vmul.f32 $1.442695020e+00, v3;
	v55 =	vpop (erf)  }
0x259: {  	v3 =	vsub.f32 v60, v5;
	v11 =	vld [tilespmem:$0x1FDF0];
	(erf) = vpow2.f32 v56;
	v0 =	vadd.f32 v0, v55  }
0x25a: {  	v2 =	vsub.f32 v62, v5;
	v58 =	vpop (erf)  }
0x25b: {  	v61 =	vmul.f32 $1.442695020e+00, v3;
	v14 =	vld [tilespmem:$0x1FE00];
	(erf) = vpow2.f32 v59;
	v0 =	vadd.f32 v0, v58  }
0x25c: {  	v3 =	vsub.f32 v8, v5;
	v63 =	vpop (erf)  }
0x25d: {  	v6 =	vmul.f32 $1.442695020e+00, v2;
	v17 =	vld [tilespmem:$0x1FE10];
	(erf) = vpow2.f32 v61;
	v0 =	vadd.f32 v0, v63  }
0x25e: {  	v10 =	vmul.f32 $1.442695020e+00, v3;
	v3 =	vsub.f32 v11, v5;
	v7 =	vpop (erf)  }
0x25f: {  	v20 =	vld [tilespmem:$0x1FE20];
	(erf) = vpow2.f32 v6;
	v0 =	vadd.f32 v0, v7  }
0x260: {  	v13 =	vmul.f32 $1.442695020e+00, v3;
	v3 =	vsub.f32 v14, v5;
	v9 =	vpop (erf)  }
0x261: {  	(erf) = vpow2.f32 v10;
	v0 =	vadd.f32 v0, v9  }
0x262: {  	v23 =	vld [tilespmem:$0x1FE30];
	v16 =	vmul.f32 $1.442695020e+00, v3;
	v3 =	vsub.f32 v17, v5;
	v12 =	vpop (erf)  }
0x263: {  	v25 =	vld [tilespmem:$0x1FE40];
	(erf) = vpow2.f32 v13;
	v0 =	vadd.f32 v0, v12  }
0x264: {  	v19 =	vmul.f32 $1.442695020e+00, v3;
	v3 =	vsub.f32 v20, v5;
	v15 =	vpop (erf)  }
0x265: {  	v29 =	vld [tilespmem:$0x1FE50];
	(erf) = vpow2.f32 v16;
	v0 =	vadd.f32 v0, v15  }
0x266: {  	v22 =	vmul.f32 $1.442695020e+00, v3;
	v18 =	vpop (erf)  }
0x267: {  	v3 =	vsub.f32 v23, v5;
	(erf) = vpow2.f32 v19;
	v0 =	vadd.f32 v0, v18  }
0x268: {  	v2 =	vsub.f32 v25, v5;
	v32 =	vld [tilespmem:$0x1FE60];
	v21 =	vpop (erf)  }
0x269: {  	v24 =	vmul.f32 $1.442695020e+00, v3;
	(erf) = vpow2.f32 v22;
	v0 =	vadd.f32 v0, v21  }
0x26a: {  	v3 =	vsub.f32 v29, v5;
	v26 =	vpop (erf)  }
0x26b: {  	v27 =	vmul.f32 $1.442695020e+00, v2;
	v38 =	vld [tilespmem:$0x1FE70];
	(erf) = vpow2.f32 v24;
	v0 =	vadd.f32 v0, v26  }
0x26c: {  	v31 =	vmul.f32 $1.442695020e+00, v3;
	v28 =	vpop (erf)  }
0x26d: {  	v3 =	vsub.f32 v32, v5;
	(erf) = vpow2.f32 v27;
	v0 =	vadd.f32 v0, v28  }
0x26e: {  	v35 =	vsub.f32 v4, v5;
	v42 =	vld [tilespmem:$0x1FE80];
	v30 =	vpop (erf)  }
0x26f: {  	s30 =	sadd.s32 s22, s13;
	v34 =	vmul.f32 $1.442695020e+00, v3;
	(erf) = vpow2.f32 v31;
	v0 =	vadd.f32 v0, v30  }
0x270: {  	s24 =	sand.u32 $0x780, s30;
	v3 =	vsub.f32 v38, v5;
	v33 =	vpop (erf)  }
0x271: {  	s31 =	sadd.s32 $0xFFFFFE00, s22;
	s23 =	sor.u32 s23, s24;
	v37 =	vmul.f32 $1.442695020e+00, v35;
	(erf) = vpow2.f32 v34;
	v0 =	vadd.f32 v0, v33  }
0x272: {  	v39 =	vld [tilespmem:s23+$0x14000];
	v43 =	vmov s31;
	v44 =	vlaneseq.u32;
	v41 =	vmul.f32 $1.442695020e+00, v3;
	v36 =	vpop (erf)  }
0x273: {  	v3 =	vsub.f32 v42, v5;
	(erf) = vpow2.f32 v37;
	v0 =	vadd.f32 v0, v36  }
0x274: {  	v6 =	vshll.u32 v43, $0x3;
	v1 =	vor.u32 s31, v44;
	v40 =	vpop (erf)  }
0x275: {  	v3 =	vmul.f32 $1.442695020e+00, v3;
	(erf) = vpow2.f32 v41;
	v0 =	vadd.f32 v0, v40  }
0x276: {  	v6 =	vand.u32 $0xC00, v6;
	v1 =	vand.u32 $0x7F, v1;
	v45 =	vpop (erf)  }
0x277: {  	v46 =	vshll.u32 v39, $0x9;
	(erf) = vpow2.f32 v3;
	v0 =	vadd.f32 v0, v45  }
0x278: {  	v4 =	vshll.u32 v39, $0x7;
	v2 =	vand.u32 $0xFFFFF000, v46;
	v1 =	vor.u32 v6, v1;
	v47 =	vpop (erf)  }
0x279: {  	v4 =	vand.u32 $0x380, v4;
	v1 =	vor.u32 v2, v1;
	v0 =	vadd.f32 v0, v47  }
0x27a: {  	v1 =	vor.u32 v4, v1;
	v48 =	vpop (erf)  }
0x27b: {  	v0 =	vadd.f32 v0, v48  }
0x27c: {  	v49 =	vpop (erf)  }
0x27d: {  	v0 =	vadd.f32 v0, v49  }
0x27e: {  	v50 =	vpop (erf)  }
0x27f: {  	v51 =	vld.idx.msk [tilespmem:v1+s2+$0x0], $0xffff;
	v0 =	vadd.f32 v0, v50  }
0x280: {  	v52 =	vpop (erf)  }
0x281: {  	v0 =	vadd.f32 v0, v52;
	_ =	sdelay $0x1  }
0x282: {  	v2 =	vand.u32 $0x7FFFFF, v0  }
0x283: {  	v53 =	vsub.f32 $0.0e+00, v51;
	v2 =	vor.u32 $0x3F800000, v2  }
0x284: {  	v54 =	vadd.f32 $1.000000000e+00, v2  }
0x285: {  	v4 =	vmul.f32 $1.442695020e+00, v53  }
0x286: {  	(erf) = vrcp.f32 v54  }
0x287: {  	(erf) = vpow2.f32 v4;
	_ =	sdelay $0x7  }
0x288: {  	v55 =	vpop (erf)  }
0x289: {  	v56 =	vpop (erf)  }
0x28a: {  	v6 =	vadd.f32 $1.000000000e+00, v56;
	_ =	sdelay $0x1  }
0x28b: {  	(erf) = vrcp.f32 v6;
	_ =	sdelay $0x4  }
0x28c: {  	v1 =	vld.idx.msk [tilespmem:v1+s18+$0x0], $0xffff;
	_ =	sdelay $0x1  }
0x28d: {  	v2 =	vadd.f32 $-1.000000000e+00, v2;
	_ =	sdelay $0x1  }
0x28e: {  	v2 =	vmul.f32 v55, v2;
	v57 =	vpop (erf)  }
0x28f: {  	v1 =	vsub.f32 v57, v1  }
0x290: {  	v58 =	vmul.f32 v2, v2  }
0x291: {  	v1 =	vand.u32 $0x7FFFFFFF, v1  }
0x292: {  	v59 =	vmul.f32 $2.000000030e-01, v58;
	v1 =	vmul.f32 $3.000000000e+01, v1;
	_ =	sdelay $0x1  }
0x293: {  	v0 =	vshrl.u32 v0, $0x17;
	v6 =	vadd.f32 $3.333333430e-01, v59;
	v1 =	vtrunc.f32 v1  }
0x294: {  	v60 =	vld [tilespmem:$0x1FFE0];
	v0 =	vand.u32 $0xFF, v0;
	v1 =	vcvt.f32.s32 v1  }
0x295: {  	v61 =	vld [tilespmem:$0x1FFF0];
	v0 =	vadd.s32 $0xFFFFFF81, v0;
	v4 =	vmul.f32 v6, v58  }
0x296: {  	v0 =	vcvt.s32.f32 v0;
	vm0 =	vgt.s32 v1, $0x0  }
0x297: {  	v2 =	vadd.f32 v2, v2;
	v4 =	vadd.f32 $1.000000000e+00, v4;
	v1 =	vnsel vm0, $0x0, v1  }
0x298: {  	v1 =	vmin.u32 v1, $0x1D  }
0x299: {  	v0 =	vmul.f32 $6.931471820e-01, v0;
	v2 =	vmul.f32 v4, v2;
	v4 =	vor.u32 v60, v1  }
0x29a: {  	p0 =	sne.s32 s22, $0x3F0;
	v1 =	vor.u32 v61, v1  }
.Ltmp1:
0x29b: {  	v62 =	vsub.f32 v51, v5;
	v0 =	vadd.f32 v2, v0;
	(pc) =	sbr.rel @p0 .LBB2_4-.Ltmp1, $4  }
0x29c: {  	_ = 	snop  }
0x29d: {  	v63 =	vimm.f32 $1.000000000e+00;
	v0 =	vsub.f32 v62, v0  }
0x29e: {  	[tilespmem:v4+s19+$0x0] =	vst.idx.add.f32.msk $0xffff, v63  }
0x29f: {  	s21 =	sadd.s32 $0x80, s21;
	s22 =	sadd.s32 $0x10, s22;
	[tilespmem:v1+s19+$0x0] =	vst.idx.add.f32.msk $0xffff, v0  }
0x2a0: {  	s21 =	simm.s32 $0x0  }
0x2a1: {  	[tilespmem:s21], [sflag:$0x1] =	stream.strided.gather [hbm4b:s8+s16], $0xA000, s17, s16, $0x38;
	[tilespmem:$0x14E00] =	vst v63  }
0x2a2: {  	_ =	swait.ge [sflag:s15], $0xA000  }
0x2a3: {  	[sflag:s15] =	ssyncset.done $0x0  }
0x2a4: {  	[sflag:s15] =	ssyncadd.s32 $0xFFFF6000  }
0x2a5: {  	[tilespmem:s18], [sflag:$0x1] =	stream.strided.gather [hbm4b:s9+s16], $0xA000, s17, s16, $0x38;
	[tilespmem:$0x14E00] =	vst v63  }
0x2a6: {  	s22 =	simm.s32 $0x400;
	_ =	swait.ge [sflag:s15], $0xA000  }
0x2a7: {  	s22 =	sand.u32 $0x70, s22;
	s23 =	sand.u32 $0xC00, s21;
	[sflag:s15] =	ssyncset.done $0x0  }
0x2a8: {  	s23 =	sor.u32 s22, s23;
	[sflag:s15] =	ssyncadd.s32 $0xFFFF6000  }
0x2a9: {  	v6 =	vld [tilespmem:s23+$0x0]  }
0x2aa: {  	v7 =	vld [tilespmem:s23+$0x80]  }
0x2ab: {  	v8 =	vld [tilespmem:s23+$0x100]  }
0x2ac: {  	s24 =	sand.u32 $0x7, s21;
	v12 =	vld [tilespmem:s23+$0x180]  }
0x2ad: {  	s24 =	sshll.u32 s24, $0x4;
	v9 =	vld [tilespmem:s23+$0x200]  }
0x2ae: {  	s24 =	sadd.s32 $0x0, s24;
	v10 =	vld [tilespmem:s23+$0x280];
	v3 =	vmax.f32 v6, $-3.000000010e+38  }
0x2af: {  	s25 =	sor.u32 $0x380, s24;
	v11 =	vld [tilespmem:s23+$0x300];
	v5 =	vmax.f32 v3, v7  }
0x2b0: {  	v13 =	vld [tilespmem:s25+$0x0];
	v5 =	vmax.f32 v5, v8  }
0x2b1: {  	v14 =	vld [tilespmem:s23+$0x1000];
	v5 =	vmax.f32 v5, v12  }
0x2b2: {  	v15 =	vld [tilespmem:s23+$0x1080];
	v5 =	vmax.f32 v5, v9  }
0x2b3: {  	v16 =	vld [tilespmem:s23+$0x1100];
	v5 =	vmax.f32 v5, v10  }
0x2b4: {  	v17 =	vld [tilespmem:s23+$0x1180];
	v5 =	vmax.f32 v5, v11  }
0x2b5: {  	v18 =	vld [tilespmem:s23+$0x1200];
	v5 =	vmax.f32 v5, v13  }
0x2b6: {  	v19 =	vld [tilespmem:s23+$0x1280];
	v5 =	vmax.f32 v5, v14  }
0x2b7: {  	s30 =	sor.u32 $0x1380, s24;
	v20 =	vld [tilespmem:s23+$0x1300];
	v5 =	vmax.f32 v5, v15  }
0x2b8: {  	v21 =	vld [tilespmem:s30+$0x0];
	v5 =	vmax.f32 v5, v16  }
0x2b9: {  	v22 =	vld [tilespmem:s23+$0x2000];
	v5 =	vmax.f32 v5, v17  }
0x2ba: {  	v63 =	vld [tilespmem:s23+$0x2080];
	v5 =	vmax.f32 v5, v18  }
0x2bb: {  	v62 =	vld [tilespmem:s23+$0x2100];
	v5 =	vmax.f32 v5, v19  }
0x2bc: {  	v61 =	vld [tilespmem:s23+$0x2180];
	v5 =	vmax.f32 v5, v20  }
0x2bd: {  	v60 =	vld [tilespmem:s23+$0x2200];
	v5 =	vmax.f32 v5, v21  }
0x2be: {  	v59 =	vld [tilespmem:s23+$0x2280];
	v5 =	vmax.f32 v5, v22  }
0x2bf: {  	s31 =	sor.u32 $0x2380, s24;
	v58 =	vld [tilespmem:s23+$0x2300];
	v5 =	vmax.f32 v5, v63  }
0x2c0: {  	v57 =	vld [tilespmem:s31+$0x0];
	v5 =	vmax.f32 v5, v62  }
0x2c1: {  	v56 =	vld [tilespmem:s23+$0x3000];
	v5 =	vmax.f32 v5, v61  }
0x2c2: {  	v55 =	vld [tilespmem:s23+$0x3080];
	v5 =	vmax.f32 v5, v60  }
0x2c3: {  	v54 =	vld [tilespmem:s23+$0x3100];
	v5 =	vmax.f32 v5, v59  }
0x2c4: {  	v53 =	vld [tilespmem:s23+$0x3180];
	v5 =	vmax.f32 v5, v58  }
0x2c5: {  	v52 =	vld [tilespmem:s23+$0x3200];
	v5 =	vmax.f32 v5, v57  }
0x2c6: {  	v51 =	vld [tilespmem:s23+$0x3280];
	v5 =	vmax.f32 v5, v56  }
0x2c7: {  	s26 =	sor.u32 $0x3380, s24;
	v50 =	vld [tilespmem:s23+$0x3300];
	v5 =	vmax.f32 v5, v55  }
0x2c8: {  	v23 =	vld [tilespmem:s26+$0x0];
	v5 =	vmax.f32 v5, v54  }
0x2c9: {  	v24 =	vld [tilespmem:s23+$0x4000];
	v5 =	vmax.f32 v5, v53  }
0x2ca: {  	v25 =	vld [tilespmem:s23+$0x4080];
	v5 =	vmax.f32 v5, v52  }
0x2cb: {  	v26 =	vld [tilespmem:s23+$0x4100];
	v5 =	vmax.f32 v5, v51  }
0x2cc: {  	v27 =	vld [tilespmem:s23+$0x4180];
	v5 =	vmax.f32 v5, v50  }
0x2cd: {  	v49 =	vld [tilespmem:s23+$0x4200];
	v5 =	vmax.f32 v5, v23  }
0x2ce: {  	v48 =	vld [tilespmem:s23+$0x4280];
	v5 =	vmax.f32 v5, v24  }
0x2cf: {  	s28 =	sor.u32 $0x4380, s24;
	v47 =	vld [tilespmem:s23+$0x4300];
	v5 =	vmax.f32 v5, v25  }
0x2d0: {  	v46 =	vld [tilespmem:s28+$0x0];
	v5 =	vmax.f32 v5, v26  }
0x2d1: {  	v45 =	vld [tilespmem:s23+$0x5000];
	v5 =	vmax.f32 v5, v27  }
0x2d2: {  	v44 =	vld [tilespmem:s23+$0x5080];
	v5 =	vmax.f32 v5, v49  }
0x2d3: {  	v43 =	vld [tilespmem:s23+$0x5100];
	v5 =	vmax.f32 v5, v48  }
0x2d4: {  	v42 =	vld [tilespmem:s23+$0x5180];
	v5 =	vmax.f32 v5, v47  }
0x2d5: {  	v41 =	vld [tilespmem:s23+$0x5200];
	v5 =	vmax.f32 v5, v46  }
0x2d6: {  	v40 =	vld [tilespmem:s23+$0x5280];
	v5 =	vmax.f32 v5, v45  }
0x2d7: {  	s30 =	sor.u32 $0x5380, s24;
	v39 =	vld [tilespmem:s23+$0x5300];
	v5 =	vmax.f32 v5, v44  }
0x2d8: {  	v38 =	vld [tilespmem:s30+$0x0];
	v5 =	vmax.f32 v5, v43  }
0x2d9: {  	v37 =	vld [tilespmem:s23+$0x6000];
	v5 =	vmax.f32 v5, v42  }
0x2da: {  	v36 =	vld [tilespmem:s23+$0x6080];
	v5 =	vmax.f32 v5, v41  }
0x2db: {  	v35 =	vld [tilespmem:s23+$0x6100];
	v5 =	vmax.f32 v5, v40  }
0x2dc: {  	v34 =	vld [tilespmem:s23+$0x6180];
	v5 =	vmax.f32 v5, v39  }
0x2dd: {  	v33 =	vld [tilespmem:s23+$0x6200];
	v5 =	vmax.f32 v5, v38  }
0x2de: {  	v32 =	vld [tilespmem:s23+$0x6280];
	v5 =	vmax.f32 v5, v37  }
0x2df: {  	s31 =	sor.u32 $0x6380, s24;
	v31 =	vld [tilespmem:s23+$0x6300];
	v5 =	vmax.f32 v5, v36  }
0x2e0: {  	v30 =	vld [tilespmem:s31+$0x0];
	v5 =	vmax.f32 v5, v35  }
0x2e1: {  	v29 =	vld [tilespmem:s23+$0x7000];
	v5 =	vmax.f32 v5, v34  }
0x2e2: {  	v28 =	vld [tilespmem:s23+$0x7080];
	v5 =	vmax.f32 v5, v33  }
0x2e3: {  	v1 =	vld [tilespmem:s23+$0x7100];
	v5 =	vmax.f32 v5, v32  }
0x2e4: {  	v0 =	vld [tilespmem:s23+$0x7180];
	v5 =	vmax.f32 v5, v31  }
0x2e5: {  	v4 =	vld [tilespmem:s23+$0x7200];
	v5 =	vmax.f32 v5, v30  }
0x2e6: {  	v3 =	vld [tilespmem:s23+$0x7280];
	v5 =	vmax.f32 v5, v29  }
0x2e7: {  	s26 =	sor.u32 $0x7380, s24;
	v2 =	vld [tilespmem:s23+$0x7300];
	v5 =	vmax.f32 v5, v28  }
0x2e8: {  	[tilespmem:$0x1FBE0] =	vst v1;
	v5 =	vmax.f32 v5, v1;
	v1 =	vld [tilespmem:s26+$0x0]  }
0x2e9: {  	[tilespmem:$0x1FBF0] =	vst v0;
	v5 =	vmax.f32 v5, v0;
	v0 =	vld [tilespmem:s23+$0x8000]  }
0x2ea: {  	[tilespmem:$0x1FC00] =	vst v4;
	v5 =	vmax.f32 v5, v4;
	v4 =	vld [tilespmem:s23+$0x8080]  }
0x2eb: {  	[tilespmem:$0x1FC10] =	vst v3;
	v5 =	vmax.f32 v5, v3;
	v3 =	vld [tilespmem:s23+$0x8100]  }
0x2ec: {  	[tilespmem:$0x1FC20] =	vst v2;
	v5 =	vmax.f32 v5, v2;
	v2 =	vld [tilespmem:s23+$0x8180]  }
0x2ed: {  	[tilespmem:$0x1FC30] =	vst v1;
	v5 =	vmax.f32 v5, v1;
	v1 =	vld [tilespmem:s23+$0x8200]  }
0x2ee: {  	[tilespmem:$0x1FC40] =	vst v0;
	v5 =	vmax.f32 v5, v0;
	v0 =	vld [tilespmem:s23+$0x8280]  }
0x2ef: {  	s28 =	sor.u32 $0x8380, s24;
	[tilespmem:$0x1FC50] =	vst v4;
	v5 =	vmax.f32 v5, v4;
	v4 =	vld [tilespmem:s23+$0x8300]  }
0x2f0: {  	[tilespmem:$0x1FC60] =	vst v3;
	v5 =	vmax.f32 v5, v3;
	v3 =	vld [tilespmem:s28+$0x0]  }
0x2f1: {  	[tilespmem:$0x1FC70] =	vst v2;
	v5 =	vmax.f32 v5, v2;
	v2 =	vld [tilespmem:s23+$0x9000]  }
0x2f2: {  	[tilespmem:$0x1FC80] =	vst v1;
	v5 =	vmax.f32 v5, v1;
	v1 =	vld [tilespmem:s23+$0x9080]  }
0x2f3: {  	[tilespmem:$0x1FC90] =	vst v0;
	v5 =	vmax.f32 v5, v0;
	v0 =	vld [tilespmem:s23+$0x9100]  }
0x2f4: {  	[tilespmem:$0x1FCA0] =	vst v4;
	v5 =	vmax.f32 v5, v4;
	v4 =	vld [tilespmem:s23+$0x9180]  }
0x2f5: {  	[tilespmem:$0x1FCB0] =	vst v3;
	v5 =	vmax.f32 v5, v3;
	v3 =	vld [tilespmem:s23+$0x9200]  }
0x2f6: {  	[tilespmem:$0x1FCC0] =	vst v2;
	v5 =	vmax.f32 v5, v2;
	v2 =	vld [tilespmem:s23+$0x9280]  }
0x2f7: {  	s24 =	sor.u32 $0x9380, s24;
	[tilespmem:$0x1FCD0] =	vst v1;
	v5 =	vmax.f32 v5, v1;
	v1 =	vld [tilespmem:s23+$0x9300]  }
0x2f8: {  	[tilespmem:$0x1FCE0] =	vst v0;
	v5 =	vmax.f32 v5, v0;
	v0 =	vld [tilespmem:s24+$0x0]  }
0x2f9: {  	v5 =	vmax.f32 v5, v4  }
0x2fa: {  	v5 =	vmax.f32 v5, v3  }
0x2fb: {  	v5 =	vmax.f32 v5, v2  }
0x2fc: {  	v5 =	vmax.f32 v5, v1  }
0x2fd: {  	v5 =	vmax.f32 v5, v0  }
0x2fe: {  	[tilespmem:$0x1FD30] =	vst v0;
	v0 =	vsub.f32 v6, v5;
	_ =	sdelay $0x1  }
0x2ff: {  	[tilespmem:$0x1FD20] =	vst v1;
	v1 =	vsub.f32 v7, v5;
	v0 =	vmul.f32 $1.442695020e+00, v0;
	_ =	sdelay $0x1  }
0x300: {  	v1 =	vmul.f32 $1.442695020e+00, v1;
	(erf) = vpow2.f32 v0;
	v0 =	vsub.f32 v8, v5;
	_ =	sdelay $0x1  }
0x301: {  	(erf) = vpow2.f32 v1;
	v1 =	vsub.f32 v12, v5;
	v0 =	vmul.f32 $1.442695020e+00, v0;
	_ =	sdelay $0x1  }
0x302: {  	v1 =	vmul.f32 $1.442695020e+00, v1;
	(erf) = vpow2.f32 v0;
	v0 =	vsub.f32 v9, v5;
	_ =	sdelay $0x1  }
0x303: {  	(erf) = vpow2.f32 v1;
	v1 =	vsub.f32 v10, v5;
	v0 =	vmul.f32 $1.442695020e+00, v0;
	_ =	sdelay $0x1  }
0x304: {  	v1 =	vmul.f32 $1.442695020e+00, v1;
	(erf) = vpow2.f32 v0  }
0x305: {  	[tilespmem:$0x1FD10] =	vst v2;
	v0 =	vsub.f32 v11, v5;
	v2 =	vpop (erf)  }
0x306: {  	(erf) = vpow2.f32 v1;
	v2 =	vadd.f32 $0.0e+00, v2  }
0x307: {  	[tilespmem:$0x1FD00] =	vst v3;
	v1 =	vsub.f32 v13, v5;
	v0 =	vmul.f32 $1.442695020e+00, v0;
	v3 =	vpop (erf)  }
0x308: {  	v2 =	vadd.f32 v2, v3  }
0x309: {  	v1 =	vmul.f32 $1.442695020e+00, v1;
	(erf) = vpow2.f32 v0;
	v0 =	vsub.f32 v14, v5;
	v3 =	vpop (erf)  }
0x30a: {  	v2 =	vadd.f32 v2, v3  }
0x30b: {  	(erf) = vpow2.f32 v1;
	v1 =	vsub.f32 v15, v5;
	v0 =	vmul.f32 $1.442695020e+00, v0;
	v3 =	vpop (erf)  }
0x30c: {  	v2 =	vadd.f32 v2, v3  }
0x30d: {  	(erf) = vpow2.f32 v0;
	v0 =	vmul.f32 $1.442695020e+00, v1;
	v1 =	vsub.f32 v16, v5;
	v3 =	vpop (erf)  }
0x30e: {  	v2 =	vadd.f32 v2, v3  }
0x30f: {  	(erf) = vpow2.f32 v0;
	v0 =	vsub.f32 v17, v5;
	v1 =	vmul.f32 $1.442695020e+00, v1;
	v3 =	vpop (erf)  }
0x310: {  	v2 =	vadd.f32 v2, v3  }
0x311: {  	(erf) = vpow2.f32 v1;
	v1 =	vsub.f32 v18, v5;
	v0 =	vmul.f32 $1.442695020e+00, v0  }
0x312: {  	v3 =	vpop (erf)  }
0x313: {  	v2 =	vadd.f32 v2, v3;
	(erf) = vpow2.f32 v0;
	v1 =	vmul.f32 $1.442695020e+00, v1  }
0x314: {  	v0 =	vsub.f32 v19, v5;
	v3 =	vpop (erf)  }
0x315: {  	v2 =	vadd.f32 v2, v3;
	(erf) = vpow2.f32 v1  }
0x316: {  	v1 =	vsub.f32 v20, v5;
	v0 =	vmul.f32 $1.442695020e+00, v0;
	v3 =	vpop (erf)  }
0x317: {  	v2 =	vadd.f32 v2, v3  }
0x318: {  	(erf) = vpow2.f32 v0;
	v0 =	vsub.f32 v21, v5;
	v1 =	vmul.f32 $1.442695020e+00, v1;
	v3 =	vpop (erf)  }
0x319: {  	v2 =	vadd.f32 v2, v3  }
0x31a: {  	(erf) = vpow2.f32 v1;
	v1 =	vsub.f32 v22, v5;
	v0 =	vmul.f32 $1.442695020e+00, v0;
	v3 =	vpop (erf)  }
0x31b: {  	v2 =	vadd.f32 v2, v3  }
0x31c: {  	(erf) = vpow2.f32 v0;
	v0 =	vmul.f32 $1.442695020e+00, v1;
	v1 =	vsub.f32 v63, v5;
	v3 =	vpop (erf)  }
0x31d: {  	v2 =	vadd.f32 v2, v3  }
0x31e: {  	(erf) = vpow2.f32 v0;
	v0 =	vsub.f32 v62, v5;
	v1 =	vmul.f32 $1.442695020e+00, v1;
	v3 =	vpop (erf)  }
0x31f: {  	v2 =	vadd.f32 v2, v3  }
0x320: {  	(erf) = vpow2.f32 v1;
	v0 =	vmul.f32 $1.442695020e+00, v0;
	v1 =	vsub.f32 v61, v5  }
0x321: {  	v3 =	vpop (erf)  }
0x322: {  	v2 =	vadd.f32 v2, v3;
	v3 =	vsub.f32 v60, v5;
	v1 =	vmul.f32 $1.442695020e+00, v1;
	_ =	sdelay $0x1  }
0x323: {  	(erf) = vpow2.f32 v0;
	v0 =	vpop (erf);
	v3 =	vmul.f32 $1.442695020e+00, v3  }
0x324: {  	v0 =	vadd.f32 v2, v0;
	v2 =	vsub.f32 v59, v5  }
0x325: {  	(erf) = vpow2.f32 v1;
	v1 =	vpop (erf)  }
0x326: {  	v0 =	vadd.f32 v0, v1;
	v1 =	vsub.f32 v58, v5;
	v2 =	vmul.f32 $1.442695020e+00, v2  }
0x327: {  	(erf) = vpow2.f32 v3;
	v3 =	vpop (erf)  }
0x328: {  	v0 =	vadd.f32 v0, v3;
	v1 =	vmul.f32 $1.442695020e+00, v1;
	v3 =	vsub.f32 v57, v5  }
0x329: {  	(erf) = vpow2.f32 v2  }
0x32a: {  	v2 =	vpop (erf);
	(erf) = vpow2.f32 v1;
	v1 =	vsub.f32 v56, v5  }
0x32b: {  	v0 =	vadd.f32 v0, v2;
	v2 =	vmul.f32 $1.442695020e+00, v3  }
0x32c: {  	v3 =	vpop (erf);
	v1 =	vmul.f32 $1.442695020e+00, v1  }
0x32d: {  	v0 =	vadd.f32 v0, v3;
	(erf) = vpow2.f32 v2;
	v2 =	vsub.f32 v55, v5  }
0x32e: {  	v3 =	vpop (erf)  }
0x32f: {  	v0 =	vadd.f32 v0, v3;
	v3 =	vsub.f32 v54, v5;
	v2 =	vmul.f32 $1.442695020e+00, v2  }
0x330: {  	(erf) = vpow2.f32 v1;
	v1 =	vpop (erf)  }
0x331: {  	v0 =	vadd.f32 v0, v1;
	v1 =	vmul.f32 $1.442695020e+00, v3  }
0x332: {  	v3 =	vsub.f32 v53, v5  }
0x333: {  	(erf) = vpow2.f32 v2;
	v2 =	vpop (erf)  }
0x334: {  	v3 =	vmul.f32 $1.442695020e+00, v3;
	v0 =	vadd.f32 v0, v2;
	v2 =	vsub.f32 v52, v5  }
0x335: {  	(erf) = vpow2.f32 v1;
	v1 =	vpop (erf)  }
0x336: {  	v0 =	vadd.f32 v0, v1;
	v1 =	vsub.f32 v51, v5;
	v2 =	vmul.f32 $1.442695020e+00, v2;
	_ =	sdelay $0x1  }
0x337: {  	(erf) = vpow2.f32 v3;
	v3 =	vpop (erf);
	v1 =	vmul.f32 $1.442695020e+00, v1  }
0x338: {  	v0 =	vadd.f32 v0, v3;
	v3 =	vsub.f32 v50, v5;
	(erf) = vpow2.f32 v2  }
0x339: {  	v2 =	vpop (erf);
	(erf) = vpow2.f32 v1  }
0x33a: {  	v1 =	vsub.f32 v23, v5;
	v0 =	vadd.f32 v0, v2;
	v2 =	vmul.f32 $1.442695020e+00, v3;
	_ =	sdelay $0x1  }
0x33b: {  	v3 =	vpop (erf);
	v1 =	vmul.f32 $1.442695020e+00, v1;
	(erf) = vpow2.f32 v2;
	v2 =	vsub.f32 v24, v5  }
0x33c: {  	v0 =	vadd.f32 v0, v3  }
0x33d: {  	v3 =	vpop (erf);
	v2 =	vmul.f32 $1.442695020e+00, v2  }
0x33e: {  	v0 =	vadd.f32 v0, v3;
	v3 =	vsub.f32 v25, v5  }
0x33f: {  	(erf) = vpow2.f32 v1;
	v1 =	vpop (erf)  }
0x340: {  	v0 =	vadd.f32 v0, v1;
	v1 =	vsub.f32 v26, v5;
	v3 =	vmul.f32 $1.442695020e+00, v3  }
0x341: {  	(erf) = vpow2.f32 v2;
	v2 =	vpop (erf)  }
0x342: {  	v1 =	vmul.f32 $1.442695020e+00, v1;
	v0 =	vadd.f32 v0, v2;
	v2 =	vsub.f32 v27, v5;
	_ =	sdelay $0x1  }
0x343: {  	(erf) = vpow2.f32 v3;
	v3 =	vpop (erf);
	v2 =	vmul.f32 $1.442695020e+00, v2  }
0x344: {  	v0 =	vadd.f32 v0, v3;
	v3 =	vsub.f32 v49, v5  }
0x345: {  	(erf) = vpow2.f32 v1;
	v1 =	vpop (erf)  }
0x346: {  	v0 =	vadd.f32 v0, v1;
	v1 =	vsub.f32 v48, v5;
	v3 =	vmul.f32 $1.442695020e+00, v3  }
0x347: {  	(erf) = vpow2.f32 v2;
	v2 =	vpop (erf)  }
0x348: {  	v1 =	vmul.f32 $1.442695020e+00, v1;
	v0 =	vadd.f32 v0, v2;
	v2 =	vsub.f32 v47, v5  }
0x349: {  	(erf) = vpow2.f32 v3  }
0x34a: {  	v3 =	vpop (erf);
	(erf) = vpow2.f32 v1;
	v1 =	vmul.f32 $1.442695020e+00, v2;
	v2 =	vsub.f32 v46, v5  }
0x34b: {  	v0 =	vadd.f32 v0, v3  }
0x34c: {  	v3 =	vpop (erf);
	v2 =	vmul.f32 $1.442695020e+00, v2  }
0x34d: {  	v0 =	vadd.f32 v0, v3;
	v3 =	vsub.f32 v45, v5  }
0x34e: {  	(erf) = vpow2.f32 v1;
	v1 =	vpop (erf)  }
0x34f: {  	v3 =	vmul.f32 $1.442695020e+00, v3;
	v0 =	vadd.f32 v0, v1;
	v1 =	vsub.f32 v44, v5  }
0x350: {  	(erf) = vpow2.f32 v2;
	v2 =	vpop (erf)  }
0x351: {  	v0 =	vadd.f32 v0, v2;
	v2 =	vsub.f32 v43, v5;
	v1 =	vmul.f32 $1.442695020e+00, v1;
	_ =	sdelay $0x1  }
0x352: {  	(erf) = vpow2.f32 v3;
	v3 =	vpop (erf);
	v2 =	vmul.f32 $1.442695020e+00, v2  }
0x353: {  	v0 =	vadd.f32 v0, v3;
	v3 =	vsub.f32 v42, v5  }
0x354: {  	(erf) = vpow2.f32 v1;
	v1 =	vpop (erf)  }
0x355: {  	v3 =	vmul.f32 $1.442695020e+00, v3;
	v0 =	vadd.f32 v0, v1  }
0x356: {  	(erf) = vpow2.f32 v2;
	v1 =	vsub.f32 v41, v5;
	v2 =	vpop (erf)  }
0x357: {  	v0 =	vadd.f32 v0, v2;
	v2 =	vsub.f32 v40, v5  }
0x358: {  	v1 =	vmul.f32 $1.442695020e+00, v1  }
0x359: {  	(erf) = vpow2.f32 v3;
	v3 =	vpop (erf);
	v2 =	vmul.f32 $1.442695020e+00, v2  }
0x35a: {  	v0 =	vadd.f32 v0, v3;
	(erf) = vpow2.f32 v1;
	v1 =	vsub.f32 v39, v5  }
0x35b: {  	v3 =	vpop (erf)  }
0x35c: {  	v0 =	vadd.f32 v0, v3;
	v1 =	vmul.f32 $1.442695020e+00, v1;
	v3 =	vsub.f32 v38, v5  }
0x35d: {  	(erf) = vpow2.f32 v2;
	v2 =	vpop (erf)  }
0x35e: {  	v3 =	vmul.f32 $1.442695020e+00, v3;
	v0 =	vadd.f32 v0, v2;
	v2 =	vsub.f32 v37, v5;
	_ =	sdelay $0x1  }
0x35f: {  	(erf) = vpow2.f32 v1;
	v1 =	vpop (erf);
	v2 =	vmul.f32 $1.442695020e+00, v2  }
0x360: {  	v0 =	vadd.f32 v0, v1;
	v1 =	vsub.f32 v36, v5  }
0x361: {  	(erf) = vpow2.f32 v3;
	v3 =	vpop (erf)  }
0x362: {  	v0 =	vadd.f32 v0, v3;
	v3 =	vsub.f32 v35, v5;
	v1 =	vmul.f32 $1.442695020e+00, v1  }
0x363: {  	(erf) = vpow2.f32 v2;
	v2 =	vpop (erf)  }
0x364: {  	v0 =	vadd.f32 v0, v2;
	v2 =	vmul.f32 $1.442695020e+00, v3;
	v3 =	vsub.f32 v34, v5  }
0x365: {  	(erf) = vpow2.f32 v1  }
0x366: {  	v1 =	vpop (erf);
	(erf) = vpow2.f32 v2;
	v2 =	vsub.f32 v33, v5  }
0x367: {  	v0 =	vadd.f32 v0, v1;
	v1 =	vmul.f32 $1.442695020e+00, v3  }
0x368: {  	v3 =	vpop (erf);
	v2 =	vmul.f32 $1.442695020e+00, v2  }
0x369: {  	(erf) = vpow2.f32 v1;
	v1 =	vsub.f32 v32, v5;
	v0 =	vadd.f32 v0, v3  }
0x36a: {  	v3 =	vpop (erf)  }
0x36b: {  	v1 =	vmul.f32 $1.442695020e+00, v1;
	v0 =	vadd.f32 v0, v3;
	v3 =	vsub.f32 v31, v5  }
0x36c: {  	(erf) = vpow2.f32 v2;
	v2 =	vpop (erf)  }
0x36d: {  	v0 =	vadd.f32 v0, v2;
	v2 =	vmul.f32 $1.442695020e+00, v3;
	v3 =	vsub.f32 v30, v5;
	_ =	sdelay $0x1  }
0x36e: {  	(erf) = vpow2.f32 v1;
	v1 =	vpop (erf);
	v3 =	vmul.f32 $1.442695020e+00, v3  }
0x36f: {  	v0 =	vadd.f32 v0, v1;
	v1 =	vsub.f32 v29, v5  }
0x370: {  	(erf) = vpow2.f32 v2;
	v2 =	vpop (erf)  }
0x371: {  	v1 =	vmul.f32 $1.442695020e+00, v1;
	v0 =	vadd.f32 v0, v2;
	v2 =	vsub.f32 v28, v5  }
0x372: {  	(erf) = vpow2.f32 v3;
	v3 =	vpop (erf)  }
0x373: {  	v0 =	vadd.f32 v0, v3;
	v3 =	vld [tilespmem:$0x1FBE0];
	v2 =	vmul.f32 $1.442695020e+00, v2  }
0x374: {  	(erf) = vpow2.f32 v1  }
0x375: {  	v1 =	vpop (erf);
	(erf) = vpow2.f32 v2;
	v2 =	vld [tilespmem:$0x1FBF0];
	_ =	sdelay $0x2  }
0x376: {  	v3 =	vsub.f32 v3, v5;
	_ =	sdelay $0x1  }
0x377: {  	v0 =	vadd.f32 v0, v1;
	v1 =	vmul.f32 $1.442695020e+00, v3;
	v2 =	vsub.f32 v2, v5;
	_ =	sdelay $0x1  }
0x378: {  	v3 =	vpop (erf);
	(erf) = vpow2.f32 v1;
	v1 =	vld [tilespmem:$0x1FC00];
	v2 =	vmul.f32 $1.442695020e+00, v2  }
0x379: {  	v0 =	vadd.f32 v0, v3  }
0x37a: {  	v3 =	vpop (erf)  }
0x37b: {  	v0 =	vadd.f32 v0, v3  }
0x37c: {  	(erf) = vpow2.f32 v2;
	v2 =	vpop (erf)  }
0x37d: {  	v1 =	vsub.f32 v1, v5;
	v0 =	vadd.f32 v0, v2;
	v2 =	vld [tilespmem:$0x1FC20];
	_ =	sdelay $0x1  }
0x37e: {  	v1 =	vmul.f32 $1.442695020e+00, v1  }
0x37f: {  	v3 =	vld [tilespmem:$0x1FC10];
	_ =	sdelay $0x1  }
0x380: {  	v2 =	vsub.f32 v2, v5  }
0x381: {  	(erf) = vpow2.f32 v1;
	v1 =	vpop (erf)  }
0x382: {  	v0 =	vadd.f32 v0, v1;
	v1 =	vmul.f32 $1.442695020e+00, v2;
	v2 =	vld [tilespmem:$0x1FC30]  }
0x383: {  	v3 =	vsub.f32 v3, v5;
	_ =	sdelay $0x1  }
0x384: {  	v3 =	vmul.f32 $1.442695020e+00, v3;
	_ =	sdelay $0x1  }
0x385: {  	v2 =	vsub.f32 v2, v5;
	_ =	sdelay $0x1  }
0x386: {  	(erf) = vpow2.f32 v3;
	v3 =	vpop (erf);
	v2 =	vmul.f32 $1.442695020e+00, v2  }
0x387: {  	v0 =	vadd.f32 v0, v3;
	v3 =	vld [tilespmem:$0x1FC40]  }
0x388: {  	(erf) = vpow2.f32 v1;
	v1 =	vpop (erf)  }
0x389: {  	v0 =	vadd.f32 v0, v1;
	v1 =	vld [tilespmem:$0x1FC50]  }
0x38a: {  	(erf) = vpow2.f32 v2;
	v2 =	vpop (erf)  }
0x38b: {  	v0 =	vadd.f32 v0, v2;
	v2 =	vld [tilespmem:$0x1FC60]  }
0x38c: {  	v3 =	vsub.f32 v3, v5;
	_ =	sdelay $0x1  }
0x38d: {  	v1 =	vsub.f32 v1, v5;
	v3 =	vmul.f32 $1.442695020e+00, v3;
	_ =	sdelay $0x1  }
0x38e: {  	v1 =	vmul.f32 $1.442695020e+00, v1;
	v2 =	vsub.f32 v2, v5  }
0x38f: {  	(erf) = vpow2.f32 v3  }
0x390: {  	v3 =	vpop (erf);
	(erf) = vpow2.f32 v1;
	v1 =	vmul.f32 $1.442695020e+00, v2;
	v2 =	vld [tilespmem:$0x1FC70];
	_ =	sdelay $0x3  }
0x391: {  	v0 =	vadd.f32 v0, v3  }
0x392: {  	v3 =	vpop (erf);
	v2 =	vsub.f32 v2, v5  }
0x393: {  	v0 =	vadd.f32 v0, v3;
	v3 =	vld [tilespmem:$0x1FC80]  }
0x394: {  	(erf) = vpow2.f32 v1;
	v1 =	vpop (erf);
	v2 =	vmul.f32 $1.442695020e+00, v2  }
0x395: {  	v0 =	vadd.f32 v0, v1;
	v1 =	vld [tilespmem:$0x1FC90];
	_ =	sdelay $0x2  }
0x396: {  	v3 =	vsub.f32 v3, v5;
	(erf) = vpow2.f32 v2;
	v2 =	vpop (erf)  }
0x397: {  	v0 =	vadd.f32 v0, v2;
	v2 =	vld [tilespmem:$0x1FCA0]  }
0x398: {  	v3 =	vmul.f32 $1.442695020e+00, v3;
	v1 =	vsub.f32 v1, v5;
	_ =	sdelay $0x1  }
0x399: {  	v1 =	vmul.f32 $1.442695020e+00, v1;
	_ =	sdelay $0x1  }
0x39a: {  	(erf) = vpow2.f32 v3;
	v3 =	vpop (erf);
	v2 =	vsub.f32 v2, v5  }
0x39b: {  	v0 =	vadd.f32 v0, v3  }
0x39c: {  	v3 =	vld [tilespmem:$0x1FCB0];
	(erf) = vpow2.f32 v1;
	v1 =	vpop (erf);
	v2 =	vmul.f32 $1.442695020e+00, v2  }
0x39d: {  	v0 =	vadd.f32 v0, v1;
	v1 =	vld [tilespmem:$0x1FCC0]  }
0x39e: {  	(erf) = vpow2.f32 v2;
	v2 =	vld [tilespmem:$0x1FCD0];
	_ =	sdelay $0x2  }
0x39f: {  	v3 =	vsub.f32 v3, v5  }
0x3a0: {  	v1 =	vsub.f32 v1, v5  }
0x3a1: {  	v3 =	vmul.f32 $1.442695020e+00, v3;
	v2 =	vsub.f32 v2, v5  }
0x3a2: {  	v1 =	vmul.f32 $1.442695020e+00, v1  }
0x3a3: {  	s30 =	sadd.s32 $0x400, s13;
	v44 =	vpop (erf);
	(erf) = vpow2.f32 v3;
	v2 =	vmul.f32 $1.442695020e+00, v2  }
0x3a4: {  	s23 =	sand.u32 $0xF80, s30;
	v46 =	vpop (erf);
	(erf) = vpow2.f32 v1  }
0x3a5: {  	s31 =	simm.s32 $0x0;
	s22 =	sor.u32 s22, s23;
	v0 =	vadd.f32 v0, v44;
	v47 =	vpop (erf);
	(erf) = vpow2.f32 v2;
	v2 =	vlaneseq.u32  }
0x3a6: {  	v45 =	vld [tilespmem:s22+$0x14000];
	v2 =	vor.u32 s31, v2  }
0x3a7: {  	v0 =	vadd.f32 v0, v46;
	v3 =	vld [tilespmem:$0x1FCE0];
	v1 =	vmov s31;
	v2 =	vand.u32 $0x7F, v2  }
0x3a8: {  	v1 =	vshll.u32 v1, $0x3  }
0x3a9: {  	[tilespmem:$0x1FCF0] =	vst v4;
	v0 =	vadd.f32 v0, v47;
	v1 =	vand.u32 $0xC00, v1  }
0x3aa: {  	v48 =	vld [tilespmem:$0x1FCF0];
	v1 =	vor.u32 v1, v2;
	v2 =	vpop (erf)  }
0x3ab: {  	v0 =	vadd.f32 v0, v2;
	v2 =	vshll.u32 v45, $0x9  }
0x3ac: {  	v49 =	vld [tilespmem:$0x1FD00];
	v3 =	vsub.f32 v3, v5;
	v2 =	vand.u32 $0xFFFFF000, v2  }
0x3ad: {  	v1 =	vor.u32 v2, v1;
	v2 =	vld [tilespmem:$0x1FD10]  }
0x3ae: {  	v3 =	vmul.f32 $1.442695020e+00, v3  }
0x3af: {  	v6 =	vsub.f32 v48, v5;
	_ =	sdelay $0x1  }
0x3b0: {  	v51 =	vld [tilespmem:$0x1FD20];
	v7 =	vsub.f32 v49, v5;
	v6 =	vmul.f32 $1.442695020e+00, v6;
	(erf) = vpow2.f32 v3  }
0x3b1: {  	v4 =	vshll.u32 v45, $0x7;
	v3 =	vpop (erf);
	v2 =	vsub.f32 v2, v5  }
0x3b2: {  	v53 =	vld [tilespmem:$0x1FD30];
	(erf) = vpow2.f32 v6;
	v0 =	vadd.f32 v0, v3;
	v3 =	vmul.f32 $1.442695020e+00, v7  }
0x3b3: {  	v4 =	vand.u32 $0x380, v4;
	v50 =	vpop (erf);
	v2 =	vmul.f32 $1.442695020e+00, v2  }
0x3b4: {  	v1 =	vor.u32 v4, v1;
	v0 =	vadd.f32 v0, v50;
	(erf) = vpow2.f32 v3  }
0x3b5: {  	v6 =	vsub.f32 v51, v5;
	v52 =	vpop (erf)  }
0x3b6: {  	v0 =	vadd.f32 v0, v52  }
0x3b7: {  	v3 =	vmul.f32 $1.442695020e+00, v6;
	v6 =	vsub.f32 v53, v5;
	(erf) = vpow2.f32 v2;
	v2 =	vpop (erf)  }
0x3b8: {  	v0 =	vadd.f32 v0, v2  }
0x3b9: {  	v54 =	vmul.f32 $1.442695020e+00, v6;
	(erf) = vpow2.f32 v3;
	v3 =	vld.idx.msk [tilespmem:v1+s2+$0x0], $0xffff;
	v2 =	vpop (erf)  }
0x3ba: {  	v0 =	vadd.f32 v0, v2  }
0x3bb: {  	(erf) = vpow2.f32 v54;
	v2 =	vpop (erf)  }
0x3bc: {  	v0 =	vadd.f32 v0, v2  }
0x3bd: {  	v2 =	vpop (erf)  }
0x3be: {  	v0 =	vadd.f32 v0, v2;
	v2 =	vsub.f32 $0.0e+00, v3;
	_ =	sdelay $0x1  }
0x3bf: {  	v55 =	vpop (erf);
	v2 =	vmul.f32 $1.442695020e+00, v2  }
0x3c0: {  	v0 =	vadd.f32 v0, v55  }
0x3c1: {  	v56 =	vpop (erf)  }
0x3c2: {  	v0 =	vadd.f32 v0, v56  }
0x3c3: {  	(erf) = vpow2.f32 v2;
	v2 =	vpop (erf)  }
0x3c4: {  	v0 =	vadd.f32 v0, v2;
	_ =	sdelay $0x1  }
0x3c5: {  	v2 =	vand.u32 $0x7FFFFF, v0  }
0x3c6: {  	v2 =	vor.u32 $0x3F800000, v2  }
0x3c7: {  	v57 =	vadd.f32 $1.000000000e+00, v2;
	_ =	sdelay $0x1  }
0x3c8: {  	(erf) = vrcp.f32 v57;
	_ =	sdelay $0x6  }
0x3c9: {  	v58 =	vpop (erf)  }
0x3ca: {  	v2 =	vadd.f32 $-1.000000000e+00, v2;
	v4 =	vadd.f32 $1.000000000e+00, v58  }
0x3cb: {  	v59 =	vpop (erf)  }
0x3cc: {  	(erf) = vrcp.f32 v4;
	v2 =	vmul.f32 v59, v2;
	_ =	sdelay $0x1  }
0x3cd: {  	v4 =	vmul.f32 v2, v2;
	_ =	sdelay $0x1  }
0x3ce: {  	v61 =	vmul.f32 $2.000000030e-01, v4  }
0x3cf: {  	v1 =	vld.idx.msk [tilespmem:v1+s18+$0x0], $0xffff  }
0x3d0: {  	v62 =	vadd.f32 $3.333333430e-01, v61  }
0x3d1: {  	v0 =	vshrl.u32 v0, $0x17  }
0x3d2: {  	v0 =	vand.u32 $0xFF, v0;
	v4 =	vmul.f32 v62, v4  }
0x3d3: {  	v0 =	vadd.s32 $0xFFFFFF81, v0;
	v60 =	vpop (erf);
	v2 =	vadd.f32 v2, v2  }
0x3d4: {  	v0 =	vcvt.s32.f32 v0;
	v1 =	vsub.f32 v60, v1;
	v4 =	vadd.f32 $1.000000000e+00, v4;
	_ =	sdelay $0x1  }
0x3d5: {  	v0 =	vmul.f32 $6.931471820e-01, v0;
	v1 =	vand.u32 $0x7FFFFFFF, v1;
	v2 =	vmul.f32 v4, v2  }
0x3d6: {  	v1 =	vmul.f32 $3.000000000e+01, v1  }
0x3d7: {  	v3 =	vsub.f32 v3, v5;
	v0 =	vadd.f32 v2, v0  }
0x3d8: {  	v1 =	vtrunc.f32 v1  }
0x3d9: {  	v1 =	vcvt.f32.s32 v1;
	v2 =	vsub.f32 v3, v0;
	v0 =	vld [tilespmem:$0x1FFE0];
	_ =	sdelay $0x1  }
0x3da: {  	vm0 =	vgt.s32 v1, $0x0  }
0x3db: {  	v1 =	vnsel vm0, $0x0, v1  }
0x3dc: {  	v63 =	vmin.u32 v1, $0x1D  }
0x3dd: {  	v1 =	vor.u32 v0, v63;
	v0 =	vld [tilespmem:$0x1FFF0];
	_ =	sdelay $0x4  }
0x3de: {  	v0 =	vor.u32 v0, v63  }
0x3df: {  	s23 =	simm.s32 $0x80;
	s22 =	simm.s32 $0x410  }
0x3e0: {  	s29 =	simm.s32 $0x420;
	s25 =	sand.u32 $0xC00, s23;
	s26 =	sand.u32 $0x70, s22  }
.LBB2_6:
0x3e1: {  	v3 =	vimm.f32 $1.000000000e+00  }
0x3e2: {  	[tilespmem:v1+s19+$0x0] =	vst.idx.add.f32.msk $0xffff, v3  }
0x3e3: {  	s28 =	sor.u32 s26, s25;
	[tilespmem:v0+s19+$0x0] =	vst.idx.add.f32.msk $0xffff, v2  }
0x3e4: {  	v20 =	vld [tilespmem:s28+$0x0]  }
0x3e5: {  	v19 =	vld [tilespmem:s28+$0x80]  }
0x3e6: {  	s21 =	sadd.s32 $0x1, s21;
	s25 =	smov.u32 s29;
	v16 =	vld [tilespmem:s28+$0x100]  }
0x3e7: {  	s24 =	sadd.s32 $0x10, s29;
	p0 =	sne.s32 s29, $0x5F0;
	s29 =	sand.u32 $0x7, s21;
	v7 =	vld [tilespmem:s28+$0x180]  }
0x3e8: {  	s29 =	sshll.u32 s29, $0x4;
	v9 =	vld [tilespmem:s28+$0x200]  }
0x3e9: {  	s29 =	sadd.s32 s29, s23;
	v12 =	vld [tilespmem:s28+$0x280];
	v0 =	vmax.f32 v20, $-3.000000010e+38  }
0x3ea: {  	v10 =	vld [tilespmem:s28+$0x300];
	s30 =	sor.u32 $0x380, s29;
	v0 =	vmax.f32 v0, v19  }
0x3eb: {  	v13 =	vld [tilespmem:s30+$0x0];
	v0 =	vmax.f32 v0, v16  }
0x3ec: {  	v11 =	vld [tilespmem:s28+$0x1000];
	v0 =	vmax.f32 v0, v7  }
0x3ed: {  	v14 =	vld [tilespmem:s28+$0x1080];
	v0 =	vmax.f32 v0, v9  }
0x3ee: {  	v24 =	vld [tilespmem:s28+$0x1100];
	v0 =	vmax.f32 v0, v12  }
0x3ef: {  	v15 =	vld [tilespmem:s28+$0x1180];
	v0 =	vmax.f32 v0, v10  }
0x3f0: {  	v25 =	vld [tilespmem:s28+$0x1200];
	v0 =	vmax.f32 v0, v13  }
0x3f1: {  	v17 =	vld [tilespmem:s28+$0x1280];
	v0 =	vmax.f32 v0, v11  }
0x3f2: {  	v18 =	vld [tilespmem:s28+$0x1300];
	s30 =	sor.u32 $0x1380, s29;
	v0 =	vmax.f32 v0, v14  }
0x3f3: {  	v23 =	vld [tilespmem:s30+$0x0];
	v0 =	vmax.f32 v0, v24  }
0x3f4: {  	v21 =	vld [tilespmem:s28+$0x2000];
	v0 =	vmax.f32 v0, v15  }
0x3f5: {  	v22 =	vld [tilespmem:s28+$0x2080];
	v0 =	vmax.f32 v0, v25  }
0x3f6: {  	v8 =	vld [tilespmem:s28+$0x2100];
	v5 =	vmax.f32 v0, v17  }
0x3f7: {  	v27 =	vld [tilespmem:s28+$0x2180];
	v5 =	vmax.f32 v5, v18  }
0x3f8: {  	s31 =	sadd.s32 s22, s13;
	v28 =	vld [tilespmem:s28+$0x2200];
	v5 =	vmax.f32 v5, v23  }
0x3f9: {  	s31 =	sand.u32 $0xF80, s31;
	v63 =	vld [tilespmem:s28+$0x2280];
	v5 =	vmax.f32 v5, v21  }
0x3fa: {  	s26 =	sor.u32 s26, s31;
	v26 =	vld [tilespmem:s28+$0x2300];
	s31 =	sor.u32 $0x2380, s29;
	v5 =	vmax.f32 v5, v22  }
0x3fb: {  	v61 =	vld [tilespmem:s31+$0x0];
	v5 =	vmax.f32 v5, v8  }
0x3fc: {  	v60 =	vld [tilespmem:s28+$0x3000];
	v5 =	vmax.f32 v5, v27  }
0x3fd: {  	v59 =	vld [tilespmem:s28+$0x3080];
	v5 =	vmax.f32 v5, v28  }
0x3fe: {  	v62 =	vld [tilespmem:s28+$0x3100];
	v5 =	vmax.f32 v5, v63  }
0x3ff: {  	v57 =	vld [tilespmem:s28+$0x3180];
	v5 =	vmax.f32 v5, v26  }
0x400: {  	v56 =	vld [tilespmem:s28+$0x3200];
	v5 =	vmax.f32 v5, v61  }
0x401: {  	v55 =	vld [tilespmem:s28+$0x3280];
	v5 =	vmax.f32 v5, v60  }
0x402: {  	v58 =	vld [tilespmem:s28+$0x3300];
	s31 =	sor.u32 $0x3380, s29;
	v5 =	vmax.f32 v5, v59  }
0x403: {  	v53 =	vld [tilespmem:s31+$0x0];
	v5 =	vmax.f32 v5, v62  }
0x404: {  	v52 =	vld [tilespmem:s28+$0x4000];
	v5 =	vmax.f32 v5, v57  }
0x405: {  	v51 =	vld [tilespmem:s28+$0x4080];
	v5 =	vmax.f32 v5, v56  }
0x406: {  	v54 =	vld [tilespmem:s28+$0x4100];
	v5 =	vmax.f32 v5, v55  }
0x407: {  	v49 =	vld [tilespmem:s28+$0x4180];
	v5 =	vmax.f32 v5, v58  }
0x408: {  	v48 =	vld [tilespmem:s28+$0x4200];
	v5 =	vmax.f32 v5, v53  }
0x409: {  	v47 =	vld [tilespmem:s28+$0x4280];
	v5 =	vmax.f32 v5, v52  }
0x40a: {  	v50 =	vld [tilespmem:s28+$0x4300];
	s31 =	sor.u32 $0x4380, s29;
	v5 =	vmax.f32 v5, v51  }
0x40b: {  	v45 =	vld [tilespmem:s31+$0x0];
	v5 =	vmax.f32 v5, v54  }
0x40c: {  	v44 =	vld [tilespmem:s28+$0x5000];
	v5 =	vmax.f32 v5, v49  }
0x40d: {  	v43 =	vld [tilespmem:s28+$0x5080];
	v5 =	vmax.f32 v5, v48  }
0x40e: {  	v46 =	vld [tilespmem:s28+$0x5100];
	v5 =	vmax.f32 v5, v47  }
0x40f: {  	v41 =	vld [tilespmem:s28+$0x5180];
	v5 =	vmax.f32 v5, v50  }
0x410: {  	v40 =	vld [tilespmem:s28+$0x5200];
	v5 =	vmax.f32 v5, v45  }
0x411: {  	v39 =	vld [tilespmem:s28+$0x5280];
	v5 =	vmax.f32 v5, v44  }
0x412: {  	v42 =	vld [tilespmem:s28+$0x5300];
	s31 =	sor.u32 $0x5380, s29;
	v5 =	vmax.f32 v5, v43  }
0x413: {  	v37 =	vld [tilespmem:s31+$0x0];
	v5 =	vmax.f32 v5, v46  }
0x414: {  	v36 =	vld [tilespmem:s28+$0x6000];
	v5 =	vmax.f32 v5, v41  }
0x415: {  	v35 =	vld [tilespmem:s28+$0x6080];
	v5 =	vmax.f32 v5, v40  }
0x416: {  	v38 =	vld [tilespmem:s28+$0x6100];
	v5 =	vmax.f32 v5, v39  }
0x417: {  	v33 =	vld [tilespmem:s28+$0x6180];
	v5 =	vmax.f32 v5, v42  }
0x418: {  	v32 =	vld [tilespmem:s28+$0x6200];
	v5 =	vmax.f32 v5, v37  }
0x419: {  	v31 =	vld [tilespmem:s28+$0x6280];
	v5 =	vmax.f32 v5, v36  }
0x41a: {  	v34 =	vld [tilespmem:s28+$0x6300];
	s31 =	sor.u32 $0x6380, s29;
	v5 =	vmax.f32 v5, v35  }
0x41b: {  	v29 =	vld [tilespmem:s31+$0x0];
	v5 =	vmax.f32 v5, v38  }
0x41c: {  	v3 =	vld [tilespmem:s28+$0x7000];
	v5 =	vmax.f32 v5, v33  }
0x41d: {  	v0 =	vld [tilespmem:s28+$0x7080];
	v5 =	vmax.f32 v5, v32  }
0x41e: {  	v30 =	vld [tilespmem:s28+$0x7100];
	v5 =	vmax.f32 v5, v31  }
0x41f: {  	v2 =	vld [tilespmem:s28+$0x7180];
	v5 =	vmax.f32 v5, v34  }
0x420: {  	v1 =	vld [tilespmem:s28+$0x7200];
	v5 =	vmax.f32 v5, v29  }
0x421: {  	v4 =	vld [tilespmem:s28+$0x7280];
	v5 =	vmax.f32 v5, v3  }
0x422: {  	v6 =	vld [tilespmem:s28+$0x7300];
	[tilespmem:$0x1FA70] =	vst v3;
	s31 =	sor.u32 $0x7380, s29;
	v5 =	vmax.f32 v5, v0  }
0x423: {  	[tilespmem:$0x1FA80] =	vst v0;
	v0 =	vld [tilespmem:s31+$0x0];
	v5 =	vmax.f32 v5, v30  }
0x424: {  	[tilespmem:$0x1FA90] =	vst v2;
	v3 =	vld [tilespmem:s28+$0x8000];
	v5 =	vmax.f32 v5, v2  }
0x425: {  	[tilespmem:$0x1FAA0] =	vst v1;
	v2 =	vld [tilespmem:s28+$0x8080];
	v5 =	vmax.f32 v5, v1  }
0x426: {  	[tilespmem:$0x1FAB0] =	vst v4;
	v1 =	vmax.f32 v5, v4;
	v5 =	vld [tilespmem:s28+$0x8100]  }
0x427: {  	[tilespmem:$0x1FAC0] =	vst v6;
	v4 =	vmax.f32 v1, v6;
	v1 =	vld [tilespmem:s28+$0x8180]  }
0x428: {  	[tilespmem:$0x1FAD0] =	vst v0;
	v4 =	vmax.f32 v4, v0;
	v0 =	vld [tilespmem:s28+$0x8200]  }
0x429: {  	[tilespmem:$0x1FAE0] =	vst v3;
	v6 =	vmax.f32 v4, v3;
	v4 =	vld [tilespmem:s28+$0x8280]  }
0x42a: {  	s31 =	sor.u32 $0x8380, s29;
	[tilespmem:$0x1FAF0] =	vst v2;
	v3 =	vmax.f32 v6, v2;
	v6 =	vld [tilespmem:s28+$0x8300]  }
0x42b: {  	v2 =	vld [tilespmem:s31+$0x0];
	[tilespmem:$0x1FB00] =	vst v5;
	v3 =	vmax.f32 v3, v5  }
0x42c: {  	[tilespmem:$0x1FB10] =	vst v1;
	v5 =	vmax.f32 v3, v1;
	v1 =	vld [tilespmem:s28+$0x9000]  }
0x42d: {  	[tilespmem:$0x1FB20] =	vst v0;
	v5 =	vmax.f32 v5, v0;
	v0 =	vld [tilespmem:s28+$0x9080]  }
0x42e: {  	v3 =	vmax.f32 v5, v4;
	v5 =	vld [tilespmem:s28+$0x9100]  }
0x42f: {  	[tilespmem:$0x1FB30] =	vst v4;
	v4 =	vld [tilespmem:s28+$0x9180];
	v3 =	vmax.f32 v3, v6  }
0x430: {  	[tilespmem:$0x1FB40] =	vst v6;
	v6 =	vmax.f32 v3, v2;
	v3 =	vld [tilespmem:s28+$0x9200]  }
0x431: {  	[tilespmem:$0x1FB50] =	vst v2;
	v2 =	vld [tilespmem:s28+$0x9280];
	v6 =	vmax.f32 v6, v1  }
0x432: {  	s29 =	sor.u32 $0x9380, s29;
	[tilespmem:$0x1FB60] =	vst v1;
	v1 =	vld [tilespmem:s28+$0x9300];
	v6 =	vmax.f32 v6, v0  }
0x433: {  	[tilespmem:$0x1FB70] =	vst v0;
	v0 =	vld [tilespmem:s29+$0x0];
	v6 =	vmax.f32 v6, v5  }
0x434: {  	[tilespmem:$0x1FB80] =	vst v5;
	v5 =	vmax.f32 v6, v4  }
0x435: {  	v5 =	vmax.f32 v5, v3  }
0x436: {  	v5 =	vmax.f32 v5, v2  }
0x437: {  	v5 =	vmax.f32 v5, v1  }
0x438: {  	v5 =	vmax.f32 v5, v0  }
0x439: {  	v20 =	vsub.f32 v20, v5;
	_ =	sdelay $0x1  }
0x43a: {  	v19 =	vsub.f32 v19, v5;
	v20 =	vmul.f32 $1.442695020e+00, v20;
	_ =	sdelay $0x1  }
0x43b: {  	v16 =	vsub.f32 v16, v5;
	v19 =	vmul.f32 $1.442695020e+00, v19;
	(erf) = vpow2.f32 v20;
	_ =	sdelay $0x1  }
0x43c: {  	v7 =	vsub.f32 v7, v5;
	v16 =	vmul.f32 $1.442695020e+00, v16;
	(erf) = vpow2.f32 v19;
	_ =	sdelay $0x1  }
0x43d: {  	v9 =	vsub.f32 v9, v5;
	v7 =	vmul.f32 $1.442695020e+00, v7;
	(erf) = vpow2.f32 v16  }
0x43e: {  	v12 =	vsub.f32 v12, v5;
	v10 =	vsub.f32 v10, v5  }
0x43f: {  	v13 =	vsub.f32 v13, v5;
	v9 =	vmul.f32 $1.442695020e+00, v9;
	(erf) = vpow2.f32 v7  }
0x440: {  	[tilespmem:$0x1FBC0] =	vst v1;
	v1 =	vsub.f32 v11, v5;
	v25 =	vsub.f32 v25, v5  }
0x441: {  	[tilespmem:$0x1FBB0] =	vst v2;
	v2 =	vsub.f32 v14, v5;
	v12 =	vmul.f32 $1.442695020e+00, v12;
	(erf) = vpow2.f32 v9  }
0x442: {  	[tilespmem:$0x1FBA0] =	vst v3;
	v3 =	vsub.f32 v18, v5;
	v18 =	vsub.f32 v23, v5;
	v10 =	vmul.f32 $1.442695020e+00, v10;
	v23 =	vpop (erf)  }
0x443: {  	[tilespmem:$0x1FBD0] =	vst v0;
	v0 =	vsub.f32 v8, v5;
	(erf) = vpow2.f32 v12;
	v8 =	vadd.f32 $0.0e+00, v23  }
0x444: {  	v24 =	vsub.f32 v24, v5;
	v15 =	vsub.f32 v15, v5;
	v19 =	vmul.f32 $1.442695020e+00, v25;
	v25 =	vpop (erf)  }
0x445: {  	v13 =	vmul.f32 $1.442695020e+00, v13;
	(erf) = vpow2.f32 v10;
	v8 =	vadd.f32 v8, v25  }
0x446: {  	v6 =	vsub.f32 v17, v5;
	v21 =	vsub.f32 v21, v5;
	v1 =	vmul.f32 $1.442695020e+00, v1;
	v10 =	vpop (erf)  }
0x447: {  	v2 =	vmul.f32 $1.442695020e+00, v2;
	(erf) = vpow2.f32 v13;
	v8 =	vadd.f32 v8, v10  }
0x448: {  	v16 =	vmul.f32 $1.442695020e+00, v24;
	v24 =	vsub.f32 v27, v5;
	v27 =	vsub.f32 v28, v5;
	v23 =	vpop (erf)  }
0x449: {  	v28 =	vsub.f32 v63, v5;
	(erf) = vpow2.f32 v1;
	v8 =	vadd.f32 v8, v23  }
0x44a: {  	v63 =	vsub.f32 v26, v5;
	v1 =	vsub.f32 v59, v5;
	v26 =	vpop (erf)  }
0x44b: {  	v17 =	vmul.f32 $1.442695020e+00, v15;
	(erf) = vpow2.f32 v2;
	v8 =	vadd.f32 v8, v26  }
0x44c: {  	v3 =	vmul.f32 $1.442695020e+00, v3;
	v12 =	vmul.f32 $1.442695020e+00, v1;
	v1 =	vsub.f32 v57, v5;
	v2 =	vpop (erf)  }
0x44d: {  	v20 =	vmul.f32 $1.442695020e+00, v6;
	(erf) = vpow2.f32 v16;
	v2 =	vadd.f32 v8, v2  }
0x44e: {  	v7 =	vmul.f32 $1.442695020e+00, v18;
	v10 =	vmul.f32 $1.442695020e+00, v1;
	v1 =	vsub.f32 v55, v5;
	v55 =	vpop (erf)  }
0x44f: {  	v18 =	vmul.f32 $1.442695020e+00, v27;
	(erf) = vpow2.f32 v17;
	v2 =	vadd.f32 v2, v55  }
0x450: {  	v27 =	vsub.f32 v56, v5;
	v8 =	vmul.f32 $1.442695020e+00, v1;
	v1 =	vsub.f32 v53, v5;
	v56 =	vpop (erf)  }
0x451: {  	[tilespmem:$0x1FB90] =	vst v4;
	v4 =	vmul.f32 $1.442695020e+00, v21;
	(erf) = vpow2.f32 v19;
	v2 =	vadd.f32 v2, v56  }
0x452: {  	v59 =	vpop (erf);
	(erf) = vpow2.f32 v20;
	v53 =	vmul.f32 $1.442695020e+00, v1;
	v1 =	vsub.f32 v51, v5  }
0x453: {  	v21 =	vmul.f32 $1.442695020e+00, v24;
	v24 =	vsub.f32 v60, v5;
	v60 =	vadd.f32 v2, v59  }
0x454: {  	v25 =	vsub.f32 v62, v5;
	v62 =	vpop (erf)  }
0x455: {  	(erf) = vpow2.f32 v3;
	v16 =	vadd.f32 v60, v62  }
0x456: {  	v22 =	vsub.f32 v22, v5;
	v14 =	vsub.f32 v61, v5;
	v2 =	vmul.f32 $1.442695020e+00, v1;
	v1 =	vpop (erf)  }
0x457: {  	v61 =	vsub.f32 v49, v5;
	(erf) = vpow2.f32 v7;
	v16 =	vadd.f32 v16, v1  }
0x458: {  	v6 =	vmul.f32 $1.442695020e+00, v22;
	v55 =	vpop (erf)  }
0x459: {  	v0 =	vmul.f32 $1.442695020e+00, v0;
	(erf) = vpow2.f32 v4;
	v16 =	vadd.f32 v16, v55  }
0x45a: {  	v3 =	vmul.f32 $1.442695020e+00, v61;
	v59 =	vpop (erf);
	(erf) = vpow2.f32 v6  }
0x45b: {  	v61 =	vpop (erf);
	(erf) = vpow2.f32 v0;
	v0 =	vsub.f32 v39, v5;
	v20 =	vadd.f32 v16, v59  }
0x45c: {  	v62 =	vsub.f32 v40, v5  }
0x45d: {  	v40 =	vmul.f32 $1.442695020e+00, v0;
	v0 =	vsub.f32 v37, v5;
	v6 =	vadd.f32 v20, v61  }
0x45e: {  	v22 =	vmul.f32 $1.442695020e+00, v28;
	v28 =	vsub.f32 v58, v5;
	v4 =	vpop (erf)  }
0x45f: {  	v37 =	vmul.f32 $1.442695020e+00, v0;
	v0 =	vsub.f32 v35, v5;
	v6 =	vadd.f32 v6, v4  }
0x460: {  	v13 =	vmul.f32 $1.442695020e+00, v24;
	(erf) = vpow2.f32 v21;
	v21 =	vsub.f32 v36, v5;
	v20 =	vpop (erf)  }
0x461: {  	v36 =	vmul.f32 $1.442695020e+00, v0;
	v0 =	vsub.f32 v33, v5;
	v4 =	vadd.f32 v6, v20  }
0x462: {  	v26 =	vsub.f32 v32, v5;
	v17 =	vmul.f32 $1.442695020e+00, v28;
	v28 =	vsub.f32 v50, v5;
	v24 =	vpop (erf)  }
0x463: {  	v32 =	vmul.f32 $1.442695020e+00, v0;
	v0 =	vsub.f32 v31, v5;
	v4 =	vadd.f32 v4, v24  }
0x464: {  	v11 =	vmul.f32 $1.442695020e+00, v25;
	v25 =	vpop (erf)  }
0x465: {  	v31 =	vmul.f32 $1.442695020e+00, v0;
	v0 =	vsub.f32 v29, v5;
	v4 =	vadd.f32 v4, v25  }
0x466: {  	v9 =	vmul.f32 $1.442695020e+00, v27;
	v27 =	vsub.f32 v47, v5;
	v47 =	vmul.f32 $1.442695020e+00, v28;
	v28 =	vpop (erf)  }
0x467: {  	v4 =	vadd.f32 v4, v28;
	v28 =	vmul.f32 $1.442695020e+00, v0;
	v0 =	vld [tilespmem:$0x1FA80];
	_ =	sdelay $0x3  }
0x468: {  	v15 =	vmul.f32 $1.442695020e+00, v63;
	v63 =	vsub.f32 v48, v5  }
0x469: {  	v48 =	vmul.f32 $1.442695020e+00, v27;
	v27 =	vsub.f32 v34, v5;
	v0 =	vsub.f32 v0, v5;
	_ =	sdelay $0x1  }
0x46a: {  	v19 =	vmul.f32 $1.442695020e+00, v27;
	v27 =	vmul.f32 $1.442695020e+00, v0;
	v0 =	vld [tilespmem:$0x1FA90];
	_ =	sdelay $0x4  }
0x46b: {  	(erf) = vpow2.f32 v18;
	v0 =	vsub.f32 v0, v5;
	_ =	sdelay $0x1  }
0x46c: {  	(erf) = vpow2.f32 v22;
	v22 =	vmul.f32 $1.442695020e+00, v0;
	v0 =	vld [tilespmem:$0x1FAB0];
	_ =	sdelay $0x1  }
0x46d: {  	v14 =	vmul.f32 $1.442695020e+00, v14;
	(erf) = vpow2.f32 v15  }
0x46e: {  	v58 =	vsub.f32 v54, v5;
	v54 =	vsub.f32 v45, v5  }
0x46f: {  	(erf) = vpow2.f32 v14  }
0x470: {  	v29 =	vpop (erf);
	v0 =	vsub.f32 v0, v5  }
0x471: {  	(erf) = vpow2.f32 v13;
	v4 =	vadd.f32 v4, v29  }
0x472: {  	v45 =	vmul.f32 $1.442695020e+00, v54;
	v54 =	vpop (erf);
	v20 =	vmul.f32 $1.442695020e+00, v0;
	v0 =	vld [tilespmem:$0x1FAD0]  }
0x473: {  	(erf) = vpow2.f32 v12;
	v4 =	vadd.f32 v4, v54  }
0x474: {  	v60 =	vsub.f32 v41, v5;
	v55 =	vpop (erf)  }
0x475: {  	(erf) = vpow2.f32 v11;
	v4 =	vadd.f32 v4, v55  }
0x476: {  	v59 =	vpop (erf)  }
0x477: {  	(erf) = vpow2.f32 v10;
	v4 =	vadd.f32 v4, v59;
	v0 =	vsub.f32 v0, v5  }
0x478: {  	v41 =	vmul.f32 $1.442695020e+00, v60;
	v60 =	vpop (erf)  }
0x479: {  	(erf) = vpow2.f32 v9;
	v4 =	vadd.f32 v4, v60;
	v18 =	vmul.f32 $1.442695020e+00, v0;
	v0 =	vld [tilespmem:$0x1FAF0]  }
0x47a: {  	v6 =	vpop (erf)  }
0x47b: {  	(erf) = vpow2.f32 v8;
	v4 =	vadd.f32 v4, v6  }
0x47c: {  	v13 =	vpop (erf)  }
0x47d: {  	v57 =	vsub.f32 v52, v5;
	(erf) = vpow2.f32 v17;
	v4 =	vadd.f32 v4, v13  }
0x47e: {  	v33 =	vmul.f32 $1.442695020e+00, v26;
	v26 =	vpop (erf);
	v0 =	vsub.f32 v0, v5  }
0x47f: {  	v52 =	vmul.f32 $1.442695020e+00, v57;
	v61 =	vld [tilespmem:$0x1FAE0];
	(erf) = vpow2.f32 v53;
	v4 =	vadd.f32 v4, v26  }
0x480: {  	v50 =	vsub.f32 v30, v5;
	v51 =	vmul.f32 $1.442695020e+00, v58;
	v30 =	vpop (erf);
	v16 =	vmul.f32 $1.442695020e+00, v0;
	v0 =	vld [tilespmem:$0x1FB10]  }
0x481: {  	v58 =	vsub.f32 v46, v5;
	v14 =	vld [tilespmem:$0x1FB20];
	(erf) = vpow2.f32 v52;
	v4 =	vadd.f32 v4, v30  }
0x482: {  	v57 =	vsub.f32 v43, v5;
	v1 =	vmul.f32 $1.442695020e+00, v63;
	v63 =	vsub.f32 v42, v5;
	v53 =	vpop (erf)  }
0x483: {  	v43 =	vmul.f32 $1.442695020e+00, v58;
	v58 =	vld [tilespmem:$0x1FAC0];
	(erf) = vpow2.f32 v2;
	v4 =	vadd.f32 v4, v53  }
0x484: {  	v34 =	vld [tilespmem:$0x1FA70];
	v42 =	vmul.f32 $1.442695020e+00, v62;
	v39 =	vmul.f32 $1.442695020e+00, v63;
	v62 =	vsub.f32 v61, v5;
	v54 =	vpop (erf)  }
0x485: {  	v63 =	vld [tilespmem:$0x1FB00];
	(erf) = vpow2.f32 v51;
	v6 =	vadd.f32 v4, v54;
	v0 =	vsub.f32 v0, v5  }
0x486: {  	v23 =	vsub.f32 v38, v5;
	v24 =	vsub.f32 v14, v5;
	v59 =	vpop (erf)  }
0x487: {  	(erf) = vpow2.f32 v3;
	v26 =	vadd.f32 v6, v59;
	v14 =	vmul.f32 $1.442695020e+00, v0;
	v0 =	vld [tilespmem:$0x1FB30]  }
0x488: {  	v7 =	vsub.f32 v58, v5;
	v38 =	vmul.f32 $1.442695020e+00, v21;
	v21 =	vmul.f32 $1.442695020e+00, v62;
	v62 =	vpop (erf)  }
0x489: {  	v49 =	vsub.f32 v34, v5;
	v34 =	vld [tilespmem:$0x1FB60];
	(erf) = vpow2.f32 v1;
	v26 =	vadd.f32 v26, v62  }
0x48a: {  	v56 =	vsub.f32 v44, v5;
	v12 =	vmul.f32 $1.442695020e+00, v7;
	v7 =	vsub.f32 v63, v5;
	v63 =	vpop (erf)  }
0x48b: {  	v17 =	vmul.f32 $1.442695020e+00, v24;
	(erf) = vpow2.f32 v48;
	v24 =	vadd.f32 v26, v63  }
0x48c: {  	v30 =	vpop (erf);
	v0 =	vsub.f32 v0, v5  }
0x48d: {  	v46 =	vmul.f32 $1.442695020e+00, v56;
	(erf) = vpow2.f32 v47;
	v24 =	vadd.f32 v24, v30  }
0x48e: {  	v29 =	vmul.f32 $1.442695020e+00, v49;
	v49 =	vsub.f32 v34, v5;
	v34 =	vpop (erf);
	v13 =	vmul.f32 $1.442695020e+00, v0;
	v0 =	vld [tilespmem:$0x1FB50]  }
0x48f: {  	(erf) = vpow2.f32 v45;
	v24 =	vadd.f32 v24, v34  }
0x490: {  	v45 =	vpop (erf)  }
0x491: {  	v44 =	vmul.f32 $1.442695020e+00, v57;
	(erf) = vpow2.f32 v46;
	v24 =	vadd.f32 v24, v45  }
0x492: {  	v15 =	vmul.f32 $1.442695020e+00, v50;
	v46 =	vpop (erf)  }
0x493: {  	v50 =	vld [tilespmem:$0x1FB80];
	(erf) = vpow2.f32 v44;
	v24 =	vadd.f32 v24, v46;
	v0 =	vsub.f32 v0, v5  }
0x494: {  	v25 =	vld [tilespmem:$0x1FB40];
	v47 =	vpop (erf)  }
0x495: {  	(erf) = vpow2.f32 v43;
	v24 =	vadd.f32 v24, v47;
	v11 =	vmul.f32 $1.442695020e+00, v0;
	v0 =	vld [tilespmem:$0x1FB70]  }
0x496: {  	v48 =	vpop (erf)  }
0x497: {  	(erf) = vpow2.f32 v41;
	v24 =	vadd.f32 v24, v48  }
0x498: {  	v10 =	vmul.f32 $1.442695020e+00, v7;
	v9 =	vmul.f32 $1.442695020e+00, v49;
	v49 =	vpop (erf)  }
0x499: {  	v56 =	vld [tilespmem:$0x1FAA0];
	v7 =	vsub.f32 v25, v5;
	(erf) = vpow2.f32 v42;
	v24 =	vadd.f32 v24, v49  }
0x49a: {  	v52 =	vsub.f32 v50, v5;
	v50 =	vpop (erf);
	v0 =	vsub.f32 v0, v5  }
0x49b: {  	(erf) = vpow2.f32 v40;
	v24 =	vadd.f32 v24, v50  }
0x49c: {  	v8 =	vmul.f32 $1.442695020e+00, v7;
	v51 =	vpop (erf);
	v7 =	vmul.f32 $1.442695020e+00, v0;
	v0 =	vld [tilespmem:$0x1FB90]  }
0x49d: {  	v55 =	vld [tilespmem:$0x1FBA0];
	(erf) = vpow2.f32 v39;
	v24 =	vadd.f32 v24, v51  }
0x49e: {  	v57 =	vsub.f32 v56, v5;
	v2 =	vmul.f32 $1.442695020e+00, v52;
	v52 =	vpop (erf)  }
0x49f: {  	(erf) = vpow2.f32 v37;
	v24 =	vadd.f32 v24, v52  }
0x4a0: {  	v35 =	vmul.f32 $1.442695020e+00, v23;
	v23 =	vmul.f32 $1.442695020e+00, v57;
	v53 =	vpop (erf)  }
0x4a1: {  	v57 =	vld [tilespmem:$0x1FBC0];
	(erf) = vpow2.f32 v38;
	v24 =	vadd.f32 v24, v53;
	v0 =	vsub.f32 v0, v5  }
0x4a2: {  	v56 =	vsub.f32 v55, v5;
	v54 =	vpop (erf)  }
0x4a3: {  	(erf) = vpow2.f32 v36;
	v24 =	vadd.f32 v24, v54;
	v4 =	vmul.f32 $1.442695020e+00, v0;
	v0 =	vld [tilespmem:$0x1FBB0]  }
0x4a4: {  	v55 =	vpop (erf)  }
0x4a5: {  	(erf) = vpow2.f32 v35;
	v24 =	vadd.f32 v24, v55  }
0x4a6: {  	v58 =	vsub.f32 v57, v5;
	v6 =	vmul.f32 $1.442695020e+00, v56;
	v56 =	vpop (erf)  }
0x4a7: {  	v60 =	vld [tilespmem:$0x1FBD0];
	(erf) = vpow2.f32 v32;
	v24 =	vadd.f32 v24, v56  }
0x4a8: {  	v57 =	vpop (erf);
	v0 =	vsub.f32 v0, v5  }
0x4a9: {  	(erf) = vpow2.f32 v33;
	v24 =	vadd.f32 v24, v57  }
0x4aa: {  	v3 =	vmul.f32 $1.442695020e+00, v0;
	v0 =	vmul.f32 $1.442695020e+00, v58;
	v58 =	vpop (erf)  }
0x4ab: {  	(erf) = vpow2.f32 v31;
	v24 =	vadd.f32 v24, v58  }
0x4ac: {  	v61 =	vsub.f32 v60, v5;
	v59 =	vpop (erf)  }
0x4ad: {  	(erf) = vpow2.f32 v19;
	v25 =	vadd.f32 v24, v59  }
0x4ae: {  	v60 =	vpop (erf)  }
0x4af: {  	(erf) = vpow2.f32 v28;
	v19 =	vadd.f32 v25, v60  }
0x4b0: {  	v1 =	vmul.f32 $1.442695020e+00, v61;
	v61 =	vpop (erf)  }
0x4b1: {  	(erf) = vpow2.f32 v29;
	v19 =	vadd.f32 v19, v61  }
0x4b2: {  	v62 =	vpop (erf)  }
0x4b3: {  	(erf) = vpow2.f32 v27;
	v19 =	vadd.f32 v19, v62  }
0x4b4: {  	v63 =	vpop (erf)  }
0x4b5: {  	(erf) = vpow2.f32 v15;
	v24 =	vadd.f32 v19, v63  }
0x4b6: {  	v28 =	vpop (erf)  }
0x4b7: {  	(erf) = vpow2.f32 v22;
	v15 =	vadd.f32 v24, v28  }
0x4b8: {  	v29 =	vpop (erf)  }
0x4b9: {  	(erf) = vpow2.f32 v23;
	v15 =	vadd.f32 v15, v29  }
0x4ba: {  	v30 =	vpop (erf)  }
0x4bb: {  	(erf) = vpow2.f32 v20;
	v15 =	vadd.f32 v15, v30  }
0x4bc: {  	v31 =	vpop (erf)  }
0x4bd: {  	(erf) = vpow2.f32 v12;
	v19 =	vadd.f32 v15, v31  }
0x4be: {  	v32 =	vpop (erf)  }
0x4bf: {  	(erf) = vpow2.f32 v18;
	v12 =	vadd.f32 v19, v32  }
0x4c0: {  	v33 =	vpop (erf)  }
0x4c1: {  	(erf) = vpow2.f32 v21;
	v12 =	vadd.f32 v12, v33  }
0x4c2: {  	v34 =	vpop (erf)  }
0x4c3: {  	(erf) = vpow2.f32 v16;
	v12 =	vadd.f32 v12, v34  }
0x4c4: {  	v35 =	vpop (erf)  }
0x4c5: {  	(erf) = vpow2.f32 v10;
	v15 =	vadd.f32 v12, v35  }
0x4c6: {  	v36 =	vpop (erf)  }
0x4c7: {  	(erf) = vpow2.f32 v14;
	v10 =	vadd.f32 v15, v36  }
0x4c8: {  	v37 =	vpop (erf)  }
0x4c9: {  	(erf) = vpow2.f32 v17;
	v10 =	vadd.f32 v10, v37  }
0x4ca: {  	v38 =	vpop (erf)  }
0x4cb: {  	(erf) = vpow2.f32 v13;
	v10 =	vadd.f32 v10, v38  }
0x4cc: {  	v40 =	vld [tilespmem:s26+$0x14000];
	v39 =	vpop (erf)  }
0x4cd: {  	(erf) = vpow2.f32 v8;
	v10 =	vadd.f32 v10, v39  }
0x4ce: {  	v41 =	vpop (erf);
	(erf) = vpow2.f32 v11  }
0x4cf: {  	s31 =	sadd.s32 $0xFFFFFC00, s22;
	v8 =	vadd.f32 v10, v41  }
0x4d0: {  	v43 =	vlaneseq.u32;
	v42 =	vmov s31;
	v45 =	vpop (erf);
	(erf) = vpow2.f32 v9  }
0x4d1: {  	v44 =	vshll.u32 v42, $0x3;
	v47 =	vshll.u32 v40, $0x9;
	v8 =	vadd.f32 v8, v45  }
0x4d2: {  	v48 =	vshll.u32 v40, $0x7;
	v12 =	vor.u32 s31, v43;
	v49 =	vpop (erf);
	(erf) = vpow2.f32 v7  }
0x4d3: {  	v46 =	vand.u32 $0x7F, v12;
	v10 =	vand.u32 $0xC00, v44;
	v8 =	vadd.f32 v8, v49  }
0x4d4: {  	v50 =	vand.u32 $0xFFFFF000, v47;
	v52 =	vand.u32 $0x380, v48;
	v53 =	vpop (erf);
	v51 =	vor.u32 v10, v46  }
0x4d5: {  	(erf) = vpow2.f32 v2;
	v7 =	vor.u32 v50, v51;
	v9 =	vadd.f32 v8, v53  }
0x4d6: {  	v2 =	vpop (erf);
	v7 =	vor.u32 v52, v7  }
0x4d7: {  	v54 =	vpop (erf);
	(erf) = vpow2.f32 v4;
	v2 =	vadd.f32 v9, v2;
	_ =	sdelay $0x1  }
0x4d8: {  	v55 =	vpop (erf);
	(erf) = vpow2.f32 v6;
	v2 =	vadd.f32 v2, v54;
	_ =	sdelay $0x1  }
0x4d9: {  	v56 =	vld.idx.msk [tilespmem:v7+s2+$0x0], $0xffff;
	v57 =	vpop (erf);
	(erf) = vpow2.f32 v3;
	v2 =	vadd.f32 v2, v55;
	_ =	sdelay $0x1  }
0x4da: {  	(erf) = vpow2.f32 v0;
	v2 =	vadd.f32 v2, v57  }
0x4db: {  	v0 =	vpop (erf)  }
0x4dc: {  	(erf) = vpow2.f32 v1;
	v0 =	vadd.f32 v2, v0  }
0x4dd: {  	v3 =	vpop (erf);
	v1 =	vsub.f32 $0.0e+00, v56  }
0x4de: {  	v0 =	vadd.f32 v0, v3  }
0x4df: {  	v1 =	vmul.f32 $1.442695020e+00, v1;
	v3 =	vpop (erf)  }
0x4e0: {  	v0 =	vadd.f32 v0, v3  }
0x4e1: {  	v3 =	vpop (erf)  }
0x4e2: {  	v0 =	vadd.f32 v0, v3  }
0x4e3: {  	(erf) = vpow2.f32 v1;
	v1 =	vpop (erf)  }
0x4e4: {  	v0 =	vadd.f32 v0, v1  }
0x4e5: {  	v1 =	vpop (erf)  }
0x4e6: {  	v0 =	vadd.f32 v0, v1;
	_ =	sdelay $0x1  }
0x4e7: {  	v1 =	vshrl.u32 v0, $0x17;
	v0 =	vand.u32 $0x7FFFFF, v0  }
0x4e8: {  	v0 =	vor.u32 $0x3F800000, v0  }
0x4e9: {  	v3 =	vadd.f32 $1.000000000e+00, v0;
	_ =	sdelay $0x1  }
0x4ea: {  	v58 =	vpop (erf);
	(erf) = vrcp.f32 v3;
	_ =	sdelay $0x3  }
0x4eb: {  	v4 =	vadd.f32 $1.000000000e+00, v58;
	_ =	sdelay $0x1  }
0x4ec: {  	(erf) = vrcp.f32 v4;
	_ =	sdelay $0x1  }
0x4ed: {  	v0 =	vadd.f32 $-1.000000000e+00, v0  }
0x4ee: {  	v59 =	vpop (erf)  }
0x4ef: {  	v0 =	vmul.f32 v59, v0  }
0x4f0: {  	v3 =	vld.idx.msk [tilespmem:v7+s18+$0x0], $0xffff  }
0x4f1: {  	v61 =	vmul.f32 v0, v0;
	_ =	sdelay $0x1  }
0x4f2: {  	v62 =	vmul.f32 $2.000000030e-01, v61  }
0x4f3: {  	v2 =	vsub.f32 v56, v5;
	v60 =	vpop (erf)  }
0x4f4: {  	v3 =	vsub.f32 v60, v3;
	v5 =	vadd.f32 $3.333333430e-01, v62;
	_ =	sdelay $0x1  }
0x4f5: {  	v3 =	vand.u32 $0x7FFFFFFF, v3;
	v4 =	vmul.f32 v5, v61  }
0x4f6: {  	v3 =	vmul.f32 $3.000000000e+01, v3  }
0x4f7: {  	v0 =	vadd.f32 v0, v0;
	v4 =	vadd.f32 $1.000000000e+00, v4  }
0x4f8: {  	v3 =	vtrunc.f32 v3  }
0x4f9: {  	v3 =	vcvt.f32.s32 v3;
	v4 =	vmul.f32 v4, v0;
	v0 =	vld [tilespmem:$0x1FFE0]  }
0x4fa: {  	v1 =	vand.u32 $0xFF, v1  }
0x4fb: {  	v1 =	vadd.s32 $0xFFFFFF81, v1;
	vm0 =	vgt.s32 v3, $0x0  }
0x4fc: {  	v1 =	vcvt.s32.f32 v1;
	v3 =	vnsel vm0, $0x0, v3  }
0x4fd: {  	v3 =	vmin.u32 v3, $0x1D  }
0x4fe: {  	v63 =	vmul.f32 $6.931471820e-01, v1;
	v1 =	vor.u32 v0, v3;
	v0 =	vld [tilespmem:$0x1FFF0];
	_ =	sdelay $0x2  }
.Ltmp2:
0x4ff: {  	_ = 	snop;
	(pc) =	sbr.rel @p0 .LBB2_6-.Ltmp2, $4  }
0x500: {  	_ = 	snop  }
0x501: {  	v0 =	vor.u32 v0, v3;
	v3 =	vadd.f32 v4, v63  }
0x502: {  	s23 =	sadd.s32 $0x80, s23;
	s22 =	smov.u32 s25  }
0x503: {  	s25 =	sand.u32 $0xC00, s23;
	s29 =	smov.u32 s24;
	s26 =	sand.u32 $0x70, s22;
	v2 =	vsub.f32 v2, v3  }
0x504: {  	_ =	sdelay $0x2  }
0x505: {  	v3 =	vimm.f32 $1.000000000e+00  }
0x506: {  	[tilespmem:v1+s19+$0x0] =	vst.idx.add.f32.msk $0xffff, v3  }
0x507: {  	s24 =	sor.u32 s26, s25;
	[tilespmem:v0+s19+$0x0] =	vst.idx.add.f32.msk $0xffff, v2  }
0x508: {  	v7 =	vld [tilespmem:s24+$0x0]  }
0x509: {  	v6 =	vld [tilespmem:s24+$0x80]  }
0x50a: {  	s21 =	sadd.s32 $0x1, s21;
	v8 =	vld [tilespmem:s24+$0x100]  }
0x50b: {  	s21 =	sand.u32 $0x7, s21;
	v9 =	vld [tilespmem:s24+$0x180]  }
0x50c: {  	s21 =	sshll.u32 s21, $0x4;
	v11 =	vld [tilespmem:s24+$0x200]  }
0x50d: {  	s21 =	sadd.s32 s21, s23;
	v10 =	vld [tilespmem:s24+$0x280];
	v5 =	vmax.f32 v7, $-3.000000010e+38  }
0x50e: {  	v12 =	vld [tilespmem:s24+$0x300];
	s23 =	sor.u32 $0x380, s21;
	v5 =	vmax.f32 v5, v6  }
0x50f: {  	v13 =	vld [tilespmem:s23+$0x0];
	v5 =	vmax.f32 v5, v8  }
0x510: {  	v14 =	vld [tilespmem:s24+$0x1000];
	v5 =	vmax.f32 v5, v9  }
0x511: {  	v15 =	vld [tilespmem:s24+$0x1080];
	v5 =	vmax.f32 v5, v11  }
0x512: {  	v16 =	vld [tilespmem:s24+$0x1100];
	v5 =	vmax.f32 v5, v10  }
0x513: {  	v17 =	vld [tilespmem:s24+$0x1180];
	v5 =	vmax.f32 v5, v12  }
0x514: {  	v18 =	vld [tilespmem:s24+$0x1200];
	v5 =	vmax.f32 v5, v13  }
0x515: {  	v19 =	vld [tilespmem:s24+$0x1280];
	v5 =	vmax.f32 v5, v14  }
0x516: {  	v20 =	vld [tilespmem:s24+$0x1300];
	s25 =	sor.u32 $0x1380, s21;
	v5 =	vmax.f32 v5, v15  }
0x517: {  	v21 =	vld [tilespmem:s25+$0x0];
	v5 =	vmax.f32 v5, v16  }
0x518: {  	v22 =	vld [tilespmem:s24+$0x2000];
	v5 =	vmax.f32 v5, v17  }
0x519: {  	v63 =	vld [tilespmem:s24+$0x2080];
	v5 =	vmax.f32 v5, v18  }
0x51a: {  	v62 =	vld [tilespmem:s24+$0x2100];
	v5 =	vmax.f32 v5, v19  }
0x51b: {  	v61 =	vld [tilespmem:s24+$0x2180];
	v5 =	vmax.f32 v5, v20  }
0x51c: {  	v60 =	vld [tilespmem:s24+$0x2200];
	v5 =	vmax.f32 v5, v21  }
0x51d: {  	v59 =	vld [tilespmem:s24+$0x2280];
	v5 =	vmax.f32 v5, v22  }
0x51e: {  	v58 =	vld [tilespmem:s24+$0x2300];
	s28 =	sor.u32 $0x2380, s21;
	v5 =	vmax.f32 v5, v63  }
0x51f: {  	v57 =	vld [tilespmem:s28+$0x0];
	v5 =	vmax.f32 v5, v62  }
0x520: {  	v56 =	vld [tilespmem:s24+$0x3000];
	v5 =	vmax.f32 v5, v61  }
0x521: {  	v55 =	vld [tilespmem:s24+$0x3080];
	v5 =	vmax.f32 v5, v60  }
0x522: {  	v54 =	vld [tilespmem:s24+$0x3100];
	v5 =	vmax.f32 v5, v59  }
0x523: {  	v53 =	vld [tilespmem:s24+$0x3180];
	v5 =	vmax.f32 v5, v58  }
0x524: {  	v52 =	vld [tilespmem:s24+$0x3200];
	v5 =	vmax.f32 v5, v57  }
0x525: {  	v51 =	vld [tilespmem:s24+$0x3280];
	v5 =	vmax.f32 v5, v56  }
0x526: {  	v50 =	vld [tilespmem:s24+$0x3300];
	s29 =	sor.u32 $0x3380, s21;
	v5 =	vmax.f32 v5, v55  }
0x527: {  	v23 =	vld [tilespmem:s29+$0x0];
	v5 =	vmax.f32 v5, v54  }
0x528: {  	v24 =	vld [tilespmem:s24+$0x4000];
	v5 =	vmax.f32 v5, v53  }
0x529: {  	v25 =	vld [tilespmem:s24+$0x4080];
	v5 =	vmax.f32 v5, v52  }
0x52a: {  	v26 =	vld [tilespmem:s24+$0x4100];
	v5 =	vmax.f32 v5, v51  }
0x52b: {  	v27 =	vld [tilespmem:s24+$0x4180];
	v5 =	vmax.f32 v5, v50  }
0x52c: {  	v49 =	vld [tilespmem:s24+$0x4200];
	v5 =	vmax.f32 v5, v23  }
0x52d: {  	v48 =	vld [tilespmem:s24+$0x4280];
	v5 =	vmax.f32 v5, v24  }
0x52e: {  	v47 =	vld [tilespmem:s24+$0x4300];
	s30 =	sor.u32 $0x4380, s21;
	v5 =	vmax.f32 v5, v25  }
0x52f: {  	v46 =	vld [tilespmem:s30+$0x0];
	v5 =	vmax.f32 v5, v26  }
0x530: {  	v45 =	vld [tilespmem:s24+$0x5000];
	v5 =	vmax.f32 v5, v27  }
0x531: {  	v44 =	vld [tilespmem:s24+$0x5080];
	v5 =	vmax.f32 v5, v49  }
0x532: {  	v43 =	vld [tilespmem:s24+$0x5100];
	v5 =	vmax.f32 v5, v48  }
0x533: {  	v42 =	vld [tilespmem:s24+$0x5180];
	v5 =	vmax.f32 v5, v47  }
0x534: {  	v41 =	vld [tilespmem:s24+$0x5200];
	v5 =	vmax.f32 v5, v46  }
0x535: {  	v40 =	vld [tilespmem:s24+$0x5280];
	v5 =	vmax.f32 v5, v45  }
0x536: {  	v39 =	vld [tilespmem:s24+$0x5300];
	s31 =	sor.u32 $0x5380, s21;
	v5 =	vmax.f32 v5, v44  }
0x537: {  	v38 =	vld [tilespmem:s31+$0x0];
	v5 =	vmax.f32 v5, v43  }
0x538: {  	v37 =	vld [tilespmem:s24+$0x6000];
	v5 =	vmax.f32 v5, v42  }
0x539: {  	v36 =	vld [tilespmem:s24+$0x6080];
	v5 =	vmax.f32 v5, v41  }
0x53a: {  	v35 =	vld [tilespmem:s24+$0x6100];
	v5 =	vmax.f32 v5, v40  }
0x53b: {  	v34 =	vld [tilespmem:s24+$0x6180];
	v5 =	vmax.f32 v5, v39  }
0x53c: {  	v33 =	vld [tilespmem:s24+$0x6200];
	v5 =	vmax.f32 v5, v38  }
0x53d: {  	v32 =	vld [tilespmem:s24+$0x6280];
	v5 =	vmax.f32 v5, v37  }
0x53e: {  	v31 =	vld [tilespmem:s24+$0x6300];
	s25 =	sor.u32 $0x6380, s21;
	v5 =	vmax.f32 v5, v36  }
0x53f: {  	v30 =	vld [tilespmem:s25+$0x0];
	v5 =	vmax.f32 v5, v35  }
0x540: {  	v29 =	vld [tilespmem:s24+$0x7000];
	v5 =	vmax.f32 v5, v34  }
0x541: {  	v28 =	vld [tilespmem:s24+$0x7080];
	v5 =	vmax.f32 v5, v33  }
0x542: {  	v1 =	vld [tilespmem:s24+$0x7100];
	v5 =	vmax.f32 v5, v32  }
0x543: {  	v0 =	vld [tilespmem:s24+$0x7180];
	v5 =	vmax.f32 v5, v31  }
0x544: {  	v4 =	vld [tilespmem:s24+$0x7200];
	v5 =	vmax.f32 v5, v30  }
0x545: {  	v3 =	vld [tilespmem:s24+$0x7280];
	v5 =	vmax.f32 v5, v29  }
0x546: {  	v2 =	vld [tilespmem:s24+$0x7300];
	s28 =	sor.u32 $0x7380, s21;
	v5 =	vmax.f32 v5, v28  }
0x547: {  	[tilespmem:$0x1F910] =	vst v1;
	v5 =	vmax.f32 v5, v1;
	v1 =	vld [tilespmem:s28+$0x0]  }
0x548: {  	[tilespmem:$0x1F920] =	vst v0;
	v5 =	vmax.f32 v5, v0;
	v0 =	vld [tilespmem:s24+$0x8000]  }
0x549: {  	[tilespmem:$0x1F930] =	vst v4;
	v5 =	vmax.f32 v5, v4;
	v4 =	vld [tilespmem:s24+$0x8080]  }
0x54a: {  	[tilespmem:$0x1F940] =	vst v3;
	v5 =	vmax.f32 v5, v3;
	v3 =	vld [tilespmem:s24+$0x8100]  }
0x54b: {  	[tilespmem:$0x1F950] =	vst v2;
	v5 =	vmax.f32 v5, v2;
	v2 =	vld [tilespmem:s24+$0x8180]  }
0x54c: {  	[tilespmem:$0x1F960] =	vst v1;
	v5 =	vmax.f32 v5, v1;
	v1 =	vld [tilespmem:s24+$0x8200]  }
0x54d: {  	[tilespmem:$0x1F970] =	vst v0;
	v5 =	vmax.f32 v5, v0;
	v0 =	vld [tilespmem:s24+$0x8280]  }
0x54e: {  	s29 =	sor.u32 $0x8380, s21;
	[tilespmem:$0x1F980] =	vst v4;
	v5 =	vmax.f32 v5, v4;
	v4 =	vld [tilespmem:s24+$0x8300]  }
0x54f: {  	[tilespmem:$0x1F990] =	vst v3;
	v5 =	vmax.f32 v5, v3;
	v3 =	vld [tilespmem:s29+$0x0]  }
0x550: {  	[tilespmem:$0x1F9A0] =	vst v2;
	v5 =	vmax.f32 v5, v2;
	v2 =	vld [tilespmem:s24+$0x9000]  }
0x551: {  	[tilespmem:$0x1F9B0] =	vst v1;
	v5 =	vmax.f32 v5, v1;
	v1 =	vld [tilespmem:s24+$0x9080]  }
0x552: {  	[tilespmem:$0x1F9C0] =	vst v0;
	v5 =	vmax.f32 v5, v0;
	v0 =	vld [tilespmem:s24+$0x9100]  }
0x553: {  	[tilespmem:$0x1F9D0] =	vst v4;
	v5 =	vmax.f32 v5, v4;
	v4 =	vld [tilespmem:s24+$0x9180]  }
0x554: {  	[tilespmem:$0x1F9E0] =	vst v3;
	v5 =	vmax.f32 v5, v3;
	v3 =	vld [tilespmem:s24+$0x9200]  }
0x555: {  	[tilespmem:$0x1F9F0] =	vst v2;
	v5 =	vmax.f32 v5, v2;
	v2 =	vld [tilespmem:s24+$0x9280]  }
0x556: {  	s21 =	sor.u32 $0x9380, s21;
	[tilespmem:$0x1FA00] =	vst v1;
	v5 =	vmax.f32 v5, v1;
	v1 =	vld [tilespmem:s24+$0x9300]  }
0x557: {  	[tilespmem:$0x1FA10] =	vst v0;
	v5 =	vmax.f32 v5, v0;
	v0 =	vld [tilespmem:s21+$0x0]  }
0x558: {  	v5 =	vmax.f32 v5, v4  }
0x559: {  	v5 =	vmax.f32 v5, v3  }
0x55a: {  	v5 =	vmax.f32 v5, v2  }
0x55b: {  	v5 =	vmax.f32 v5, v1  }
0x55c: {  	v5 =	vmax.f32 v5, v0  }
0x55d: {  	[tilespmem:$0x1FA60] =	vst v0;
	v0 =	vsub.f32 v7, v5;
	_ =	sdelay $0x1  }
0x55e: {  	[tilespmem:$0x1FA20] =	vst v4;
	v4 =	vsub.f32 v6, v5;
	v0 =	vmul.f32 $1.442695020e+00, v0;
	_ =	sdelay $0x1  }
0x55f: {  	[tilespmem:$0x1FA50] =	vst v1;
	v6 =	vsub.f32 v8, v5;
	v1 =	vmul.f32 $1.442695020e+00, v4;
	(erf) = vpow2.f32 v0;
	_ =	sdelay $0x1  }
0x560: {  	v7 =	vsub.f32 v9, v5;
	v0 =	vmul.f32 $1.442695020e+00, v6;
	(erf) = vpow2.f32 v1;
	_ =	sdelay $0x1  }
0x561: {  	v8 =	vsub.f32 v11, v5;
	v1 =	vmul.f32 $1.442695020e+00, v7;
	(erf) = vpow2.f32 v0;
	_ =	sdelay $0x1  }
0x562: {  	v9 =	vsub.f32 v10, v5;
	v0 =	vmul.f32 $1.442695020e+00, v8;
	(erf) = vpow2.f32 v1;
	_ =	sdelay $0x1  }
0x563: {  	v11 =	vsub.f32 v12, v5;
	v10 =	vmul.f32 $1.442695020e+00, v9;
	(erf) = vpow2.f32 v0  }
0x564: {  	v13 =	vsub.f32 v13, v5;
	v12 =	vpop (erf)  }
0x565: {  	v0 =	vmul.f32 $1.442695020e+00, v11;
	(erf) = vpow2.f32 v10;
	v1 =	vadd.f32 $0.0e+00, v12  }
0x566: {  	v7 =	vmul.f32 $1.442695020e+00, v13;
	v6 =	vpop (erf)  }
0x567: {  	v8 =	vsub.f32 v14, v5;
	(erf) = vpow2.f32 v0;
	v1 =	vadd.f32 v1, v6  }
0x568: {  	v10 =	vsub.f32 v15, v5;
	v9 =	vpop (erf)  }
0x569: {  	[tilespmem:$0x1FA40] =	vst v2;
	v2 =	vmul.f32 $1.442695020e+00, v8;
	(erf) = vpow2.f32 v7;
	v1 =	vadd.f32 v1, v9  }
0x56a: {  	v0 =	vmul.f32 $1.442695020e+00, v10;
	v11 =	vpop (erf)  }
0x56b: {  	v12 =	vsub.f32 v16, v5;
	(erf) = vpow2.f32 v2;
	v1 =	vadd.f32 v1, v11  }
0x56c: {  	v14 =	vsub.f32 v17, v5;
	v13 =	vpop (erf)  }
0x56d: {  	(erf) = vpow2.f32 v0;
	v2 =	vmul.f32 $1.442695020e+00, v12;
	v1 =	vadd.f32 v1, v13  }
0x56e: {  	v16 =	vsub.f32 v18, v5;
	v15 =	vpop (erf)  }
0x56f: {  	v0 =	vmul.f32 $1.442695020e+00, v14;
	(erf) = vpow2.f32 v2;
	v1 =	vadd.f32 v1, v15  }
0x570: {  	v18 =	vsub.f32 v19, v5;
	v17 =	vpop (erf)  }
0x571: {  	v2 =	vmul.f32 $1.442695020e+00, v16;
	(erf) = vpow2.f32 v0;
	v1 =	vadd.f32 v1, v17  }
0x572: {  	v6 =	vsub.f32 v20, v5;
	v19 =	vpop (erf)  }
0x573: {  	v0 =	vmul.f32 $1.442695020e+00, v18;
	(erf) = vpow2.f32 v2;
	v1 =	vadd.f32 v1, v19  }
0x574: {  	v8 =	vmul.f32 $1.442695020e+00, v6;
	v7 =	vpop (erf)  }
0x575: {  	v9 =	vsub.f32 v21, v5;
	(erf) = vpow2.f32 v0;
	v1 =	vadd.f32 v1, v7  }
0x576: {  	v11 =	vsub.f32 v22, v5;
	v10 =	vpop (erf)  }
0x577: {  	v2 =	vmul.f32 $1.442695020e+00, v9;
	(erf) = vpow2.f32 v8;
	v1 =	vadd.f32 v1, v10  }
0x578: {  	v13 =	vsub.f32 v63, v5;
	v12 =	vpop (erf)  }
0x579: {  	v0 =	vmul.f32 $1.442695020e+00, v11;
	(erf) = vpow2.f32 v2;
	v1 =	vadd.f32 v1, v12  }
0x57a: {  	v15 =	vsub.f32 v62, v5;
	v14 =	vpop (erf)  }
0x57b: {  	v2 =	vmul.f32 $1.442695020e+00, v13;
	(erf) = vpow2.f32 v0;
	v1 =	vadd.f32 v1, v14  }
0x57c: {  	v17 =	vsub.f32 v61, v5;
	v16 =	vpop (erf)  }
0x57d: {  	v0 =	vmul.f32 $1.442695020e+00, v15;
	(erf) = vpow2.f32 v2;
	v1 =	vadd.f32 v1, v16  }
0x57e: {  	v19 =	vsub.f32 v60, v5;
	v18 =	vpop (erf)  }
0x57f: {  	v2 =	vmul.f32 $1.442695020e+00, v17;
	(erf) = vpow2.f32 v0;
	v1 =	vadd.f32 v1, v18  }
0x580: {  	v21 =	vsub.f32 v59, v5;
	v20 =	vpop (erf)  }
0x581: {  	[tilespmem:$0x1FA30] =	vst v3;
	v3 =	vmul.f32 $1.442695020e+00, v19;
	(erf) = vpow2.f32 v2;
	v0 =	vadd.f32 v1, v20  }
0x582: {  	v59 =	vsub.f32 v58, v5;
	v22 =	vpop (erf)  }
0x583: {  	(erf) = vpow2.f32 v3;
	v1 =	vmul.f32 $1.442695020e+00, v21;
	v0 =	vadd.f32 v0, v22  }
0x584: {  	v62 =	vsub.f32 v57, v5;
	v60 =	vpop (erf)  }
0x585: {  	v61 =	vmul.f32 $1.442695020e+00, v59;
	(erf) = vpow2.f32 v1;
	v0 =	vadd.f32 v0, v60  }
0x586: {  	v6 =	vsub.f32 v56, v5;
	v63 =	vpop (erf)  }
0x587: {  	v2 =	vmul.f32 $1.442695020e+00, v62;
	(erf) = vpow2.f32 v61;
	v0 =	vadd.f32 v0, v63  }
0x588: {  	v8 =	vsub.f32 v55, v5;
	v7 =	vpop (erf)  }
0x589: {  	v3 =	vmul.f32 $1.442695020e+00, v6;
	(erf) = vpow2.f32 v2;
	v0 =	vadd.f32 v0, v7  }
0x58a: {  	v10 =	vsub.f32 v54, v5;
	v9 =	vpop (erf)  }
0x58b: {  	v1 =	vmul.f32 $1.442695020e+00, v8;
	(erf) = vpow2.f32 v3;
	v0 =	vadd.f32 v0, v9  }
0x58c: {  	v12 =	vsub.f32 v53, v5;
	v11 =	vpop (erf)  }
0x58d: {  	v2 =	vmul.f32 $1.442695020e+00, v10;
	(erf) = vpow2.f32 v1;
	v0 =	vadd.f32 v0, v11  }
0x58e: {  	v14 =	vsub.f32 v52, v5;
	v13 =	vpop (erf)  }
0x58f: {  	v3 =	vmul.f32 $1.442695020e+00, v12;
	(erf) = vpow2.f32 v2;
	v0 =	vadd.f32 v0, v13  }
0x590: {  	v16 =	vsub.f32 v51, v5;
	v15 =	vpop (erf)  }
0x591: {  	v1 =	vmul.f32 $1.442695020e+00, v14;
	(erf) = vpow2.f32 v3;
	v0 =	vadd.f32 v0, v15  }
0x592: {  	v18 =	vsub.f32 v50, v5;
	v17 =	vpop (erf)  }
0x593: {  	v2 =	vmul.f32 $1.442695020e+00, v16;
	(erf) = vpow2.f32 v1;
	v0 =	vadd.f32 v0, v17  }
0x594: {  	v20 =	vsub.f32 v23, v5;
	v19 =	vpop (erf)  }
0x595: {  	v1 =	vmul.f32 $1.442695020e+00, v18;
	(erf) = vpow2.f32 v2;
	v0 =	vadd.f32 v0, v19  }
0x596: {  	v22 =	vsub.f32 v24, v5;
	v21 =	vpop (erf)  }
0x597: {  	v3 =	vmul.f32 $1.442695020e+00, v20;
	(erf) = vpow2.f32 v1;
	v0 =	vadd.f32 v0, v21  }
0x598: {  	v24 =	vsub.f32 v25, v5;
	v23 =	vpop (erf)  }
0x599: {  	v2 =	vmul.f32 $1.442695020e+00, v22;
	(erf) = vpow2.f32 v3;
	v0 =	vadd.f32 v0, v23  }
0x59a: {  	v50 =	vsub.f32 v26, v5;
	v25 =	vpop (erf)  }
0x59b: {  	v1 =	vmul.f32 $1.442695020e+00, v24;
	(erf) = vpow2.f32 v2;
	v0 =	vadd.f32 v0, v25  }
0x59c: {  	v53 =	vsub.f32 v27, v5;
	v51 =	vpop (erf)  }
0x59d: {  	v52 =	vmul.f32 $1.442695020e+00, v50;
	(erf) = vpow2.f32 v1;
	v0 =	vadd.f32 v0, v51  }
0x59e: {  	v56 =	vsub.f32 v49, v5;
	v54 =	vpop (erf)  }
0x59f: {  	v55 =	vmul.f32 $1.442695020e+00, v53;
	(erf) = vpow2.f32 v52;
	v0 =	vadd.f32 v0, v54  }
0x5a0: {  	v58 =	vsub.f32 v48, v5;
	v57 =	vpop (erf)  }
0x5a1: {  	v2 =	vmul.f32 $1.442695020e+00, v56;
	(erf) = vpow2.f32 v55;
	v0 =	vadd.f32 v0, v57  }
0x5a2: {  	v60 =	vsub.f32 v47, v5;
	v59 =	vpop (erf)  }
0x5a3: {  	v1 =	vmul.f32 $1.442695020e+00, v58;
	(erf) = vpow2.f32 v2;
	v0 =	vadd.f32 v0, v59  }
0x5a4: {  	v62 =	vmul.f32 $1.442695020e+00, v60;
	v61 =	vpop (erf)  }
0x5a5: {  	v63 =	vsub.f32 v46, v5;
	(erf) = vpow2.f32 v1;
	v0 =	vadd.f32 v0, v61  }
0x5a6: {  	v6 =	vsub.f32 v45, v5;
	v4 =	vpop (erf)  }
0x5a7: {  	v3 =	vmul.f32 $1.442695020e+00, v63;
	(erf) = vpow2.f32 v62;
	v0 =	vadd.f32 v0, v4  }
0x5a8: {  	v8 =	vsub.f32 v44, v5;
	v7 =	vpop (erf)  }
0x5a9: {  	v1 =	vmul.f32 $1.442695020e+00, v6;
	(erf) = vpow2.f32 v3;
	v0 =	vadd.f32 v0, v7  }
0x5aa: {  	v10 =	vsub.f32 v43, v5;
	v9 =	vpop (erf)  }
0x5ab: {  	v2 =	vmul.f32 $1.442695020e+00, v8;
	(erf) = vpow2.f32 v1;
	v0 =	vadd.f32 v0, v9  }
0x5ac: {  	v12 =	vmul.f32 $1.442695020e+00, v10;
	v11 =	vpop (erf)  }
0x5ad: {  	v13 =	vsub.f32 v42, v5;
	(erf) = vpow2.f32 v2;
	v0 =	vadd.f32 v0, v11  }
0x5ae: {  	v15 =	vsub.f32 v41, v5;
	v14 =	vpop (erf)  }
0x5af: {  	v2 =	vmul.f32 $1.442695020e+00, v13;
	(erf) = vpow2.f32 v12;
	v0 =	vadd.f32 v0, v14  }
0x5b0: {  	v17 =	vsub.f32 v40, v5;
	v16 =	vpop (erf)  }
0x5b1: {  	v1 =	vmul.f32 $1.442695020e+00, v15;
	(erf) = vpow2.f32 v2;
	v0 =	vadd.f32 v0, v16  }
0x5b2: {  	v19 =	vsub.f32 v39, v5;
	v18 =	vpop (erf)  }
0x5b3: {  	v3 =	vmul.f32 $1.442695020e+00, v17;
	(erf) = vpow2.f32 v1;
	v0 =	vadd.f32 v0, v18  }
0x5b4: {  	v22 =	vsub.f32 v38, v5;
	v20 =	vpop (erf)  }
0x5b5: {  	v21 =	vmul.f32 $1.442695020e+00, v19;
	(erf) = vpow2.f32 v3;
	v0 =	vadd.f32 v0, v20  }
0x5b6: {  	v24 =	vsub.f32 v37, v5;
	v23 =	vpop (erf)  }
0x5b7: {  	v2 =	vmul.f32 $1.442695020e+00, v22;
	(erf) = vpow2.f32 v21;
	v0 =	vadd.f32 v0, v23  }
0x5b8: {  	v26 =	vsub.f32 v36, v5;
	v25 =	vpop (erf)  }
0x5b9: {  	v3 =	vmul.f32 $1.442695020e+00, v24;
	(erf) = vpow2.f32 v2;
	v0 =	vadd.f32 v0, v25  }
0x5ba: {  	v35 =	vsub.f32 v35, v5;
	v27 =	vpop (erf)  }
0x5bb: {  	v1 =	vmul.f32 $1.442695020e+00, v26;
	(erf) = vpow2.f32 v3;
	v0 =	vadd.f32 v0, v27  }
0x5bc: {  	v38 =	vsub.f32 v34, v5;
	v36 =	vpop (erf)  }
0x5bd: {  	v37 =	vmul.f32 $1.442695020e+00, v35;
	(erf) = vpow2.f32 v1;
	v0 =	vadd.f32 v0, v36  }
0x5be: {  	v40 =	vsub.f32 v33, v5;
	v39 =	vpop (erf)  }
0x5bf: {  	v2 =	vmul.f32 $1.442695020e+00, v38;
	(erf) = vpow2.f32 v37;
	v0 =	vadd.f32 v0, v39  }
0x5c0: {  	v42 =	vsub.f32 v32, v5;
	v41 =	vpop (erf)  }
0x5c1: {  	v3 =	vmul.f32 $1.442695020e+00, v40;
	(erf) = vpow2.f32 v2;
	v0 =	vadd.f32 v0, v41  }
0x5c2: {  	v44 =	vsub.f32 v31, v5;
	v43 =	vpop (erf)  }
0x5c3: {  	v1 =	vmul.f32 $1.442695020e+00, v42;
	(erf) = vpow2.f32 v3;
	v0 =	vadd.f32 v0, v43  }
0x5c4: {  	v46 =	vsub.f32 v30, v5;
	v45 =	vpop (erf)  }
0x5c5: {  	v2 =	vmul.f32 $1.442695020e+00, v44;
	(erf) = vpow2.f32 v1;
	v0 =	vadd.f32 v0, v45  }
0x5c6: {  	v48 =	vsub.f32 v29, v5;
	v52 =	vld [tilespmem:$0x1F910];
	v47 =	vpop (erf)  }
0x5c7: {  	v54 =	vld [tilespmem:$0x1F920];
	v3 =	vmul.f32 $1.442695020e+00, v46;
	(erf) = vpow2.f32 v2;
	v0 =	vadd.f32 v0, v47  }
0x5c8: {  	v50 =	vsub.f32 v28, v5;
	v49 =	vpop (erf)  }
0x5c9: {  	v56 =	vld [tilespmem:$0x1F930];
	v1 =	vmul.f32 $1.442695020e+00, v48;
	(erf) = vpow2.f32 v3;
	v0 =	vadd.f32 v0, v49  }
0x5ca: {  	v2 =	vmul.f32 $1.442695020e+00, v50;
	v51 =	vpop (erf)  }
0x5cb: {  	(erf) = vpow2.f32 v1;
	v1 =	vsub.f32 v52, v5;
	v0 =	vadd.f32 v0, v51  }
0x5cc: {  	v58 =	vld [tilespmem:$0x1F940];
	v3 =	vsub.f32 v54, v5;
	v53 =	vpop (erf)  }
0x5cd: {  	v60 =	vld [tilespmem:$0x1F950];
	(erf) = vpow2.f32 v2;
	v1 =	vmul.f32 $1.442695020e+00, v1;
	v0 =	vadd.f32 v0, v53  }
0x5ce: {  	v2 =	vsub.f32 v56, v5;
	v55 =	vpop (erf)  }
0x5cf: {  	v3 =	vmul.f32 $1.442695020e+00, v3;
	(erf) = vpow2.f32 v1;
	v0 =	vadd.f32 v0, v55  }
0x5d0: {  	v63 =	vld [tilespmem:$0x1F960];
	v57 =	vpop (erf);
	v2 =	vmul.f32 $1.442695020e+00, v2  }
0x5d1: {  	v8 =	vld [tilespmem:$0x1F970];
	v1 =	vsub.f32 v58, v5;
	(erf) = vpow2.f32 v3;
	v0 =	vadd.f32 v0, v57  }
0x5d2: {  	v59 =	vpop (erf);
	v3 =	vsub.f32 v60, v5  }
0x5d3: {  	v1 =	vmul.f32 $1.442695020e+00, v1;
	(erf) = vpow2.f32 v2;
	v0 =	vadd.f32 v0, v59  }
0x5d4: {  	v10 =	vld [tilespmem:$0x1F980];
	v62 =	vmul.f32 $1.442695020e+00, v3;
	v61 =	vpop (erf)  }
0x5d5: {  	v12 =	vld [tilespmem:$0x1F990];
	v3 =	vsub.f32 v63, v5;
	(erf) = vpow2.f32 v1;
	v0 =	vadd.f32 v0, v61  }
0x5d6: {  	v2 =	vsub.f32 v8, v5;
	v6 =	vpop (erf)  }
0x5d7: {  	v15 =	vld [tilespmem:$0x1F9A0];
	v7 =	vmul.f32 $1.442695020e+00, v3;
	(erf) = vpow2.f32 v62;
	v0 =	vadd.f32 v0, v6  }
0x5d8: {  	v2 =	vmul.f32 $1.442695020e+00, v2;
	v9 =	vpop (erf)  }
0x5d9: {  	v1 =	vsub.f32 v10, v5;
	(erf) = vpow2.f32 v7;
	v0 =	vadd.f32 v0, v9  }
0x5da: {  	v17 =	vld [tilespmem:$0x1F9B0];
	v3 =	vsub.f32 v12, v5;
	v11 =	vpop (erf)  }
0x5db: {  	v19 =	vld [tilespmem:$0x1F9C0];
	v1 =	vmul.f32 $1.442695020e+00, v1;
	(erf) = vpow2.f32 v2;
	v0 =	vadd.f32 v0, v11  }
0x5dc: {  	v14 =	vmul.f32 $1.442695020e+00, v3;
	v3 =	vsub.f32 v15, v5;
	v13 =	vpop (erf)  }
0x5dd: {  	v21 =	vld [tilespmem:$0x1F9D0];
	(erf) = vpow2.f32 v1;
	v0 =	vadd.f32 v0, v13  }
0x5de: {  	s30 =	sadd.s32 s22, s13;
	v22 =	vld [tilespmem:$0x1F9E0];
	v3 =	vmul.f32 $1.442695020e+00, v3;
	v16 =	vpop (erf)  }
0x5df: {  	s21 =	sand.u32 $0xF80, s30;
	v26 =	vld [tilespmem:$0x1FA00];
	v1 =	vsub.f32 v17, v5;
	(erf) = vpow2.f32 v14;
	v0 =	vadd.f32 v0, v16  }
0x5e0: {  	s21 =	sor.u32 s26, s21;
	v24 =	vld [tilespmem:$0x1F9F0];
	v2 =	vsub.f32 v19, v5;
	v18 =	vpop (erf)  }
0x5e1: {  	v27 =	vld [tilespmem:s21+$0x14000];
	v1 =	vmul.f32 $1.442695020e+00, v1;
	(erf) = vpow2.f32 v3;
	v0 =	vadd.f32 v0, v18  }
0x5e2: {  	v3 =	vsub.f32 v21, v5;
	v20 =	vpop (erf)  }
0x5e3: {  	s31 =	sadd.s32 $0xFFFFFC00, s22;
	v2 =	vmul.f32 $1.442695020e+00, v2;
	(erf) = vpow2.f32 v1;
	v0 =	vadd.f32 v0, v20  }
0x5e4: {  	v28 =	vld [tilespmem:$0x1FA10];
	v30 =	vmov s31;
	v32 =	vlaneseq.u32;
	v3 =	vmul.f32 $1.442695020e+00, v3;
	v23 =	vpop (erf)  }
0x5e5: {  	v1 =	vsub.f32 v22, v5;
	(erf) = vpow2.f32 v2;
	v0 =	vadd.f32 v0, v23  }
0x5e6: {  	v34 =	vshll.u32 v27, $0x9;
	v6 =	vsub.f32 v26, v5;
	v2 =	vsub.f32 v24, v5;
	v25 =	vpop (erf)  }
0x5e7: {  	v1 =	vmul.f32 $1.442695020e+00, v1;
	(erf) = vpow2.f32 v3;
	v0 =	vadd.f32 v0, v25  }
0x5e8: {  	v36 =	vld [tilespmem:$0x1FA20];
	v4 =	vshll.u32 v27, $0x7;
	v6 =	vmul.f32 $1.442695020e+00, v6;
	v2 =	vmul.f32 $1.442695020e+00, v2;
	v29 =	vpop (erf)  }
0x5e9: {  	v38 =	vld [tilespmem:$0x1FA30];
	v3 =	vsub.f32 v28, v5;
	(erf) = vpow2.f32 v1;
	v0 =	vadd.f32 v0, v29  }
0x5ea: {  	v1 =	vshll.u32 v30, $0x3;
	v31 =	vpop (erf);
	(erf) = vpow2.f32 v2;
	v2 =	vor.u32 s31, v32  }
0x5eb: {  	v40 =	vld [tilespmem:$0x1FA40];
	v1 =	vand.u32 $0xC00, v1;
	v2 =	vand.u32 $0x7F, v2;
	v0 =	vadd.f32 v0, v31  }
0x5ec: {  	v35 =	vand.u32 $0xFFFFF000, v34;
	v3 =	vmul.f32 $1.442695020e+00, v3;
	v1 =	vor.u32 v1, v2;
	v33 =	vpop (erf)  }
0x5ed: {  	v41 =	vld [tilespmem:$0x1FA50];
	(erf) = vpow2.f32 v6;
	v6 =	vsub.f32 v36, v5;
	v0 =	vadd.f32 v0, v33  }
0x5ee: {  	v4 =	vand.u32 $0x380, v4;
	v2 =	vsub.f32 v38, v5;
	v1 =	vor.u32 v35, v1;
	v37 =	vpop (erf)  }
0x5ef: {  	(erf) = vpow2.f32 v3;
	v6 =	vmul.f32 $1.442695020e+00, v6;
	v0 =	vadd.f32 v0, v37  }
0x5f0: {  	v45 =	vld [tilespmem:$0x1FA60];
	v1 =	vor.u32 v4, v1;
	v3 =	vsub.f32 v40, v5;
	v39 =	vpop (erf)  }
0x5f1: {  	v2 =	vmul.f32 $1.442695020e+00, v2;
	(erf) = vpow2.f32 v6;
	v0 =	vadd.f32 v0, v39  }
0x5f2: {  	v4 =	vsub.f32 v41, v5;
	v42 =	vpop (erf)  }
0x5f3: {  	v3 =	vmul.f32 $1.442695020e+00, v3;
	(erf) = vpow2.f32 v2;
	v0 =	vadd.f32 v0, v42  }
0x5f4: {  	v43 =	vmul.f32 $1.442695020e+00, v4;
	v44 =	vpop (erf)  }
0x5f5: {  	v6 =	vsub.f32 v45, v5;
	v46 =	vld.idx.msk [tilespmem:v1+s2+$0x0], $0xffff;
	(erf) = vpow2.f32 v3;
	v0 =	vadd.f32 v0, v44  }
0x5f6: {  	v47 =	vpop (erf)  }
0x5f7: {  	v6 =	vmul.f32 $1.442695020e+00, v6;
	(erf) = vpow2.f32 v43;
	v0 =	vadd.f32 v0, v47  }
0x5f8: {  	v48 =	vpop (erf)  }
0x5f9: {  	(erf) = vpow2.f32 v6;
	v0 =	vadd.f32 v0, v48  }
0x5fa: {  	v49 =	vsub.f32 $0.0e+00, v46;
	v50 =	vpop (erf)  }
0x5fb: {  	v0 =	vadd.f32 v0, v50  }
0x5fc: {  	v2 =	vmul.f32 $1.442695020e+00, v49;
	v51 =	vpop (erf)  }
0x5fd: {  	v0 =	vadd.f32 v0, v51  }
0x5fe: {  	v52 =	vpop (erf);
	(erf) = vpow2.f32 v2  }
0x5ff: {  	v0 =	vadd.f32 v0, v52  }
0x600: {  	v53 =	vpop (erf)  }
0x601: {  	v0 =	vadd.f32 v0, v53  }
0x602: {  	v54 =	vpop (erf)  }
0x603: {  	v0 =	vadd.f32 v0, v54;
	_ =	sdelay $0x1  }
0x604: {  	v2 =	vand.u32 $0x7FFFFF, v0  }
0x605: {  	v2 =	vor.u32 $0x3F800000, v2  }
0x606: {  	v56 =	vpop (erf);
	v55 =	vadd.f32 $1.000000000e+00, v2  }
0x607: {  	v6 =	vadd.f32 $1.000000000e+00, v56  }
0x608: {  	(erf) = vrcp.f32 v55  }
0x609: {  	(erf) = vrcp.f32 v6;
	_ =	sdelay $0x4  }
0x60a: {  	v1 =	vld.idx.msk [tilespmem:v1+s18+$0x0], $0xffff;
	_ =	sdelay $0x1  }
0x60b: {  	v2 =	vadd.f32 $-1.000000000e+00, v2  }
0x60c: {  	v3 =	vpop (erf)  }
0x60d: {  	v2 =	vmul.f32 v3, v2;
	v57 =	vpop (erf)  }
0x60e: {  	v1 =	vsub.f32 v57, v1  }
0x60f: {  	v58 =	vmul.f32 v2, v2  }
0x610: {  	v1 =	vand.u32 $0x7FFFFFFF, v1  }
0x611: {  	v59 =	vmul.f32 $2.000000030e-01, v58;
	v1 =	vmul.f32 $3.000000000e+01, v1;
	_ =	sdelay $0x1  }
0x612: {  	v0 =	vshrl.u32 v0, $0x17;
	v6 =	vadd.f32 $3.333333430e-01, v59;
	v1 =	vtrunc.f32 v1  }
0x613: {  	v60 =	vld [tilespmem:$0x1FFE0];
	v0 =	vand.u32 $0xFF, v0;
	v1 =	vcvt.f32.s32 v1  }
0x614: {  	v62 =	vld [tilespmem:$0x1FFF0];
	v0 =	vadd.s32 $0xFFFFFF81, v0;
	v3 =	vmul.f32 v6, v58  }
0x615: {  	v0 =	vcvt.s32.f32 v0;
	vm0 =	vgt.s32 v1, $0x0  }
0x616: {  	v2 =	vadd.f32 v2, v2;
	v3 =	vadd.f32 $1.000000000e+00, v3;
	v1 =	vnsel vm0, $0x0, v1  }
0x617: {  	v1 =	vmin.u32 v1, $0x1D  }
0x618: {  	v0 =	vmul.f32 $6.931471820e-01, v0;
	v2 =	vmul.f32 v3, v2;
	v61 =	vor.u32 v60, v1  }
0x619: {  	v1 =	vor.u32 v62, v1  }
0x61a: {  	v4 =	vsub.f32 v46, v5;
	v0 =	vadd.f32 v2, v0;
	_ =	sdelay $0x1  }
0x61b: {  	s20 =	sadd.s32 $0x1, s20;
	v63 =	vimm.f32 $1.000000000e+00;
	v0 =	vsub.f32 v4, v0  }
0x61c: {  	p0 =	sne.s32 s20, s12;
	[tilespmem:v61+s19+$0x0] =	vst.idx.add.f32.msk $0xffff, v63  }
.Ltmp3:
0x61d: {  	[tilespmem:v1+s19+$0x0] =	vst.idx.add.f32.msk $0xffff, v0;
	(pc) =	sbr.rel @p0 .LBB2_1-.Ltmp3, $4  }
0x61e: {  	[hbm4b:s10+s2] =	stream.linear.scatter [tilespmem:s19], [sflag:$0x1], $0x400, $0x38;
	[tilespmem:$0x14E00] =	vst v63  }
0x61f: {  	_ =	swait.ge [sflag:s15], $0x400  }
0x620: {  	[sflag:s15] =	ssyncset.done $0x0  }
0x621: {  	[sflag:s15] =	ssyncadd.s32 $0xFFFFFC00  }
0x622: {  	_ =	sfence.sel $0x180000  }
0x623: {  	[bflag:$0x0] =	sbarrier.arrive $0xFFFF  }
0x624: {  	p0 =	sne.s32 s0, $0x0;
	_ =	strace $0x90000047  }
0x625: {  	s0 =	sadd.s32 @!p0 $0x100000, s1;
	[bflag:$0x2] =	sbarrier.arrive $0xFFFF  }
0x626: {  	[sflag:s0] =	ssyncadd.tile.s32 @!p0 $0x1;
	_ =	shalt  }
.Lfunc_end2:
_tile_overlayer_lowered:
.L_overlay_start_2:
0x627: {  	(tag) =	ssettag $0x2  }
0x628: {  	s0 =	rddreg [dreg:$0x0];
	s2 =	stileid.u32  }
0x629: {  	s1 =	rddreg [dreg:$0x1];
	p0 =	sne.s32 s2, $0x0  }
0x62a: {  	s3 =	rddreg [dreg:$0x2];
	[bflag:$0x3] =	sbarrier.arrive $0xFFFF;
	s2 =	simm.s32 @!p0 $0x1C01  }
0x62b: {  	[timem:s3], [sflag:s2] =	dma.local @!p0 [hbm:s0], s1  }
0x62c: {  	s0 =	simm.s32 @!p0 $0x1  }
0x62d: {  	_ =	swait.ge @!p0 [sflag:s0], s1  }
0x62e: {  	s1 =	ssub.s32 @!p0 $0x0, s1;
	[sflag:s0] =	ssyncset.done @!p0 $0x0  }
0x62f: {  	[sflag:s0] =	ssyncadd.s32 @!p0 s1  }
0x630: {  	[bflag:$0x3] =	sbarrier.arrive $0xFFFF  }
0x631: {  	_ =	shalt  }

</sc_bundles>
